<compile_context>
chip_gen: v7x
topology: tpu7x:2x2x1
jax: 0.10.2.dev20260603
libtpu: 0.0.44.dev20260713+nightly
codegen_flags: <defaults>
</compile_context>

<pallas_src>
import functools

import jax
import jax.numpy as jnp
from jax import lax
from jax.experimental import pallas as pl
from jax.experimental.pallas import tpu as pltpu
from jax.experimental.pallas import tpu_sc as plsc

N = 10000
E = 320000
D = 128
DIN = 128

NC = 2
NS = 16
NW = NC * NS
CPT = D // NW
L = 16

def _mesh():
    return plsc.VectorSubcoreMesh(core_axis_name="c", subcore_axis_name="s",
                                  num_cores=NC, num_subcores=NS)


_SC_PARAMS = pltpu.CompilerParams(needs_layout_passes=False,
                                  use_tc_tiling_on_sc=False)

CHD = 2000
CHM = 3200
NCHM = E // CHM
EPW = E // NW


def _wid():
    return lax.axis_index("s") * NC + lax.axis_index("c")


def _deg_body(eif_hbm, ew_hbm, perm_hbm, degp_hbm, ndst_hbm,
              deg_v, di_v, ew_v, pm_v, nd_v, sem):
    w = _wid()
    zero = jnp.zeros((L,), jnp.float32)

    @plsc.parallel_loop(0, N // L, 1, unroll=8)
    def zbody(i):
        deg_v[pl.ds(i * L, L)] = zero

    base = w * EPW

    def cbody(c, _):
        off = base + c * CHD
        pltpu.sync_copy(eif_hbm.at[pl.ds(E + off, CHD)], di_v)
        pltpu.sync_copy(ew_hbm.at[pl.ds(off, CHD)], ew_v)
        pltpu.sync_copy(perm_hbm.at[pl.ds(off, CHD)], pm_v)
        eoff = jnp.full((L,), E, jnp.int32)

        @plsc.parallel_loop(0, CHD // L, 1, unroll=8)
        def pbody(i):
            sl = pl.ds(i * L, L)
            pm_v[sl] = pm_v[sl] + eoff

        cp = pltpu.async_copy(eif_hbm.at[pm_v], nd_v, sem)

        @plsc.parallel_loop(0, CHD // L, 1, unroll=8)
        def gbody(g):
            idx = di_v[pl.ds(g * L, L)]
            val = ew_v[pl.ds(g * L, L)]
            plsc.addupdate_scatter(deg_v, [idx], val)

        cp.wait()
        pltpu.sync_copy(nd_v, ndst_hbm.at[pl.ds(off, CHD)])
        return 0

    lax.fori_loop(0, EPW // CHD, cbody, 0)
    pltpu.sync_copy(deg_v, degp_hbm.at[w])


BR = 1024
GR = (N + BR - 1) // BR


def _pack_cols(x):
    lo = lax.bitcast_convert_type(x[:, :D // 2].astype(jnp.bfloat16),
                                  jnp.uint16).astype(jnp.uint32)
    hi = lax.bitcast_convert_type(x[:, D // 2:].astype(jnp.bfloat16),
                                  jnp.uint16).astype(jnp.uint32)
    return lax.bitcast_convert_type(lo | (hi << 16), jnp.int32)


def _prep_body(x_ref, pw_ref, pb_ref, emb_ref, degp_ref, ht_ref, hp_ref, dinv_ref):
    hb = (
        jnp.dot(x_ref[...], pw_ref[...], preferred_element_type=jnp.float32)
        + pb_ref[...]
        + emb_ref[...]
    )
    ht_ref[...] = hb.T
    deg = jnp.sum(degp_ref[...], axis=0, keepdims=True) + 1.0
    dv = jnp.where(deg > 0, lax.rsqrt(deg), 0.0)
    dinv_ref[...] = dv
    hp_ref[...] = _pack_cols(hb * dv.T).T


def _prep(x, pw, pb, emb, degp):
    return pl.pallas_call(
        _prep_body,
        grid=(GR,),
        in_specs=[
            pl.BlockSpec((BR, DIN), lambda i: (i, 0)),
            pl.BlockSpec((DIN, D), lambda i: (0, 0)),
            pl.BlockSpec((1, D), lambda i: (0, 0)),
            pl.BlockSpec((BR, D), lambda i: (i, 0)),
            pl.BlockSpec((NW, BR), lambda i: (0, i)),
        ],
        out_specs=[
            pl.BlockSpec((D, BR), lambda i: (0, i)),
            pl.BlockSpec((D // 2, BR), lambda i: (0, i)),
            pl.BlockSpec((1, BR), lambda i: (0, i)),
        ],
        out_shape=[
            jax.ShapeDtypeStruct((D, N), jnp.float32),
            jax.ShapeDtypeStruct((D // 2, N), jnp.int32),
            jax.ShapeDtypeStruct((1, N), jnp.float32),
        ],
    )(x, pw, pb, emb, degp)


def _main_body(hp_hbm, dinv_hbm, ei_hbm, ew_hbm, q_hbm,
               dinv_v, h_v, q_v,
               src0, src1, dst0, dst1, ew0, ew1, se0, se1):
    w = _wid()
    pltpu.sync_copy(dinv_hbm.at[0], dinv_v)
    pltpu.sync_copy(hp_hbm.at[pl.ds(2 * w, 2)], h_v)

    zero = jnp.zeros((L,), jnp.float32)
    for r in range(CPT):
        @plsc.parallel_loop(0, N // L, 1, unroll=8)
        def zbody(i, r=r):
            q_v[r, pl.ds(i * L, L)] = zero

    bufs = ((src0, dst0, ew0, se0), (src1, dst1, ew1, se1))

    def issue(c, b):
        sv, dv, wv, sem = bufs[b]
        off = c * CHM
        pltpu.async_copy(ei_hbm.at[0, pl.ds(off, CHM)], sv, sem)
        pltpu.async_copy(ei_hbm.at[1, pl.ds(off, CHM)], dv, sem)
        pltpu.async_copy(ew_hbm.at[pl.ds(off, CHM)], wv, sem)

    def wait(b):
        sv, dv, wv, sem = bufs[b]
        pltpu.make_async_copy(ei_hbm.at[0, pl.ds(0, CHM)], sv, sem).wait()
        pltpu.make_async_copy(ei_hbm.at[1, pl.ds(0, CHM)], dv, sem).wait()
        pltpu.make_async_copy(ew_hbm.at[pl.ds(0, CHM)], wv, sem).wait()

    def compute(b):
        sv, dv, wv, _ = bufs[b]

        @plsc.parallel_loop(0, CHM // L, 1, unroll=8)
        def gbody(g):
            s16 = sv[pl.ds(g * L, L)]
            d16 = dv[pl.ds(g * L, L)]
            w16 = wv[pl.ds(g * L, L)]
            for r2 in range(2):
                rf = jnp.full((L,), r2, jnp.int32)
                pg = plsc.load_gather(h_v, [rf, s16])
                lo, hi = plsc.unpack(plsc.bitcast(pg, jnp.bfloat16),
                                     format=plsc.PackFormat.INTERLEAVED)
                plsc.addupdate_scatter(q_v, [rf, d16], lo * w16)
                rf2 = jnp.full((L,), 2 + r2, jnp.int32)
                plsc.addupdate_scatter(q_v, [rf2, d16], hi * w16)

    issue(0, 0)

    def pair(c2, _):
        c = 2 * c2
        wait(0)
        issue(c + 1, 1)
        compute(0)
        wait(1)

        @pl.when(c2 < NCHM // 2 - 1)
        def _issue_next():
            issue(c + 2, 0)

        compute(1)
        return 0

    lax.fori_loop(0, NCHM // 2, pair, 0)

    for r in range(CPT):
        @plsc.parallel_loop(0, N // L, 1, unroll=4)
        def qbody(i, r=r):
            sl = pl.ds(i * L, L)
            q_v[r, sl] = q_v[r, sl] * dinv_v[sl]

    pltpu.sync_copy(q_v.at[pl.ds(0, 2)], q_hbm.at[pl.ds(2 * w, 2)])
    pltpu.sync_copy(q_v.at[pl.ds(2, 2)], q_hbm.at[pl.ds(D // 2 + 2 * w, 2)])


def _z_body(q_ref, dinv_ref, ht_ref, czw_ref, czb_ref, lzw_ref, lzb_ref,
            chw_ref, chb_ref, lhw_ref, lhb_ref, z_ref, zp_ref):
    wz = jnp.dot(czw_ref[...], lzw_ref[...], preferred_element_type=jnp.float32)
    bz = jnp.dot(czb_ref[...], lzw_ref[...], preferred_element_type=jnp.float32) + lzb_ref[...]
    wh = jnp.dot(chw_ref[...], lhw_ref[...], preferred_element_type=jnp.float32)
    bh = jnp.dot(chb_ref[...], lhw_ref[...], preferred_element_type=jnp.float32) + lhb_ref[...]
    dv = dinv_ref[...]
    pt = q_ref[...] + dv * dv * ht_ref[...]
    mz = lax.dot_general(pt, wz, (((0,), (0,)), ((), ())),
                         preferred_element_type=jnp.float32)
    mh = lax.dot_general(pt, wh, (((0,), (0,)), ((), ())),
                         preferred_element_type=jnp.float32)
    zb = (1.0 - jax.nn.sigmoid(mz + bz)) * jnp.tanh(mh + bh)
    z_ref[...] = zb
    zp_ref[...] = _pack_cols(zb).T


def _zk(q, dinv, ht, czw, czb, lzw, lzb, chw, chb, lhw, lhb):
    full = lambda i: (0, 0)
    return pl.pallas_call(
        _z_body,
        grid=(GR,),
        in_specs=[
            pl.BlockSpec((D, BR), lambda i: (0, i)),
            pl.BlockSpec((1, BR), lambda i: (0, i)),
            pl.BlockSpec((D, BR), lambda i: (0, i)),
            pl.BlockSpec((D, D), full),
            pl.BlockSpec((1, D), full),
            pl.BlockSpec((D, D), full),
            pl.BlockSpec((1, D), full),
            pl.BlockSpec((D, D), full),
            pl.BlockSpec((1, D), full),
            pl.BlockSpec((D, D), full),
            pl.BlockSpec((1, D), full),
        ],
        out_specs=[
            pl.BlockSpec((BR, D), lambda i: (i, 0)),
            pl.BlockSpec((D // 2, BR), lambda i: (0, i)),
        ],
        out_shape=[
            jax.ShapeDtypeStruct((N, D), jnp.float32),
            jax.ShapeDtypeStruct((D // 2, N), jnp.int32),
        ],
    )(q, dinv, ht, czw, czb, lzw, lzb, chw, chb, lhw, lhb)


def _dec_body(zt_hbm, ei_hbm, ndst_hbm, pos_hbm, neg_hbm,
              z_v, src0, src1, dst0, dst1, nd0, nd1,
              pos0, pos1, neg0, neg1, se0, se1, so0, so1):
    w = _wid()
    pltpu.sync_copy(zt_hbm.at[pl.ds(2 * w, 2)], z_v)
    ebufs = ((src0, dst0, nd0, se0), (src1, dst1, nd1, se1))
    obufs = ((pos0, neg0, so0), (pos1, neg1, so1))

    def issue(c, b):
        sv, dv, nv, sem = ebufs[b]
        off = c * CHM
        pltpu.async_copy(ei_hbm.at[0, pl.ds(off, CHM)], sv, sem)
        pltpu.async_copy(ei_hbm.at[1, pl.ds(off, CHM)], dv, sem)
        pltpu.async_copy(ndst_hbm.at[pl.ds(off, CHM)], nv, sem)

    def wait(b):
        sv, dv, nv, sem = ebufs[b]
        pltpu.make_async_copy(ei_hbm.at[0, pl.ds(0, CHM)], sv, sem).wait()
        pltpu.make_async_copy(ei_hbm.at[1, pl.ds(0, CHM)], dv, sem).wait()
        pltpu.make_async_copy(ndst_hbm.at[pl.ds(0, CHM)], nv, sem).wait()

    def wait_out(b):
        pv, ngv, sem = obufs[b]
        pltpu.make_async_copy(pv, pos_hbm.at[w, pl.ds(0, CHM)], sem).wait()
        pltpu.make_async_copy(ngv, neg_hbm.at[w, pl.ds(0, CHM)], sem).wait()

    def compute(c, b):
        sv, dv, nv, _ = ebufs[b]
        pv, ngv, osem = obufs[b]

        @plsc.parallel_loop(0, CHM // L, 1, unroll=8)
        def gbody(g):
            s16 = sv[pl.ds(g * L, L)]
            d16 = dv[pl.ds(g * L, L)]
            n16 = nv[pl.ds(g * L, L)]
            pacc = jnp.zeros((L,), jnp.float32)
            nacc = jnp.zeros((L,), jnp.float32)
            for r2 in range(2):
                rf = jnp.full((L,), r2, jnp.int32)
                fmt = plsc.PackFormat.INTERLEAVED
                zsl, zsh = plsc.unpack(
                    plsc.bitcast(plsc.load_gather(z_v, [rf, s16]),
                                 jnp.bfloat16), format=fmt)
                zdl, zdh = plsc.unpack(
                    plsc.bitcast(plsc.load_gather(z_v, [rf, d16]),
                                 jnp.bfloat16), format=fmt)
                znl, znh = plsc.unpack(
                    plsc.bitcast(plsc.load_gather(z_v, [rf, n16]),
                                 jnp.bfloat16), format=fmt)
                pacc = pacc + zsl * zdl + zsh * zdh
                nacc = nacc + zsl * znl + zsh * znh
            pv[pl.ds(g * L, L)] = pacc
            ngv[pl.ds(g * L, L)] = nacc

        off = c * CHM
        pltpu.async_copy(pv, pos_hbm.at[w, pl.ds(off, CHM)], osem)
        pltpu.async_copy(ngv, neg_hbm.at[w, pl.ds(off, CHM)], osem)

    issue(0, 0)

    def pair(c2, _):
        c = 2 * c2
        wait(0)
        issue(c + 1, 1)

        @pl.when(c2 > 0)
        def _wait_out0():
            wait_out(0)

        compute(c, 0)
        wait(1)

        @pl.when(c2 < NCHM // 2 - 1)
        def _issue_next():
            issue(c + 2, 0)

        @pl.when(c2 > 0)
        def _wait_out1():
            wait_out(1)

        compute(c + 1, 1)
        return 0

    lax.fori_loop(0, NCHM // 2, pair, 0)
    wait_out(0)
    wait_out(1)


BE = 12800
GE = E // BE


def _red_body(pp_ref, np_ref, pos_ref, neg_ref):
    pos_ref[...] = jnp.sum(pp_ref[...], axis=0, keepdims=True)
    neg_ref[...] = jnp.sum(np_ref[...], axis=0, keepdims=True)


def _red(posp, negp):
    return pl.pallas_call(
        _red_body,
        grid=(GE,),
        in_specs=[
            pl.BlockSpec((NW, BE), lambda i: (0, i)),
            pl.BlockSpec((NW, BE), lambda i: (0, i)),
        ],
        out_specs=[
            pl.BlockSpec((1, BE), lambda i: (0, i)),
            pl.BlockSpec((1, BE), lambda i: (0, i)),
        ],
        out_shape=[
            jax.ShapeDtypeStruct((1, E), jnp.float32),
            jax.ShapeDtypeStruct((1, E), jnp.float32),
        ],
    )(posp, negp)


@functools.lru_cache(maxsize=None)
def _deg_kernel():
    return pl.kernel(
        _deg_body,
        out_type=[
            jax.ShapeDtypeStruct((NW, N), jnp.float32),
            jax.ShapeDtypeStruct((E,), jnp.int32),
        ],
        mesh=_mesh(),
        compiler_params=_SC_PARAMS,
        scratch_types=[
            pltpu.VMEM((N,), jnp.float32),
            pltpu.VMEM((CHD,), jnp.int32),
            pltpu.VMEM((CHD,), jnp.float32),
            pltpu.VMEM((CHD,), jnp.int32),
            pltpu.VMEM((CHD,), jnp.int32),
            pltpu.SemaphoreType.DMA,
        ],
    )


@functools.lru_cache(maxsize=None)
def _main_kernel():
    return pl.kernel(
        _main_body,
        out_type=jax.ShapeDtypeStruct((D, N), jnp.float32),
        mesh=_mesh(),
        compiler_params=_SC_PARAMS,
        scratch_types=[
            pltpu.VMEM((N,), jnp.float32),
            pltpu.VMEM((2, N), jnp.int32),
            pltpu.VMEM((CPT, N), jnp.float32),
            pltpu.VMEM((CHM,), jnp.int32),
            pltpu.VMEM((CHM,), jnp.int32),
            pltpu.VMEM((CHM,), jnp.int32),
            pltpu.VMEM((CHM,), jnp.int32),
            pltpu.VMEM((CHM,), jnp.float32),
            pltpu.VMEM((CHM,), jnp.float32),
            pltpu.SemaphoreType.DMA,
            pltpu.SemaphoreType.DMA,
        ],
    )


@functools.lru_cache(maxsize=None)
def _dec_kernel():
    return pl.kernel(
        _dec_body,
        out_type=[
            jax.ShapeDtypeStruct((NW, E), jnp.float32),
            jax.ShapeDtypeStruct((NW, E), jnp.float32),
        ],
        mesh=_mesh(),
        compiler_params=_SC_PARAMS,
        scratch_types=[
            pltpu.VMEM((2, N), jnp.int32),
            pltpu.VMEM((CHM,), jnp.int32),
            pltpu.VMEM((CHM,), jnp.int32),
            pltpu.VMEM((CHM,), jnp.int32),
            pltpu.VMEM((CHM,), jnp.int32),
            pltpu.VMEM((CHM,), jnp.int32),
            pltpu.VMEM((CHM,), jnp.int32),
            pltpu.VMEM((CHM,), jnp.float32),
            pltpu.VMEM((CHM,), jnp.float32),
            pltpu.VMEM((CHM,), jnp.float32),
            pltpu.VMEM((CHM,), jnp.float32),
            pltpu.SemaphoreType.DMA,
            pltpu.SemaphoreType.DMA,
            pltpu.SemaphoreType.DMA,
            pltpu.SemaphoreType.DMA,
        ],
    )


def kernel(dynamic_node_feats, node_ids, edge_index, edge_feats, perm,
           proj_W, proj_b, node_emb, conv_z_W, conv_z_b, conv_r_W, conv_r_b,
           conv_h_W, conv_h_b, lin_z_W, lin_z_b, lin_r_W, lin_r_b,
           lin_h_W, lin_h_b):
    ei = edge_index
    ew = edge_feats[:, 0]
    perm32 = perm.astype(jnp.int32)

    degp, ndst = _deg_kernel()(ei.reshape(2 * E), ew, perm32)
    ht, hp, dinv = _prep(dynamic_node_feats, proj_W, proj_b.reshape(1, D),
                         node_emb, degp)
    q = _main_kernel()(hp, dinv, ei, ew)
    z, zp = _zk(q, dinv, ht,
                conv_z_W, conv_z_b.reshape(1, D), lin_z_W[:D], lin_z_b.reshape(1, D),
                conv_h_W, conv_h_b.reshape(1, D), lin_h_W[:D], lin_h_b.reshape(1, D))
    posp, negp = _dec_kernel()(zp, ei, ndst)
    pos, neg = _red(posp, negp)
    return pos.reshape(E), neg.reshape(E), z

# --- scband reference (transcript-rebuilt; emitter-appended) ---
"""Pipeline reference for scband-link-predictor-model-24481313587653 (READ-ONLY COPY).

The authoritative reference and input builder live on the scoring server;
editing this copy changes nothing except your own understanding.
"""

import jax, jax.numpy as jnp
import numpy as np

N = 10000
E = 320000
D_IN = 128
D = 128


def gcn_conv(x, edge_index, edge_weight, W, b):
    n = x.shape[0]
    src = edge_index[0]
    dst = edge_index[1]
    loop = jnp.arange(n)
    s = jnp.concatenate([src, loop])
    d = jnp.concatenate([dst, loop])
    ew = jnp.concatenate([edge_weight, jnp.ones((n,), dtype=x.dtype)])
    deg = jnp.zeros((n,), dtype=x.dtype).at[d].add(ew)
    dinv = jnp.where(deg > 0, 1.0 / jnp.sqrt(deg), 0.0)
    norm = dinv[s] * ew * dinv[d]
    xw = x @ W
    out = jnp.zeros_like(xw).at[d].add(xw[s] * norm[:, None])
    return out + b


def tgcn(x, edge_index, edge_weight, p):
    H = jnp.zeros((x.shape[0], D), dtype=x.dtype)
    Z = jax.nn.sigmoid(jnp.concatenate([gcn_conv(x, edge_index, edge_weight, p['conv_z_W'], p['conv_z_b']), H], axis=1) @ p['lin_z_W'] + p['lin_z_b'])
    R = jax.nn.sigmoid(jnp.concatenate([gcn_conv(x, edge_index, edge_weight, p['conv_r_W'], p['conv_r_b']), H], axis=1) @ p['lin_r_W'] + p['lin_r_b'])
    Ht = jnp.tanh(jnp.concatenate([gcn_conv(x, edge_index, edge_weight, p['conv_h_W'], p['conv_h_b']), H * R], axis=1) @ p['lin_h_W'] + p['lin_h_b'])
    return Z * H + (1.0 - Z) * Ht


def setup_inputs(seed: int = 0):
    key = jax.random.key(seed)
    ks = jax.random.split(key, 16)
    inp = {}
    inp['dynamic_node_feats'] = jax.random.normal(ks[0], (N, D_IN), dtype=jnp.float32)
    inp['node_ids'] = jnp.arange(N, dtype=jnp.int32)
    inp['edge_index'] = jax.random.randint(ks[1], (2, E), 0, N, dtype=jnp.int32)
    inp['edge_feats'] = jax.random.uniform(ks[2], (E, 1), dtype=jnp.float32)
    inp['perm'] = jax.random.permutation(ks[3], E)
    inp['proj_W'] = jax.random.normal(ks[4], (D_IN, D), dtype=jnp.float32) * 0.05
    inp['proj_b'] = jnp.zeros((D,), dtype=jnp.float32)
    inp['node_emb'] = jax.random.normal(ks[5], (N, D), dtype=jnp.float32)
    for i, nm in enumerate(['conv_z', 'conv_r', 'conv_h']):
        inp[nm + '_W'] = jax.random.normal(ks[6 + i], (D, D), dtype=jnp.float32) * 0.05
        inp[nm + '_b'] = jnp.zeros((D,), dtype=jnp.float32)
    for i, nm in enumerate(['lin_z', 'lin_r', 'lin_h']):
        inp[nm + '_W'] = jax.random.normal(ks[10 + i], (2 * D, D), dtype=jnp.float32) * 0.05
        inp[nm + '_b'] = jnp.zeros((D,), dtype=jnp.float32)
    return inp


def reference(dynamic_node_feats, node_ids, edge_index, edge_feats, perm, proj_W, proj_b, node_emb, conv_z_W, conv_z_b, conv_r_W, conv_r_b, conv_h_W, conv_h_b, lin_z_W, lin_z_b, lin_r_W, lin_r_b, lin_h_W, lin_h_b):
    p = {'conv_z_W': conv_z_W, 'conv_z_b': conv_z_b, 'conv_r_W': conv_r_W, 'conv_r_b': conv_r_b, 'conv_h_W': conv_h_W, 'conv_h_b': conv_h_b, 'lin_z_W': lin_z_W, 'lin_z_b': lin_z_b, 'lin_r_W': lin_r_W, 'lin_r_b': lin_r_b, 'lin_h_W': lin_h_W, 'lin_h_b': lin_h_b}
    dynamic_h = dynamic_node_feats @ proj_W + proj_b
    static_h = node_emb[node_ids]
    h = dynamic_h + static_h
    edge_weight = edge_feats[:, 0]
    z = tgcn(h, edge_index, edge_weight, p)
    src_z = z[edge_index[0]]
    dst_z = z[edge_index[1]]
    pos_scores = (src_z * dst_z).sum(axis=-1)
    dst_z_neg = dst_z[perm]
    neg_scores = (src_z * dst_z_neg).sum(axis=-1)
    return (pos_scores, neg_scores, z)

if __name__ == "__main__":
    import jax
    _d = setup_inputs()
    print(jax.jit(kernel)(*tuple(_d.values())))

</pallas_src>

<mosaic_0001>
#map = affine_map<(d0, d1) -> (0)>
#map1 = affine_map<(d0, d1) -> (0, 0)>
module attributes {stable_mosaic.version = 14 : i64} {
  func.func @_deg_body(%arg0: i32, %arg1: i32, %arg2: memref<640000xi32, #tpu.memory_space<hbm>>, %arg3: memref<320000xf32, #tpu.memory_space<hbm>>, %arg4: memref<320000xi32, #tpu.memory_space<hbm>>, %arg5: memref<32x10000xf32, #tpu.memory_space<hbm>>, %arg6: memref<320000xi32, #tpu.memory_space<hbm>>, %arg7: memref<10000xf32, #tpu.memory_space<vmem>>, %arg8: memref<2000xi32, #tpu.memory_space<vmem>>, %arg9: memref<2000xf32, #tpu.memory_space<vmem>>, %arg10: memref<2000xi32, #tpu.memory_space<vmem>>, %arg11: memref<2000xi32, #tpu.memory_space<vmem>>, %arg12: memref<!tpu.dma_semaphore, #tpu.memory_space<semaphore_mem>>) attributes {dimension_semantics = [#tpu.dimension_semantics<core_parallel>, #tpu.dimension_semantics<subcore_parallel>], iteration_bounds = array<i64: 2, 16>, scalar_prefetch = 0 : i64, scratch_operands = 6 : i64, tpu.core_type = #tpu.core_type<sc_vector_subcore>, window_params = [{transform_indices = #map}, {transform_indices = #map}, {transform_indices = #map}, {transform_indices = #map1}, {transform_indices = #map}]} {
    %mul3A = arith.constant 2 : i32
    %mul3A_0 = arith.muli %arg1, %mul3A : i32
    %add3A = arith.addi %mul3A_0, %arg0 : i32
    %broadcast_in_dim3A = arith.constant 0.000000e+00 : f32
    %broadcast_in_dim3A_1 = vector.broadcast %broadcast_in_dim3A : f32 to vector<16xf32>
    %parallel_loop3A = arith.constant 0 : i32
    %parallel_loop3A_2 = arith.constant 625 : i32
    %parallel_loop3A_3 = arith.constant 1 : i32
    scf.for %parallel_loop3A_12 = %parallel_loop3A to %parallel_loop3A_2 step %parallel_loop3A_3  : i32 {
      %parallel_loop3A_13 = arith.constant 16 : i32
      %parallel_loop3A_14 = arith.muli %parallel_loop3A_12, %parallel_loop3A_13 : i32
      %parallel_loop3A_15 = arith.index_cast %parallel_loop3A_14 : i32 to index
      %parallel_loop3A_16 = tpu.vector_load %arg7[%parallel_loop3A_15] {strides = array<i32>} : memref<10000xf32, #tpu.memory_space<vmem>>, vector<16xf32>,
      tpu.vector_store %arg7[%parallel_loop3A_15], %broadcast_in_dim3A_1 {strides = array<i32>} : memref<10000xf32, #tpu.memory_space<vmem>>, vector<16xf32>,
    } {sc.loop_unroll_factor = 8 : i64, sc.parallel_access}
    %mul3A_4 = arith.constant 10000 : i32
    %mul3A_5 = arith.muli %add3A, %mul3A_4 : i32
    %scan3A = arith.constant 0 : i32
    %scan3A_6 = arith.constant 0 : i32
    %scan3A_7 = arith.constant 5 : i32
    %scan3A_8 = arith.addi %scan3A_6, %scan3A_7 : i32
    %scan3A_9 = arith.constant 1 : i32
    %scan3A_10 = scf.for %scan3A_12 = %scan3A_6 to %scan3A_8 step %scan3A_9 iter_args(%scan3A_13 = %scan3A) -> (i32)  : i32 {
      %mul3A_14 = arith.constant 2000 : i32
      %mul3A_15 = arith.muli %scan3A_12, %mul3A_14 : i32
      %add3A_16 = arith.addi %mul3A_5, %mul3A_15 : i32
      %add3A_17 = arith.constant 320000 : i32
      %add3A_18 = arith.addi %add3A_17, %add3A_16 : i32
      "tpu.region"() ({
        %run_scoped3A = tpu.sem_alloc : memref<!tpu.dma_semaphore, #tpu.memory_space<semaphore_mem>>
        %dma_start3A_30 = tpu.memref_slice %arg2[%add3A_18] : memref<640000xi32, #tpu.memory_space<hbm>> -> memref<2000xi32, #tpu.memory_space<hbm>>
        %dma_start3A_31 = tpu.memref_slice %arg2[%add3A_18] : memref<640000xi32, #tpu.memory_space<hbm>> -> memref<2000xi32, #tpu.memory_space<hbm>>
        tpu.enqueue_dma source(%dma_start3A_31 : memref<2000xi32, #tpu.memory_space<hbm>>) target(%arg8 : memref<2000xi32, #tpu.memory_space<vmem>>) target_semaphore(%run_scoped3A : memref<!tpu.dma_semaphore, #tpu.memory_space<semaphore_mem>>)
        %dma_wait3A_32 = tpu.memref_slice %arg2[%add3A_18] : memref<640000xi32, #tpu.memory_space<hbm>> -> memref<2000xi32, #tpu.memory_space<hbm>>
        %dma_wait3A_33 = tpu.memref_slice %arg2[%add3A_18] : memref<640000xi32, #tpu.memory_space<hbm>> -> memref<2000xi32, #tpu.memory_space<hbm>>
        tpu.wait_dma2 semaphore(%run_scoped3A : memref<!tpu.dma_semaphore, #tpu.memory_space<semaphore_mem>>) src(%dma_wait3A_33 : memref<2000xi32, #tpu.memory_space<hbm>>) dst(%arg8 : memref<2000xi32, #tpu.memory_space<vmem>>)
        tpu.yield
      }) : () -> ()
      "tpu.region"() ({
        %run_scoped3A = tpu.sem_alloc : memref<!tpu.dma_semaphore, #tpu.memory_space<semaphore_mem>>
        %dma_start3A_30 = tpu.memref_slice %arg3[%add3A_16] : memref<320000xf32, #tpu.memory_space<hbm>> -> memref<2000xf32, #tpu.memory_space<hbm>>
        %dma_start3A_31 = tpu.memref_slice %arg3[%add3A_16] : memref<320000xf32, #tpu.memory_space<hbm>> -> memref<2000xf32, #tpu.memory_space<hbm>>
        tpu.enqueue_dma source(%dma_start3A_31 : memref<2000xf32, #tpu.memory_space<hbm>>) target(%arg9 : memref<2000xf32, #tpu.memory_space<vmem>>) target_semaphore(%run_scoped3A : memref<!tpu.dma_semaphore, #tpu.memory_space<semaphore_mem>>)
        %dma_wait3A_32 = tpu.memref_slice %arg3[%add3A_16] : memref<320000xf32, #tpu.memory_space<hbm>> -> memref<2000xf32, #tpu.memory_space<hbm>>
        %dma_wait3A_33 = tpu.memref_slice %arg3[%add3A_16] : memref<320000xf32, #tpu.memory_space<hbm>> -> memref<2000xf32, #tpu.memory_space<hbm>>
        tpu.wait_dma2 semaphore(%run_scoped3A : memref<!tpu.dma_semaphore, #tpu.memory_space<semaphore_mem>>) src(%dma_wait3A_33 : memref<2000xf32, #tpu.memory_space<hbm>>) dst(%arg9 : memref<2000xf32, #tpu.memory_space<vmem>>)
        tpu.yield
      }) : () -> ()
      "tpu.region"() ({
        %run_scoped3A = tpu.sem_alloc : memref<!tpu.dma_semaphore, #tpu.memory_space<semaphore_mem>>
        %dma_start3A_30 = tpu.memref_slice %arg4[%add3A_16] : memref<320000xi32, #tpu.memory_space<hbm>> -> memref<2000xi32, #tpu.memory_space<hbm>>
        %dma_start3A_31 = tpu.memref_slice %arg4[%add3A_16] : memref<320000xi32, #tpu.memory_space<hbm>> -> memref<2000xi32, #tpu.memory_space<hbm>>
        tpu.enqueue_dma source(%dma_start3A_31 : memref<2000xi32, #tpu.memory_space<hbm>>) target(%arg10 : memref<2000xi32, #tpu.memory_space<vmem>>) target_semaphore(%run_scoped3A : memref<!tpu.dma_semaphore, #tpu.memory_space<semaphore_mem>>)
        %dma_wait3A_32 = tpu.memref_slice %arg4[%add3A_16] : memref<320000xi32, #tpu.memory_space<hbm>> -> memref<2000xi32, #tpu.memory_space<hbm>>
        %dma_wait3A_33 = tpu.memref_slice %arg4[%add3A_16] : memref<320000xi32, #tpu.memory_space<hbm>> -> memref<2000xi32, #tpu.memory_space<hbm>>
        tpu.wait_dma2 semaphore(%run_scoped3A : memref<!tpu.dma_semaphore, #tpu.memory_space<semaphore_mem>>) src(%dma_wait3A_33 : memref<2000xi32, #tpu.memory_space<hbm>>) dst(%arg10 : memref<2000xi32, #tpu.memory_space<vmem>>)
        tpu.yield
      }) : () -> ()
      %broadcast_in_dim3A_19 = arith.constant 320000 : i32
      %broadcast_in_dim3A_20 = vector.broadcast %broadcast_in_dim3A_19 : i32 to vector<16xi32>
      %parallel_loop3A_21 = arith.constant 0 : i32
      %parallel_loop3A_22 = arith.constant 125 : i32
      %parallel_loop3A_23 = arith.constant 1 : i32
      scf.for %parallel_loop3A_30 = %parallel_loop3A_21 to %parallel_loop3A_22 step %parallel_loop3A_23  : i32 {
        %parallel_loop3A_31 = arith.constant 16 : i32
        %parallel_loop3A_32 = arith.muli %parallel_loop3A_30, %parallel_loop3A_31 : i32
        %parallel_loop3A_33 = arith.index_cast %parallel_loop3A_32 : i32 to index
        %parallel_loop3A_34 = tpu.vector_load %arg10[%parallel_loop3A_33] {strides = array<i32>} : memref<2000xi32, #tpu.memory_space<vmem>>, vector<16xi32>,
        %parallel_loop3A_35 = arith.addi %parallel_loop3A_34, %broadcast_in_dim3A_20 : vector<16xi32>
        %parallel_loop3A_36 = arith.index_cast %parallel_loop3A_32 : i32 to index
        %parallel_loop3A_37 = tpu.vector_load %arg10[%parallel_loop3A_36] {strides = array<i32>} : memref<2000xi32, #tpu.memory_space<vmem>>, vector<16xi32>,
        tpu.vector_store %arg10[%parallel_loop3A_36], %parallel_loop3A_35 {strides = array<i32>} : memref<2000xi32, #tpu.memory_space<vmem>>, vector<16xi32>,
      } {sc.loop_unroll_factor = 8 : i64, sc.parallel_access}
      %dma_start3A = arith.constant 0 : i32
      %dma_start3A_24 = tpu.memref_slice %arg2[%dma_start3A] : memref<640000xi32, #tpu.memory_space<hbm>> -> memref<640000xi32, #tpu.memory_space<hbm>>
      tpu.enqueue_indirect_dma source(%dma_start3A_24 : memref<640000xi32, #tpu.memory_space<hbm>>) target(%arg11 : memref<2000xi32, #tpu.memory_space<vmem>>) offsets(%arg10 : memref<2000xi32, #tpu.memory_space<vmem>>) semaphore(%arg12 : memref<!tpu.dma_semaphore, #tpu.memory_space<semaphore_mem>>)
      %parallel_loop3A_25 = arith.constant 0 : i32
      %parallel_loop3A_26 = arith.constant 125 : i32
      %parallel_loop3A_27 = arith.constant 1 : i32
      scf.for %parallel_loop3A_30 = %parallel_loop3A_25 to %parallel_loop3A_26 step %parallel_loop3A_27  : i32 {
        %parallel_loop3A_31 = arith.constant 16 : i32
        %parallel_loop3A_32 = arith.muli %parallel_loop3A_30, %parallel_loop3A_31 : i32
        %parallel_loop3A_33 = arith.index_cast %parallel_loop3A_32 : i32 to index
        %parallel_loop3A_34 = tpu.vector_load %arg8[%parallel_loop3A_33] {strides = array<i32>} : memref<2000xi32, #tpu.memory_space<vmem>>, vector<16xi32>,
        %parallel_loop3A_35 = arith.constant 16 : i32
        %parallel_loop3A_36 = arith.muli %parallel_loop3A_30, %parallel_loop3A_35 : i32
        %parallel_loop3A_37 = arith.index_cast %parallel_loop3A_36 : i32 to index
        %parallel_loop3A_38 = tpu.vector_load %arg9[%parallel_loop3A_37] {strides = array<i32>} : memref<2000xf32, #tpu.memory_space<vmem>>, vector<16xf32>,
        tpu.vector_store_idx %arg7[%parallel_loop3A_34], %parallel_loop3A_38 {add = true} : memref<10000xf32, #tpu.memory_space<vmem>>[vector<16xi32>], vector<16xf32>,
      } {sc.loop_unroll_factor = 8 : i64, sc.parallel_access}
      %dma_wait3A = arith.constant 0 : i32
      %dma_wait3A_28 = tpu.memref_slice %arg2[%dma_wait3A] : memref<640000xi32, #tpu.memory_space<hbm>> -> memref<640000xi32, #tpu.memory_space<hbm>>
      tpu.wait_indirect_dma semaphore(%arg12 : memref<!tpu.dma_semaphore, #tpu.memory_space<semaphore_mem>>) src(%dma_wait3A_28 : memref<640000xi32, #tpu.memory_space<hbm>>) dst(%arg11 : memref<2000xi32, #tpu.memory_space<vmem>>)
      "tpu.region"() ({
        %run_scoped3A = tpu.sem_alloc : memref<!tpu.dma_semaphore, #tpu.memory_space<semaphore_mem>>
        %dma_start3A_30 = tpu.memref_slice %arg6[%add3A_16] : memref<320000xi32, #tpu.memory_space<hbm>> -> memref<2000xi32, #tpu.memory_space<hbm>>
        %dma_start3A_31 = tpu.memref_slice %arg6[%add3A_16] : memref<320000xi32, #tpu.memory_space<hbm>> -> memref<2000xi32, #tpu.memory_space<hbm>>
        tpu.enqueue_dma source(%arg11 : memref<2000xi32, #tpu.memory_space<vmem>>) target(%dma_start3A_31 : memref<2000xi32, #tpu.memory_space<hbm>>) target_semaphore(%run_scoped3A : memref<!tpu.dma_semaphore, #tpu.memory_space<semaphore_mem>>)
        %dma_wait3A_32 = tpu.memref_slice %arg6[%add3A_16] : memref<320000xi32, #tpu.memory_space<hbm>> -> memref<2000xi32, #tpu.memory_space<hbm>>
        %dma_wait3A_33 = tpu.memref_slice %arg6[%add3A_16] : memref<320000xi32, #tpu.memory_space<hbm>> -> memref<2000xi32, #tpu.memory_space<hbm>>
        tpu.wait_dma2 semaphore(%run_scoped3A : memref<!tpu.dma_semaphore, #tpu.memory_space<semaphore_mem>>) src(%arg11 : memref<2000xi32, #tpu.memory_space<vmem>>) dst(%dma_wait3A_33 : memref<2000xi32, #tpu.memory_space<hbm>>)
        tpu.yield
      }) : () -> ()
      %scan3A_29 = arith.constant 0 : i32
      scf.yield %scan3A_29 : i32
    }
    %scan3A_11 = arith.constant 5 : i32
    "tpu.region"() ({
      %run_scoped3A = tpu.sem_alloc : memref<!tpu.dma_semaphore, #tpu.memory_space<semaphore_mem>>
      %dma_start3A = arith.constant 0 : i32
      %dma_start3A_12 = tpu.memref_slice %arg5[%add3A, %dma_start3A] : memref<32x10000xf32, #tpu.memory_space<hbm>> -> memref<1x10000xf32, #tpu.memory_space<hbm>>
      %dma_start3A_13 = tpu.memref_squeeze %dma_start3A_12 : memref<1x10000xf32, #tpu.memory_space<hbm>> -> memref<10000xf32, #tpu.memory_space<hbm>>
      %dma_start3A_14 = arith.constant 0 : i32
      %dma_start3A_15 = tpu.memref_slice %arg5[%add3A, %dma_start3A_14] : memref<32x10000xf32, #tpu.memory_space<hbm>> -> memref<1x10000xf32, #tpu.memory_space<hbm>>
      %dma_start3A_16 = tpu.memref_squeeze %dma_start3A_15 : memref<1x10000xf32, #tpu.memory_space<hbm>> -> memref<10000xf32, #tpu.memory_space<hbm>>
      tpu.enqueue_dma source(%arg7 : memref<10000xf32, #tpu.memory_space<vmem>>) target(%dma_start3A_16 : memref<10000xf32, #tpu.memory_space<hbm>>) target_semaphore(%run_scoped3A : memref<!tpu.dma_semaphore, #tpu.memory_space<semaphore_mem>>)
      %dma_wait3A = arith.constant 0 : i32
      %dma_wait3A_17 = tpu.memref_slice %arg5[%add3A, %dma_wait3A] : memref<32x10000xf32, #tpu.memory_space<hbm>> -> memref<1x10000xf32, #tpu.memory_space<hbm>>
      %dma_wait3A_18 = tpu.memref_squeeze %dma_wait3A_17 : memref<1x10000xf32, #tpu.memory_space<hbm>> -> memref<10000xf32, #tpu.memory_space<hbm>>
      %dma_wait3A_19 = arith.constant 0 : i32
      %dma_wait3A_20 = tpu.memref_slice %arg5[%add3A, %dma_wait3A_19] : memref<32x10000xf32, #tpu.memory_space<hbm>> -> memref<1x10000xf32, #tpu.memory_space<hbm>>
      %dma_wait3A_21 = tpu.memref_squeeze %dma_wait3A_20 : memref<1x10000xf32, #tpu.memory_space<hbm>> -> memref<10000xf32, #tpu.memory_space<hbm>>
      tpu.wait_dma2 semaphore(%run_scoped3A : memref<!tpu.dma_semaphore, #tpu.memory_space<semaphore_mem>>) src(%arg7 : memref<10000xf32, #tpu.memory_space<vmem>>) dst(%dma_wait3A_21 : memref<10000xf32, #tpu.memory_space<hbm>>)
      tpu.yield
    }) : () -> ()
    return
  }
}

#map = affine_map<(d0, d1) -> (0, 0)>
#map1 = affine_map<(d0, d1) -> (0)>
module attributes {stable_mosaic.version = 14 : i64} {
  func.func @_dec_body(%arg0: i32, %arg1: i32, %arg2: memref<64x10000xi32, #tpu.memory_space<hbm>>, %arg3: memref<2x320000xi32, #tpu.memory_space<hbm>>, %arg4: memref<320000xi32, #tpu.memory_space<hbm>>, %arg5: memref<32x320000xf32, #tpu.memory_space<hbm>>, %arg6: memref<32x320000xf32, #tpu.memory_space<hbm>>, %arg7: memref<2x10000xi32, #tpu.memory_space<vmem>>, %arg8: memref<3200xi32, #tpu.memory_space<vmem>>, %arg9: memref<3200xi32, #tpu.memory_space<vmem>>, %arg10: memref<3200xi32, #tpu.memory_space<vmem>>, %arg11: memref<3200xi32, #tpu.memory_space<vmem>>, %arg12: memref<3200xi32, #tpu.memory_space<vmem>>, %arg13: memref<3200xi32, #tpu.memory_space<vmem>>, %arg14: memref<3200xf32, #tpu.memory_space<vmem>>, %arg15: memref<3200xf32, #tpu.memory_space<vmem>>, %arg16: memref<3200xf32, #tpu.memory_space<vmem>>, %arg17: memref<3200xf32, #tpu.memory_space<vmem>>, %arg18: memref<!tpu.dma_semaphore, #tpu.memory_space<semaphore_mem>>, %arg19: memref<!tpu.dma_semaphore, #tpu.memory_space<semaphore_mem>>, %arg20: memref<!tpu.dma_semaphore, #tpu.memory_space<semaphore_mem>>, %arg21: memref<!tpu.dma_semaphore, #tpu.memory_space<semaphore_mem>>) attributes {dimension_semantics = [#tpu.dimension_semantics<core_parallel>, #tpu.dimension_semantics<subcore_parallel>], iteration_bounds = array<i64: 2, 16>, scalar_prefetch = 0 : i64, scratch_operands = 15 : i64, tpu.core_type = #tpu.core_type<sc_vector_subcore>, window_params = [{transform_indices = #map}, {transform_indices = #map}, {transform_indices = #map1}, {transform_indices = #map}, {transform_indices = #map}]} {
    %mul3A = arith.constant 2 : i32
    %mul3A_0 = arith.muli %arg1, %mul3A : i32
    %add3A = arith.addi %mul3A_0, %arg0 : i32
    %mul3A_1 = arith.constant 2 : i32
    %mul3A_2 = arith.muli %mul3A_1, %add3A : i32
    "tpu.region"() ({
      %run_scoped3A = tpu.sem_alloc : memref<!tpu.dma_semaphore, #tpu.memory_space<semaphore_mem>>
      %dma_start3A_49 = arith.constant 0 : i32
      %dma_start3A_50 = tpu.memref_slice %arg2[%mul3A_2, %dma_start3A_49] : memref<64x10000xi32, #tpu.memory_space<hbm>> -> memref<2x10000xi32, #tpu.memory_space<hbm>>
      %dma_start3A_51 = arith.constant 0 : i32
      %dma_start3A_52 = tpu.memref_slice %arg2[%mul3A_2, %dma_start3A_51] : memref<64x10000xi32, #tpu.memory_space<hbm>> -> memref<2x10000xi32, #tpu.memory_space<hbm>>
      tpu.enqueue_dma source(%dma_start3A_52 : memref<2x10000xi32, #tpu.memory_space<hbm>>) target(%arg7 : memref<2x10000xi32, #tpu.memory_space<vmem>>) target_semaphore(%run_scoped3A : memref<!tpu.dma_semaphore, #tpu.memory_space<semaphore_mem>>)
      %dma_wait3A_53 = arith.constant 0 : i32
      %dma_wait3A_54 = tpu.memref_slice %arg2[%mul3A_2, %dma_wait3A_53] : memref<64x10000xi32, #tpu.memory_space<hbm>> -> memref<2x10000xi32, #tpu.memory_space<hbm>>
      %dma_wait3A_55 = arith.constant 0 : i32
      %dma_wait3A_56 = tpu.memref_slice %arg2[%mul3A_2, %dma_wait3A_55] : memref<64x10000xi32, #tpu.memory_space<hbm>> -> memref<2x10000xi32, #tpu.memory_space<hbm>>
      tpu.wait_dma2 semaphore(%run_scoped3A : memref<!tpu.dma_semaphore, #tpu.memory_space<semaphore_mem>>) src(%dma_wait3A_56 : memref<2x10000xi32, #tpu.memory_space<hbm>>) dst(%arg7 : memref<2x10000xi32, #tpu.memory_space<vmem>>)
      tpu.yield
    }) : () -> ()
    %dma_start3A = arith.constant 0 : i32
    %dma_start3A_3 = arith.constant 0 : i32
    %dma_start3A_4 = tpu.memref_slice %arg3[%dma_start3A, %dma_start3A_3] : memref<2x320000xi32, #tpu.memory_space<hbm>> -> memref<1x3200xi32, #tpu.memory_space<hbm>>
    %dma_start3A_5 = tpu.memref_squeeze %dma_start3A_4 : memref<1x3200xi32, #tpu.memory_space<hbm>> -> memref<3200xi32, #tpu.memory_space<hbm>>
    %dma_start3A_6 = arith.constant 0 : i32
    %dma_start3A_7 = tpu.memref_slice %arg3[%dma_start3A, %dma_start3A_6] : memref<2x320000xi32, #tpu.memory_space<hbm>> -> memref<1x3200xi32, #tpu.memory_space<hbm>>
    %dma_start3A_8 = tpu.memref_squeeze %dma_start3A_7 : memref<1x3200xi32, #tpu.memory_space<hbm>> -> memref<3200xi32, #tpu.memory_space<hbm>>
    tpu.enqueue_dma source(%dma_start3A_8 : memref<3200xi32, #tpu.memory_space<hbm>>) target(%arg8 : memref<3200xi32, #tpu.memory_space<vmem>>) target_semaphore(%arg18 : memref<!tpu.dma_semaphore, #tpu.memory_space<semaphore_mem>>)
    %dma_start3A_9 = arith.constant 1 : i32
    %dma_start3A_10 = arith.constant 0 : i32
    %dma_start3A_11 = tpu.memref_slice %arg3[%dma_start3A_9, %dma_start3A_10] : memref<2x320000xi32, #tpu.memory_space<hbm>> -> memref<1x3200xi32, #tpu.memory_space<hbm>>
    %dma_start3A_12 = tpu.memref_squeeze %dma_start3A_11 : memref<1x3200xi32, #tpu.memory_space<hbm>> -> memref<3200xi32, #tpu.memory_space<hbm>>
    %dma_start3A_13 = arith.constant 0 : i32
    %dma_start3A_14 = tpu.memref_slice %arg3[%dma_start3A_9, %dma_start3A_13] : memref<2x320000xi32, #tpu.memory_space<hbm>> -> memref<1x3200xi32, #tpu.memory_space<hbm>>
    %dma_start3A_15 = tpu.memref_squeeze %dma_start3A_14 : memref<1x3200xi32, #tpu.memory_space<hbm>> -> memref<3200xi32, #tpu.memory_space<hbm>>
    tpu.enqueue_dma source(%dma_start3A_15 : memref<3200xi32, #tpu.memory_space<hbm>>) target(%arg10 : memref<3200xi32, #tpu.memory_space<vmem>>) target_semaphore(%arg18 : memref<!tpu.dma_semaphore, #tpu.memory_space<semaphore_mem>>)
    %dma_start3A_16 = arith.constant 0 : i32
    %dma_start3A_17 = tpu.memref_slice %arg4[%dma_start3A_16] : memref<320000xi32, #tpu.memory_space<hbm>> -> memref<3200xi32, #tpu.memory_space<hbm>>
    %dma_start3A_18 = arith.constant 0 : i32
    %dma_start3A_19 = tpu.memref_slice %arg4[%dma_start3A_18] : memref<320000xi32, #tpu.memory_space<hbm>> -> memref<3200xi32, #tpu.memory_space<hbm>>
    tpu.enqueue_dma source(%dma_start3A_19 : memref<3200xi32, #tpu.memory_space<hbm>>) target(%arg12 : memref<3200xi32, #tpu.memory_space<vmem>>) target_semaphore(%arg18 : memref<!tpu.dma_semaphore, #tpu.memory_space<semaphore_mem>>)
    %scan3A = arith.constant 0 : i32
    %scan3A_20 = arith.constant 0 : i32
    %scan3A_21 = arith.constant 50 : i32
    %scan3A_22 = arith.addi %scan3A_20, %scan3A_21 : i32
    %scan3A_23 = arith.constant 1 : i32
    %scan3A_24 = scf.for %scan3A_49 = %scan3A_20 to %scan3A_22 step %scan3A_23 iter_args(%scan3A_50 = %scan3A) -> (i32)  : i32 {
      %mul3A_51 = arith.constant 2 : i32
      %mul3A_52 = arith.muli %mul3A_51, %scan3A_49 : i32
      %dma_wait3A_53 = arith.constant 0 : i32
      %dma_wait3A_54 = arith.constant 0 : i32
      %dma_wait3A_55 = tpu.memref_slice %arg3[%dma_wait3A_53, %dma_wait3A_54] : memref<2x320000xi32, #tpu.memory_space<hbm>> -> memref<1x3200xi32, #tpu.memory_space<hbm>>
      %dma_wait3A_56 = tpu.memref_squeeze %dma_wait3A_55 : memref<1x3200xi32, #tpu.memory_space<hbm>> -> memref<3200xi32, #tpu.memory_space<hbm>>
      %dma_wait3A_57 = arith.constant 0 : i32
      %dma_wait3A_58 = tpu.memref_slice %arg3[%dma_wait3A_53, %dma_wait3A_57] : memref<2x320000xi32, #tpu.memory_space<hbm>> -> memref<1x3200xi32, #tpu.memory_space<hbm>>
      %dma_wait3A_59 = tpu.memref_squeeze %dma_wait3A_58 : memref<1x3200xi32, #tpu.memory_space<hbm>> -> memref<3200xi32, #tpu.memory_space<hbm>>
      tpu.wait_dma2 semaphore(%arg18 : memref<!tpu.dma_semaphore, #tpu.memory_space<semaphore_mem>>) src(%dma_wait3A_59 : memref<3200xi32, #tpu.memory_space<hbm>>) dst(%arg8 : memref<3200xi32, #tpu.memory_space<vmem>>)
      %dma_wait3A_60 = arith.constant 1 : i32
      %dma_wait3A_61 = arith.constant 0 : i32
      %dma_wait3A_62 = tpu.memref_slice %arg3[%dma_wait3A_60, %dma_wait3A_61] : memref<2x320000xi32, #tpu.memory_space<hbm>> -> memref<1x3200xi32, #tpu.memory_space<hbm>>
      %dma_wait3A_63 = tpu.memref_squeeze %dma_wait3A_62 : memref<1x3200xi32, #tpu.memory_space<hbm>> -> memref<3200xi32, #tpu.memory_space<hbm>>
      %dma_wait3A_64 = arith.constant 0 : i32
      %dma_wait3A_65 = tpu.memref_slice %arg3[%dma_wait3A_60, %dma_wait3A_64] : memref<2x320000xi32, #tpu.memory_space<hbm>> -> memref<1x3200xi32, #tpu.memory_space<hbm>>
      %dma_wait3A_66 = tpu.memref_squeeze %dma_wait3A_65 : memref<1x3200xi32, #tpu.memory_space<hbm>> -> memref<3200xi32, #tpu.memory_space<hbm>>
      tpu.wait_dma2 semaphore(%arg18 : memref<!tpu.dma_semaphore, #tpu.memory_space<semaphore_mem>>) src(%dma_wait3A_66 : memref<3200xi32, #tpu.memory_space<hbm>>) dst(%arg10 : memref<3200xi32, #tpu.memory_space<vmem>>)
      %dma_wait3A_67 = arith.constant 0 : i32
      %dma_wait3A_68 = tpu.memref_slice %arg4[%dma_wait3A_67] : memref<320000xi32, #tpu.memory_space<hbm>> -> memref<3200xi32, #tpu.memory_space<hbm>>
      %dma_wait3A_69 = arith.constant 0 : i32
      %dma_wait3A_70 = tpu.memref_slice %arg4[%dma_wait3A_69] : memref<320000xi32, #tpu.memory_space<hbm>> -> memref<3200xi32, #tpu.memory_space<hbm>>
      tpu.wait_dma2 semaphore(%arg18 : memref<!tpu.dma_semaphore, #tpu.memory_space<semaphore_mem>>) src(%dma_wait3A_70 : memref<3200xi32, #tpu.memory_space<hbm>>) dst(%arg12 : memref<3200xi32, #tpu.memory_space<vmem>>)
      %add3A_71 = arith.constant 1 : i32
      %add3A_72 = arith.addi %mul3A_52, %add3A_71 : i32
      %mul3A_73 = arith.constant 3200 : i32
      %mul3A_74 = arith.muli %add3A_72, %mul3A_73 : i32
      %dma_start3A_75 = arith.constant 0 : i32
      %dma_start3A_76 = tpu.memref_slice %arg3[%dma_start3A_75, %mul3A_74] : memref<2x320000xi32, #tpu.memory_space<hbm>> -> memref<1x3200xi32, #tpu.memory_space<hbm>>
      %dma_start3A_77 = tpu.memref_squeeze %dma_start3A_76 : memref<1x3200xi32, #tpu.memory_space<hbm>> -> memref<3200xi32, #tpu.memory_space<hbm>>
      %dma_start3A_78 = tpu.memref_slice %arg3[%dma_start3A_75, %mul3A_74] : memref<2x320000xi32, #tpu.memory_space<hbm>> -> memref<1x3200xi32, #tpu.memory_space<hbm>>
      %dma_start3A_79 = tpu.memref_squeeze %dma_start3A_78 : memref<1x3200xi32, #tpu.memory_space<hbm>> -> memref<3200xi32, #tpu.memory_space<hbm>>
      tpu.enqueue_dma source(%dma_start3A_79 : memref<3200xi32, #tpu.memory_space<hbm>>) target(%arg9 : memref<3200xi32, #tpu.memory_space<vmem>>) target_semaphore(%arg19 : memref<!tpu.dma_semaphore, #tpu.memory_space<semaphore_mem>>)
      %dma_start3A_80 = arith.constant 1 : i32
      %dma_start3A_81 = tpu.memref_slice %arg3[%dma_start3A_80, %mul3A_74] : memref<2x320000xi32, #tpu.memory_space<hbm>> -> memref<1x3200xi32, #tpu.memory_space<hbm>>
      %dma_start3A_82 = tpu.memref_squeeze %dma_start3A_81 : memref<1x3200xi32, #tpu.memory_space<hbm>> -> memref<3200xi32, #tpu.memory_space<hbm>>
      %dma_start3A_83 = tpu.memref_slice %arg3[%dma_start3A_80, %mul3A_74] : memref<2x320000xi32, #tpu.memory_space<hbm>> -> memref<1x3200xi32, #tpu.memory_space<hbm>>
      %dma_start3A_84 = tpu.memref_squeeze %dma_start3A_83 : memref<1x3200xi32, #tpu.memory_space<hbm>> -> memref<3200xi32, #tpu.memory_space<hbm>>
      tpu.enqueue_dma source(%dma_start3A_84 : memref<3200xi32, #tpu.memory_space<hbm>>) target(%arg11 : memref<3200xi32, #tpu.memory_space<vmem>>) target_semaphore(%arg19 : memref<!tpu.dma_semaphore, #tpu.memory_space<semaphore_mem>>)
      %dma_start3A_85 = tpu.memref_slice %arg4[%mul3A_74] : memref<320000xi32, #tpu.memory_space<hbm>> -> memref<3200xi32, #tpu.memory_space<hbm>>
      %dma_start3A_86 = tpu.memref_slice %arg4[%mul3A_74] : memref<320000xi32, #tpu.memory_space<hbm>> -> memref<3200xi32, #tpu.memory_space<hbm>>
      tpu.enqueue_dma source(%dma_start3A_86 : memref<3200xi32, #tpu.memory_space<hbm>>) target(%arg13 : memref<3200xi32, #tpu.memory_space<vmem>>) target_semaphore(%arg19 : memref<!tpu.dma_semaphore, #tpu.memory_space<semaphore_mem>>)
      %gt3A = arith.constant 0 : i32
      %gt3A_87 = arith.cmpi sgt, %scan3A_49, %gt3A : i32
      %convert_element_type3A = arith.extui %gt3A_87 : i1 to i32
      %cond3A = arith.constant 0 : i32
      %cond3A_88 = arith.cmpi ne, %convert_element_type3A, %cond3A : i32
      scf.if %cond3A_88 {
        %dma_wait3A_144 = arith.constant 0 : i32
        %dma_wait3A_145 = tpu.memref_slice %arg5[%add3A, %dma_wait3A_144] : memref<32x320000xf32, #tpu.memory_space<hbm>> -> memref<1x3200xf32, #tpu.memory_space<hbm>>
        %dma_wait3A_146 = tpu.memref_squeeze %dma_wait3A_145 : memref<1x3200xf32, #tpu.memory_space<hbm>> -> memref<3200xf32, #tpu.memory_space<hbm>>
        %dma_wait3A_147 = arith.constant 0 : i32
        %dma_wait3A_148 = tpu.memref_slice %arg5[%add3A, %dma_wait3A_147] : memref<32x320000xf32, #tpu.memory_space<hbm>> -> memref<1x3200xf32, #tpu.memory_space<hbm>>
        %dma_wait3A_149 = tpu.memref_squeeze %dma_wait3A_148 : memref<1x3200xf32, #tpu.memory_space<hbm>> -> memref<3200xf32, #tpu.memory_space<hbm>>
        tpu.wait_dma2 semaphore(%arg20 : memref<!tpu.dma_semaphore, #tpu.memory_space<semaphore_mem>>) src(%arg14 : memref<3200xf32, #tpu.memory_space<vmem>>) dst(%dma_wait3A_149 : memref<3200xf32, #tpu.memory_space<hbm>>)
        %dma_wait3A_150 = arith.constant 0 : i32
        %dma_wait3A_151 = tpu.memref_slice %arg6[%add3A, %dma_wait3A_150] : memref<32x320000xf32, #tpu.memory_space<hbm>> -> memref<1x3200xf32, #tpu.memory_space<hbm>>
        %dma_wait3A_152 = tpu.memref_squeeze %dma_wait3A_151 : memref<1x3200xf32, #tpu.memory_space<hbm>> -> memref<3200xf32, #tpu.memory_space<hbm>>
        %dma_wait3A_153 = arith.constant 0 : i32
        %dma_wait3A_154 = tpu.memref_slice %arg6[%add3A, %dma_wait3A_153] : memref<32x320000xf32, #tpu.memory_space<hbm>> -> memref<1x3200xf32, #tpu.memory_space<hbm>>
        %dma_wait3A_155 = tpu.memref_squeeze %dma_wait3A_154 : memref<1x3200xf32, #tpu.memory_space<hbm>> -> memref<3200xf32, #tpu.memory_space<hbm>>
        tpu.wait_dma2 semaphore(%arg20 : memref<!tpu.dma_semaphore, #tpu.memory_space<semaphore_mem>>) src(%arg16 : memref<3200xf32, #tpu.memory_space<vmem>>) dst(%dma_wait3A_155 : memref<3200xf32, #tpu.memory_space<hbm>>)
      } else {
      }
      %parallel_loop3A = arith.constant 0 : i32
      %parallel_loop3A_89 = arith.constant 200 : i32
      %parallel_loop3A_90 = arith.constant 1 : i32
      scf.for %parallel_loop3A_144 = %parallel_loop3A to %parallel_loop3A_89 step %parallel_loop3A_90  : i32 {
        %parallel_loop3A_145 = arith.constant 16 : i32
        %parallel_loop3A_146 = arith.muli %parallel_loop3A_144, %parallel_loop3A_145 : i32
        %parallel_loop3A_147 = arith.index_cast %parallel_loop3A_146 : i32 to index
        %parallel_loop3A_148 = tpu.vector_load %arg8[%parallel_loop3A_147] {strides = array<i32>} : memref<3200xi32, #tpu.memory_space<vmem>>, vector<16xi32>,
        %parallel_loop3A_149 = arith.constant 16 : i32
        %parallel_loop3A_150 = arith.muli %parallel_loop3A_144, %parallel_loop3A_149 : i32
        %parallel_loop3A_151 = arith.index_cast %parallel_loop3A_150 : i32 to index
        %parallel_loop3A_152 = tpu.vector_load %arg10[%parallel_loop3A_151] {strides = array<i32>} : memref<3200xi32, #tpu.memory_space<vmem>>, vector<16xi32>,
        %parallel_loop3A_153 = arith.constant 16 : i32
        %parallel_loop3A_154 = arith.muli %parallel_loop3A_144, %parallel_loop3A_153 : i32
        %parallel_loop3A_155 = arith.index_cast %parallel_loop3A_154 : i32 to index
        %parallel_loop3A_156 = tpu.vector_load %arg12[%parallel_loop3A_155] {strides = array<i32>} : memref<3200xi32, #tpu.memory_space<vmem>>, vector<16xi32>,
        %parallel_loop3A_157 = arith.constant 0.000000e+00 : f32
        %parallel_loop3A_158 = vector.broadcast %parallel_loop3A_157 : f32 to vector<16xf32>
        %parallel_loop3A_159 = arith.constant 0.000000e+00 : f32
        %parallel_loop3A_160 = vector.broadcast %parallel_loop3A_159 : f32 to vector<16xf32>
        %parallel_loop3A_161 = arith.constant 0 : i32
        %parallel_loop3A_162 = vector.broadcast %parallel_loop3A_161 : i32 to vector<16xi32>
        %parallel_loop3A_163 = tpu.vector_load_idx %arg7[%parallel_loop3A_162, %parallel_loop3A_148] : memref<2x10000xi32, #tpu.memory_space<vmem>>[vector<16xi32>, vector<16xi32>], vector<16xi32>,
        %parallel_loop3A_164 = vector.bitcast %parallel_loop3A_163 : vector<16xi32> to vector<32xbf16>
        %parallel_loop3A_165 = tpu.unpack_subelements %parallel_loop3A_164, 0 {pack_format = #tpu.pack_format<interleaved>} : vector<32xbf16> -> vector<16xf32>
        %parallel_loop3A_166 = tpu.unpack_subelements %parallel_loop3A_164, 1 {pack_format = #tpu.pack_format<interleaved>} : vector<32xbf16> -> vector<16xf32>
        %parallel_loop3A_167 = tpu.vector_load_idx %arg7[%parallel_loop3A_162, %parallel_loop3A_152] : memref<2x10000xi32, #tpu.memory_space<vmem>>[vector<16xi32>, vector<16xi32>], vector<16xi32>,
        %parallel_loop3A_168 = vector.bitcast %parallel_loop3A_167 : vector<16xi32> to vector<32xbf16>
        %parallel_loop3A_169 = tpu.unpack_subelements %parallel_loop3A_168, 0 {pack_format = #tpu.pack_format<interleaved>} : vector<32xbf16> -> vector<16xf32>
        %parallel_loop3A_170 = tpu.unpack_subelements %parallel_loop3A_168, 1 {pack_format = #tpu.pack_format<interleaved>} : vector<32xbf16> -> vector<16xf32>
        %parallel_loop3A_171 = tpu.vector_load_idx %arg7[%parallel_loop3A_162, %parallel_loop3A_156] : memref<2x10000xi32, #tpu.memory_space<vmem>>[vector<16xi32>, vector<16xi32>], vector<16xi32>,
        %parallel_loop3A_172 = vector.bitcast %parallel_loop3A_171 : vector<16xi32> to vector<32xbf16>
        %parallel_loop3A_173 = tpu.unpack_subelements %parallel_loop3A_172, 0 {pack_format = #tpu.pack_format<interleaved>} : vector<32xbf16> -> vector<16xf32>
        %parallel_loop3A_174 = tpu.unpack_subelements %parallel_loop3A_172, 1 {pack_format = #tpu.pack_format<interleaved>} : vector<32xbf16> -> vector<16xf32>
        %parallel_loop3A_175 = arith.mulf %parallel_loop3A_165, %parallel_loop3A_169 : vector<16xf32>
        %parallel_loop3A_176 = arith.addf %parallel_loop3A_158, %parallel_loop3A_175 : vector<16xf32>
        %parallel_loop3A_177 = arith.mulf %parallel_loop3A_166, %parallel_loop3A_170 : vector<16xf32>
        %parallel_loop3A_178 = arith.addf %parallel_loop3A_176, %parallel_loop3A_177 : vector<16xf32>
        %parallel_loop3A_179 = arith.mulf %parallel_loop3A_165, %parallel_loop3A_173 : vector<16xf32>
        %parallel_loop3A_180 = arith.addf %parallel_loop3A_160, %parallel_loop3A_179 : vector<16xf32>
        %parallel_loop3A_181 = arith.mulf %parallel_loop3A_166, %parallel_loop3A_174 : vector<16xf32>
        %parallel_loop3A_182 = arith.addf %parallel_loop3A_180, %parallel_loop3A_181 : vector<16xf32>
        %parallel_loop3A_183 = arith.constant 1 : i32
        %parallel_loop3A_184 = vector.broadcast %parallel_loop3A_183 : i32 to vector<16xi32>
        %parallel_loop3A_185 = tpu.vector_load_idx %arg7[%parallel_loop3A_184, %parallel_loop3A_148] : memref<2x10000xi32, #tpu.memory_space<vmem>>[vector<16xi32>, vector<16xi32>], vector<16xi32>,
        %parallel_loop3A_186 = vector.bitcast %parallel_loop3A_185 : vector<16xi32> to vector<32xbf16>
        %parallel_loop3A_187 = tpu.unpack_subelements %parallel_loop3A_186, 0 {pack_format = #tpu.pack_format<interleaved>} : vector<32xbf16> -> vector<16xf32>
        %parallel_loop3A_188 = tpu.unpack_subelements %parallel_loop3A_186, 1 {pack_format = #tpu.pack_format<interleaved>} : vector<32xbf16> -> vector<16xf32>
        %parallel_loop3A_189 = tpu.vector_load_idx %arg7[%parallel_loop3A_184, %parallel_loop3A_152] : memref<2x10000xi32, #tpu.memory_space<vmem>>[vector<16xi32>, vector<16xi32>], vector<16xi32>,
        %parallel_loop3A_190 = vector.bitcast %parallel_loop3A_189 : vector<16xi32> to vector<32xbf16>
        %parallel_loop3A_191 = tpu.unpack_subelements %parallel_loop3A_190, 0 {pack_format = #tpu.pack_format<interleaved>} : vector<32xbf16> -> vector<16xf32>
        %parallel_loop3A_192 = tpu.unpack_subelements %parallel_loop3A_190, 1 {pack_format = #tpu.pack_format<interleaved>} : vector<32xbf16> -> vector<16xf32>
        %parallel_loop3A_193 = tpu.vector_load_idx %arg7[%parallel_loop3A_184, %parallel_loop3A_156] : memref<2x10000xi32, #tpu.memory_space<vmem>>[vector<16xi32>, vector<16xi32>], vector<16xi32>,
        %parallel_loop3A_194 = vector.bitcast %parallel_loop3A_193 : vector<16xi32> to vector<32xbf16>
        %parallel_loop3A_195 = tpu.unpack_subelements %parallel_loop3A_194, 0 {pack_format = #tpu.pack_format<interleaved>} : vector<32xbf16> -> vector<16xf32>
        %parallel_loop3A_196 = tpu.unpack_subelements %parallel_loop3A_194, 1 {pack_format = #tpu.pack_format<interleaved>} : vector<32xbf16> -> vector<16xf32>
        %parallel_loop3A_197 = arith.mulf %parallel_loop3A_187, %parallel_loop3A_191 : vector<16xf32>
        %parallel_loop3A_198 = arith.addf %parallel_loop3A_178, %parallel_loop3A_197 : vector<16xf32>
        %parallel_loop3A_199 = arith.mulf %parallel_loop3A_188, %parallel_loop3A_192 : vector<16xf32>
        %parallel_loop3A_200 = arith.addf %parallel_loop3A_198, %parallel_loop3A_199 : vector<16xf32>
        %parallel_loop3A_201 = arith.mulf %parallel_loop3A_187, %parallel_loop3A_195 : vector<16xf32>
        %parallel_loop3A_202 = arith.addf %parallel_loop3A_182, %parallel_loop3A_201 : vector<16xf32>
        %parallel_loop3A_203 = arith.mulf %parallel_loop3A_188, %parallel_loop3A_196 : vector<16xf32>
        %parallel_loop3A_204 = arith.addf %parallel_loop3A_202, %parallel_loop3A_203 : vector<16xf32>
        %parallel_loop3A_205 = arith.constant 16 : i32
        %parallel_loop3A_206 = arith.muli %parallel_loop3A_144, %parallel_loop3A_205 : i32
        %parallel_loop3A_207 = arith.index_cast %parallel_loop3A_206 : i32 to index
        %parallel_loop3A_208 = tpu.vector_load %arg14[%parallel_loop3A_207] {strides = array<i32>} : memref<3200xf32, #tpu.memory_space<vmem>>, vector<16xf32>,
        tpu.vector_store %arg14[%parallel_loop3A_207], %parallel_loop3A_200 {strides = array<i32>} : memref<3200xf32, #tpu.memory_space<vmem>>, vector<16xf32>,
        %parallel_loop3A_209 = arith.constant 16 : i32
        %parallel_loop3A_210 = arith.muli %parallel_loop3A_144, %parallel_loop3A_209 : i32
        %parallel_loop3A_211 = arith.index_cast %parallel_loop3A_210 : i32 to index
        %parallel_loop3A_212 = tpu.vector_load %arg16[%parallel_loop3A_211] {strides = array<i32>} : memref<3200xf32, #tpu.memory_space<vmem>>, vector<16xf32>,
        tpu.vector_store %arg16[%parallel_loop3A_211], %parallel_loop3A_204 {strides = array<i32>} : memref<3200xf32, #tpu.memory_space<vmem>>, vector<16xf32>,
      } {sc.loop_unroll_factor = 8 : i64, sc.parallel_access}
      %mul3A_91 = arith.constant 3200 : i32
      %mul3A_92 = arith.muli %mul3A_52, %mul3A_91 : i32
      %dma_start3A_93 = tpu.memref_slice %arg5[%add3A, %mul3A_92] : memref<32x320000xf32, #tpu.memory_space<hbm>> -> memref<1x3200xf32, #tpu.memory_space<hbm>>
      %dma_start3A_94 = tpu.memref_squeeze %dma_start3A_93 : memref<1x3200xf32, #tpu.memory_space<hbm>> -> memref<3200xf32, #tpu.memory_space<hbm>>
      %dma_start3A_95 = tpu.memref_slice %arg5[%add3A, %mul3A_92] : memref<32x320000xf32, #tpu.memory_space<hbm>> -> memref<1x3200xf32, #tpu.memory_space<hbm>>
      %dma_start3A_96 = tpu.memref_squeeze %dma_start3A_95 : memref<1x3200xf32, #tpu.memory_space<hbm>> -> memref<3200xf32, #tpu.memory_space<hbm>>
      tpu.enqueue_dma source(%arg14 : memref<3200xf32, #tpu.memory_space<vmem>>) target(%dma_start3A_96 : memref<3200xf32, #tpu.memory_space<hbm>>) target_semaphore(%arg20 : memref<!tpu.dma_semaphore, #tpu.memory_space<semaphore_mem>>)
      %dma_start3A_97 = tpu.memref_slice %arg6[%add3A, %mul3A_92] : memref<32x320000xf32, #tpu.memory_space<hbm>> -> memref<1x3200xf32, #tpu.memory_space<hbm>>
      %dma_start3A_98 = tpu.memref_squeeze %dma_start3A_97 : memref<1x3200xf32, #tpu.memory_space<hbm>> -> memref<3200xf32, #tpu.memory_space<hbm>>
      %dma_start3A_99 = tpu.memref_slice %arg6[%add3A, %mul3A_92] : memref<32x320000xf32, #tpu.memory_space<hbm>> -> memref<1x3200xf32, #tpu.memory_space<hbm>>
      %dma_start3A_100 = tpu.memref_squeeze %dma_start3A_99 : memref<1x3200xf32, #tpu.memory_space<hbm>> -> memref<3200xf32, #tpu.memory_space<hbm>>
      tpu.enqueue_dma source(%arg16 : memref<3200xf32, #tpu.memory_space<vmem>>) target(%dma_start3A_100 : memref<3200xf32, #tpu.memory_space<hbm>>) target_semaphore(%arg20 : memref<!tpu.dma_semaphore, #tpu.memory_space<semaphore_mem>>)
      %dma_wait3A_101 = arith.constant 0 : i32
      %dma_wait3A_102 = arith.constant 0 : i32
      %dma_wait3A_103 = tpu.memref_slice %arg3[%dma_wait3A_101, %dma_wait3A_102] : memref<2x320000xi32, #tpu.memory_space<hbm>> -> memref<1x3200xi32, #tpu.memory_space<hbm>>
      %dma_wait3A_104 = tpu.memref_squeeze %dma_wait3A_103 : memref<1x3200xi32, #tpu.memory_space<hbm>> -> memref<3200xi32, #tpu.memory_space<hbm>>
      %dma_wait3A_105 = arith.constant 0 : i32
      %dma_wait3A_106 = tpu.memref_slice %arg3[%dma_wait3A_101, %dma_wait3A_105] : memref<2x320000xi32, #tpu.memory_space<hbm>> -> memref<1x3200xi32, #tpu.memory_space<hbm>>
      %dma_wait3A_107 = tpu.memref_squeeze %dma_wait3A_106 : memref<1x3200xi32, #tpu.memory_space<hbm>> -> memref<3200xi32, #tpu.memory_space<hbm>>
      tpu.wait_dma2 semaphore(%arg19 : memref<!tpu.dma_semaphore, #tpu.memory_space<semaphore_mem>>) src(%dma_wait3A_107 : memref<3200xi32, #tpu.memory_space<hbm>>) dst(%arg9 : memref<3200xi32, #tpu.memory_space<vmem>>)
      %dma_wait3A_108 = arith.constant 1 : i32
      %dma_wait3A_109 = arith.constant 0 : i32
      %dma_wait3A_110 = tpu.memref_slice %arg3[%dma_wait3A_108, %dma_wait3A_109] : memref<2x320000xi32, #tpu.memory_space<hbm>> -> memref<1x3200xi32, #tpu.memory_space<hbm>>
      %dma_wait3A_111 = tpu.memref_squeeze %dma_wait3A_110 : memref<1x3200xi32, #tpu.memory_space<hbm>> -> memref<3200xi32, #tpu.memory_space<hbm>>
      %dma_wait3A_112 = arith.constant 0 : i32
      %dma_wait3A_113 = tpu.memref_slice %arg3[%dma_wait3A_108, %dma_wait3A_112] : memref<2x320000xi32, #tpu.memory_space<hbm>> -> memref<1x3200xi32, #tpu.memory_space<hbm>>
      %dma_wait3A_114 = tpu.memref_squeeze %dma_wait3A_113 : memref<1x3200xi32, #tpu.memory_space<hbm>> -> memref<3200xi32, #tpu.memory_space<hbm>>
      tpu.wait_dma2 semaphore(%arg19 : memref<!tpu.dma_semaphore, #tpu.memory_space<semaphore_mem>>) src(%dma_wait3A_114 : memref<3200xi32, #tpu.memory_space<hbm>>) dst(%arg11 : memref<3200xi32, #tpu.memory_space<vmem>>)
      %dma_wait3A_115 = arith.constant 0 : i32
      %dma_wait3A_116 = tpu.memref_slice %arg4[%dma_wait3A_115] : memref<320000xi32, #tpu.memory_space<hbm>> -> memref<3200xi32, #tpu.memory_space<hbm>>
      %dma_wait3A_117 = arith.constant 0 : i32
      %dma_wait3A_118 = tpu.memref_slice %arg4[%dma_wait3A_117] : memref<320000xi32, #tpu.memory_space<hbm>> -> memref<3200xi32, #tpu.memory_space<hbm>>
      tpu.wait_dma2 semaphore(%arg19 : memref<!tpu.dma_semaphore, #tpu.memory_space<semaphore_mem>>) src(%dma_wait3A_118 : memref<3200xi32, #tpu.memory_space<hbm>>) dst(%arg13 : memref<3200xi32, #tpu.memory_space<vmem>>)
      %lt3A = arith.constant 49 : i32
      %lt3A_119 = arith.cmpi slt, %scan3A_49, %lt3A : i32
      %convert_element_type3A_120 = arith.extui %lt3A_119 : i1 to i32
      %cond3A_121 = arith.constant 0 : i32
      %cond3A_122 = arith.cmpi ne, %convert_element_type3A_120, %cond3A_121 : i32
      scf.if %cond3A_122 {
        %add3A_144 = arith.constant 2 : i32
        %add3A_145 = arith.addi %mul3A_52, %add3A_144 : i32
        %mul3A_146 = arith.constant 3200 : i32
        %mul3A_147 = arith.muli %add3A_145, %mul3A_146 : i32
        %dma_start3A_148 = arith.constant 0 : i32
        %dma_start3A_149 = tpu.memref_slice %arg3[%dma_start3A_148, %mul3A_147] : memref<2x320000xi32, #tpu.memory_space<hbm>> -> memref<1x3200xi32, #tpu.memory_space<hbm>>
        %dma_start3A_150 = tpu.memref_squeeze %dma_start3A_149 : memref<1x3200xi32, #tpu.memory_space<hbm>> -> memref<3200xi32, #tpu.memory_space<hbm>>
        %dma_start3A_151 = tpu.memref_slice %arg3[%dma_start3A_148, %mul3A_147] : memref<2x320000xi32, #tpu.memory_space<hbm>> -> memref<1x3200xi32, #tpu.memory_space<hbm>>
        %dma_start3A_152 = tpu.memref_squeeze %dma_start3A_151 : memref<1x3200xi32, #tpu.memory_space<hbm>> -> memref<3200xi32, #tpu.memory_space<hbm>>
        tpu.enqueue_dma source(%dma_start3A_152 : memref<3200xi32, #tpu.memory_space<hbm>>) target(%arg8 : memref<3200xi32, #tpu.memory_space<vmem>>) target_semaphore(%arg18 : memref<!tpu.dma_semaphore, #tpu.memory_space<semaphore_mem>>)
        %dma_start3A_153 = arith.constant 1 : i32
        %dma_start3A_154 = tpu.memref_slice %arg3[%dma_start3A_153, %mul3A_147] : memref<2x320000xi32, #tpu.memory_space<hbm>> -> memref<1x3200xi32, #tpu.memory_space<hbm>>
        %dma_start3A_155 = tpu.memref_squeeze %dma_start3A_154 : memref<1x3200xi32, #tpu.memory_space<hbm>> -> memref<3200xi32, #tpu.memory_space<hbm>>
        %dma_start3A_156 = tpu.memref_slice %arg3[%dma_start3A_153, %mul3A_147] : memref<2x320000xi32, #tpu.memory_space<hbm>> -> memref<1x3200xi32, #tpu.memory_space<hbm>>
        %dma_start3A_157 = tpu.memref_squeeze %dma_start3A_156 : memref<1x3200xi32, #tpu.memory_space<hbm>> -> memref<3200xi32, #tpu.memory_space<hbm>>
        tpu.enqueue_dma source(%dma_start3A_157 : memref<3200xi32, #tpu.memory_space<hbm>>) target(%arg10 : memref<3200xi32, #tpu.memory_space<vmem>>) target_semaphore(%arg18 : memref<!tpu.dma_semaphore, #tpu.memory_space<semaphore_mem>>)
        %dma_start3A_158 = tpu.memref_slice %arg4[%mul3A_147] : memref<320000xi32, #tpu.memory_space<hbm>> -> memref<3200xi32, #tpu.memory_space<hbm>>
        %dma_start3A_159 = tpu.memref_slice %arg4[%mul3A_147] : memref<320000xi32, #tpu.memory_space<hbm>> -> memref<3200xi32, #tpu.memory_space<hbm>>
        tpu.enqueue_dma source(%dma_start3A_159 : memref<3200xi32, #tpu.memory_space<hbm>>) target(%arg12 : memref<3200xi32, #tpu.memory_space<vmem>>) target_semaphore(%arg18 : memref<!tpu.dma_semaphore, #tpu.memory_space<semaphore_mem>>)
      } else {
      }
      %gt3A_123 = arith.constant 0 : i32
      %gt3A_124 = arith.cmpi sgt, %scan3A_49, %gt3A_123 : i32
      %convert_element_type3A_125 = arith.extui %gt3A_124 : i1 to i32
      %cond3A_126 = arith.constant 0 : i32
      %cond3A_127 = arith.cmpi ne, %convert_element_type3A_125, %cond3A_126 : i32
      scf.if %cond3A_127 {
        %dma_wait3A_144 = arith.constant 0 : i32
        %dma_wait3A_145 = tpu.memref_slice %arg5[%add3A, %dma_wait3A_144] : memref<32x320000xf32, #tpu.memory_space<hbm>> -> memref<1x3200xf32, #tpu.memory_space<hbm>>
        %dma_wait3A_146 = tpu.memref_squeeze %dma_wait3A_145 : memref<1x3200xf32, #tpu.memory_space<hbm>> -> memref<3200xf32, #tpu.memory_space<hbm>>
        %dma_wait3A_147 = arith.constant 0 : i32
        %dma_wait3A_148 = tpu.memref_slice %arg5[%add3A, %dma_wait3A_147] : memref<32x320000xf32, #tpu.memory_space<hbm>> -> memref<1x3200xf32, #tpu.memory_space<hbm>>
        %dma_wait3A_149 = tpu.memref_squeeze %dma_wait3A_148 : memref<1x3200xf32, #tpu.memory_space<hbm>> -> memref<3200xf32, #tpu.memory_space<hbm>>
        tpu.wait_dma2 semaphore(%arg21 : memref<!tpu.dma_semaphore, #tpu.memory_space<semaphore_mem>>) src(%arg15 : memref<3200xf32, #tpu.memory_space<vmem>>) dst(%dma_wait3A_149 : memref<3200xf32, #tpu.memory_space<hbm>>)
        %dma_wait3A_150 = arith.constant 0 : i32
        %dma_wait3A_151 = tpu.memref_slice %arg6[%add3A, %dma_wait3A_150] : memref<32x320000xf32, #tpu.memory_space<hbm>> -> memref<1x3200xf32, #tpu.memory_space<hbm>>
        %dma_wait3A_152 = tpu.memref_squeeze %dma_wait3A_151 : memref<1x3200xf32, #tpu.memory_space<hbm>> -> memref<3200xf32, #tpu.memory_space<hbm>>
        %dma_wait3A_153 = arith.constant 0 : i32
        %dma_wait3A_154 = tpu.memref_slice %arg6[%add3A, %dma_wait3A_153] : memref<32x320000xf32, #tpu.memory_space<hbm>> -> memref<1x3200xf32, #tpu.memory_space<hbm>>
        %dma_wait3A_155 = tpu.memref_squeeze %dma_wait3A_154 : memref<1x3200xf32, #tpu.memory_space<hbm>> -> memref<3200xf32, #tpu.memory_space<hbm>>
        tpu.wait_dma2 semaphore(%arg21 : memref<!tpu.dma_semaphore, #tpu.memory_space<semaphore_mem>>) src(%arg17 : memref<3200xf32, #tpu.memory_space<vmem>>) dst(%dma_wait3A_155 : memref<3200xf32, #tpu.memory_space<hbm>>)
      } else {
      }
      %add3A_128 = arith.constant 1 : i32
      %add3A_129 = arith.addi %mul3A_52, %add3A_128 : i32
      %parallel_loop3A_130 = arith.constant 0 : i32
      %parallel_loop3A_131 = arith.constant 200 : i32
      %parallel_loop3A_132 = arith.constant 1 : i32
      scf.for %parallel_loop3A_144 = %parallel_loop3A_130 to %parallel_loop3A_131 step %parallel_loop3A_132  : i32 {
        %parallel_loop3A_145 = arith.constant 16 : i32
        %parallel_loop3A_146 = arith.muli %parallel_loop3A_144, %parallel_loop3A_145 : i32
        %parallel_loop3A_147 = arith.index_cast %parallel_loop3A_146 : i32 to index
        %parallel_loop3A_148 = tpu.vector_load %arg9[%parallel_loop3A_147] {strides = array<i32>} : memref<3200xi32, #tpu.memory_space<vmem>>, vector<16xi32>,
        %parallel_loop3A_149 = arith.constant 16 : i32
        %parallel_loop3A_150 = arith.muli %parallel_loop3A_144, %parallel_loop3A_149 : i32
        %parallel_loop3A_151 = arith.index_cast %parallel_loop3A_150 : i32 to index
        %parallel_loop3A_152 = tpu.vector_load %arg11[%parallel_loop3A_151] {strides = array<i32>} : memref<3200xi32, #tpu.memory_space<vmem>>, vector<16xi32>,
        %parallel_loop3A_153 = arith.constant 16 : i32
        %parallel_loop3A_154 = arith.muli %parallel_loop3A_144, %parallel_loop3A_153 : i32
        %parallel_loop3A_155 = arith.index_cast %parallel_loop3A_154 : i32 to index
        %parallel_loop3A_156 = tpu.vector_load %arg13[%parallel_loop3A_155] {strides = array<i32>} : memref<3200xi32, #tpu.memory_space<vmem>>, vector<16xi32>,
        %parallel_loop3A_157 = arith.constant 0.000000e+00 : f32
        %parallel_loop3A_158 = vector.broadcast %parallel_loop3A_157 : f32 to vector<16xf32>
        %parallel_loop3A_159 = arith.constant 0.000000e+00 : f32
        %parallel_loop3A_160 = vector.broadcast %parallel_loop3A_159 : f32 to vector<16xf32>
        %parallel_loop3A_161 = arith.constant 0 : i32
        %parallel_loop3A_162 = vector.broadcast %parallel_loop3A_161 : i32 to vector<16xi32>
        %parallel_loop3A_163 = tpu.vector_load_idx %arg7[%parallel_loop3A_162, %parallel_loop3A_148] : memref<2x10000xi32, #tpu.memory_space<vmem>>[vector<16xi32>, vector<16xi32>], vector<16xi32>,
        %parallel_loop3A_164 = vector.bitcast %parallel_loop3A_163 : vector<16xi32> to vector<32xbf16>
        %parallel_loop3A_165 = tpu.unpack_subelements %parallel_loop3A_164, 0 {pack_format = #tpu.pack_format<interleaved>} : vector<32xbf16> -> vector<16xf32>
        %parallel_loop3A_166 = tpu.unpack_subelements %parallel_loop3A_164, 1 {pack_format = #tpu.pack_format<interleaved>} : vector<32xbf16> -> vector<16xf32>
        %parallel_loop3A_167 = tpu.vector_load_idx %arg7[%parallel_loop3A_162, %parallel_loop3A_152] : memref<2x10000xi32, #tpu.memory_space<vmem>>[vector<16xi32>, vector<16xi32>], vector<16xi32>,
        %parallel_loop3A_168 = vector.bitcast %parallel_loop3A_167 : vector<16xi32> to vector<32xbf16>
        %parallel_loop3A_169 = tpu.unpack_subelements %parallel_loop3A_168, 0 {pack_format = #tpu.pack_format<interleaved>} : vector<32xbf16> -> vector<16xf32>
        %parallel_loop3A_170 = tpu.unpack_subelements %parallel_loop3A_168, 1 {pack_format = #tpu.pack_format<interleaved>} : vector<32xbf16> -> vector<16xf32>
        %parallel_loop3A_171 = tpu.vector_load_idx %arg7[%parallel_loop3A_162, %parallel_loop3A_156] : memref<2x10000xi32, #tpu.memory_space<vmem>>[vector<16xi32>, vector<16xi32>], vector<16xi32>,
        %parallel_loop3A_172 = vector.bitcast %parallel_loop3A_171 : vector<16xi32> to vector<32xbf16>
        %parallel_loop3A_173 = tpu.unpack_subelements %parallel_loop3A_172, 0 {pack_format = #tpu.pack_format<interleaved>} : vector<32xbf16> -> vector<16xf32>
        %parallel_loop3A_174 = tpu.unpack_subelements %parallel_loop3A_172, 1 {pack_format = #tpu.pack_format<interleaved>} : vector<32xbf16> -> vector<16xf32>
        %parallel_loop3A_175 = arith.mulf %parallel_loop3A_165, %parallel_loop3A_169 : vector<16xf32>
        %parallel_loop3A_176 = arith.addf %parallel_loop3A_158, %parallel_loop3A_175 : vector<16xf32>
        %parallel_loop3A_177 = arith.mulf %parallel_loop3A_166, %parallel_loop3A_170 : vector<16xf32>
        %parallel_loop3A_178 = arith.addf %parallel_loop3A_176, %parallel_loop3A_177 : vector<16xf32>
        %parallel_loop3A_179 = arith.mulf %parallel_loop3A_165, %parallel_loop3A_173 : vector<16xf32>
        %parallel_loop3A_180 = arith.addf %parallel_loop3A_160, %parallel_loop3A_179 : vector<16xf32>
        %parallel_loop3A_181 = arith.mulf %parallel_loop3A_166, %parallel_loop3A_174 : vector<16xf32>
        %parallel_loop3A_182 = arith.addf %parallel_loop3A_180, %parallel_loop3A_181 : vector<16xf32>
        %parallel_loop3A_183 = arith.constant 1 : i32
        %parallel_loop3A_184 = vector.broadcast %parallel_loop3A_183 : i32 to vector<16xi32>
        %parallel_loop3A_185 = tpu.vector_load_idx %arg7[%parallel_loop3A_184, %parallel_loop3A_148] : memref<2x10000xi32, #tpu.memory_space<vmem>>[vector<16xi32>, vector<16xi32>], vector<16xi32>,
        %parallel_loop3A_186 = vector.bitcast %parallel_loop3A_185 : vector<16xi32> to vector<32xbf16>
        %parallel_loop3A_187 = tpu.unpack_subelements %parallel_loop3A_186, 0 {pack_format = #tpu.pack_format<interleaved>} : vector<32xbf16> -> vector<16xf32>
        %parallel_loop3A_188 = tpu.unpack_subelements %parallel_loop3A_186, 1 {pack_format = #tpu.pack_format<interleaved>} : vector<32xbf16> -> vector<16xf32>
        %parallel_loop3A_189 = tpu.vector_load_idx %arg7[%parallel_loop3A_184, %parallel_loop3A_152] : memref<2x10000xi32, #tpu.memory_space<vmem>>[vector<16xi32>, vector<16xi32>], vector<16xi32>,
        %parallel_loop3A_190 = vector.bitcast %parallel_loop3A_189 : vector<16xi32> to vector<32xbf16>
        %parallel_loop3A_191 = tpu.unpack_subelements %parallel_loop3A_190, 0 {pack_format = #tpu.pack_format<interleaved>} : vector<32xbf16> -> vector<16xf32>
        %parallel_loop3A_192 = tpu.unpack_subelements %parallel_loop3A_190, 1 {pack_format = #tpu.pack_format<interleaved>} : vector<32xbf16> -> vector<16xf32>
        %parallel_loop3A_193 = tpu.vector_load_idx %arg7[%parallel_loop3A_184, %parallel_loop3A_156] : memref<2x10000xi32, #tpu.memory_space<vmem>>[vector<16xi32>, vector<16xi32>], vector<16xi32>,
        %parallel_loop3A_194 = vector.bitcast %parallel_loop3A_193 : vector<16xi32> to vector<32xbf16>
        %parallel_loop3A_195 = tpu.unpack_subelements %parallel_loop3A_194, 0 {pack_format = #tpu.pack_format<interleaved>} : vector<32xbf16> -> vector<16xf32>
        %parallel_loop3A_196 = tpu.unpack_subelements %parallel_loop3A_194, 1 {pack_format = #tpu.pack_format<interleaved>} : vector<32xbf16> -> vector<16xf32>
        %parallel_loop3A_197 = arith.mulf %parallel_loop3A_187, %parallel_loop3A_191 : vector<16xf32>
        %parallel_loop3A_198 = arith.addf %parallel_loop3A_178, %parallel_loop3A_197 : vector<16xf32>
        %parallel_loop3A_199 = arith.mulf %parallel_loop3A_188, %parallel_loop3A_192 : vector<16xf32>
        %parallel_loop3A_200 = arith.addf %parallel_loop3A_198, %parallel_loop3A_199 : vector<16xf32>
        %parallel_loop3A_201 = arith.mulf %parallel_loop3A_187, %parallel_loop3A_195 : vector<16xf32>
        %parallel_loop3A_202 = arith.addf %parallel_loop3A_182, %parallel_loop3A_201 : vector<16xf32>
        %parallel_loop3A_203 = arith.mulf %parallel_loop3A_188, %parallel_loop3A_196 : vector<16xf32>
        %parallel_loop3A_204 = arith.addf %parallel_loop3A_202, %parallel_loop3A_203 : vector<16xf32>
        %parallel_loop3A_205 = arith.constant 16 : i32
        %parallel_loop3A_206 = arith.muli %parallel_loop3A_144, %parallel_loop3A_205 : i32
        %parallel_loop3A_207 = arith.index_cast %parallel_loop3A_206 : i32 to index
        %parallel_loop3A_208 = tpu.vector_load %arg15[%parallel_loop3A_207] {strides = array<i32>} : memref<3200xf32, #tpu.memory_space<vmem>>, vector<16xf32>,
        tpu.vector_store %arg15[%parallel_loop3A_207], %parallel_loop3A_200 {strides = array<i32>} : memref<3200xf32, #tpu.memory_space<vmem>>, vector<16xf32>,
        %parallel_loop3A_209 = arith.constant 16 : i32
        %parallel_loop3A_210 = arith.muli %parallel_loop3A_144, %parallel_loop3A_209 : i32
        %parallel_loop3A_211 = arith.index_cast %parallel_loop3A_210 : i32 to index
        %parallel_loop3A_212 = tpu.vector_load %arg17[%parallel_loop3A_211] {strides = array<i32>} : memref<3200xf32, #tpu.memory_space<vmem>>, vector<16xf32>,
        tpu.vector_store %arg17[%parallel_loop3A_211], %parallel_loop3A_204 {strides = array<i32>} : memref<3200xf32, #tpu.memory_space<vmem>>, vector<16xf32>,
      } {sc.loop_unroll_factor = 8 : i64, sc.parallel_access}
      %mul3A_133 = arith.constant 3200 : i32
      %mul3A_134 = arith.muli %add3A_129, %mul3A_133 : i32
      %dma_start3A_135 = tpu.memref_slice %arg5[%add3A, %mul3A_134] : memref<32x320000xf32, #tpu.memory_space<hbm>> -> memref<1x3200xf32, #tpu.memory_space<hbm>>
      %dma_start3A_136 = tpu.memref_squeeze %dma_start3A_135 : memref<1x3200xf32, #tpu.memory_space<hbm>> -> memref<3200xf32, #tpu.memory_space<hbm>>
      %dma_start3A_137 = tpu.memref_slice %arg5[%add3A, %mul3A_134] : memref<32x320000xf32, #tpu.memory_space<hbm>> -> memref<1x3200xf32, #tpu.memory_space<hbm>>
      %dma_start3A_138 = tpu.memref_squeeze %dma_start3A_137 : memref<1x3200xf32, #tpu.memory_space<hbm>> -> memref<3200xf32, #tpu.memory_space<hbm>>
      tpu.enqueue_dma source(%arg15 : memref<3200xf32, #tpu.memory_space<vmem>>) target(%dma_start3A_138 : memref<3200xf32, #tpu.memory_space<hbm>>) target_semaphore(%arg21 : memref<!tpu.dma_semaphore, #tpu.memory_space<semaphore_mem>>)
      %dma_start3A_139 = tpu.memref_slice %arg6[%add3A, %mul3A_134] : memref<32x320000xf32, #tpu.memory_space<hbm>> -> memref<1x3200xf32, #tpu.memory_space<hbm>>
      %dma_start3A_140 = tpu.memref_squeeze %dma_start3A_139 : memref<1x3200xf32, #tpu.memory_space<hbm>> -> memref<3200xf32, #tpu.memory_space<hbm>>
      %dma_start3A_141 = tpu.memref_slice %arg6[%add3A, %mul3A_134] : memref<32x320000xf32, #tpu.memory_space<hbm>> -> memref<1x3200xf32, #tpu.memory_space<hbm>>
      %dma_start3A_142 = tpu.memref_squeeze %dma_start3A_141 : memref<1x3200xf32, #tpu.memory_space<hbm>> -> memref<3200xf32, #tpu.memory_space<hbm>>
      tpu.enqueue_dma source(%arg17 : memref<3200xf32, #tpu.memory_space<vmem>>) target(%dma_start3A_142 : memref<3200xf32, #tpu.memory_space<hbm>>) target_semaphore(%arg21 : memref<!tpu.dma_semaphore, #tpu.memory_space<semaphore_mem>>)
      %scan3A_143 = arith.constant 0 : i32
      scf.yield %scan3A_143 : i32
    }
    %scan3A_25 = arith.constant 50 : i32
    %dma_wait3A = arith.constant 0 : i32
    %dma_wait3A_26 = tpu.memref_slice %arg5[%add3A, %dma_wait3A] : memref<32x320000xf32, #tpu.memory_space<hbm>> -> memref<1x3200xf32, #tpu.memory_space<hbm>>
    %dma_wait3A_27 = tpu.memref_squeeze %dma_wait3A_26 : memref<1x3200xf32, #tpu.memory_space<hbm>> -> memref<3200xf32, #tpu.memory_space<hbm>>
    %dma_wait3A_28 = arith.constant 0 : i32
    %dma_wait3A_29 = tpu.memref_slice %arg5[%add3A, %dma_wait3A_28] : memref<32x320000xf32, #tpu.memory_space<hbm>> -> memref<1x3200xf32, #tpu.memory_space<hbm>>
    %dma_wait3A_30 = tpu.memref_squeeze %dma_wait3A_29 : memref<1x3200xf32, #tpu.memory_space<hbm>> -> memref<3200xf32, #tpu.memory_space<hbm>>
    tpu.wait_dma2 semaphore(%arg20 : memref<!tpu.dma_semaphore, #tpu.memory_space<semaphore_mem>>) src(%arg14 : memref<3200xf32, #tpu.memory_space<vmem>>) dst(%dma_wait3A_30 : memref<3200xf32, #tpu.memory_space<hbm>>)
    %dma_wait3A_31 = arith.constant 0 : i32
    %dma_wait3A_32 = tpu.memref_slice %arg6[%add3A, %dma_wait3A_31] : memref<32x320000xf32, #tpu.memory_space<hbm>> -> memref<1x3200xf32, #tpu.memory_space<hbm>>
    %dma_wait3A_33 = tpu.memref_squeeze %dma_wait3A_32 : memref<1x3200xf32, #tpu.memory_space<hbm>> -> memref<3200xf32, #tpu.memory_space<hbm>>
    %dma_wait3A_34 = arith.constant 0 : i32
    %dma_wait3A_35 = tpu.memref_slice %arg6[%add3A, %dma_wait3A_34] : memref<32x320000xf32, #tpu.memory_space<hbm>> -> memref<1x3200xf32, #tpu.memory_space<hbm>>
    %dma_wait3A_36 = tpu.memref_squeeze %dma_wait3A_35 : memref<1x3200xf32, #tpu.memory_space<hbm>> -> memref<3200xf32, #tpu.memory_space<hbm>>
    tpu.wait_dma2 semaphore(%arg20 : memref<!tpu.dma_semaphore, #tpu.memory_space<semaphore_mem>>) src(%arg16 : memref<3200xf32, #tpu.memory_space<vmem>>) dst(%dma_wait3A_36 : memref<3200xf32, #tpu.memory_space<hbm>>)
    %dma_wait3A_37 = arith.constant 0 : i32
    %dma_wait3A_38 = tpu.memref_slice %arg5[%add3A, %dma_wait3A_37] : memref<32x320000xf32, #tpu.memory_space<hbm>> -> memref<1x3200xf32, #tpu.memory_space<hbm>>
    %dma_wait3A_39 = tpu.memref_squeeze %dma_wait3A_38 : memref<1x3200xf32, #tpu.memory_space<hbm>> -> memref<3200xf32, #tpu.memory_space<hbm>>
    %dma_wait3A_40 = arith.constant 0 : i32
    %dma_wait3A_41 = tpu.memref_slice %arg5[%add3A, %dma_wait3A_40] : memref<32x320000xf32, #tpu.memory_space<hbm>> -> memref<1x3200xf32, #tpu.memory_space<hbm>>
    %dma_wait3A_42 = tpu.memref_squeeze %dma_wait3A_41 : memref<1x3200xf32, #tpu.memory_space<hbm>> -> memref<3200xf32, #tpu.memory_space<hbm>>
    tpu.wait_dma2 semaphore(%arg21 : memref<!tpu.dma_semaphore, #tpu.memory_space<semaphore_mem>>) src(%arg15 : memref<3200xf32, #tpu.memory_space<vmem>>) dst(%dma_wait3A_42 : memref<3200xf32, #tpu.memory_space<hbm>>)
    %dma_wait3A_43 = arith.constant 0 : i32
    %dma_wait3A_44 = tpu.memref_slice %arg6[%add3A, %dma_wait3A_43] : memref<32x320000xf32, #tpu.memory_space<hbm>> -> memref<1x3200xf32, #tpu.memory_space<hbm>>
    %dma_wait3A_45 = tpu.memref_squeeze %dma_wait3A_44 : memref<1x3200xf32, #tpu.memory_space<hbm>> -> memref<3200xf32, #tpu.memory_space<hbm>>
    %dma_wait3A_46 = arith.constant 0 : i32
    %dma_wait3A_47 = tpu.memref_slice %arg6[%add3A, %dma_wait3A_46] : memref<32x320000xf32, #tpu.memory_space<hbm>> -> memref<1x3200xf32, #tpu.memory_space<hbm>>
    %dma_wait3A_48 = tpu.memref_squeeze %dma_wait3A_47 : memref<1x3200xf32, #tpu.memory_space<hbm>> -> memref<3200xf32, #tpu.memory_space<hbm>>
    tpu.wait_dma2 semaphore(%arg21 : memref<!tpu.dma_semaphore, #tpu.memory_space<semaphore_mem>>) src(%arg17 : memref<3200xf32, #tpu.memory_space<vmem>>) dst(%dma_wait3A_48 : memref<3200xf32, #tpu.memory_space<hbm>>)
    return
  }
}

#map = affine_map<(d0, d1) -> (0, 0)>
#map1 = affine_map<(d0, d1) -> (0)>
module attributes {stable_mosaic.version = 14 : i64} {
  func.func @_main_body(%arg0: i32, %arg1: i32, %arg2: memref<64x10000xi32, #tpu.memory_space<hbm>>, %arg3: memref<1x10000xf32, #tpu.memory_space<hbm>>, %arg4: memref<2x320000xi32, #tpu.memory_space<hbm>>, %arg5: memref<320000xf32, #tpu.memory_space<hbm>>, %arg6: memref<128x10000xf32, #tpu.memory_space<hbm>>, %arg7: memref<10000xf32, #tpu.memory_space<vmem>>, %arg8: memref<2x10000xi32, #tpu.memory_space<vmem>>, %arg9: memref<4x10000xf32, #tpu.memory_space<vmem>>, %arg10: memref<3200xi32, #tpu.memory_space<vmem>>, %arg11: memref<3200xi32, #tpu.memory_space<vmem>>, %arg12: memref<3200xi32, #tpu.memory_space<vmem>>, %arg13: memref<3200xi32, #tpu.memory_space<vmem>>, %arg14: memref<3200xf32, #tpu.memory_space<vmem>>, %arg15: memref<3200xf32, #tpu.memory_space<vmem>>, %arg16: memref<!tpu.dma_semaphore, #tpu.memory_space<semaphore_mem>>, %arg17: memref<!tpu.dma_semaphore, #tpu.memory_space<semaphore_mem>>) attributes {dimension_semantics = [#tpu.dimension_semantics<core_parallel>, #tpu.dimension_semantics<subcore_parallel>], iteration_bounds = array<i64: 2, 16>, scalar_prefetch = 0 : i64, scratch_operands = 11 : i64, tpu.core_type = #tpu.core_type<sc_vector_subcore>, window_params = [{transform_indices = #map}, {transform_indices = #map}, {transform_indices = #map}, {transform_indices = #map1}, {transform_indices = #map}]} {
    %mul3A = arith.constant 2 : i32
    %mul3A_0 = arith.muli %arg1, %mul3A : i32
    %add3A = arith.addi %mul3A_0, %arg0 : i32
    %run_scoped3A = arith.constant 0 : i32
    "tpu.region"() ({
      %run_scoped3A_56 = tpu.sem_alloc : memref<!tpu.dma_semaphore, #tpu.memory_space<semaphore_mem>>
      %dma_start3A_57 = arith.constant 0 : i32
      %dma_start3A_58 = tpu.memref_slice %arg3[%run_scoped3A, %dma_start3A_57] : memref<1x10000xf32, #tpu.memory_space<hbm>> -> memref<1x10000xf32, #tpu.memory_space<hbm>>
      %dma_start3A_59 = tpu.memref_squeeze %dma_start3A_58 : memref<1x10000xf32, #tpu.memory_space<hbm>> -> memref<10000xf32, #tpu.memory_space<hbm>>
      %dma_start3A_60 = arith.constant 0 : i32
      %dma_start3A_61 = tpu.memref_slice %arg3[%run_scoped3A, %dma_start3A_60] : memref<1x10000xf32, #tpu.memory_space<hbm>> -> memref<1x10000xf32, #tpu.memory_space<hbm>>
      %dma_start3A_62 = tpu.memref_squeeze %dma_start3A_61 : memref<1x10000xf32, #tpu.memory_space<hbm>> -> memref<10000xf32, #tpu.memory_space<hbm>>
      tpu.enqueue_dma source(%dma_start3A_62 : memref<10000xf32, #tpu.memory_space<hbm>>) target(%arg7 : memref<10000xf32, #tpu.memory_space<vmem>>) target_semaphore(%run_scoped3A_56 : memref<!tpu.dma_semaphore, #tpu.memory_space<semaphore_mem>>)
      %dma_wait3A = arith.constant 0 : i32
      %dma_wait3A_63 = tpu.memref_slice %arg3[%run_scoped3A, %dma_wait3A] : memref<1x10000xf32, #tpu.memory_space<hbm>> -> memref<1x10000xf32, #tpu.memory_space<hbm>>
      %dma_wait3A_64 = tpu.memref_squeeze %dma_wait3A_63 : memref<1x10000xf32, #tpu.memory_space<hbm>> -> memref<10000xf32, #tpu.memory_space<hbm>>
      %dma_wait3A_65 = arith.constant 0 : i32
      %dma_wait3A_66 = tpu.memref_slice %arg3[%run_scoped3A, %dma_wait3A_65] : memref<1x10000xf32, #tpu.memory_space<hbm>> -> memref<1x10000xf32, #tpu.memory_space<hbm>>
      %dma_wait3A_67 = tpu.memref_squeeze %dma_wait3A_66 : memref<1x10000xf32, #tpu.memory_space<hbm>> -> memref<10000xf32, #tpu.memory_space<hbm>>
      tpu.wait_dma2 semaphore(%run_scoped3A_56 : memref<!tpu.dma_semaphore, #tpu.memory_space<semaphore_mem>>) src(%dma_wait3A_67 : memref<10000xf32, #tpu.memory_space<hbm>>) dst(%arg7 : memref<10000xf32, #tpu.memory_space<vmem>>)
      tpu.yield
    }) : () -> ()
    %mul3A_1 = arith.constant 2 : i32
    %mul3A_2 = arith.muli %mul3A_1, %add3A : i32
    "tpu.region"() ({
      %run_scoped3A_56 = tpu.sem_alloc : memref<!tpu.dma_semaphore, #tpu.memory_space<semaphore_mem>>
      %dma_start3A_57 = arith.constant 0 : i32
      %dma_start3A_58 = tpu.memref_slice %arg2[%mul3A_2, %dma_start3A_57] : memref<64x10000xi32, #tpu.memory_space<hbm>> -> memref<2x10000xi32, #tpu.memory_space<hbm>>
      %dma_start3A_59 = arith.constant 0 : i32
      %dma_start3A_60 = tpu.memref_slice %arg2[%mul3A_2, %dma_start3A_59] : memref<64x10000xi32, #tpu.memory_space<hbm>> -> memref<2x10000xi32, #tpu.memory_space<hbm>>
      tpu.enqueue_dma source(%dma_start3A_60 : memref<2x10000xi32, #tpu.memory_space<hbm>>) target(%arg8 : memref<2x10000xi32, #tpu.memory_space<vmem>>) target_semaphore(%run_scoped3A_56 : memref<!tpu.dma_semaphore, #tpu.memory_space<semaphore_mem>>)
      %dma_wait3A = arith.constant 0 : i32
      %dma_wait3A_61 = tpu.memref_slice %arg2[%mul3A_2, %dma_wait3A] : memref<64x10000xi32, #tpu.memory_space<hbm>> -> memref<2x10000xi32, #tpu.memory_space<hbm>>
      %dma_wait3A_62 = arith.constant 0 : i32
      %dma_wait3A_63 = tpu.memref_slice %arg2[%mul3A_2, %dma_wait3A_62] : memref<64x10000xi32, #tpu.memory_space<hbm>> -> memref<2x10000xi32, #tpu.memory_space<hbm>>
      tpu.wait_dma2 semaphore(%run_scoped3A_56 : memref<!tpu.dma_semaphore, #tpu.memory_space<semaphore_mem>>) src(%dma_wait3A_63 : memref<2x10000xi32, #tpu.memory_space<hbm>>) dst(%arg8 : memref<2x10000xi32, #tpu.memory_space<vmem>>)
      tpu.yield
    }) : () -> ()
    %broadcast_in_dim3A = arith.constant 0.000000e+00 : f32
    %broadcast_in_dim3A_3 = vector.broadcast %broadcast_in_dim3A : f32 to vector<16xf32>
    %parallel_loop3A = arith.constant 0 : i32
    %parallel_loop3A_4 = arith.constant 625 : i32
    %parallel_loop3A_5 = arith.constant 1 : i32
    scf.for %parallel_loop3A_56 = %parallel_loop3A to %parallel_loop3A_4 step %parallel_loop3A_5  : i32 {
      %parallel_loop3A_57 = arith.constant 16 : i32
      %parallel_loop3A_58 = arith.muli %parallel_loop3A_56, %parallel_loop3A_57 : i32
      %parallel_loop3A_59 = arith.constant 0 : i32
      %parallel_loop3A_60 = arith.index_cast %parallel_loop3A_59 : i32 to index
      %parallel_loop3A_61 = arith.index_cast %parallel_loop3A_58 : i32 to index
      %parallel_loop3A_62 = tpu.vector_load %arg9[%parallel_loop3A_60, %parallel_loop3A_61] {strides = array<i32>} : memref<4x10000xf32, #tpu.memory_space<vmem>>, vector<16xf32>,
      tpu.vector_store %arg9[%parallel_loop3A_60, %parallel_loop3A_61], %broadcast_in_dim3A_3 {strides = array<i32>} : memref<4x10000xf32, #tpu.memory_space<vmem>>, vector<16xf32>,
    } {sc.loop_unroll_factor = 8 : i64, sc.parallel_access}
    %parallel_loop3A_6 = arith.constant 0 : i32
    %parallel_loop3A_7 = arith.constant 625 : i32
    %parallel_loop3A_8 = arith.constant 1 : i32
    scf.for %parallel_loop3A_56 = %parallel_loop3A_6 to %parallel_loop3A_7 step %parallel_loop3A_8  : i32 {
      %parallel_loop3A_57 = arith.constant 16 : i32
      %parallel_loop3A_58 = arith.muli %parallel_loop3A_56, %parallel_loop3A_57 : i32
      %parallel_loop3A_59 = arith.constant 1 : i32
      %parallel_loop3A_60 = arith.index_cast %parallel_loop3A_59 : i32 to index
      %parallel_loop3A_61 = arith.index_cast %parallel_loop3A_58 : i32 to index
      %parallel_loop3A_62 = tpu.vector_load %arg9[%parallel_loop3A_60, %parallel_loop3A_61] {strides = array<i32>} : memref<4x10000xf32, #tpu.memory_space<vmem>>, vector<16xf32>,
      tpu.vector_store %arg9[%parallel_loop3A_60, %parallel_loop3A_61], %broadcast_in_dim3A_3 {strides = array<i32>} : memref<4x10000xf32, #tpu.memory_space<vmem>>, vector<16xf32>,
    } {sc.loop_unroll_factor = 8 : i64, sc.parallel_access}
    %parallel_loop3A_9 = arith.constant 0 : i32
    %parallel_loop3A_10 = arith.constant 625 : i32
    %parallel_loop3A_11 = arith.constant 1 : i32
    scf.for %parallel_loop3A_56 = %parallel_loop3A_9 to %parallel_loop3A_10 step %parallel_loop3A_11  : i32 {
      %parallel_loop3A_57 = arith.constant 16 : i32
      %parallel_loop3A_58 = arith.muli %parallel_loop3A_56, %parallel_loop3A_57 : i32
      %parallel_loop3A_59 = arith.constant 2 : i32
      %parallel_loop3A_60 = arith.index_cast %parallel_loop3A_59 : i32 to index
      %parallel_loop3A_61 = arith.index_cast %parallel_loop3A_58 : i32 to index
      %parallel_loop3A_62 = tpu.vector_load %arg9[%parallel_loop3A_60, %parallel_loop3A_61] {strides = array<i32>} : memref<4x10000xf32, #tpu.memory_space<vmem>>, vector<16xf32>,
      tpu.vector_store %arg9[%parallel_loop3A_60, %parallel_loop3A_61], %broadcast_in_dim3A_3 {strides = array<i32>} : memref<4x10000xf32, #tpu.memory_space<vmem>>, vector<16xf32>,
    } {sc.loop_unroll_factor = 8 : i64, sc.parallel_access}
    %parallel_loop3A_12 = arith.constant 0 : i32
    %parallel_loop3A_13 = arith.constant 625 : i32
    %parallel_loop3A_14 = arith.constant 1 : i32
    scf.for %parallel_loop3A_56 = %parallel_loop3A_12 to %parallel_loop3A_13 step %parallel_loop3A_14  : i32 {
      %parallel_loop3A_57 = arith.constant 16 : i32
      %parallel_loop3A_58 = arith.muli %parallel_loop3A_56, %parallel_loop3A_57 : i32
      %parallel_loop3A_59 = arith.constant 3 : i32
      %parallel_loop3A_60 = arith.index_cast %parallel_loop3A_59 : i32 to index
      %parallel_loop3A_61 = arith.index_cast %parallel_loop3A_58 : i32 to index
      %parallel_loop3A_62 = tpu.vector_load %arg9[%parallel_loop3A_60, %parallel_loop3A_61] {strides = array<i32>} : memref<4x10000xf32, #tpu.memory_space<vmem>>, vector<16xf32>,
      tpu.vector_store %arg9[%parallel_loop3A_60, %parallel_loop3A_61], %broadcast_in_dim3A_3 {strides = array<i32>} : memref<4x10000xf32, #tpu.memory_space<vmem>>, vector<16xf32>,
    } {sc.loop_unroll_factor = 8 : i64, sc.parallel_access}
    %dma_start3A = arith.constant 0 : i32
    %dma_start3A_15 = arith.constant 0 : i32
    %dma_start3A_16 = tpu.memref_slice %arg4[%dma_start3A, %dma_start3A_15] : memref<2x320000xi32, #tpu.memory_space<hbm>> -> memref<1x3200xi32, #tpu.memory_space<hbm>>
    %dma_start3A_17 = tpu.memref_squeeze %dma_start3A_16 : memref<1x3200xi32, #tpu.memory_space<hbm>> -> memref<3200xi32, #tpu.memory_space<hbm>>
    %dma_start3A_18 = arith.constant 0 : i32
    %dma_start3A_19 = tpu.memref_slice %arg4[%dma_start3A, %dma_start3A_18] : memref<2x320000xi32, #tpu.memory_space<hbm>> -> memref<1x3200xi32, #tpu.memory_space<hbm>>
    %dma_start3A_20 = tpu.memref_squeeze %dma_start3A_19 : memref<1x3200xi32, #tpu.memory_space<hbm>> -> memref<3200xi32, #tpu.memory_space<hbm>>
    tpu.enqueue_dma source(%dma_start3A_20 : memref<3200xi32, #tpu.memory_space<hbm>>) target(%arg10 : memref<3200xi32, #tpu.memory_space<vmem>>) target_semaphore(%arg16 : memref<!tpu.dma_semaphore, #tpu.memory_space<semaphore_mem>>)
    %dma_start3A_21 = arith.constant 1 : i32
    %dma_start3A_22 = arith.constant 0 : i32
    %dma_start3A_23 = tpu.memref_slice %arg4[%dma_start3A_21, %dma_start3A_22] : memref<2x320000xi32, #tpu.memory_space<hbm>> -> memref<1x3200xi32, #tpu.memory_space<hbm>>
    %dma_start3A_24 = tpu.memref_squeeze %dma_start3A_23 : memref<1x3200xi32, #tpu.memory_space<hbm>> -> memref<3200xi32, #tpu.memory_space<hbm>>
    %dma_start3A_25 = arith.constant 0 : i32
    %dma_start3A_26 = tpu.memref_slice %arg4[%dma_start3A_21, %dma_start3A_25] : memref<2x320000xi32, #tpu.memory_space<hbm>> -> memref<1x3200xi32, #tpu.memory_space<hbm>>
    %dma_start3A_27 = tpu.memref_squeeze %dma_start3A_26 : memref<1x3200xi32, #tpu.memory_space<hbm>> -> memref<3200xi32, #tpu.memory_space<hbm>>
    tpu.enqueue_dma source(%dma_start3A_27 : memref<3200xi32, #tpu.memory_space<hbm>>) target(%arg12 : memref<3200xi32, #tpu.memory_space<vmem>>) target_semaphore(%arg16 : memref<!tpu.dma_semaphore, #tpu.memory_space<semaphore_mem>>)
    %dma_start3A_28 = arith.constant 0 : i32
    %dma_start3A_29 = tpu.memref_slice %arg5[%dma_start3A_28] : memref<320000xf32, #tpu.memory_space<hbm>> -> memref<3200xf32, #tpu.memory_space<hbm>>
    %dma_start3A_30 = arith.constant 0 : i32
    %dma_start3A_31 = tpu.memref_slice %arg5[%dma_start3A_30] : memref<320000xf32, #tpu.memory_space<hbm>> -> memref<3200xf32, #tpu.memory_space<hbm>>
    tpu.enqueue_dma source(%dma_start3A_31 : memref<3200xf32, #tpu.memory_space<hbm>>) target(%arg14 : memref<3200xf32, #tpu.memory_space<vmem>>) target_semaphore(%arg16 : memref<!tpu.dma_semaphore, #tpu.memory_space<semaphore_mem>>)
    %scan3A = arith.constant 0 : i32
    %scan3A_32 = arith.constant 0 : i32
    %scan3A_33 = arith.constant 50 : i32
    %scan3A_34 = arith.addi %scan3A_32, %scan3A_33 : i32
    %scan3A_35 = arith.constant 1 : i32
    %scan3A_36 = scf.for %scan3A_56 = %scan3A_32 to %scan3A_34 step %scan3A_35 iter_args(%scan3A_57 = %scan3A) -> (i32)  : i32 {
      %mul3A_58 = arith.constant 2 : i32
      %mul3A_59 = arith.muli %mul3A_58, %scan3A_56 : i32
      %dma_wait3A = arith.constant 0 : i32
      %dma_wait3A_60 = arith.constant 0 : i32
      %dma_wait3A_61 = tpu.memref_slice %arg4[%dma_wait3A, %dma_wait3A_60] : memref<2x320000xi32, #tpu.memory_space<hbm>> -> memref<1x3200xi32, #tpu.memory_space<hbm>>
      %dma_wait3A_62 = tpu.memref_squeeze %dma_wait3A_61 : memref<1x3200xi32, #tpu.memory_space<hbm>> -> memref<3200xi32, #tpu.memory_space<hbm>>
      %dma_wait3A_63 = arith.constant 0 : i32
      %dma_wait3A_64 = tpu.memref_slice %arg4[%dma_wait3A, %dma_wait3A_63] : memref<2x320000xi32, #tpu.memory_space<hbm>> -> memref<1x3200xi32, #tpu.memory_space<hbm>>
      %dma_wait3A_65 = tpu.memref_squeeze %dma_wait3A_64 : memref<1x3200xi32, #tpu.memory_space<hbm>> -> memref<3200xi32, #tpu.memory_space<hbm>>
      tpu.wait_dma2 semaphore(%arg16 : memref<!tpu.dma_semaphore, #tpu.memory_space<semaphore_mem>>) src(%dma_wait3A_65 : memref<3200xi32, #tpu.memory_space<hbm>>) dst(%arg10 : memref<3200xi32, #tpu.memory_space<vmem>>)
      %dma_wait3A_66 = arith.constant 1 : i32
      %dma_wait3A_67 = arith.constant 0 : i32
      %dma_wait3A_68 = tpu.memref_slice %arg4[%dma_wait3A_66, %dma_wait3A_67] : memref<2x320000xi32, #tpu.memory_space<hbm>> -> memref<1x3200xi32, #tpu.memory_space<hbm>>
      %dma_wait3A_69 = tpu.memref_squeeze %dma_wait3A_68 : memref<1x3200xi32, #tpu.memory_space<hbm>> -> memref<3200xi32, #tpu.memory_space<hbm>>
      %dma_wait3A_70 = arith.constant 0 : i32
      %dma_wait3A_71 = tpu.memref_slice %arg4[%dma_wait3A_66, %dma_wait3A_70] : memref<2x320000xi32, #tpu.memory_space<hbm>> -> memref<1x3200xi32, #tpu.memory_space<hbm>>
      %dma_wait3A_72 = tpu.memref_squeeze %dma_wait3A_71 : memref<1x3200xi32, #tpu.memory_space<hbm>> -> memref<3200xi32, #tpu.memory_space<hbm>>
      tpu.wait_dma2 semaphore(%arg16 : memref<!tpu.dma_semaphore, #tpu.memory_space<semaphore_mem>>) src(%dma_wait3A_72 : memref<3200xi32, #tpu.memory_space<hbm>>) dst(%arg12 : memref<3200xi32, #tpu.memory_space<vmem>>)
      %dma_wait3A_73 = arith.constant 0 : i32
      %dma_wait3A_74 = tpu.memref_slice %arg5[%dma_wait3A_73] : memref<320000xf32, #tpu.memory_space<hbm>> -> memref<3200xf32, #tpu.memory_space<hbm>>
      %dma_wait3A_75 = arith.constant 0 : i32
      %dma_wait3A_76 = tpu.memref_slice %arg5[%dma_wait3A_75] : memref<320000xf32, #tpu.memory_space<hbm>> -> memref<3200xf32, #tpu.memory_space<hbm>>
      tpu.wait_dma2 semaphore(%arg16 : memref<!tpu.dma_semaphore, #tpu.memory_space<semaphore_mem>>) src(%dma_wait3A_76 : memref<3200xf32, #tpu.memory_space<hbm>>) dst(%arg14 : memref<3200xf32, #tpu.memory_space<vmem>>)
      %add3A_77 = arith.constant 1 : i32
      %add3A_78 = arith.addi %mul3A_59, %add3A_77 : i32
      %mul3A_79 = arith.constant 3200 : i32
      %mul3A_80 = arith.muli %add3A_78, %mul3A_79 : i32
      %dma_start3A_81 = arith.constant 0 : i32
      %dma_start3A_82 = tpu.memref_slice %arg4[%dma_start3A_81, %mul3A_80] : memref<2x320000xi32, #tpu.memory_space<hbm>> -> memref<1x3200xi32, #tpu.memory_space<hbm>>
      %dma_start3A_83 = tpu.memref_squeeze %dma_start3A_82 : memref<1x3200xi32, #tpu.memory_space<hbm>> -> memref<3200xi32, #tpu.memory_space<hbm>>
      %dma_start3A_84 = tpu.memref_slice %arg4[%dma_start3A_81, %mul3A_80] : memref<2x320000xi32, #tpu.memory_space<hbm>> -> memref<1x3200xi32, #tpu.memory_space<hbm>>
      %dma_start3A_85 = tpu.memref_squeeze %dma_start3A_84 : memref<1x3200xi32, #tpu.memory_space<hbm>> -> memref<3200xi32, #tpu.memory_space<hbm>>
      tpu.enqueue_dma source(%dma_start3A_85 : memref<3200xi32, #tpu.memory_space<hbm>>) target(%arg11 : memref<3200xi32, #tpu.memory_space<vmem>>) target_semaphore(%arg17 : memref<!tpu.dma_semaphore, #tpu.memory_space<semaphore_mem>>)
      %dma_start3A_86 = arith.constant 1 : i32
      %dma_start3A_87 = tpu.memref_slice %arg4[%dma_start3A_86, %mul3A_80] : memref<2x320000xi32, #tpu.memory_space<hbm>> -> memref<1x3200xi32, #tpu.memory_space<hbm>>
      %dma_start3A_88 = tpu.memref_squeeze %dma_start3A_87 : memref<1x3200xi32, #tpu.memory_space<hbm>> -> memref<3200xi32, #tpu.memory_space<hbm>>
      %dma_start3A_89 = tpu.memref_slice %arg4[%dma_start3A_86, %mul3A_80] : memref<2x320000xi32, #tpu.memory_space<hbm>> -> memref<1x3200xi32, #tpu.memory_space<hbm>>
      %dma_start3A_90 = tpu.memref_squeeze %dma_start3A_89 : memref<1x3200xi32, #tpu.memory_space<hbm>> -> memref<3200xi32, #tpu.memory_space<hbm>>
      tpu.enqueue_dma source(%dma_start3A_90 : memref<3200xi32, #tpu.memory_space<hbm>>) target(%arg13 : memref<3200xi32, #tpu.memory_space<vmem>>) target_semaphore(%arg17 : memref<!tpu.dma_semaphore, #tpu.memory_space<semaphore_mem>>)
      %dma_start3A_91 = tpu.memref_slice %arg5[%mul3A_80] : memref<320000xf32, #tpu.memory_space<hbm>> -> memref<3200xf32, #tpu.memory_space<hbm>>
      %dma_start3A_92 = tpu.memref_slice %arg5[%mul3A_80] : memref<320000xf32, #tpu.memory_space<hbm>> -> memref<3200xf32, #tpu.memory_space<hbm>>
      tpu.enqueue_dma source(%dma_start3A_92 : memref<3200xf32, #tpu.memory_space<hbm>>) target(%arg15 : memref<3200xf32, #tpu.memory_space<vmem>>) target_semaphore(%arg17 : memref<!tpu.dma_semaphore, #tpu.memory_space<semaphore_mem>>)
      %parallel_loop3A_93 = arith.constant 0 : i32
      %parallel_loop3A_94 = arith.constant 200 : i32
      %parallel_loop3A_95 = arith.constant 1 : i32
      scf.for %parallel_loop3A_120 = %parallel_loop3A_93 to %parallel_loop3A_94 step %parallel_loop3A_95  : i32 {
        %parallel_loop3A_121 = arith.constant 16 : i32
        %parallel_loop3A_122 = arith.muli %parallel_loop3A_120, %parallel_loop3A_121 : i32
        %parallel_loop3A_123 = arith.index_cast %parallel_loop3A_122 : i32 to index
        %parallel_loop3A_124 = tpu.vector_load %arg10[%parallel_loop3A_123] {strides = array<i32>} : memref<3200xi32, #tpu.memory_space<vmem>>, vector<16xi32>,
        %parallel_loop3A_125 = arith.constant 16 : i32
        %parallel_loop3A_126 = arith.muli %parallel_loop3A_120, %parallel_loop3A_125 : i32
        %parallel_loop3A_127 = arith.index_cast %parallel_loop3A_126 : i32 to index
        %parallel_loop3A_128 = tpu.vector_load %arg12[%parallel_loop3A_127] {strides = array<i32>} : memref<3200xi32, #tpu.memory_space<vmem>>, vector<16xi32>,
        %parallel_loop3A_129 = arith.constant 16 : i32
        %parallel_loop3A_130 = arith.muli %parallel_loop3A_120, %parallel_loop3A_129 : i32
        %parallel_loop3A_131 = arith.index_cast %parallel_loop3A_130 : i32 to index
        %parallel_loop3A_132 = tpu.vector_load %arg14[%parallel_loop3A_131] {strides = array<i32>} : memref<3200xf32, #tpu.memory_space<vmem>>, vector<16xf32>,
        %parallel_loop3A_133 = arith.constant 0 : i32
        %parallel_loop3A_134 = vector.broadcast %parallel_loop3A_133 : i32 to vector<16xi32>
        %parallel_loop3A_135 = tpu.vector_load_idx %arg8[%parallel_loop3A_134, %parallel_loop3A_124] : memref<2x10000xi32, #tpu.memory_space<vmem>>[vector<16xi32>, vector<16xi32>], vector<16xi32>,
        %parallel_loop3A_136 = vector.bitcast %parallel_loop3A_135 : vector<16xi32> to vector<32xbf16>
        %parallel_loop3A_137 = tpu.unpack_subelements %parallel_loop3A_136, 0 {pack_format = #tpu.pack_format<interleaved>} : vector<32xbf16> -> vector<16xf32>
        %parallel_loop3A_138 = tpu.unpack_subelements %parallel_loop3A_136, 1 {pack_format = #tpu.pack_format<interleaved>} : vector<32xbf16> -> vector<16xf32>
        %parallel_loop3A_139 = arith.mulf %parallel_loop3A_137, %parallel_loop3A_132 : vector<16xf32>
        tpu.vector_store_idx %arg9[%parallel_loop3A_134, %parallel_loop3A_128], %parallel_loop3A_139 {add = true} : memref<4x10000xf32, #tpu.memory_space<vmem>>[vector<16xi32>, vector<16xi32>], vector<16xf32>,
        %parallel_loop3A_140 = arith.constant 2 : i32
        %parallel_loop3A_141 = vector.broadcast %parallel_loop3A_140 : i32 to vector<16xi32>
        %parallel_loop3A_142 = arith.mulf %parallel_loop3A_138, %parallel_loop3A_132 : vector<16xf32>
        tpu.vector_store_idx %arg9[%parallel_loop3A_141, %parallel_loop3A_128], %parallel_loop3A_142 {add = true} : memref<4x10000xf32, #tpu.memory_space<vmem>>[vector<16xi32>, vector<16xi32>], vector<16xf32>,
        %parallel_loop3A_143 = arith.constant 1 : i32
        %parallel_loop3A_144 = vector.broadcast %parallel_loop3A_143 : i32 to vector<16xi32>
        %parallel_loop3A_145 = tpu.vector_load_idx %arg8[%parallel_loop3A_144, %parallel_loop3A_124] : memref<2x10000xi32, #tpu.memory_space<vmem>>[vector<16xi32>, vector<16xi32>], vector<16xi32>,
        %parallel_loop3A_146 = vector.bitcast %parallel_loop3A_145 : vector<16xi32> to vector<32xbf16>
        %parallel_loop3A_147 = tpu.unpack_subelements %parallel_loop3A_146, 0 {pack_format = #tpu.pack_format<interleaved>} : vector<32xbf16> -> vector<16xf32>
        %parallel_loop3A_148 = tpu.unpack_subelements %parallel_loop3A_146, 1 {pack_format = #tpu.pack_format<interleaved>} : vector<32xbf16> -> vector<16xf32>
        %parallel_loop3A_149 = arith.mulf %parallel_loop3A_147, %parallel_loop3A_132 : vector<16xf32>
        tpu.vector_store_idx %arg9[%parallel_loop3A_144, %parallel_loop3A_128], %parallel_loop3A_149 {add = true} : memref<4x10000xf32, #tpu.memory_space<vmem>>[vector<16xi32>, vector<16xi32>], vector<16xf32>,
        %parallel_loop3A_150 = arith.constant 3 : i32
        %parallel_loop3A_151 = vector.broadcast %parallel_loop3A_150 : i32 to vector<16xi32>
        %parallel_loop3A_152 = arith.mulf %parallel_loop3A_148, %parallel_loop3A_132 : vector<16xf32>
        tpu.vector_store_idx %arg9[%parallel_loop3A_151, %parallel_loop3A_128], %parallel_loop3A_152 {add = true} : memref<4x10000xf32, #tpu.memory_space<vmem>>[vector<16xi32>, vector<16xi32>], vector<16xf32>,
      } {sc.loop_unroll_factor = 8 : i64, sc.parallel_access}
      %dma_wait3A_96 = arith.constant 0 : i32
      %dma_wait3A_97 = arith.constant 0 : i32
      %dma_wait3A_98 = tpu.memref_slice %arg4[%dma_wait3A_96, %dma_wait3A_97] : memref<2x320000xi32, #tpu.memory_space<hbm>> -> memref<1x3200xi32, #tpu.memory_space<hbm>>
      %dma_wait3A_99 = tpu.memref_squeeze %dma_wait3A_98 : memref<1x3200xi32, #tpu.memory_space<hbm>> -> memref<3200xi32, #tpu.memory_space<hbm>>
      %dma_wait3A_100 = arith.constant 0 : i32
      %dma_wait3A_101 = tpu.memref_slice %arg4[%dma_wait3A_96, %dma_wait3A_100] : memref<2x320000xi32, #tpu.memory_space<hbm>> -> memref<1x3200xi32, #tpu.memory_space<hbm>>
      %dma_wait3A_102 = tpu.memref_squeeze %dma_wait3A_101 : memref<1x3200xi32, #tpu.memory_space<hbm>> -> memref<3200xi32, #tpu.memory_space<hbm>>
      tpu.wait_dma2 semaphore(%arg17 : memref<!tpu.dma_semaphore, #tpu.memory_space<semaphore_mem>>) src(%dma_wait3A_102 : memref<3200xi32, #tpu.memory_space<hbm>>) dst(%arg11 : memref<3200xi32, #tpu.memory_space<vmem>>)
      %dma_wait3A_103 = arith.constant 1 : i32
      %dma_wait3A_104 = arith.constant 0 : i32
      %dma_wait3A_105 = tpu.memref_slice %arg4[%dma_wait3A_103, %dma_wait3A_104] : memref<2x320000xi32, #tpu.memory_space<hbm>> -> memref<1x3200xi32, #tpu.memory_space<hbm>>
      %dma_wait3A_106 = tpu.memref_squeeze %dma_wait3A_105 : memref<1x3200xi32, #tpu.memory_space<hbm>> -> memref<3200xi32, #tpu.memory_space<hbm>>
      %dma_wait3A_107 = arith.constant 0 : i32
      %dma_wait3A_108 = tpu.memref_slice %arg4[%dma_wait3A_103, %dma_wait3A_107] : memref<2x320000xi32, #tpu.memory_space<hbm>> -> memref<1x3200xi32, #tpu.memory_space<hbm>>
      %dma_wait3A_109 = tpu.memref_squeeze %dma_wait3A_108 : memref<1x3200xi32, #tpu.memory_space<hbm>> -> memref<3200xi32, #tpu.memory_space<hbm>>
      tpu.wait_dma2 semaphore(%arg17 : memref<!tpu.dma_semaphore, #tpu.memory_space<semaphore_mem>>) src(%dma_wait3A_109 : memref<3200xi32, #tpu.memory_space<hbm>>) dst(%arg13 : memref<3200xi32, #tpu.memory_space<vmem>>)
      %dma_wait3A_110 = arith.constant 0 : i32
      %dma_wait3A_111 = tpu.memref_slice %arg5[%dma_wait3A_110] : memref<320000xf32, #tpu.memory_space<hbm>> -> memref<3200xf32, #tpu.memory_space<hbm>>
      %dma_wait3A_112 = arith.constant 0 : i32
      %dma_wait3A_113 = tpu.memref_slice %arg5[%dma_wait3A_112] : memref<320000xf32, #tpu.memory_space<hbm>> -> memref<3200xf32, #tpu.memory_space<hbm>>
      tpu.wait_dma2 semaphore(%arg17 : memref<!tpu.dma_semaphore, #tpu.memory_space<semaphore_mem>>) src(%dma_wait3A_113 : memref<3200xf32, #tpu.memory_space<hbm>>) dst(%arg15 : memref<3200xf32, #tpu.memory_space<vmem>>)
      %lt3A = arith.constant 49 : i32
      %lt3A_114 = arith.cmpi slt, %scan3A_56, %lt3A : i32
      %convert_element_type3A = arith.extui %lt3A_114 : i1 to i32
      %cond3A = arith.constant 0 : i32
      %cond3A_115 = arith.cmpi ne, %convert_element_type3A, %cond3A : i32
      scf.if %cond3A_115 {
        %add3A_120 = arith.constant 2 : i32
        %add3A_121 = arith.addi %mul3A_59, %add3A_120 : i32
        %mul3A_122 = arith.constant 3200 : i32
        %mul3A_123 = arith.muli %add3A_121, %mul3A_122 : i32
        %dma_start3A_124 = arith.constant 0 : i32
        %dma_start3A_125 = tpu.memref_slice %arg4[%dma_start3A_124, %mul3A_123] : memref<2x320000xi32, #tpu.memory_space<hbm>> -> memref<1x3200xi32, #tpu.memory_space<hbm>>
        %dma_start3A_126 = tpu.memref_squeeze %dma_start3A_125 : memref<1x3200xi32, #tpu.memory_space<hbm>> -> memref<3200xi32, #tpu.memory_space<hbm>>
        %dma_start3A_127 = tpu.memref_slice %arg4[%dma_start3A_124, %mul3A_123] : memref<2x320000xi32, #tpu.memory_space<hbm>> -> memref<1x3200xi32, #tpu.memory_space<hbm>>
        %dma_start3A_128 = tpu.memref_squeeze %dma_start3A_127 : memref<1x3200xi32, #tpu.memory_space<hbm>> -> memref<3200xi32, #tpu.memory_space<hbm>>
        tpu.enqueue_dma source(%dma_start3A_128 : memref<3200xi32, #tpu.memory_space<hbm>>) target(%arg10 : memref<3200xi32, #tpu.memory_space<vmem>>) target_semaphore(%arg16 : memref<!tpu.dma_semaphore, #tpu.memory_space<semaphore_mem>>)
        %dma_start3A_129 = arith.constant 1 : i32
        %dma_start3A_130 = tpu.memref_slice %arg4[%dma_start3A_129, %mul3A_123] : memref<2x320000xi32, #tpu.memory_space<hbm>> -> memref<1x3200xi32, #tpu.memory_space<hbm>>
        %dma_start3A_131 = tpu.memref_squeeze %dma_start3A_130 : memref<1x3200xi32, #tpu.memory_space<hbm>> -> memref<3200xi32, #tpu.memory_space<hbm>>
        %dma_start3A_132 = tpu.memref_slice %arg4[%dma_start3A_129, %mul3A_123] : memref<2x320000xi32, #tpu.memory_space<hbm>> -> memref<1x3200xi32, #tpu.memory_space<hbm>>
        %dma_start3A_133 = tpu.memref_squeeze %dma_start3A_132 : memref<1x3200xi32, #tpu.memory_space<hbm>> -> memref<3200xi32, #tpu.memory_space<hbm>>
        tpu.enqueue_dma source(%dma_start3A_133 : memref<3200xi32, #tpu.memory_space<hbm>>) target(%arg12 : memref<3200xi32, #tpu.memory_space<vmem>>) target_semaphore(%arg16 : memref<!tpu.dma_semaphore, #tpu.memory_space<semaphore_mem>>)
        %dma_start3A_134 = tpu.memref_slice %arg5[%mul3A_123] : memref<320000xf32, #tpu.memory_space<hbm>> -> memref<3200xf32, #tpu.memory_space<hbm>>
        %dma_start3A_135 = tpu.memref_slice %arg5[%mul3A_123] : memref<320000xf32, #tpu.memory_space<hbm>> -> memref<3200xf32, #tpu.memory_space<hbm>>
        tpu.enqueue_dma source(%dma_start3A_135 : memref<3200xf32, #tpu.memory_space<hbm>>) target(%arg14 : memref<3200xf32, #tpu.memory_space<vmem>>) target_semaphore(%arg16 : memref<!tpu.dma_semaphore, #tpu.memory_space<semaphore_mem>>)
      } else {
      }
      %parallel_loop3A_116 = arith.constant 0 : i32
      %parallel_loop3A_117 = arith.constant 200 : i32
      %parallel_loop3A_118 = arith.constant 1 : i32
      scf.for %parallel_loop3A_120 = %parallel_loop3A_116 to %parallel_loop3A_117 step %parallel_loop3A_118  : i32 {
        %parallel_loop3A_121 = arith.constant 16 : i32
        %parallel_loop3A_122 = arith.muli %parallel_loop3A_120, %parallel_loop3A_121 : i32
        %parallel_loop3A_123 = arith.index_cast %parallel_loop3A_122 : i32 to index
        %parallel_loop3A_124 = tpu.vector_load %arg11[%parallel_loop3A_123] {strides = array<i32>} : memref<3200xi32, #tpu.memory_space<vmem>>, vector<16xi32>,
        %parallel_loop3A_125 = arith.constant 16 : i32
        %parallel_loop3A_126 = arith.muli %parallel_loop3A_120, %parallel_loop3A_125 : i32
        %parallel_loop3A_127 = arith.index_cast %parallel_loop3A_126 : i32 to index
        %parallel_loop3A_128 = tpu.vector_load %arg13[%parallel_loop3A_127] {strides = array<i32>} : memref<3200xi32, #tpu.memory_space<vmem>>, vector<16xi32>,
        %parallel_loop3A_129 = arith.constant 16 : i32
        %parallel_loop3A_130 = arith.muli %parallel_loop3A_120, %parallel_loop3A_129 : i32
        %parallel_loop3A_131 = arith.index_cast %parallel_loop3A_130 : i32 to index
        %parallel_loop3A_132 = tpu.vector_load %arg15[%parallel_loop3A_131] {strides = array<i32>} : memref<3200xf32, #tpu.memory_space<vmem>>, vector<16xf32>,
        %parallel_loop3A_133 = arith.constant 0 : i32
        %parallel_loop3A_134 = vector.broadcast %parallel_loop3A_133 : i32 to vector<16xi32>
        %parallel_loop3A_135 = tpu.vector_load_idx %arg8[%parallel_loop3A_134, %parallel_loop3A_124] : memref<2x10000xi32, #tpu.memory_space<vmem>>[vector<16xi32>, vector<16xi32>], vector<16xi32>,
        %parallel_loop3A_136 = vector.bitcast %parallel_loop3A_135 : vector<16xi32> to vector<32xbf16>
        %parallel_loop3A_137 = tpu.unpack_subelements %parallel_loop3A_136, 0 {pack_format = #tpu.pack_format<interleaved>} : vector<32xbf16> -> vector<16xf32>
        %parallel_loop3A_138 = tpu.unpack_subelements %parallel_loop3A_136, 1 {pack_format = #tpu.pack_format<interleaved>} : vector<32xbf16> -> vector<16xf32>
        %parallel_loop3A_139 = arith.mulf %parallel_loop3A_137, %parallel_loop3A_132 : vector<16xf32>
        tpu.vector_store_idx %arg9[%parallel_loop3A_134, %parallel_loop3A_128], %parallel_loop3A_139 {add = true} : memref<4x10000xf32, #tpu.memory_space<vmem>>[vector<16xi32>, vector<16xi32>], vector<16xf32>,
        %parallel_loop3A_140 = arith.constant 2 : i32
        %parallel_loop3A_141 = vector.broadcast %parallel_loop3A_140 : i32 to vector<16xi32>
        %parallel_loop3A_142 = arith.mulf %parallel_loop3A_138, %parallel_loop3A_132 : vector<16xf32>
        tpu.vector_store_idx %arg9[%parallel_loop3A_141, %parallel_loop3A_128], %parallel_loop3A_142 {add = true} : memref<4x10000xf32, #tpu.memory_space<vmem>>[vector<16xi32>, vector<16xi32>], vector<16xf32>,
        %parallel_loop3A_143 = arith.constant 1 : i32
        %parallel_loop3A_144 = vector.broadcast %parallel_loop3A_143 : i32 to vector<16xi32>
        %parallel_loop3A_145 = tpu.vector_load_idx %arg8[%parallel_loop3A_144, %parallel_loop3A_124] : memref<2x10000xi32, #tpu.memory_space<vmem>>[vector<16xi32>, vector<16xi32>], vector<16xi32>,
        %parallel_loop3A_146 = vector.bitcast %parallel_loop3A_145 : vector<16xi32> to vector<32xbf16>
        %parallel_loop3A_147 = tpu.unpack_subelements %parallel_loop3A_146, 0 {pack_format = #tpu.pack_format<interleaved>} : vector<32xbf16> -> vector<16xf32>
        %parallel_loop3A_148 = tpu.unpack_subelements %parallel_loop3A_146, 1 {pack_format = #tpu.pack_format<interleaved>} : vector<32xbf16> -> vector<16xf32>
        %parallel_loop3A_149 = arith.mulf %parallel_loop3A_147, %parallel_loop3A_132 : vector<16xf32>
        tpu.vector_store_idx %arg9[%parallel_loop3A_144, %parallel_loop3A_128], %parallel_loop3A_149 {add = true} : memref<4x10000xf32, #tpu.memory_space<vmem>>[vector<16xi32>, vector<16xi32>], vector<16xf32>,
        %parallel_loop3A_150 = arith.constant 3 : i32
        %parallel_loop3A_151 = vector.broadcast %parallel_loop3A_150 : i32 to vector<16xi32>
        %parallel_loop3A_152 = arith.mulf %parallel_loop3A_148, %parallel_loop3A_132 : vector<16xf32>
        tpu.vector_store_idx %arg9[%parallel_loop3A_151, %parallel_loop3A_128], %parallel_loop3A_152 {add = true} : memref<4x10000xf32, #tpu.memory_space<vmem>>[vector<16xi32>, vector<16xi32>], vector<16xf32>,
      } {sc.loop_unroll_factor = 8 : i64, sc.parallel_access}
      %scan3A_119 = arith.constant 0 : i32
      scf.yield %scan3A_119 : i32
    }
    %scan3A_37 = arith.constant 50 : i32
    %parallel_loop3A_38 = arith.constant 0 : i32
    %parallel_loop3A_39 = arith.constant 625 : i32
    %parallel_loop3A_40 = arith.constant 1 : i32
    scf.for %parallel_loop3A_56 = %parallel_loop3A_38 to %parallel_loop3A_39 step %parallel_loop3A_40  : i32 {
      %parallel_loop3A_57 = arith.constant 16 : i32
      %parallel_loop3A_58 = arith.muli %parallel_loop3A_56, %parallel_loop3A_57 : i32
      %parallel_loop3A_59 = arith.constant 0 : i32
      %parallel_loop3A_60 = arith.index_cast %parallel_loop3A_59 : i32 to index
      %parallel_loop3A_61 = arith.index_cast %parallel_loop3A_58 : i32 to index
      %parallel_loop3A_62 = tpu.vector_load %arg9[%parallel_loop3A_60, %parallel_loop3A_61] {strides = array<i32>} : memref<4x10000xf32, #tpu.memory_space<vmem>>, vector<16xf32>,
      %parallel_loop3A_63 = arith.index_cast %parallel_loop3A_58 : i32 to index
      %parallel_loop3A_64 = tpu.vector_load %arg7[%parallel_loop3A_63] {strides = array<i32>} : memref<10000xf32, #tpu.memory_space<vmem>>, vector<16xf32>,
      %parallel_loop3A_65 = arith.mulf %parallel_loop3A_62, %parallel_loop3A_64 : vector<16xf32>
      %parallel_loop3A_66 = arith.constant 0 : i32
      %parallel_loop3A_67 = arith.index_cast %parallel_loop3A_66 : i32 to index
      %parallel_loop3A_68 = arith.index_cast %parallel_loop3A_58 : i32 to index
      %parallel_loop3A_69 = tpu.vector_load %arg9[%parallel_loop3A_67, %parallel_loop3A_68] {strides = array<i32>} : memref<4x10000xf32, #tpu.memory_space<vmem>>, vector<16xf32>,
      tpu.vector_store %arg9[%parallel_loop3A_67, %parallel_loop3A_68], %parallel_loop3A_65 {strides = array<i32>} : memref<4x10000xf32, #tpu.memory_space<vmem>>, vector<16xf32>,
    } {sc.loop_unroll_factor = 4 : i64, sc.parallel_access}
    %parallel_loop3A_41 = arith.constant 0 : i32
    %parallel_loop3A_42 = arith.constant 625 : i32
    %parallel_loop3A_43 = arith.constant 1 : i32
    scf.for %parallel_loop3A_56 = %parallel_loop3A_41 to %parallel_loop3A_42 step %parallel_loop3A_43  : i32 {
      %parallel_loop3A_57 = arith.constant 16 : i32
      %parallel_loop3A_58 = arith.muli %parallel_loop3A_56, %parallel_loop3A_57 : i32
      %parallel_loop3A_59 = arith.constant 1 : i32
      %parallel_loop3A_60 = arith.index_cast %parallel_loop3A_59 : i32 to index
      %parallel_loop3A_61 = arith.index_cast %parallel_loop3A_58 : i32 to index
      %parallel_loop3A_62 = tpu.vector_load %arg9[%parallel_loop3A_60, %parallel_loop3A_61] {strides = array<i32>} : memref<4x10000xf32, #tpu.memory_space<vmem>>, vector<16xf32>,
      %parallel_loop3A_63 = arith.index_cast %parallel_loop3A_58 : i32 to index
      %parallel_loop3A_64 = tpu.vector_load %arg7[%parallel_loop3A_63] {strides = array<i32>} : memref<10000xf32, #tpu.memory_space<vmem>>, vector<16xf32>,
      %parallel_loop3A_65 = arith.mulf %parallel_loop3A_62, %parallel_loop3A_64 : vector<16xf32>
      %parallel_loop3A_66 = arith.constant 1 : i32
      %parallel_loop3A_67 = arith.index_cast %parallel_loop3A_66 : i32 to index
      %parallel_loop3A_68 = arith.index_cast %parallel_loop3A_58 : i32 to index
      %parallel_loop3A_69 = tpu.vector_load %arg9[%parallel_loop3A_67, %parallel_loop3A_68] {strides = array<i32>} : memref<4x10000xf32, #tpu.memory_space<vmem>>, vector<16xf32>,
      tpu.vector_store %arg9[%parallel_loop3A_67, %parallel_loop3A_68], %parallel_loop3A_65 {strides = array<i32>} : memref<4x10000xf32, #tpu.memory_space<vmem>>, vector<16xf32>,
    } {sc.loop_unroll_factor = 4 : i64, sc.parallel_access}
    %parallel_loop3A_44 = arith.constant 0 : i32
    %parallel_loop3A_45 = arith.constant 625 : i32
    %parallel_loop3A_46 = arith.constant 1 : i32
    scf.for %parallel_loop3A_56 = %parallel_loop3A_44 to %parallel_loop3A_45 step %parallel_loop3A_46  : i32 {
      %parallel_loop3A_57 = arith.constant 16 : i32
      %parallel_loop3A_58 = arith.muli %parallel_loop3A_56, %parallel_loop3A_57 : i32
      %parallel_loop3A_59 = arith.constant 2 : i32
      %parallel_loop3A_60 = arith.index_cast %parallel_loop3A_59 : i32 to index
      %parallel_loop3A_61 = arith.index_cast %parallel_loop3A_58 : i32 to index
      %parallel_loop3A_62 = tpu.vector_load %arg9[%parallel_loop3A_60, %parallel_loop3A_61] {strides = array<i32>} : memref<4x10000xf32, #tpu.memory_space<vmem>>, vector<16xf32>,
      %parallel_loop3A_63 = arith.index_cast %parallel_loop3A_58 : i32 to index
      %parallel_loop3A_64 = tpu.vector_load %arg7[%parallel_loop3A_63] {strides = array<i32>} : memref<10000xf32, #tpu.memory_space<vmem>>, vector<16xf32>,
      %parallel_loop3A_65 = arith.mulf %parallel_loop3A_62, %parallel_loop3A_64 : vector<16xf32>
      %parallel_loop3A_66 = arith.constant 2 : i32
      %parallel_loop3A_67 = arith.index_cast %parallel_loop3A_66 : i32 to index
      %parallel_loop3A_68 = arith.index_cast %parallel_loop3A_58 : i32 to index
      %parallel_loop3A_69 = tpu.vector_load %arg9[%parallel_loop3A_67, %parallel_loop3A_68] {strides = array<i32>} : memref<4x10000xf32, #tpu.memory_space<vmem>>, vector<16xf32>,
      tpu.vector_store %arg9[%parallel_loop3A_67, %parallel_loop3A_68], %parallel_loop3A_65 {strides = array<i32>} : memref<4x10000xf32, #tpu.memory_space<vmem>>, vector<16xf32>,
    } {sc.loop_unroll_factor = 4 : i64, sc.parallel_access}
    %parallel_loop3A_47 = arith.constant 0 : i32
    %parallel_loop3A_48 = arith.constant 625 : i32
    %parallel_loop3A_49 = arith.constant 1 : i32
    scf.for %parallel_loop3A_56 = %parallel_loop3A_47 to %parallel_loop3A_48 step %parallel_loop3A_49  : i32 {
      %parallel_loop3A_57 = arith.constant 16 : i32
      %parallel_loop3A_58 = arith.muli %parallel_loop3A_56, %parallel_loop3A_57 : i32
      %parallel_loop3A_59 = arith.constant 3 : i32
      %parallel_loop3A_60 = arith.index_cast %parallel_loop3A_59 : i32 to index
      %parallel_loop3A_61 = arith.index_cast %parallel_loop3A_58 : i32 to index
      %parallel_loop3A_62 = tpu.vector_load %arg9[%parallel_loop3A_60, %parallel_loop3A_61] {strides = array<i32>} : memref<4x10000xf32, #tpu.memory_space<vmem>>, vector<16xf32>,
      %parallel_loop3A_63 = arith.index_cast %parallel_loop3A_58 : i32 to index
      %parallel_loop3A_64 = tpu.vector_load %arg7[%parallel_loop3A_63] {strides = array<i32>} : memref<10000xf32, #tpu.memory_space<vmem>>, vector<16xf32>,
      %parallel_loop3A_65 = arith.mulf %parallel_loop3A_62, %parallel_loop3A_64 : vector<16xf32>
      %parallel_loop3A_66 = arith.constant 3 : i32
      %parallel_loop3A_67 = arith.index_cast %parallel_loop3A_66 : i32 to index
      %parallel_loop3A_68 = arith.index_cast %parallel_loop3A_58 : i32 to index
      %parallel_loop3A_69 = tpu.vector_load %arg9[%parallel_loop3A_67, %parallel_loop3A_68] {strides = array<i32>} : memref<4x10000xf32, #tpu.memory_space<vmem>>, vector<16xf32>,
      tpu.vector_store %arg9[%parallel_loop3A_67, %parallel_loop3A_68], %parallel_loop3A_65 {strides = array<i32>} : memref<4x10000xf32, #tpu.memory_space<vmem>>, vector<16xf32>,
    } {sc.loop_unroll_factor = 4 : i64, sc.parallel_access}
    %mul3A_50 = arith.constant 2 : i32
    %mul3A_51 = arith.muli %mul3A_50, %add3A : i32
    "tpu.region"() ({
      %run_scoped3A_56 = tpu.sem_alloc : memref<!tpu.dma_semaphore, #tpu.memory_space<semaphore_mem>>
      %dma_start3A_57 = arith.constant 0 : i32
      %dma_start3A_58 = arith.constant 0 : i32
      %dma_start3A_59 = tpu.memref_slice %arg9[%dma_start3A_57, %dma_start3A_58] : memref<4x10000xf32, #tpu.memory_space<vmem>> -> memref<2x10000xf32, #tpu.memory_space<vmem>>
      %dma_start3A_60 = arith.constant 0 : i32
      %dma_start3A_61 = tpu.memref_slice %arg6[%mul3A_51, %dma_start3A_60] : memref<128x10000xf32, #tpu.memory_space<hbm>> -> memref<2x10000xf32, #tpu.memory_space<hbm>>
      %dma_start3A_62 = arith.constant 0 : i32
      %dma_start3A_63 = tpu.memref_slice %arg6[%mul3A_51, %dma_start3A_62] : memref<128x10000xf32, #tpu.memory_space<hbm>> -> memref<2x10000xf32, #tpu.memory_space<hbm>>
      %dma_start3A_64 = arith.constant 0 : i32
      %dma_start3A_65 = arith.constant 0 : i32
      %dma_start3A_66 = tpu.memref_slice %arg9[%dma_start3A_64, %dma_start3A_65] : memref<4x10000xf32, #tpu.memory_space<vmem>> -> memref<2x10000xf32, #tpu.memory_space<vmem>>
      tpu.enqueue_dma source(%dma_start3A_66 : memref<2x10000xf32, #tpu.memory_space<vmem>>) target(%dma_start3A_63 : memref<2x10000xf32, #tpu.memory_space<hbm>>) target_semaphore(%run_scoped3A_56 : memref<!tpu.dma_semaphore, #tpu.memory_space<semaphore_mem>>)
      %dma_wait3A = arith.constant 0 : i32
      %dma_wait3A_67 = arith.constant 0 : i32
      %dma_wait3A_68 = tpu.memref_slice %arg9[%dma_wait3A, %dma_wait3A_67] : memref<4x10000xf32, #tpu.memory_space<vmem>> -> memref<2x10000xf32, #tpu.memory_space<vmem>>
      %dma_wait3A_69 = arith.constant 0 : i32
      %dma_wait3A_70 = tpu.memref_slice %arg6[%mul3A_51, %dma_wait3A_69] : memref<128x10000xf32, #tpu.memory_space<hbm>> -> memref<2x10000xf32, #tpu.memory_space<hbm>>
      %dma_wait3A_71 = arith.constant 0 : i32
      %dma_wait3A_72 = tpu.memref_slice %arg6[%mul3A_51, %dma_wait3A_71] : memref<128x10000xf32, #tpu.memory_space<hbm>> -> memref<2x10000xf32, #tpu.memory_space<hbm>>
      %dma_wait3A_73 = arith.constant 0 : i32
      %dma_wait3A_74 = arith.constant 0 : i32
      %dma_wait3A_75 = tpu.memref_slice %arg9[%dma_wait3A_73, %dma_wait3A_74] : memref<4x10000xf32, #tpu.memory_space<vmem>> -> memref<2x10000xf32, #tpu.memory_space<vmem>>
      tpu.wait_dma2 semaphore(%run_scoped3A_56 : memref<!tpu.dma_semaphore, #tpu.memory_space<semaphore_mem>>) src(%dma_wait3A_75 : memref<2x10000xf32, #tpu.memory_space<vmem>>) dst(%dma_wait3A_72 : memref<2x10000xf32, #tpu.memory_space<hbm>>)
      tpu.yield
    }) : () -> ()
    %mul3A_52 = arith.constant 2 : i32
    %mul3A_53 = arith.muli %mul3A_52, %add3A : i32
    %add3A_54 = arith.constant 64 : i32
    %add3A_55 = arith.addi %add3A_54, %mul3A_53 : i32
    "tpu.region"() ({
      %run_scoped3A_56 = tpu.sem_alloc : memref<!tpu.dma_semaphore, #tpu.memory_space<semaphore_mem>>
      %dma_start3A_57 = arith.constant 2 : i32
      %dma_start3A_58 = arith.constant 0 : i32
      %dma_start3A_59 = tpu.memref_slice %arg9[%dma_start3A_57, %dma_start3A_58] : memref<4x10000xf32, #tpu.memory_space<vmem>> -> memref<2x10000xf32, #tpu.memory_space<vmem>>
      %dma_start3A_60 = arith.constant 0 : i32
      %dma_start3A_61 = tpu.memref_slice %arg6[%add3A_55, %dma_start3A_60] : memref<128x10000xf32, #tpu.memory_space<hbm>> -> memref<2x10000xf32, #tpu.memory_space<hbm>>
      %dma_start3A_62 = arith.constant 0 : i32
      %dma_start3A_63 = tpu.memref_slice %arg6[%add3A_55, %dma_start3A_62] : memref<128x10000xf32, #tpu.memory_space<hbm>> -> memref<2x10000xf32, #tpu.memory_space<hbm>>
      %dma_start3A_64 = arith.constant 2 : i32
      %dma_start3A_65 = arith.constant 0 : i32
      %dma_start3A_66 = tpu.memref_slice %arg9[%dma_start3A_64, %dma_start3A_65] : memref<4x10000xf32, #tpu.memory_space<vmem>> -> memref<2x10000xf32, #tpu.memory_space<vmem>>
      tpu.enqueue_dma source(%dma_start3A_66 : memref<2x10000xf32, #tpu.memory_space<vmem>>) target(%dma_start3A_63 : memref<2x10000xf32, #tpu.memory_space<hbm>>) target_semaphore(%run_scoped3A_56 : memref<!tpu.dma_semaphore, #tpu.memory_space<semaphore_mem>>)
      %dma_wait3A = arith.constant 2 : i32
      %dma_wait3A_67 = arith.constant 0 : i32
      %dma_wait3A_68 = tpu.memref_slice %arg9[%dma_wait3A, %dma_wait3A_67] : memref<4x10000xf32, #tpu.memory_space<vmem>> -> memref<2x10000xf32, #tpu.memory_space<vmem>>
      %dma_wait3A_69 = arith.constant 0 : i32
      %dma_wait3A_70 = tpu.memref_slice %arg6[%add3A_55, %dma_wait3A_69] : memref<128x10000xf32, #tpu.memory_space<hbm>> -> memref<2x10000xf32, #tpu.memory_space<hbm>>
      %dma_wait3A_71 = arith.constant 0 : i32
      %dma_wait3A_72 = tpu.memref_slice %arg6[%add3A_55, %dma_wait3A_71] : memref<128x10000xf32, #tpu.memory_space<hbm>> -> memref<2x10000xf32, #tpu.memory_space<hbm>>
      %dma_wait3A_73 = arith.constant 2 : i32
      %dma_wait3A_74 = arith.constant 0 : i32
      %dma_wait3A_75 = tpu.memref_slice %arg9[%dma_wait3A_73, %dma_wait3A_74] : memref<4x10000xf32, #tpu.memory_space<vmem>> -> memref<2x10000xf32, #tpu.memory_space<vmem>>
      tpu.wait_dma2 semaphore(%run_scoped3A_56 : memref<!tpu.dma_semaphore, #tpu.memory_space<semaphore_mem>>) src(%dma_wait3A_75 : memref<2x10000xf32, #tpu.memory_space<vmem>>) dst(%dma_wait3A_72 : memref<2x10000xf32, #tpu.memory_space<hbm>>)
      tpu.yield
    }) : () -> ()
    return
  }
}

module attributes {stable_mosaic.version = 14 : i64} {
  func.func @_prep_body(%arg0: i32, %arg1: memref<1024x128xf32, #tpu.memory_space<vmem>>, %arg2: memref<128x128xf32, #tpu.memory_space<vmem>>, %arg3: memref<1x128xf32, #tpu.memory_space<vmem>>, %arg4: memref<1024x128xf32, #tpu.memory_space<vmem>>, %arg5: memref<32x1024xf32, #tpu.memory_space<vmem>>, %arg6: memref<128x1024xf32, #tpu.memory_space<vmem>>, %arg7: memref<64x1024xi32, #tpu.memory_space<vmem>>, %arg8: memref<1x1024xf32, #tpu.memory_space<vmem>>) attributes {dimension_semantics = [#tpu.dimension_semantics<arbitrary>], iteration_bounds = array<i64: 10>, scalar_prefetch = 0 : i64, scratch_operands = 0 : i64, tpu.core_type = #tpu.core_type<tc>, window_params = [{transform_indices = @transform_0, window_bounds = array<i64: 1024, 128>}, {pipeline_mode = #tpu.pipeline_mode<synchronous>, transform_indices = @transform_1, window_bounds = array<i64: 128, 128>}, {pipeline_mode = #tpu.pipeline_mode<synchronous>, transform_indices = @transform_2, window_bounds = array<i64: 1, 128>}, {transform_indices = @transform_3, window_bounds = array<i64: 1024, 128>}, {transform_indices = @transform_4, window_bounds = array<i64: 32, 1024>}, {transform_indices = @transform_5, window_bounds = array<i64: 128, 1024>}, {transform_indices = @transform_6, window_bounds = array<i64: 64, 1024>}, {transform_indices = @transform_7, window_bounds = array<i64: 1, 1024>}]} {
    %get3A = arith.constant 0 : index
    %get3A_0 = arith.constant 0 : index
    %get3A_1 = vector.load %arg1[%get3A, %get3A_0] : memref<1024x128xf32, #tpu.memory_space<vmem>>, vector<1024x128xf32>
    %get3A_2 = arith.constant 0 : index
    %get3A_3 = arith.constant 0 : index
    %get3A_4 = vector.load %arg2[%get3A_2, %get3A_3] : memref<128x128xf32, #tpu.memory_space<vmem>>, vector<128x128xf32>
    %dot_general3A = arith.constant dense<0.000000e+00> : vector<1024x128xf32>
    %dot_general3A_5 = tpu.matmul %get3A_1, %get3A_4, %dot_general3A {dimension_numbers = #tpu.dot_dimension_numbers<[1], [0], [0], [1], [0, 0, 1, 1], [], []>, transpose_lhs_hint = false} : vector<1024x128xf32>, vector<128x128xf32>, vector<1024x128xf32> -> vector<1024x128xf32>
    %get3A_6 = arith.constant 0 : index
    %get3A_7 = arith.constant 0 : index
    %get3A_8 = vector.load %arg3[%get3A_6, %get3A_7] : memref<1x128xf32, #tpu.memory_space<vmem>>, vector<1x128xf32>
    %add3A = vector.broadcast %get3A_8 : vector<1x128xf32> to vector<1024x128xf32>
    %add3A_9 = arith.addf %dot_general3A_5, %add3A : vector<1024x128xf32>
    %get3A_10 = arith.constant 0 : index
    %get3A_11 = arith.constant 0 : index
    %get3A_12 = vector.load %arg4[%get3A_10, %get3A_11] : memref<1024x128xf32, #tpu.memory_space<vmem>>, vector<1024x128xf32>
    %add3A_13 = arith.addf %add3A_9, %get3A_12 : vector<1024x128xf32>
    %transpose3A = tpu.transpose %add3A_13, [1, 0] : vector<1024x128xf32> -> vector<128x1024xf32>
    %swap3A = arith.constant 0 : index
    %swap3A_14 = arith.constant 0 : index
    %swap3A_15 = vector.load %arg6[%swap3A, %swap3A_14] : memref<128x1024xf32, #tpu.memory_space<vmem>>, vector<128x1024xf32>
    tpu.vector_store %arg6[%swap3A, %swap3A_14], %transpose3A {strides = array<i32>} : memref<128x1024xf32, #tpu.memory_space<vmem>>, vector<128x1024xf32>,
    %get3A_16 = arith.constant 0 : index
    %get3A_17 = arith.constant 0 : index
    %get3A_18 = vector.load %arg5[%get3A_16, %get3A_17] : memref<32x1024xf32, #tpu.memory_space<vmem>>, vector<32x1024xf32>
    %reduce_sum3A = arith.constant dense<0.000000e+00> : vector<1024xf32>
    %reduce_sum3A_19 = vector.multi_reduction <add>, %get3A_18, %reduce_sum3A [0] : vector<32x1024xf32> to vector<1024xf32>
    %broadcast_in_dim3A = vector.shape_cast %reduce_sum3A_19 : vector<1024xf32> to vector<1x1024xf32>
    %add3A_20 = arith.constant 1.000000e+00 : f32
    %add3A_21 = vector.broadcast %add3A_20 : f32 to vector<1x1024xf32>
    %add3A_22 = arith.addf %broadcast_in_dim3A, %add3A_21 : vector<1x1024xf32>
    %gt3A = arith.constant 0.000000e+00 : f32
    %gt3A_23 = vector.broadcast %gt3A : f32 to vector<1x1024xf32>
    %gt3A_24 = arith.cmpf ogt, %add3A_22, %gt3A_23 : vector<1x1024xf32>
    %rsqrt3A = math.rsqrt %add3A_22 : vector<1x1024xf32>
    %jit3A = arith.constant 0.000000e+00 : f32
    %broadcast_in_dim3A_25 = vector.broadcast %jit3A : f32 to vector<1x1024xf32>
    %select_n3A = arith.select %gt3A_24, %rsqrt3A, %broadcast_in_dim3A_25 : vector<1x1024xi1>, vector<1x1024xf32>
    %swap3A_26 = arith.constant 0 : index
    %swap3A_27 = arith.constant 0 : index
    %swap3A_28 = vector.load %arg8[%swap3A_26, %swap3A_27] : memref<1x1024xf32, #tpu.memory_space<vmem>>, vector<1x1024xf32>
    tpu.vector_store %arg8[%swap3A_26, %swap3A_27], %select_n3A {strides = array<i32>} : memref<1x1024xf32, #tpu.memory_space<vmem>>, vector<1x1024xf32>,
    %transpose3A_29 = tpu.transpose %select_n3A, [1, 0] : vector<1x1024xf32> -> vector<1024x1xf32>
    %mul3A = vector.broadcast %transpose3A_29 : vector<1024x1xf32> to vector<1024x128xf32>
    %mul3A_30 = arith.mulf %add3A_13, %mul3A : vector<1024x128xf32>
    %slice3A = vector.extract_strided_slice %mul3A_30 {offsets = [0, 0], sizes = [1024, 64], strides = [1, 1]} : vector<1024x128xf32> to vector<1024x64xf32>
    %convert_element_type3A = arith.truncf %slice3A : vector<1024x64xf32> to vector<1024x64xbf16>
    %bitcast_convert_type3A = tpu.bitcast %convert_element_type3A : vector<1024x64xbf16> -> vector<1024x64xi16>
    %convert_element_type3A_31 = arith.extui %bitcast_convert_type3A : vector<1024x64xi16> to vector<1024x64xi32>
    %slice3A_32 = vector.extract_strided_slice %mul3A_30 {offsets = [0, 64], sizes = [1024, 64], strides = [1, 1]} : vector<1024x128xf32> to vector<1024x64xf32>
    %convert_element_type3A_33 = arith.truncf %slice3A_32 : vector<1024x64xf32> to vector<1024x64xbf16>
    %bitcast_convert_type3A_34 = tpu.bitcast %convert_element_type3A_33 : vector<1024x64xbf16> -> vector<1024x64xi16>
    %convert_element_type3A_35 = arith.extui %bitcast_convert_type3A_34 : vector<1024x64xi16> to vector<1024x64xi32>
    %shift_left3A = arith.constant 16 : i32
    %shift_left3A_36 = vector.broadcast %shift_left3A : i32 to vector<1024x64xi32>
    %shift_left3A_37 = arith.shli %convert_element_type3A_35, %shift_left3A_36 : vector<1024x64xi32>
    %or3A = arith.ori %convert_element_type3A_31, %shift_left3A_37 : vector<1024x64xi32>
    %bitcast_convert_type3A_38 = tpu.bitcast %or3A : vector<1024x64xi32> -> vector<1024x64xi32>
    %transpose3A_39 = tpu.transpose %bitcast_convert_type3A_38, [1, 0] : vector<1024x64xi32> -> vector<64x1024xi32>
    %swap3A_40 = arith.constant 0 : index
    %swap3A_41 = arith.constant 0 : index
    %swap3A_42 = vector.load %arg7[%swap3A_40, %swap3A_41] : memref<64x1024xi32, #tpu.memory_space<vmem>>, vector<64x1024xi32>
    tpu.vector_store %arg7[%swap3A_40, %swap3A_41], %transpose3A_39 {strides = array<i32>} : memref<64x1024xi32, #tpu.memory_space<vmem>>, vector<64x1024xi32>,
    return
  }
  func.func @transform_0(%arg0: i32) -> (i32, i32) {
    %c0_i32 = arith.constant 0 : i32
    %c0_i32_0 = arith.constant 0 : i32
    return %arg0, %c0_i32 : i32, i32
  }
  func.func @transform_1(%arg0: i32) -> (i32, i32) {
    %c0_i32 = arith.constant 0 : i32
    %c0_i32_0 = arith.constant 0 : i32
    %c0_i32_1 = arith.constant 0 : i32
    return %c0_i32, %c0_i32_0 : i32, i32
  }
  func.func @transform_2(%arg0: i32) -> (i32, i32) {
    %c0_i32 = arith.constant 0 : i32
    %c0_i32_0 = arith.constant 0 : i32
    %c0_i32_1 = arith.constant 0 : i32
    return %c0_i32, %c0_i32_0 : i32, i32
  }
  func.func @transform_3(%arg0: i32) -> (i32, i32) {
    %c0_i32 = arith.constant 0 : i32
    %c0_i32_0 = arith.constant 0 : i32
    return %arg0, %c0_i32 : i32, i32
  }
  func.func @transform_4(%arg0: i32) -> (i32, i32) {
    %c0_i32 = arith.constant 0 : i32
    %c0_i32_0 = arith.constant 0 : i32
    return %c0_i32, %arg0 : i32, i32
  }
  func.func @transform_5(%arg0: i32) -> (i32, i32) {
    %c0_i32 = arith.constant 0 : i32
    %c0_i32_0 = arith.constant 0 : i32
    return %c0_i32, %arg0 : i32, i32
  }
  func.func @transform_6(%arg0: i32) -> (i32, i32) {
    %c0_i32 = arith.constant 0 : i32
    %c0_i32_0 = arith.constant 0 : i32
    return %c0_i32, %arg0 : i32, i32
  }
  func.func @transform_7(%arg0: i32) -> (i32, i32) {
    %c0_i32 = arith.constant 0 : i32
    %c0_i32_0 = arith.constant 0 : i32
    return %c0_i32, %arg0 : i32, i32
  }
}

module attributes {stable_mosaic.version = 14 : i64} {
  func.func @_z_body(%arg0: i32, %arg1: memref<128x1024xf32, #tpu.memory_space<vmem>>, %arg2: memref<1x1024xf32, #tpu.memory_space<vmem>>, %arg3: memref<128x1024xf32, #tpu.memory_space<vmem>>, %arg4: memref<128x128xf32, #tpu.memory_space<vmem>>, %arg5: memref<1x128xf32, #tpu.memory_space<vmem>>, %arg6: memref<128x128xf32, #tpu.memory_space<vmem>>, %arg7: memref<1x128xf32, #tpu.memory_space<vmem>>, %arg8: memref<128x128xf32, #tpu.memory_space<vmem>>, %arg9: memref<1x128xf32, #tpu.memory_space<vmem>>, %arg10: memref<128x128xf32, #tpu.memory_space<vmem>>, %arg11: memref<1x128xf32, #tpu.memory_space<vmem>>, %arg12: memref<1024x128xf32, #tpu.memory_space<vmem>>, %arg13: memref<64x1024xi32, #tpu.memory_space<vmem>>) attributes {dimension_semantics = [#tpu.dimension_semantics<arbitrary>], iteration_bounds = array<i64: 10>, scalar_prefetch = 0 : i64, scratch_operands = 0 : i64, tpu.core_type = #tpu.core_type<tc>, window_params = [{transform_indices = @transform_0, window_bounds = array<i64: 128, 1024>}, {transform_indices = @transform_1, window_bounds = array<i64: 1, 1024>}, {transform_indices = @transform_2, window_bounds = array<i64: 128, 1024>}, {pipeline_mode = #tpu.pipeline_mode<synchronous>, transform_indices = @transform_3, window_bounds = array<i64: 128, 128>}, {pipeline_mode = #tpu.pipeline_mode<synchronous>, transform_indices = @transform_4, window_bounds = array<i64: 1, 128>}, {pipeline_mode = #tpu.pipeline_mode<synchronous>, transform_indices = @transform_5, window_bounds = array<i64: 128, 128>}, {pipeline_mode = #tpu.pipeline_mode<synchronous>, transform_indices = @transform_6, window_bounds = array<i64: 1, 128>}, {pipeline_mode = #tpu.pipeline_mode<synchronous>, transform_indices = @transform_7, window_bounds = array<i64: 128, 128>}, {pipeline_mode = #tpu.pipeline_mode<synchronous>, transform_indices = @transform_8, window_bounds = array<i64: 1, 128>}, {pipeline_mode = #tpu.pipeline_mode<synchronous>, transform_indices = @transform_9, window_bounds = array<i64: 128, 128>}, {pipeline_mode = #tpu.pipeline_mode<synchronous>, transform_indices = @transform_10, window_bounds = array<i64: 1, 128>}, {transform_indices = @transform_11, window_bounds = array<i64: 1024, 128>}, {transform_indices = @transform_12, window_bounds = array<i64: 64, 1024>}]} {
    %get3A = arith.constant 0 : index
    %get3A_0 = arith.constant 0 : index
    %get3A_1 = vector.load %arg4[%get3A, %get3A_0] : memref<128x128xf32, #tpu.memory_space<vmem>>, vector<128x128xf32>
    %get3A_2 = arith.constant 0 : index
    %get3A_3 = arith.constant 0 : index
    %get3A_4 = vector.load %arg6[%get3A_2, %get3A_3] : memref<128x128xf32, #tpu.memory_space<vmem>>, vector<128x128xf32>
    %dot_general3A = arith.constant dense<0.000000e+00> : vector<128x128xf32>
    %dot_general3A_5 = tpu.matmul %get3A_1, %get3A_4, %dot_general3A {dimension_numbers = #tpu.dot_dimension_numbers<[1], [0], [0], [1], [0, 0, 1, 1], [], []>, transpose_lhs_hint = false} : vector<128x128xf32>, vector<128x128xf32>, vector<128x128xf32> -> vector<128x128xf32>
    %get3A_6 = arith.constant 0 : index
    %get3A_7 = arith.constant 0 : index
    %get3A_8 = vector.load %arg5[%get3A_6, %get3A_7] : memref<1x128xf32, #tpu.memory_space<vmem>>, vector<1x128xf32>
    %get3A_9 = arith.constant 0 : index
    %get3A_10 = arith.constant 0 : index
    %get3A_11 = vector.load %arg6[%get3A_9, %get3A_10] : memref<128x128xf32, #tpu.memory_space<vmem>>, vector<128x128xf32>
    %dot_general3A_12 = arith.constant dense<0.000000e+00> : vector<1x128xf32>
    %dot_general3A_13 = tpu.matmul %get3A_8, %get3A_11, %dot_general3A_12 {dimension_numbers = #tpu.dot_dimension_numbers<[1], [0], [0], [1], [0, 0, 1, 1], [], []>, transpose_lhs_hint = false} : vector<1x128xf32>, vector<128x128xf32>, vector<1x128xf32> -> vector<1x128xf32>
    %get3A_14 = arith.constant 0 : index
    %get3A_15 = arith.constant 0 : index
    %get3A_16 = vector.load %arg7[%get3A_14, %get3A_15] : memref<1x128xf32, #tpu.memory_space<vmem>>, vector<1x128xf32>
    %add3A = arith.addf %dot_general3A_13, %get3A_16 : vector<1x128xf32>
    %get3A_17 = arith.constant 0 : index
    %get3A_18 = arith.constant 0 : index
    %get3A_19 = vector.load %arg8[%get3A_17, %get3A_18] : memref<128x128xf32, #tpu.memory_space<vmem>>, vector<128x128xf32>
    %get3A_20 = arith.constant 0 : index
    %get3A_21 = arith.constant 0 : index
    %get3A_22 = vector.load %arg10[%get3A_20, %get3A_21] : memref<128x128xf32, #tpu.memory_space<vmem>>, vector<128x128xf32>
    %dot_general3A_23 = arith.constant dense<0.000000e+00> : vector<128x128xf32>
    %dot_general3A_24 = tpu.matmul %get3A_19, %get3A_22, %dot_general3A_23 {dimension_numbers = #tpu.dot_dimension_numbers<[1], [0], [0], [1], [0, 0, 1, 1], [], []>, transpose_lhs_hint = false} : vector<128x128xf32>, vector<128x128xf32>, vector<128x128xf32> -> vector<128x128xf32>
    %get3A_25 = arith.constant 0 : index
    %get3A_26 = arith.constant 0 : index
    %get3A_27 = vector.load %arg9[%get3A_25, %get3A_26] : memref<1x128xf32, #tpu.memory_space<vmem>>, vector<1x128xf32>
    %get3A_28 = arith.constant 0 : index
    %get3A_29 = arith.constant 0 : index
    %get3A_30 = vector.load %arg10[%get3A_28, %get3A_29] : memref<128x128xf32, #tpu.memory_space<vmem>>, vector<128x128xf32>
    %dot_general3A_31 = arith.constant dense<0.000000e+00> : vector<1x128xf32>
    %dot_general3A_32 = tpu.matmul %get3A_27, %get3A_30, %dot_general3A_31 {dimension_numbers = #tpu.dot_dimension_numbers<[1], [0], [0], [1], [0, 0, 1, 1], [], []>, transpose_lhs_hint = false} : vector<1x128xf32>, vector<128x128xf32>, vector<1x128xf32> -> vector<1x128xf32>
    %get3A_33 = arith.constant 0 : index
    %get3A_34 = arith.constant 0 : index
    %get3A_35 = vector.load %arg11[%get3A_33, %get3A_34] : memref<1x128xf32, #tpu.memory_space<vmem>>, vector<1x128xf32>
    %add3A_36 = arith.addf %dot_general3A_32, %get3A_35 : vector<1x128xf32>
    %get3A_37 = arith.constant 0 : index
    %get3A_38 = arith.constant 0 : index
    %get3A_39 = vector.load %arg2[%get3A_37, %get3A_38] : memref<1x1024xf32, #tpu.memory_space<vmem>>, vector<1x1024xf32>
    %get3A_40 = arith.constant 0 : index
    %get3A_41 = arith.constant 0 : index
    %get3A_42 = vector.load %arg1[%get3A_40, %get3A_41] : memref<128x1024xf32, #tpu.memory_space<vmem>>, vector<128x1024xf32>
    %mul3A = arith.mulf %get3A_39, %get3A_39 : vector<1x1024xf32>
    %get3A_43 = arith.constant 0 : index
    %get3A_44 = arith.constant 0 : index
    %get3A_45 = vector.load %arg3[%get3A_43, %get3A_44] : memref<128x1024xf32, #tpu.memory_space<vmem>>, vector<128x1024xf32>
    %mul3A_46 = vector.broadcast %mul3A : vector<1x1024xf32> to vector<128x1024xf32>
    %mul3A_47 = arith.mulf %mul3A_46, %get3A_45 : vector<128x1024xf32>
    %add3A_48 = arith.addf %get3A_42, %mul3A_47 : vector<128x1024xf32>
    %dot_general3A_49 = arith.constant dense<0.000000e+00> : vector<1024x128xf32>
    %dot_general3A_50 = tpu.matmul %add3A_48, %dot_general3A_5, %dot_general3A_49 {dimension_numbers = #tpu.dot_dimension_numbers<[0], [0], [1], [1], [0, 1, 1, 1], [], []>, transpose_lhs_hint = false} : vector<128x1024xf32>, vector<128x128xf32>, vector<1024x128xf32> -> vector<1024x128xf32>
    %dot_general3A_51 = arith.constant dense<0.000000e+00> : vector<1024x128xf32>
    %dot_general3A_52 = tpu.matmul %add3A_48, %dot_general3A_24, %dot_general3A_51 {dimension_numbers = #tpu.dot_dimension_numbers<[0], [0], [1], [1], [0, 1, 1, 1], [], []>, transpose_lhs_hint = false} : vector<128x1024xf32>, vector<128x128xf32>, vector<1024x128xf32> -> vector<1024x128xf32>
    %add3A_53 = vector.broadcast %add3A : vector<1x128xf32> to vector<1024x128xf32>
    %add3A_54 = arith.addf %dot_general3A_50, %add3A_53 : vector<1024x128xf32>
    %logistic3A = arith.negf %add3A_54 : vector<1024x128xf32>
    %logistic3A_55 = math.exp %logistic3A : vector<1024x128xf32>
    %logistic3A_56 = arith.constant 1.000000e+00 : f32
    %logistic3A_57 = vector.broadcast %logistic3A_56 : f32 to vector<1024x128xf32>
    %logistic3A_58 = arith.addf %logistic3A_57, %logistic3A_55 : vector<1024x128xf32>
    %logistic3A_59 = arith.divf %logistic3A_57, %logistic3A_58 : vector<1024x128xf32>
    %sub3A = arith.constant 1.000000e+00 : f32
    %sub3A_60 = vector.broadcast %sub3A : f32 to vector<1024x128xf32>
    %sub3A_61 = arith.subf %sub3A_60, %logistic3A_59 : vector<1024x128xf32>
    %add3A_62 = vector.broadcast %add3A_36 : vector<1x128xf32> to vector<1024x128xf32>
    %add3A_63 = arith.addf %dot_general3A_52, %add3A_62 : vector<1024x128xf32>
    %tanh3A = math.tanh %add3A_63 : vector<1024x128xf32>
    %mul3A_64 = arith.mulf %sub3A_61, %tanh3A : vector<1024x128xf32>
    %swap3A = arith.constant 0 : index
    %swap3A_65 = arith.constant 0 : index
    %swap3A_66 = vector.load %arg12[%swap3A, %swap3A_65] : memref<1024x128xf32, #tpu.memory_space<vmem>>, vector<1024x128xf32>
    tpu.vector_store %arg12[%swap3A, %swap3A_65], %mul3A_64 {strides = array<i32>} : memref<1024x128xf32, #tpu.memory_space<vmem>>, vector<1024x128xf32>,
    %slice3A = vector.extract_strided_slice %mul3A_64 {offsets = [0, 0], sizes = [1024, 64], strides = [1, 1]} : vector<1024x128xf32> to vector<1024x64xf32>
    %convert_element_type3A = arith.truncf %slice3A : vector<1024x64xf32> to vector<1024x64xbf16>
    %bitcast_convert_type3A = tpu.bitcast %convert_element_type3A : vector<1024x64xbf16> -> vector<1024x64xi16>
    %convert_element_type3A_67 = arith.extui %bitcast_convert_type3A : vector<1024x64xi16> to vector<1024x64xi32>
    %slice3A_68 = vector.extract_strided_slice %mul3A_64 {offsets = [0, 64], sizes = [1024, 64], strides = [1, 1]} : vector<1024x128xf32> to vector<1024x64xf32>
    %convert_element_type3A_69 = arith.truncf %slice3A_68 : vector<1024x64xf32> to vector<1024x64xbf16>
    %bitcast_convert_type3A_70 = tpu.bitcast %convert_element_type3A_69 : vector<1024x64xbf16> -> vector<1024x64xi16>
    %convert_element_type3A_71 = arith.extui %bitcast_convert_type3A_70 : vector<1024x64xi16> to vector<1024x64xi32>
    %shift_left3A = arith.constant 16 : i32
    %shift_left3A_72 = vector.broadcast %shift_left3A : i32 to vector<1024x64xi32>
    %shift_left3A_73 = arith.shli %convert_element_type3A_71, %shift_left3A_72 : vector<1024x64xi32>
    %or3A = arith.ori %convert_element_type3A_67, %shift_left3A_73 : vector<1024x64xi32>
    %bitcast_convert_type3A_74 = tpu.bitcast %or3A : vector<1024x64xi32> -> vector<1024x64xi32>
    %transpose3A = tpu.transpose %bitcast_convert_type3A_74, [1, 0] : vector<1024x64xi32> -> vector<64x1024xi32>
    %swap3A_75 = arith.constant 0 : index
    %swap3A_76 = arith.constant 0 : index
    %swap3A_77 = vector.load %arg13[%swap3A_75, %swap3A_76] : memref<64x1024xi32, #tpu.memory_space<vmem>>, vector<64x1024xi32>
    tpu.vector_store %arg13[%swap3A_75, %swap3A_76], %transpose3A {strides = array<i32>} : memref<64x1024xi32, #tpu.memory_space<vmem>>, vector<64x1024xi32>,
    return
  }
  func.func @transform_0(%arg0: i32) -> (i32, i32) {
    %c0_i32 = arith.constant 0 : i32
    %c0_i32_0 = arith.constant 0 : i32
    return %c0_i32, %arg0 : i32, i32
  }
  func.func @transform_1(%arg0: i32) -> (i32, i32) {
    %c0_i32 = arith.constant 0 : i32
    %c0_i32_0 = arith.constant 0 : i32
    return %c0_i32, %arg0 : i32, i32
  }
  func.func @transform_2(%arg0: i32) -> (i32, i32) {
    %c0_i32 = arith.constant 0 : i32
    %c0_i32_0 = arith.constant 0 : i32
    return %c0_i32, %arg0 : i32, i32
  }
  func.func @transform_3(%arg0: i32) -> (i32, i32) {
    %c0_i32 = arith.constant 0 : i32
    %c0_i32_0 = arith.constant 0 : i32
    %c0_i32_1 = arith.constant 0 : i32
    return %c0_i32, %c0_i32_0 : i32, i32
  }
  func.func @transform_4(%arg0: i32) -> (i32, i32) {
    %c0_i32 = arith.constant 0 : i32
    %c0_i32_0 = arith.constant 0 : i32
    %c0_i32_1 = arith.constant 0 : i32
    return %c0_i32, %c0_i32_0 : i32, i32
  }
  func.func @transform_5(%arg0: i32) -> (i32, i32) {
    %c0_i32 = arith.constant 0 : i32
    %c0_i32_0 = arith.constant 0 : i32
    %c0_i32_1 = arith.constant 0 : i32
    return %c0_i32, %c0_i32_0 : i32, i32
  }
  func.func @transform_6(%arg0: i32) -> (i32, i32) {
    %c0_i32 = arith.constant 0 : i32
    %c0_i32_0 = arith.constant 0 : i32
    %c0_i32_1 = arith.constant 0 : i32
    return %c0_i32, %c0_i32_0 : i32, i32
  }
  func.func @transform_7(%arg0: i32) -> (i32, i32) {
    %c0_i32 = arith.constant 0 : i32
    %c0_i32_0 = arith.constant 0 : i32
    %c0_i32_1 = arith.constant 0 : i32
    return %c0_i32, %c0_i32_0 : i32, i32
  }
  func.func @transform_8(%arg0: i32) -> (i32, i32) {
    %c0_i32 = arith.constant 0 : i32
    %c0_i32_0 = arith.constant 0 : i32
    %c0_i32_1 = arith.constant 0 : i32
    return %c0_i32, %c0_i32_0 : i32, i32
  }
  func.func @transform_9(%arg0: i32) -> (i32, i32) {
    %c0_i32 = arith.constant 0 : i32
    %c0_i32_0 = arith.constant 0 : i32
    %c0_i32_1 = arith.constant 0 : i32
    return %c0_i32, %c0_i32_0 : i32, i32
  }
  func.func @transform_10(%arg0: i32) -> (i32, i32) {
    %c0_i32 = arith.constant 0 : i32
    %c0_i32_0 = arith.constant 0 : i32
    %c0_i32_1 = arith.constant 0 : i32
    return %c0_i32, %c0_i32_0 : i32, i32
  }
  func.func @transform_11(%arg0: i32) -> (i32, i32) {
    %c0_i32 = arith.constant 0 : i32
    %c0_i32_0 = arith.constant 0 : i32
    return %arg0, %c0_i32 : i32, i32
  }
  func.func @transform_12(%arg0: i32) -> (i32, i32) {
    %c0_i32 = arith.constant 0 : i32
    %c0_i32_0 = arith.constant 0 : i32
    return %c0_i32, %arg0 : i32, i32
  }
}

module attributes {stable_mosaic.version = 14 : i64} {
  func.func @_red_body(%arg0: i32, %arg1: memref<32x12800xf32, #tpu.memory_space<vmem>>, %arg2: memref<32x12800xf32, #tpu.memory_space<vmem>>, %arg3: memref<1x12800xf32, #tpu.memory_space<vmem>>, %arg4: memref<1x12800xf32, #tpu.memory_space<vmem>>) attributes {dimension_semantics = [#tpu.dimension_semantics<arbitrary>], iteration_bounds = array<i64: 25>, scalar_prefetch = 0 : i64, scratch_operands = 0 : i64, tpu.core_type = #tpu.core_type<tc>, window_params = [{transform_indices = @transform_0, window_bounds = array<i64: 32, 12800>}, {transform_indices = @transform_1, window_bounds = array<i64: 32, 12800>}, {transform_indices = @transform_2, window_bounds = array<i64: 1, 12800>}, {transform_indices = @transform_3, window_bounds = array<i64: 1, 12800>}]} {
    %get3A = arith.constant 0 : index
    %get3A_0 = arith.constant 0 : index
    %get3A_1 = vector.load %arg1[%get3A, %get3A_0] : memref<32x12800xf32, #tpu.memory_space<vmem>>, vector<32x12800xf32>
    %reduce_sum3A = arith.constant dense<0.000000e+00> : vector<12800xf32>
    %reduce_sum3A_2 = vector.multi_reduction <add>, %get3A_1, %reduce_sum3A [0] : vector<32x12800xf32> to vector<12800xf32>
    %broadcast_in_dim3A = vector.shape_cast %reduce_sum3A_2 : vector<12800xf32> to vector<1x12800xf32>
    %swap3A = arith.constant 0 : index
    %swap3A_3 = arith.constant 0 : index
    %swap3A_4 = vector.load %arg3[%swap3A, %swap3A_3] : memref<1x12800xf32, #tpu.memory_space<vmem>>, vector<1x12800xf32>
    tpu.vector_store %arg3[%swap3A, %swap3A_3], %broadcast_in_dim3A {strides = array<i32>} : memref<1x12800xf32, #tpu.memory_space<vmem>>, vector<1x12800xf32>,
    %get3A_5 = arith.constant 0 : index
    %get3A_6 = arith.constant 0 : index
    %get3A_7 = vector.load %arg2[%get3A_5, %get3A_6] : memref<32x12800xf32, #tpu.memory_space<vmem>>, vector<32x12800xf32>
    %reduce_sum3A_8 = arith.constant dense<0.000000e+00> : vector<12800xf32>
    %reduce_sum3A_9 = vector.multi_reduction <add>, %get3A_7, %reduce_sum3A_8 [0] : vector<32x12800xf32> to vector<12800xf32>
    %broadcast_in_dim3A_10 = vector.shape_cast %reduce_sum3A_9 : vector<12800xf32> to vector<1x12800xf32>
    %swap3A_11 = arith.constant 0 : index
    %swap3A_12 = arith.constant 0 : index
    %swap3A_13 = vector.load %arg4[%swap3A_11, %swap3A_12] : memref<1x12800xf32, #tpu.memory_space<vmem>>, vector<1x12800xf32>
    tpu.vector_store %arg4[%swap3A_11, %swap3A_12], %broadcast_in_dim3A_10 {strides = array<i32>} : memref<1x12800xf32, #tpu.memory_space<vmem>>, vector<1x12800xf32>,
    return
  }
  func.func @transform_0(%arg0: i32) -> (i32, i32) {
    %c0_i32 = arith.constant 0 : i32
    %c0_i32_0 = arith.constant 0 : i32
    return %c0_i32, %arg0 : i32, i32
  }
  func.func @transform_1(%arg0: i32) -> (i32, i32) {
    %c0_i32 = arith.constant 0 : i32
    %c0_i32_0 = arith.constant 0 : i32
    return %c0_i32, %arg0 : i32, i32
  }
  func.func @transform_2(%arg0: i32) -> (i32, i32) {
    %c0_i32 = arith.constant 0 : i32
    %c0_i32_0 = arith.constant 0 : i32
    return %c0_i32, %arg0 : i32, i32
  }
  func.func @transform_3(%arg0: i32) -> (i32, i32) {
    %c0_i32 = arith.constant 0 : i32
    %c0_i32_0 = arith.constant 0 : i32
    return %c0_i32, %arg0 : i32, i32
  }
}

</mosaic_0001>

<sc_bundles>
// kernel: kernel.11.cloned.1.call-start
scs
__scs_entry_jumppad:
0x0: {  	(pc) =	sbr.rel $0x88, $3  }
0x1: {  	(tag) =	ssettag $0x0;
	lr =	simm.s32 $0x1  }
0x2: {  	[smem:$0x3F92] =	sst lr;
	_ =	strace $0xD0000000  }
0x3: {  	_ = 	snop  }
0x4: {  	_ = 	snop  }
0x5: {  	_ = 	snop  }
0x6: {  	_ = 	snop  }
0x7: {  	_ = 	snop  }
__scs_overlays_trampoline_lowered:
0x8: {  	[smem:$0x3FA1] =	sst s0  }
0x9: {  	[smem:$0x3FA2] =	sst s1  }
0xa: {  	[smem:$0x3FA3] =	sst s2  }
0xb: {  	[smem:$0x3FA4] =	sst s3  }
0xc: {  	[smem:$0x3FA5] =	sst s4  }
0xd: {  	[smem:$0x3FA6] =	sst s5  }
0xe: {  	[smem:$0x3FA7] =	sst s6  }
0xf: {  	[smem:$0x3FA8] =	sst s7  }
0x10: {  	[smem:$0x3FA9] =	sst s8  }
0x11: {  	[smem:$0x3FAA] =	sst s9;
	s0 =	simm.s32 @!p0 $0x0  }
0x12: {  	s1 =	sld [smem:$0x3F90];
	s0 =	simm.s32 @p0 $0x1  }
0x13: {  	[smem:$0x3FAB] =	sst s0;
	s0 =	simm.s32 @!p1 $0x0  }
0x14: {  	s2 =	sld [smem:$0x3F8F];
	s0 =	simm.s32 @p1 $0x1  }
0x15: {  	[smem:$0x3FAC] =	sst s0;
	s0 =	simm.s32 @!p2 $0x0  }
0x16: {  	s3 =	sld [smem:$0x3FDB];
	s0 =	simm.s32 @p2 $0x1  }
0x17: {  	s4 =	simm.s32 $0x1BF5;
	[smem:$0x3FAE] =	sst s0  }
0x18: {  	s0 =	sld [smem:$0x3F91];
	_ =	swait.ge [sflag:s4], $0x0  }
0x19: {  	s7 =	sld [smem:$0x3F92]  }
0x1a: {  	s8 =	sadd.s32 $0xFFFFE003, lr  }
0x1b: {  	s9 =	sadd.s32 $0xFFFFFEF7, lr;
	s5 =	simm.s32 $0xFFFFFFFF;
	p2 =	slt.u32 s8, $0xFFFFF086  }
0x1c: {  	p1 =	slt.u32 s9, $0xF7A;
	s5 =	simm.s32 @!p2 $0x0  }
0x1d: {  	s5 =	simm.s32 @p1 $0x1;
	p0 =	seq.s32 s7, s2  }
0x1e: {  	s7 =	smul.u32 @!p0 $0xF7A, s2;
	p2 =	seq.s32 @!p0 s5, $0x0  }
0x1f: {  	s9 =	smul.u32 $0xF7A, s1;
	s8 =	simm.s32 @!p0 $0x1BF5;
	p2 =	por !p2, p0  }
0x20: {  	[sflag:s8] =	ssyncset.s32 @!p0 $0xFFFFF086;
	s6 =	sadd.s32 @!p0 s3, s7;
	s7 =	simm.s32 @!p0 $0x108  }
0x21: {  	s3 =	sadd.s32 s3, s9;
	s6 =	sadd.s32 @!p0 $0x88, s6;
	s7 =	simm.s32 @p2 $0x1082  }
0x22: {  	[simem:s7], [sflag:s8] =	dma.local @!p0 [hbm:s6], $0xF7A  }
0x23: {  	s9 =	sor.u32 $0xD0000000, s2;
	s6 =	simm.s32 $0x108;
	_ =	swait.ge @!p0 [sflag:s8], $0x0  }
0x24: {  	s3 =	sadd.s32 $0x88, s3;
	s6 =	simm.s32 @!p1 $0x1082;
	[sflag:s4] =	ssyncset.s32 $0xFFFFF086  }
0x25: {  	[simem:s6], [sflag:s4] =	dma.local [hbm:s3], $0xF7A  }
0x26: {  	[smem:$0x3F92] =	sst s1;
	(tag) =	ssettag s2;
	_ =	strace s9  }
0x27: {  	s1 =	sld [smem:$0x3FA2]  }
0x28: {  	s2 =	sld [smem:$0x3FA3]  }
0x29: {  	s4 =	sld [smem:$0x3FA5]  }
0x2a: {  	p0 =	seq.s32 s5, $0x0;
	s5 =	sld [smem:$0x3FA6]  }
0x2b: {  	s6 =	sld [smem:$0x3FA7]  }
0x2c: {  	s7 =	sld [smem:$0x3FA8]  }
0x2d: {  	s3 =	simm.s32 $0x108;
	s8 =	sld [smem:$0x3FA9]  }
0x2e: {  	s3 =	simm.s32 @!p0 $0x1082;
	s9 =	sld [smem:$0x3FAA]  }
0x2f: {  	lr =	sadd.s32 s0, s3;
	s0 =	sld [smem:$0x3FA1]  }
0x30: {  	s3 =	sld [smem:$0x3FA4]  }
0x31: {  	[smem:$0x3FAD] =	sst s10  }
0x32: {  	s10 =	sld [smem:$0x3FAB];
	_ =	sdelay $0x3  }
0x33: {  	p0 =	seq.s32 s10, $0x1;
	s10 =	sld [smem:$0x3FAD];
	_ =	sdelay $0x3  }
0x34: {  	[smem:$0x3FAD] =	sst s10  }
0x35: {  	s10 =	sld [smem:$0x3FAC];
	_ =	sdelay $0x3  }
0x36: {  	p1 =	seq.s32 s10, $0x1;
	s10 =	sld [smem:$0x3FAD];
	_ =	sdelay $0x3  }
0x37: {  	[smem:$0x3FAD] =	sst s10  }
0x38: {  	s10 =	sld [smem:$0x3FAE]  }
0x39: {  	_ = 	snop;
	(pc) =	sbr.ind lr, $3  }
0x3a: {  	_ = 	snop  }
0x3b: {  	_ = 	snop  }
0x3c: {  	p2 =	seq.s32 s10, $0x1;
	s10 =	sld [smem:$0x3FAD]  }
0x3d: {  	_ =	shalt  }
0x3e: {  	_ =	shalt  }
0x3f: {  	_ =	shalt  }
0x40: {  	_ =	shalt  }
0x41: {  	_ =	shalt  }
0x42: {  	_ =	shalt  }
0x43: {  	_ =	shalt  }
0x44: {  	_ =	shalt  }
0x45: {  	_ =	shalt  }
0x46: {  	_ =	shalt  }
0x47: {  	_ =	shalt  }
0x48: {  	_ =	shalt  }
0x49: {  	_ =	shalt  }
0x4a: {  	_ =	shalt  }
0x4b: {  	_ =	shalt  }
0x4c: {  	_ =	shalt  }
0x4d: {  	_ =	shalt  }
0x4e: {  	_ =	shalt  }
0x4f: {  	_ =	shalt  }
0x50: {  	_ =	shalt  }
0x51: {  	_ =	shalt  }
0x52: {  	_ =	shalt  }
0x53: {  	_ =	shalt  }
0x54: {  	_ =	shalt  }
0x55: {  	_ =	shalt  }
0x56: {  	_ =	shalt  }
0x57: {  	_ =	shalt  }
0x58: {  	_ =	shalt  }
0x59: {  	_ =	shalt  }
0x5a: {  	_ =	shalt  }
0x5b: {  	_ =	shalt  }
0x5c: {  	_ =	shalt  }
0x5d: {  	_ =	shalt  }
0x5e: {  	_ =	shalt  }
0x5f: {  	_ =	shalt  }
0x60: {  	_ =	shalt  }
0x61: {  	_ =	shalt  }
0x62: {  	_ =	shalt  }
0x63: {  	_ =	shalt  }
0x64: {  	_ =	shalt  }
0x65: {  	_ =	shalt  }
0x66: {  	_ =	shalt  }
0x67: {  	_ =	shalt  }
0x68: {  	_ =	shalt  }
0x69: {  	_ =	shalt  }
0x6a: {  	_ =	shalt  }
0x6b: {  	_ =	shalt  }
0x6c: {  	_ =	shalt  }
0x6d: {  	_ =	shalt  }
0x6e: {  	_ =	shalt  }
0x6f: {  	_ =	shalt  }
0x70: {  	_ =	shalt  }
0x71: {  	_ =	shalt  }
0x72: {  	_ =	shalt  }
0x73: {  	_ =	shalt  }
0x74: {  	_ =	shalt  }
0x75: {  	_ =	shalt  }
0x76: {  	_ =	shalt  }
0x77: {  	_ =	shalt  }
0x78: {  	_ =	shalt  }
0x79: {  	_ =	shalt  }
0x7a: {  	_ =	shalt  }
0x7b: {  	_ =	shalt  }
0x7c: {  	_ =	shalt  }
0x7d: {  	_ =	shalt  }
0x7e: {  	_ =	shalt  }
0x7f: {  	_ =	shalt  }
0x80: {  	_ =	shalt  }
0x81: {  	_ =	shalt  }
0x82: {  	_ =	shalt  }
0x83: {  	_ =	shalt  }
0x84: {  	_ =	shalt  }
0x85: {  	_ =	shalt  }
0x86: {  	_ =	shalt  }
0x87: {  	_ =	shalt  }
.Lfunc_end0:
.L_simem_size_0:
called_computation.1_lowered:
.L_overlay_start_0:
0x88: {  	s2 =	sld [smem:$0x3FD9]  }
0x89: {  	s3 =	sld [smem:$0x3FFE];
	_ =	sdelay $0x1  }
0x8a: {  	s1 =	srdreg.scid  }
0x8b: {  	s0 =	sand.u32 $0x1, s1  }
0x8c: {  	s14 =	sshll.u32 s0, $0xA;
	s2 =	sadd.s32 s3, s2  }
0x8d: {  	s2 =	sadd.s32 s2, s14  }
0x8e: {  	[smem:$0x3FB9] =	sst s2  }
0x8f: {  	_ = 	snop  }
0x90: {  	s2 =	sld [smem:$0x3FD0];
	_ =	sdelay $0x2  }
0x91: {  	s15 =	simm.s32 $0xA;
	s4 =	simm.s32 $0x10  }
0x92: {  	[smem:s4], [sflag:s15] =	dma.local [hbm:s2], $0x1  }
0x93: {  	_ =	swait.eq [sflag:s15], $0x1  }
0x94: {  	s16 =	sld [smem:$0x10];
	[sflag:s15] =	ssyncset.done $0x0  }
0x95: {  	s17 =	sld [smem:$0x11];
	[sflag:s15] =	ssyncadd.s32 $0xFFFFFFFF  }
0x96: {  	s18 =	sld [smem:$0x12];
	(tm) =	ssettm $0x1  }
0x97: {  	s5 =	sld [smem:$0x3FFB];
	_ =	sdelay $0x3  }
0x98: {  	_ =	strace s5  }
0x99: {  	s5 =	sld [smem:$0x3FFC];
	_ =	sdelay $0x3  }
0x9a: {  	_ =	strace s5  }
0x9b: {  	s5 =	sld [smem:$0x3FFD];
	_ =	sdelay $0x3  }
0x9c: {  	_ =	strace s5  }
0x9d: {  	_ =	strace $0x8FFFFFFF  }
0x9e: {  	s19 =	sld [smem:$0x3FDB];
	_ =	sdelay $0x1  }
0x9f: {  	s6 =	simm.s32 $_scs_section_size  }
0xa0: {  	s7 =	simm.s32 $_size__tile_overlayer_lowered;
	s8 =	simm.s32 $_tile_overlayer_lowered  }
0xa1: {  	s22 =	simm.s32 $0x1BFF;
	s21 =	sshll.u32 s8, $0x1;
	s5 =	sadd.s32 s6, s19  }
0xa2: {  	s9 =	simm.s32 $0x0;
	s20 =	sshll.u32 s7, $0x1;
	s7 =	sadd.s32 s21, s5  }
0xa3: {  	[timem:s9], [sflag:s22] =	dma.local [hbm:s7], s20  }
0xa4: {  	_ =	swait.ge [sflag:s22], s20  }
0xa5: {  	s6 =	ssub.s32 $0x0, s20;
	[sflag:s22] =	ssyncset.done $0x0  }
0xa6: {  	[sflag:s22] =	ssyncadd.s32 s6;
	_ =	sdelay $0x1  }
0xa7: {  	s23 =	simm.s32 $0x1B8B  }
0xa8: {  	_ =	swait.ge [sflag:s23], $0x1  }
0xa9: {  	[sflag:s23] =	ssyncset.done $0x0  }
0xaa: {  	s25 =	simm.s32 $0x1B8E;
	s24 =	sld [smem:$0x3FFE];
	[sflag:s23] =	ssyncadd.s32 $0xFFFFFFFF  }
0xab: {  	s26 =	simm.s32 $execute0_lowered;
	[smem:$0x3FD2] =	sst s25  }
0xac: {  	s7 =	sshll.u32 s26, $0x1;
	_ =	strace $0x80000049;
	[dreg:$0x1] =	wrdreg $0xFFFFFFFF  }
0xad: {  	s28 =	simm.s32 $_size_execute0_lowered;
	s5 =	sadd.s32 s5, s7;
	[dreg:$0x0] =	wrdreg $0x0  }
0xae: {  	s7 =	sshll.u32 s28, $0x1;
	[dreg:$0x2] =	wrdreg s5  }
0xaf: {  	[dreg:$0x3] =	wrdreg s7  }
0xb0: {  	[dreg:$0x4] =	wrdreg $0xC0  }
0xb1: {  	_ =	task [dreg:s9], $0x5FFFF  }
0xb2: {  	[dreg:$0x1] =	wrdreg $0xFFFFFFFF  }
0xb3: {  	[dreg:$0x0] =	wrdreg $0x60  }
0xb4: {  	[dreg:$0x2] =	wrdreg s24  }
0xb5: {  	[dreg:$0x3] =	wrdreg s16  }
0xb6: {  	[dreg:$0x4] =	wrdreg s17  }
0xb7: {  	[dreg:$0x5] =	wrdreg s18  }
0xb8: {  	[dreg:$0x6] =	wrdreg $0x9  }
0xb9: {  	_ =	task.clear_ibuf [dreg:s9], $0x7FFFF;
	_ =	strace $0x90000049  }
0xba: {  	s29 =	simm.s32 $0x9;
	_ =	strace $0x8000004B  }
0xbb: {  	_ =	swait.ge [sflag:s29], $0x1  }
0xbc: {  	[sflag:s29] =	ssyncadd.s32 $0xFFFFFFFF  }
0xbd: {  	_ =	strace $0x9000004B  }
0xbe: {  	_ =	sfence  }
0xbf: {  	s30 =	sld [smem:$0x0];
	_ =	sdelay $0x2  }
0xc0: {  	s31 =	sshll.u32 s1, $0xD;
	s1 =	sshrl.u32 s1, $0x2  }
0xc1: {  	s3 =	sand.u32 $0x4000, s31;
	s1 =	sadd.s32 s1, s30  }
0xc2: {  	s0 =	sor.u32 s3, s0;
	s1 =	sshll.u32 s1, $0x11  }
0xc3: {  	s0 =	sor.u32 s1, s0  }
0xc4: {  	s0 =	sadd.s32 $0x8F2B, s0  }
0xc5: {  	[sflag:s0] =	ssyncadd.remote.s32 $0x1  }
0xc6: {  	_ =	sfence.sel $0xFFFF  }
0xc7: {  	[dreg:$0x0] =	wrdreg $0xFFFFFFFF;
	(pc) =	sbr.abs _section_cstart, $3  }
0xc8: {  	[dreg:$0x1] =	wrdreg $0xFFFFFFFF  }
0xc9: {  	_ =	task.clear_ibuf [dreg:s9], $0x2FFFF;
	_ =	strace $0x9FFFFFFF  }
0xca: {  	(tm) =	ssettm $0x7FFFFFFF  }
0xcb: {  	_ =	shalt  }
tec
execute0_lowered:
.L_overlay_start_1:
0x0: {  	(tag) =	ssettag $0x1  }
0x1: {  	s7 =	rddreg [dreg:$0x0]  }
0x2: {  	s1 =	rddreg [dreg:$0x1];
	s2 =	srdreg.scid  }
0x3: {  	s3 =	rddreg [dreg:$0x2];
	s0 =	stileid.u32  }
0x4: {  	s9 =	rddreg [dreg:$0x3];
	s4 =	simm.s32 $0x0;
	s13 =	simm.s32 $0x11170  }
0x5: {  	s14 =	simm.s32 $0x12A70;
	s15 =	simm.s32 $0x14370;
	s16 =	simm.s32 $0x1  }
0x6: {  	s17 =	simm.s32 $0x11DF0;
	s18 =	simm.s32 $0x136F0;
	s19 =	simm.s32 $0x14FF0  }
0x7: {  	s20 =	simm.s32 $0x7530;
	s21 =	simm.s32 $0x2;
	s5 =	sand.u32 $0x1, s2  }
0x8: {  	s22 =	simm.s32 $0xC350;
	s6 =	sshll.u32 s0, $0x2;
	s8 =	sshll.u32 s5, $0x1  }
0x9: {  	s23 =	simm.s32 $0x0;
	s2 =	rddreg [dreg:$0x4];
	s6 =	sor.u32 s8, s6  }
0xa: {  	[smem:$0x7FF] =	sst s4;
	s10 =	ssub.s32 $0x2, s5;
	s8 =	smul.u32 $0x4E2, s6  }
0xb: {  	_ =	strace $0x8000004A;
	s12 =	sshrl.u32 s10, $0x1;
	s11 =	smul.u32 $0x2710, s6  }
0xc: {  	s5 =	sadd.s32 $0x2A00, s7;
	s10 =	ssub.s32 s10, s12;
	s12 =	simm.s32 $0x2710  }
0xd: {  	s10 =	smax.u32 s10, $0x1;
	s31 =	sadd.s32 s8, s7;
	s11 =	sshrl.u32 s11, $0x3  }
0xe: {  	s7 =	sadd.s32 $0xC640, s7;
	s8 =	sadd.s32 s9, s8;
	s9 =	sadd.s32 s9, s11  }
0xf: {  	v0 =	vimm.f32 $0.0e+00;
	s6 =	sadd.s32 $0x20200, s31;
	s11 =	simm.s32 $0x3;
	s9 =	sadd.s32 $0x13880, s9  }
.LBB2_1:
0x10: {  	[tilespmem:s4], [sflag:$0x3] =	stream.linear.gather [hbm4b:s1+s4], $0x2710, $0x38;
	[tilespmem:$0x15C70] =	vst v63  }
0x11: {  	_ =	swait.ge [sflag:s11], $0x2710  }
0x12: {  	[sflag:s11] =	ssyncset.done $0x0  }
0x13: {  	[sflag:s11] =	ssyncadd.s32 $0xFFFFD8F0  }
0x14: {  	[tilespmem:s12], [sflag:$0x3] =	stream.linear.gather [hbm4b:s6+s4], $0x4E20, $0x38;
	[tilespmem:$0x15C70] =	vst v63  }
0x15: {  	_ =	swait.ge [sflag:s11], $0x4E20  }
0x16: {  	[sflag:s11] =	ssyncset.done $0x0  }
0x17: {  	s24 =	simm.s32 $0x7570;
	[sflag:s11] =	ssyncadd.s32 $0xFFFFB1E0  }
0x18: {  	[tilespmem:s24+$0xFFFFFFC0] =	vst v0  }
0x19: {  	[tilespmem:s24+$0x30] =	vst v0  }
0x1a: {  	[tilespmem:s24+$0x20] =	vst v0  }
0x1b: {  	[tilespmem:s24+$0x10] =	vst v0  }
0x1c: {  	[tilespmem:s24+$0x0] =	vst v0  }
0x1d: {  	[tilespmem:s24+$0xFFFFFFF0] =	vst v0  }
0x1e: {  	s25 =	simm.s32 $0x0;
	[tilespmem:s24+$0xFFFFFFE0] =	vst v0  }
.LBB2_2:
0x1f: {  	s25 =	sadd.s32 $0x8, s25;
	[tilespmem:s24+$0xFFFFFFD0] =	vst v0;
	s24 =	sadd.s32 $0x80, s24  }
0x20: {  	[tilespmem:s24+$0xFFFFFFC0] =	vst v0;
	p0 =	slt.u32 s25, $0x268  }
0x21: {  	[tilespmem:s24+$0x30] =	vst v0  }
.Ltmp0:
0x22: {  	[tilespmem:s24+$0x20] =	vst v0;
	(pc) =	sbr.rel @p0 .LBB2_2-.Ltmp0, $4  }
0x23: {  	[tilespmem:s24+$0x10] =	vst v0  }
0x24: {  	[tilespmem:s24+$0x0] =	vst v0  }
0x25: {  	[tilespmem:s24+$0xFFFFFFF0] =	vst v0  }
0x26: {  	[tilespmem:s24+$0xFFFFFFE0] =	vst v0  }
0x27: {  	[tilespmem:s24+$0xFFFFFFD0] =	vst v0  }
0x28: {  	s24 =	simm.s32 $0x9CB0;
	[tilespmem:$0x9C30] =	vst v0  }
0x29: {  	[tilespmem:s24+$0xFFFFFF90] =	vst v0  }
0x2a: {  	[tilespmem:s24+$0x0] =	vst v0  }
0x2b: {  	[tilespmem:s24+$0xFFFFFFF0] =	vst v0  }
0x2c: {  	[tilespmem:s24+$0xFFFFFFE0] =	vst v0  }
0x2d: {  	[tilespmem:s24+$0xFFFFFFD0] =	vst v0  }
0x2e: {  	[tilespmem:s24+$0xFFFFFFC0] =	vst v0  }
0x2f: {  	s25 =	simm.s32 $0x0;
	[tilespmem:s24+$0xFFFFFFB0] =	vst v0  }
.LBB2_4:
0x30: {  	s25 =	sadd.s32 $0x8, s25;
	[tilespmem:s24+$0xFFFFFFA0] =	vst v0;
	s24 =	sadd.s32 $0x80, s24  }
0x31: {  	[tilespmem:s24+$0xFFFFFF90] =	vst v0;
	p0 =	slt.u32 s25, $0x268  }
0x32: {  	[tilespmem:s24+$0x0] =	vst v0  }
.Ltmp1:
0x33: {  	[tilespmem:s24+$0xFFFFFFF0] =	vst v0;
	(pc) =	sbr.rel @p0 .LBB2_4-.Ltmp1, $4  }
0x34: {  	[tilespmem:s24+$0xFFFFFFE0] =	vst v0  }
0x35: {  	[tilespmem:s24+$0xFFFFFFD0] =	vst v0  }
0x36: {  	[tilespmem:s24+$0xFFFFFFC0] =	vst v0  }
0x37: {  	[tilespmem:s24+$0xFFFFFFB0] =	vst v0  }
0x38: {  	[tilespmem:s24+$0xFFFFFFA0] =	vst v0  }
0x39: {  	s24 =	simm.s32 $0xC3C0;
	[tilespmem:$0xC340] =	vst v0  }
0x3a: {  	[tilespmem:s24+$0xFFFFFF90] =	vst v0  }
0x3b: {  	[tilespmem:s24+$0x0] =	vst v0  }
0x3c: {  	[tilespmem:s24+$0xFFFFFFF0] =	vst v0  }
0x3d: {  	[tilespmem:s24+$0xFFFFFFE0] =	vst v0  }
0x3e: {  	[tilespmem:s24+$0xFFFFFFD0] =	vst v0  }
0x3f: {  	[tilespmem:s24+$0xFFFFFFC0] =	vst v0  }
0x40: {  	s25 =	simm.s32 $0x0;
	[tilespmem:s24+$0xFFFFFFB0] =	vst v0  }
.LBB2_6:
0x41: {  	s25 =	sadd.s32 $0x8, s25;
	[tilespmem:s24+$0xFFFFFFA0] =	vst v0;
	s24 =	sadd.s32 $0x80, s24  }
0x42: {  	[tilespmem:s24+$0xFFFFFF90] =	vst v0;
	p0 =	slt.u32 s25, $0x268  }
0x43: {  	[tilespmem:s24+$0x0] =	vst v0  }
.Ltmp2:
0x44: {  	[tilespmem:s24+$0xFFFFFFF0] =	vst v0;
	(pc) =	sbr.rel @p0 .LBB2_6-.Ltmp2, $4  }
0x45: {  	[tilespmem:s24+$0xFFFFFFE0] =	vst v0  }
0x46: {  	[tilespmem:s24+$0xFFFFFFD0] =	vst v0  }
0x47: {  	[tilespmem:s24+$0xFFFFFFC0] =	vst v0  }
0x48: {  	[tilespmem:s24+$0xFFFFFFB0] =	vst v0  }
0x49: {  	[tilespmem:s24+$0xFFFFFFA0] =	vst v0  }
0x4a: {  	s24 =	simm.s32 $0xEAD0;
	[tilespmem:$0xEA50] =	vst v0  }
0x4b: {  	[tilespmem:s24+$0xFFFFFF90] =	vst v0  }
0x4c: {  	[tilespmem:s24+$0x0] =	vst v0  }
0x4d: {  	[tilespmem:s24+$0xFFFFFFF0] =	vst v0  }
0x4e: {  	[tilespmem:s24+$0xFFFFFFE0] =	vst v0  }
0x4f: {  	[tilespmem:s24+$0xFFFFFFD0] =	vst v0  }
0x50: {  	[tilespmem:s24+$0xFFFFFFC0] =	vst v0  }
0x51: {  	s25 =	simm.s32 $0x0;
	[tilespmem:s24+$0xFFFFFFB0] =	vst v0  }
.LBB2_8:
0x52: {  	s25 =	sadd.s32 $0x8, s25;
	[tilespmem:s24+$0xFFFFFFA0] =	vst v0;
	s24 =	sadd.s32 $0x80, s24  }
0x53: {  	[tilespmem:s24+$0xFFFFFF90] =	vst v0;
	p0 =	slt.u32 s25, $0x268  }
0x54: {  	[tilespmem:s24+$0x0] =	vst v0  }
.Ltmp3:
0x55: {  	[tilespmem:s24+$0xFFFFFFF0] =	vst v0;
	(pc) =	sbr.rel @p0 .LBB2_8-.Ltmp3, $4  }
0x56: {  	[tilespmem:s24+$0xFFFFFFE0] =	vst v0  }
0x57: {  	[tilespmem:s24+$0xFFFFFFD0] =	vst v0  }
0x58: {  	[tilespmem:s24+$0xFFFFFFC0] =	vst v0  }
0x59: {  	[tilespmem:s24+$0xFFFFFFB0] =	vst v0  }
0x5a: {  	[tilespmem:s24+$0xFFFFFFA0] =	vst v0  }
0x5b: {  	s24 =	simm.s32 $0x0;
	[tilespmem:$0x11160] =	vst v0  }
0x5c: {  	[tilespmem:s13], [sflag:$0x1] =	stream.linear.gather [hbm4b:s5+s24], $0xC80, $0x38;
	[tilespmem:$0x15C70] =	vst v63  }
0x5d: {  	_ = 	snop  }
0x5e: {  	[tilespmem:s14], [sflag:$0x1] =	stream.linear.gather [hbm4b:s7+s24], $0xC80, $0x38;
	[tilespmem:$0x15C70] =	vst v63  }
0x5f: {  	_ = 	snop  }
0x60: {  	[tilespmem:s15], [sflag:$0x1] =	stream.linear.gather [hbm4b:s3+s24], $0xC80, $0x38;
	[tilespmem:$0x15C70] =	vst v63  }
.LBB2_10:
0x61: {  	_ =	swait.ge [sflag:s16], $0xC80  }
0x62: {  	[sflag:s16] =	ssyncset.done $0x0  }
0x63: {  	[sflag:s16] =	ssyncadd.s32 $0xFFFFF380  }
0x64: {  	_ =	swait.ge [sflag:s16], $0xC80  }
0x65: {  	s25 =	smul.u32 $0x1900, s24;
	[sflag:s16] =	ssyncset.done $0x0  }
0x66: {  	[sflag:s16] =	ssyncadd.s32 $0xFFFFF380  }
0x67: {  	s26 =	sshrl.u32 s25, $0x3;
	_ =	swait.ge [sflag:s16], $0xC80  }
0x68: {  	s28 =	sadd.s32 $0x190, s26;
	[sflag:s16] =	ssyncset.done $0x0  }
0x69: {  	s26 =	sadd.s32 s5, s26;
	s29 =	sadd.s32 s5, s28;
	[sflag:s16] =	ssyncadd.s32 $0xFFFFF380  }
0x6a: {  	[tilespmem:s17], [sflag:$0x2] =	stream.linear.gather [hbm4b:s29+s4], $0xC80, $0x38;
	[tilespmem:$0x15C70] =	vst v63  }
0x6b: {  	s26 =	sadd.s32 $0x9DD0, s26  }
0x6c: {  	[tilespmem:s18], [sflag:$0x2] =	stream.linear.gather [hbm4b:s26+s4], $0xC80, $0x38;
	[tilespmem:$0x15C70] =	vst v63  }
0x6d: {  	s31 =	sadd.s32 s3, s28;
	s29 =	simm.s32 $0x111B0  }
0x6e: {  	[tilespmem:s19], [sflag:$0x2] =	stream.linear.gather [hbm4b:s31+s4], $0xC80, $0x38;
	[tilespmem:$0x15C70] =	vst v63  }
0x6f: {  	v1 =	vld [tilespmem:s29+$0x30]  }
0x70: {  	v2 =	vld [tilespmem:s29+$0xFFFFFFD0]  }
0x71: {  	v3 =	vld [tilespmem:s29+$0xFFFFFFE0]  }
0x72: {  	v4 =	vld [tilespmem:s29+$0xFFFFFFF0]  }
0x73: {  	v5 =	vld [tilespmem:s29+$0x0]  }
0x74: {  	v6 =	vld [tilespmem:s29+$0x10]  }
0x75: {  	s26 =	simm.s32 $0x12AB0;
	v7 =	vld [tilespmem:s29+$0x20]  }
0x76: {  	v8 =	vld [tilespmem:s26+$0x30]  }
0x77: {  	s28 =	simm.s32 $0x143B0;
	v10 =	vld [tilespmem:s29+$0xFFFFFFC0]  }
0x78: {  	v11 =	vld [tilespmem:s28+$0x30]  }
0x79: {  	v39 =	vld [tilespmem:s28+$0xFFFFFFC0]  }
0x7a: {  	v40 =	vld [tilespmem:s28+$0xFFFFFFD0]  }
0x7b: {  	v20 =	vld [tilespmem:s28+$0xFFFFFFE0]  }
0x7c: {  	v22 =	vld [tilespmem:s28+$0xFFFFFFF0]  }
0x7d: {  	v23 =	vld [tilespmem:s28+$0x0]  }
0x7e: {  	v25 =	vld [tilespmem:s28+$0x10]  }
0x7f: {  	v9 =	vld.idx.msk [tilespmem:v1+s12+$0x0], $0xffff  }
0x80: {  	v26 =	vld [tilespmem:s28+$0x20]  }
0x81: {  	v41 =	vld [tilespmem:s26+$0xFFFFFFD0]  }
0x82: {  	v27 =	vld [tilespmem:s26+$0x0]  }
0x83: {  	v30 =	vld [tilespmem:s26+$0x10];
	v15 =	vadd.s32 $0x4E20, v8  }
0x84: {  	v32 =	vld [tilespmem:s26+$0x20];
	v1 =	vadd.s32 $0x2710, v1;
	v17 =	vunpack.i.l.bf16.f32 v9  }
0x85: {  	v12 =	vld.idx.msk [tilespmem:v2+s12+$0x0], $0xffff;
	v9 =	vunpack.i.u.bf16.f32 v9;
	v17 =	vmul.f32 v17, v11  }
0x86: {  	v13 =	vld.idx.msk [tilespmem:v3+s12+$0x0], $0xffff;
	v9 =	vmul.f32 v9, v11  }
0x87: {  	[tilespmem:v8+s20+$0x0] =	vst.idx.add.f32.msk $0xffff, v17  }
0x88: {  	[tilespmem:v15+s20+$0x0] =	vst.idx.add.f32.msk $0xffff, v9  }
0x89: {  	v1 =	vld.idx.msk [tilespmem:v1+s12+$0x0], $0xffff  }
0x8a: {  	v14 =	vld.idx.msk [tilespmem:v4+s12+$0x0], $0xffff  }
0x8b: {  	v16 =	vld.idx.msk [tilespmem:v5+s12+$0x0], $0xffff;
	v29 =	vunpack.i.l.bf16.f32 v12  }
0x8c: {  	v21 =	vadd.s32 $0x2710, v8;
	v18 =	vld.idx.msk [tilespmem:v6+s12+$0x0], $0xffff;
	v29 =	vmul.f32 v29, v40  }
0x8d: {  	v19 =	vld.idx.msk [tilespmem:v7+s12+$0x0], $0xffff;
	v8 =	vadd.s32 $0x7530, v8  }
0x8e: {  	[tilespmem:v41+s20+$0x0] =	vst.idx.add.f32.msk $0xffff, v29;
	v24 =	vunpack.i.l.bf16.f32 v1  }
0x8f: {  	v9 =	vld.idx.msk [tilespmem:v10+s12+$0x0], $0xffff;
	v1 =	vunpack.i.u.bf16.f32 v1;
	v24 =	vmul.f32 v24, v11  }
0x90: {  	v1 =	vmul.f32 v1, v11;
	v11 =	vld [tilespmem:s26+$0xFFFFFFC0]  }
0x91: {  	v47 =	vunpack.i.l.bf16.f32 v16;
	[tilespmem:v21+s20+$0x0] =	vst.idx.add.f32.msk $0xffff, v24  }
0x92: {  	v31 =	vadd.s32 $0x4E20, v41;
	v49 =	vmul.f32 v47, v23;
	[tilespmem:v8+s20+$0x0] =	vst.idx.add.f32.msk $0xffff, v1  }
0x93: {  	v2 =	vadd.s32 $0x2710, v2;
	v52 =	vunpack.i.l.bf16.f32 v19;
	v1 =	vld [tilespmem:s26+$0xFFFFFFE0]  }
0x94: {  	v12 =	vunpack.i.u.bf16.f32 v12;
	v54 =	vmul.f32 v52, v26;
	[tilespmem:v27+s20+$0x0] =	vst.idx.add.f32.msk $0xffff, v49  }
0x95: {  	v12 =	vmul.f32 v12, v40;
	v8 =	vld [tilespmem:s26+$0xFFFFFFF0];
	v28 =	vadd.s32 $0x4E20, v11  }
0x96: {  	[tilespmem:v32+s20+$0x0] =	vst.idx.add.f32.msk $0xffff, v54;
	v42 =	vunpack.i.l.bf16.f32 v9  }
0x97: {  	[tilespmem:v31+s20+$0x0] =	vst.idx.add.f32.msk $0xffff, v12;
	v10 =	vadd.s32 $0x2710, v10;
	v9 =	vunpack.i.u.bf16.f32 v9;
	v24 =	vmul.f32 v42, v39  }
0x98: {  	v43 =	vunpack.i.l.bf16.f32 v13;
	v2 =	vld.idx.msk [tilespmem:v2+s12+$0x0], $0xffff;
	v9 =	vmul.f32 v9, v39;
	v33 =	vadd.s32 $0x4E20, v1  }
0x99: {  	[tilespmem:v11+s20+$0x0] =	vst.idx.add.f32.msk $0xffff, v24;
	v24 =	vmul.f32 v43, v20  }
0x9a: {  	v13 =	vunpack.i.u.bf16.f32 v13;
	v44 =	vadd.s32 $0x4E20, v8;
	[tilespmem:v28+s20+$0x0] =	vst.idx.add.f32.msk $0xffff, v9  }
0x9b: {  	v3 =	vadd.s32 $0x2710, v3;
	v13 =	vmul.f32 v13, v20;
	v9 =	vunpack.i.l.bf16.f32 v14;
	[tilespmem:v1+s20+$0x0] =	vst.idx.add.f32.msk $0xffff, v24  }
0x9c: {  	v45 =	vunpack.i.u.bf16.f32 v14;
	v9 =	vmul.f32 v9, v22;
	v10 =	vld.idx.msk [tilespmem:v10+s12+$0x0], $0xffff  }
0x9d: {  	v46 =	vadd.s32 $0x4E20, v27;
	v12 =	vmul.f32 v45, v22;
	[tilespmem:v33+s20+$0x0] =	vst.idx.add.f32.msk $0xffff, v13  }
0x9e: {  	v4 =	vadd.s32 $0x2710, v4;
	[tilespmem:v8+s20+$0x0] =	vst.idx.add.f32.msk $0xffff, v9;
	v9 =	vunpack.i.l.bf16.f32 v18  }
0x9f: {  	v53 =	vadd.s32 $0x4E20, v32;
	v48 =	vunpack.i.u.bf16.f32 v16;
	[tilespmem:v44+s20+$0x0] =	vst.idx.add.f32.msk $0xffff, v12;
	v9 =	vmul.f32 v9, v25  }
0xa0: {  	v5 =	vadd.s32 $0x2710, v5;
	v13 =	vmul.f32 v48, v23;
	v3 =	vld.idx.msk [tilespmem:v3+s12+$0x0], $0xffff  }
0xa1: {  	v50 =	vadd.s32 $0x4E20, v30;
	[tilespmem:v30+s20+$0x0] =	vst.idx.add.f32.msk $0xffff, v9;
	v9 =	vunpack.i.u.bf16.f32 v19  }
0xa2: {  	v6 =	vadd.s32 $0x2710, v6;
	[tilespmem:v46+s20+$0x0] =	vst.idx.add.f32.msk $0xffff, v13;
	v9 =	vmul.f32 v9, v26  }
0xa3: {  	v7 =	vadd.s32 $0x2710, v7;
	v51 =	vunpack.i.u.bf16.f32 v18;
	v4 =	vld.idx.msk [tilespmem:v4+s12+$0x0], $0xffff  }
0xa4: {  	v12 =	vmul.f32 v51, v25;
	[tilespmem:v53+s20+$0x0] =	vst.idx.add.f32.msk $0xffff, v9;
	v9 =	vadd.s32 $0x2710, v11  }
0xa5: {  	v5 =	vld.idx.msk [tilespmem:v5+s12+$0x0], $0xffff;
	v11 =	vadd.s32 $0x7530, v11  }
0xa6: {  	v55 =	vadd.s32 $0x2710, v41;
	v56 =	vunpack.i.l.bf16.f32 v10;
	[tilespmem:v50+s20+$0x0] =	vst.idx.add.f32.msk $0xffff, v12  }
0xa7: {  	v57 =	vadd.s32 $0x7530, v41;
	v10 =	vunpack.i.u.bf16.f32 v10;
	v13 =	vmul.f32 v56, v39;
	v6 =	vld.idx.msk [tilespmem:v6+s12+$0x0], $0xffff  }
0xa8: {  	v59 =	vunpack.i.l.bf16.f32 v2;
	v58 =	vadd.s32 $0x2710, v1;
	v10 =	vmul.f32 v10, v39;
	v7 =	vld.idx.msk [tilespmem:v7+s12+$0x0], $0xffff  }
0xa9: {  	v2 =	vunpack.i.u.bf16.f32 v2;
	v1 =	vadd.s32 $0x7530, v1;
	[tilespmem:v9+s20+$0x0] =	vst.idx.add.f32.msk $0xffff, v13;
	v9 =	vmul.f32 v59, v40  }
0xaa: {  	v2 =	vmul.f32 v2, v40;
	v60 =	vadd.s32 $0x2710, v8;
	v61 =	vunpack.i.l.bf16.f32 v3;
	[tilespmem:v11+s20+$0x0] =	vst.idx.add.f32.msk $0xffff, v10  }
0xab: {  	v8 =	vadd.s32 $0x7530, v8;
	v3 =	vunpack.i.u.bf16.f32 v3;
	[tilespmem:v55+s20+$0x0] =	vst.idx.add.f32.msk $0xffff, v9;
	v9 =	vmul.f32 v61, v20  }
0xac: {  	v10 =	vadd.s32 $0x2710, v27;
	v11 =	vunpack.i.l.bf16.f32 v4;
	[tilespmem:v57+s20+$0x0] =	vst.idx.add.f32.msk $0xffff, v2;
	v2 =	vmul.f32 v3, v20  }
0xad: {  	v62 =	vadd.s32 $0x7530, v27;
	v3 =	vunpack.i.u.bf16.f32 v4;
	v4 =	vmul.f32 v11, v22;
	[tilespmem:v58+s20+$0x0] =	vst.idx.add.f32.msk $0xffff, v9  }
0xae: {  	v11 =	vunpack.i.l.bf16.f32 v5;
	v9 =	vadd.s32 $0x2710, v30;
	v63 =	vmul.f32 v3, v22;
	[tilespmem:v1+s20+$0x0] =	vst.idx.add.f32.msk $0xffff, v2  }
0xaf: {  	v1 =	vunpack.i.u.bf16.f32 v5;
	v2 =	vmul.f32 v11, v23;
	[tilespmem:v60+s20+$0x0] =	vst.idx.add.f32.msk $0xffff, v4  }
0xb0: {  	v3 =	vadd.s32 $0x7530, v30;
	v4 =	vunpack.i.l.bf16.f32 v6;
	v5 =	vmul.f32 v1, v23;
	[tilespmem:v8+s20+$0x0] =	vst.idx.add.f32.msk $0xffff, v63  }
0xb1: {  	v6 =	vunpack.i.u.bf16.f32 v6;
	v1 =	vadd.s32 $0x2710, v32;
	v8 =	vmul.f32 v4, v25;
	[tilespmem:v10+s20+$0x0] =	vst.idx.add.f32.msk $0xffff, v2  }
0xb2: {  	v4 =	vunpack.i.u.bf16.f32 v7;
	v7 =	vunpack.i.l.bf16.f32 v7;
	v10 =	vmul.f32 v6, v25;
	[tilespmem:v62+s20+$0x0] =	vst.idx.add.f32.msk $0xffff, v5  }
0xb3: {  	s30 =	simm.s32 $0x11230;
	s29 =	simm.s32 $0x0;
	v2 =	vadd.s32 $0x7530, v32;
	v4 =	vmul.f32 v4, v26;
	v5 =	vmul.f32 v7, v26;
	[tilespmem:v9+s20+$0x0] =	vst.idx.add.f32.msk $0xffff, v8  }
.LBB2_11:
0xb4: {  	v13 =	vld [tilespmem:s30+$0x30]  }
0xb5: {  	v12 =	vld [tilespmem:s30+$0xFFFFFFD0]  }
0xb6: {  	s29 =	sadd.s32 $0x8, s29;
	v14 =	vld [tilespmem:s30+$0xFFFFFFE0]  }
0xb7: {  	p0 =	slt.u32 s29, $0xC0;
	v15 =	vld [tilespmem:s30+$0xFFFFFFF0]  }
0xb8: {  	v16 =	vld [tilespmem:s30+$0x0]  }
0xb9: {  	v17 =	vld [tilespmem:s30+$0x10]  }
0xba: {  	s26 =	sadd.s32 $0x80, s26;
	v6 =	vadd.s32 $0x2710, v12;
	v18 =	vld [tilespmem:s30+$0x20]  }
0xbb: {  	v7 =	vadd.s32 $0x2710, v14;
	v21 =	vld [tilespmem:s26+$0x30]  }
0xbc: {  	v8 =	vadd.s32 $0x2710, v15;
	v20 =	vld.idx.msk [tilespmem:v13+s12+$0x0], $0xffff  }
0xbd: {  	s28 =	sadd.s32 $0x80, s28;
	v22 =	vld [tilespmem:s30+$0xFFFFFFC0];
	v9 =	vadd.s32 $0x2710, v16  }
0xbe: {  	v11 =	vadd.s32 $0x2710, v17;
	v23 =	vld [tilespmem:s28+$0x30]  }
0xbf: {  	v24 =	vld.idx.msk [tilespmem:v12+s12+$0x0], $0xffff;
	v12 =	vadd.s32 $0x2710, v18  }
0xc0: {  	v14 =	vld.idx.msk [tilespmem:v14+s12+$0x0], $0xffff  }
0xc1: {  	v25 =	vadd.s32 $0x4E20, v21;
	v15 =	vld.idx.msk [tilespmem:v15+s12+$0x0], $0xffff  }
0xc2: {  	v13 =	vadd.s32 $0x2710, v13;
	v26 =	vunpack.i.l.bf16.f32 v20;
	v19 =	vadd.s32 $0x2710, v22;
	v16 =	vld.idx.msk [tilespmem:v16+s12+$0x0], $0xffff  }
0xc3: {  	v20 =	vunpack.i.u.bf16.f32 v20;
	v17 =	vld.idx.msk [tilespmem:v17+s12+$0x0], $0xffff;
	v26 =	vmul.f32 v26, v23  }
0xc4: {  	v27 =	vld.idx.msk [tilespmem:v18+s12+$0x0], $0xffff;
	v18 =	vmul.f32 v20, v23  }
0xc5: {  	v28 =	vunpack.i.u.bf16.f32 v24;
	v24 =	vunpack.i.l.bf16.f32 v24;
	[tilespmem:v21+s20+$0x0] =	vst.idx.add.f32.msk $0xffff, v26  }
0xc6: {  	v26 =	vunpack.i.u.bf16.f32 v14;
	v29 =	vunpack.i.l.bf16.f32 v14;
	[tilespmem:v25+s20+$0x0] =	vst.idx.add.f32.msk $0xffff, v18  }
0xc7: {  	v25 =	vunpack.i.u.bf16.f32 v15;
	v30 =	vunpack.i.l.bf16.f32 v15;
	v31 =	vld.idx.msk [tilespmem:v13+s12+$0x0], $0xffff  }
0xc8: {  	v32 =	vunpack.i.u.bf16.f32 v16;
	v33 =	vunpack.i.l.bf16.f32 v16;
	v22 =	vld.idx.msk [tilespmem:v22+s12+$0x0], $0xffff  }
0xc9: {  	v34 =	vunpack.i.u.bf16.f32 v17;
	v35 =	vunpack.i.l.bf16.f32 v17;
	v20 =	vld [tilespmem:s28+$0xFFFFFFC0]  }
0xca: {  	v36 =	vunpack.i.u.bf16.f32 v27;
	v27 =	vunpack.i.l.bf16.f32 v27;
	v18 =	vld [tilespmem:s28+$0xFFFFFFD0]  }
0xcb: {  	v37 =	vadd.s32 $0x2710, v21;
	v17 =	vld [tilespmem:s28+$0xFFFFFFE0]  }
0xcc: {  	v21 =	vadd.s32 $0x7530, v21;
	v15 =	vld [tilespmem:s28+$0xFFFFFFF0]  }
0xcd: {  	v16 =	vunpack.i.l.bf16.f32 v31;
	v13 =	vld [tilespmem:s28+$0x0]  }
0xce: {  	v31 =	vunpack.i.u.bf16.f32 v31;
	v38 =	vunpack.i.u.bf16.f32 v22;
	v39 =	vmul.f32 v16, v23;
	v14 =	vld [tilespmem:s28+$0x10]  }
0xcf: {  	v22 =	vunpack.i.l.bf16.f32 v22;
	v23 =	vmul.f32 v31, v23;
	v38 =	vmul.f32 v38, v20;
	v16 =	vld [tilespmem:s28+$0x20]  }
0xd0: {  	v22 =	vmul.f32 v22, v20;
	v24 =	vmul.f32 v24, v18;
	[tilespmem:v37+s20+$0x0] =	vst.idx.add.f32.msk $0xffff, v39  }
0xd1: {  	v28 =	vmul.f32 v28, v18;
	v29 =	vmul.f32 v29, v17;
	[tilespmem:v21+s20+$0x0] =	vst.idx.add.f32.msk $0xffff, v23  }
0xd2: {  	v23 =	vmul.f32 v26, v17;
	v26 =	vmul.f32 v30, v15;
	v21 =	vld [tilespmem:s26+$0xFFFFFFC0]  }
0xd3: {  	v25 =	vmul.f32 v25, v15;
	v31 =	vmul.f32 v33, v13;
	v30 =	vld [tilespmem:s26+$0xFFFFFFD0]  }
0xd4: {  	v32 =	vmul.f32 v32, v13;
	v35 =	vmul.f32 v35, v14;
	v33 =	vld [tilespmem:s26+$0xFFFFFFE0]  }
0xd5: {  	v34 =	vmul.f32 v34, v14;
	v27 =	vmul.f32 v27, v16;
	v37 =	vld [tilespmem:s26+$0xFFFFFFF0]  }
0xd6: {  	v36 =	vmul.f32 v36, v16;
	v39 =	vld [tilespmem:s26+$0x0]  }
0xd7: {  	v40 =	vadd.s32 $0x4E20, v21;
	v41 =	vadd.s32 $0x2710, v21;
	v42 =	vadd.s32 $0x7530, v21;
	v43 =	vld [tilespmem:s26+$0x10]  }
0xd8: {  	v44 =	vadd.s32 $0x4E20, v30;
	v45 =	vadd.s32 $0x2710, v30;
	v46 =	vadd.s32 $0x7530, v30;
	v47 =	vld [tilespmem:s26+$0x20]  }
0xd9: {  	v48 =	vadd.s32 $0x4E20, v33;
	v49 =	vadd.s32 $0x2710, v33;
	v50 =	vadd.s32 $0x7530, v33;
	[tilespmem:v3+s20+$0x0] =	vst.idx.add.f32.msk $0xffff, v10  }
0xda: {  	[tilespmem:v21+s20+$0x0] =	vst.idx.add.f32.msk $0xffff, v22;
	v10 =	vadd.s32 $0x4E20, v37;
	v21 =	vadd.s32 $0x2710, v37;
	v22 =	vadd.s32 $0x7530, v37  }
0xdb: {  	[tilespmem:v30+s20+$0x0] =	vst.idx.add.f32.msk $0xffff, v24;
	v24 =	vadd.s32 $0x4E20, v39;
	v30 =	vadd.s32 $0x2710, v39;
	v51 =	vadd.s32 $0x7530, v39  }
0xdc: {  	[tilespmem:v40+s20+$0x0] =	vst.idx.add.f32.msk $0xffff, v38;
	v38 =	vadd.s32 $0x4E20, v43;
	v40 =	vadd.s32 $0x2710, v43;
	v3 =	vadd.s32 $0x7530, v43  }
0xdd: {  	[tilespmem:v44+s20+$0x0] =	vst.idx.add.f32.msk $0xffff, v28;
	v28 =	vadd.s32 $0x4E20, v47;
	v44 =	vadd.s32 $0x2710, v47;
	v52 =	vadd.s32 $0x7530, v47  }
0xde: {  	[tilespmem:v33+s20+$0x0] =	vst.idx.add.f32.msk $0xffff, v29  }
0xdf: {  	[tilespmem:v48+s20+$0x0] =	vst.idx.add.f32.msk $0xffff, v23  }
0xe0: {  	[tilespmem:v37+s20+$0x0] =	vst.idx.add.f32.msk $0xffff, v26  }
0xe1: {  	[tilespmem:v10+s20+$0x0] =	vst.idx.add.f32.msk $0xffff, v25  }
0xe2: {  	[tilespmem:v39+s20+$0x0] =	vst.idx.add.f32.msk $0xffff, v31  }
0xe3: {  	[tilespmem:v24+s20+$0x0] =	vst.idx.add.f32.msk $0xffff, v32  }
0xe4: {  	[tilespmem:v43+s20+$0x0] =	vst.idx.add.f32.msk $0xffff, v35  }
0xe5: {  	[tilespmem:v38+s20+$0x0] =	vst.idx.add.f32.msk $0xffff, v34  }
0xe6: {  	[tilespmem:v47+s20+$0x0] =	vst.idx.add.f32.msk $0xffff, v27  }
0xe7: {  	[tilespmem:v28+s20+$0x0] =	vst.idx.add.f32.msk $0xffff, v36  }
0xe8: {  	v10 =	vld.idx.msk [tilespmem:v19+s12+$0x0], $0xffff  }
0xe9: {  	v6 =	vld.idx.msk [tilespmem:v6+s12+$0x0], $0xffff  }
0xea: {  	v7 =	vld.idx.msk [tilespmem:v7+s12+$0x0], $0xffff  }
0xeb: {  	v8 =	vld.idx.msk [tilespmem:v8+s12+$0x0], $0xffff  }
0xec: {  	v9 =	vld.idx.msk [tilespmem:v9+s12+$0x0], $0xffff  }
0xed: {  	v11 =	vld.idx.msk [tilespmem:v11+s12+$0x0], $0xffff  }
0xee: {  	v19 =	vunpack.i.u.bf16.f32 v10;
	v10 =	vunpack.i.l.bf16.f32 v10;
	v12 =	vld.idx.msk [tilespmem:v12+s12+$0x0], $0xffff  }
0xef: {  	v10 =	vmul.f32 v10, v20;
	v23 =	vunpack.i.u.bf16.f32 v6;
	v6 =	vunpack.i.l.bf16.f32 v6;
	[tilespmem:v1+s20+$0x0] =	vst.idx.add.f32.msk $0xffff, v5;
	v1 =	vmovc v44  }
0xf0: {  	v5 =	vmul.f32 v19, v20;
	v19 =	vunpack.i.u.bf16.f32 v7;
	v7 =	vunpack.i.l.bf16.f32 v7;
	[tilespmem:v2+s20+$0x0] =	vst.idx.add.f32.msk $0xffff, v4;
	v2 =	vmovc v52  }
0xf1: {  	v4 =	vmul.f32 v6, v18;
	v6 =	vunpack.i.u.bf16.f32 v8;
	v8 =	vunpack.i.l.bf16.f32 v8;
	[tilespmem:v41+s20+$0x0] =	vst.idx.add.f32.msk $0xffff, v10  }
0xf2: {  	v10 =	vunpack.i.u.bf16.f32 v9;
	v9 =	vunpack.i.l.bf16.f32 v9;
	[tilespmem:v42+s20+$0x0] =	vst.idx.add.f32.msk $0xffff, v5;
	v5 =	vmul.f32 v23, v18  }
0xf3: {  	[tilespmem:v45+s20+$0x0] =	vst.idx.add.f32.msk $0xffff, v4;
	v4 =	vmul.f32 v7, v17;
	v7 =	vunpack.i.u.bf16.f32 v11;
	v11 =	vunpack.i.l.bf16.f32 v11  }
0xf4: {  	[tilespmem:v46+s20+$0x0] =	vst.idx.add.f32.msk $0xffff, v5;
	v5 =	vmul.f32 v19, v17;
	v17 =	vunpack.i.u.bf16.f32 v12;
	v12 =	vunpack.i.l.bf16.f32 v12  }
0xf5: {  	v6 =	vmul.f32 v6, v15;
	[tilespmem:v49+s20+$0x0] =	vst.idx.add.f32.msk $0xffff, v4;
	v4 =	vmul.f32 v8, v15  }
0xf6: {  	v8 =	vmul.f32 v9, v13;
	v9 =	vmul.f32 v10, v13;
	[tilespmem:v50+s20+$0x0] =	vst.idx.add.f32.msk $0xffff, v5  }
.Ltmp4:
0xf7: {  	v11 =	vmul.f32 v11, v14;
	v10 =	vmul.f32 v7, v14;
	[tilespmem:v21+s20+$0x0] =	vst.idx.add.f32.msk $0xffff, v4;
	(pc) =	sbr.rel @p0 .LBB2_11-.Ltmp4, $4  }
0xf8: {  	v5 =	vmul.f32 v12, v16;
	v4 =	vmul.f32 v17, v16;
	[tilespmem:v22+s20+$0x0] =	vst.idx.add.f32.msk $0xffff, v6  }
0xf9: {  	[tilespmem:v30+s20+$0x0] =	vst.idx.add.f32.msk $0xffff, v8  }
0xfa: {  	[tilespmem:v51+s20+$0x0] =	vst.idx.add.f32.msk $0xffff, v9  }
0xfb: {  	s30 =	sadd.s32 $0x80, s30;
	[tilespmem:v40+s20+$0x0] =	vst.idx.add.f32.msk $0xffff, v11  }
0xfc: {  	_ =	sdelay $0x3  }
0xfd: {  	[tilespmem:v3+s20+$0x0] =	vst.idx.add.f32.msk $0xffff, v10  }
0xfe: {  	[tilespmem:v1+s20+$0x0] =	vst.idx.add.f32.msk $0xffff, v5  }
0xff: {  	[tilespmem:v2+s20+$0x0] =	vst.idx.add.f32.msk $0xffff, v4  }
0x100: {  	_ =	swait.ge [sflag:s21], $0xC80  }
0x101: {  	[sflag:s21] =	ssyncset.done $0x0  }
0x102: {  	[sflag:s21] =	ssyncadd.s32 $0xFFFFF380  }
0x103: {  	_ =	swait.ge [sflag:s21], $0xC80  }
0x104: {  	[sflag:s21] =	ssyncset.done $0x0  }
0x105: {  	p0 =	seq.s32 s24, $0x31;
	[sflag:s21] =	ssyncadd.s32 $0xFFFFF380  }
0x106: {  	s25 =	sshrl.u32 @!p0 s25, $0x3;
	s29 =	simm.s32 @!p0 $0x0;
	_ =	swait.ge [sflag:s21], $0xC80  }
0x107: {  	s30 =	simm.s32 @!p0 $0x11170;
	s26 =	sadd.s32 @!p0 $0x320, s25;
	[sflag:s21] =	ssyncset.done $0x0  }
0x108: {  	s25 =	sadd.s32 @!p0 s5, s25;
	s28 =	sadd.s32 @!p0 s5, s26;
	[sflag:s21] =	ssyncadd.s32 $0xFFFFF380  }
0x109: {  	[tilespmem:s30], [sflag:$0x1] =	stream.linear.gather @!p0 [hbm4b:s28+s29], $0xC80, $0x38;
	[tilespmem:$0x15C70] =	vst v63  }
0x10a: {  	s25 =	sadd.s32 @!p0 $0x9F60, s25;
	s28 =	simm.s32 @!p0 $0x12A70  }
0x10b: {  	[tilespmem:s28], [sflag:$0x1] =	stream.linear.gather @!p0 [hbm4b:s25+s29], $0xC80, $0x38;
	[tilespmem:$0x15C70] =	vst v63  }
0x10c: {  	s25 =	sadd.s32 @!p0 s3, s26;
	s26 =	simm.s32 @!p0 $0x14370;
	s28 =	simm.s32 $0x11E30  }
0x10d: {  	[tilespmem:s26], [sflag:$0x1] =	stream.linear.gather @!p0 [hbm4b:s25+s29], $0xC80, $0x38;
	[tilespmem:$0x15C70] =	vst v63  }
0x10e: {  	v1 =	vld [tilespmem:s28+$0x30]  }
0x10f: {  	v2 =	vld [tilespmem:s28+$0xFFFFFFD0]  }
0x110: {  	v3 =	vld [tilespmem:s28+$0xFFFFFFE0]  }
0x111: {  	v4 =	vld [tilespmem:s28+$0xFFFFFFF0]  }
0x112: {  	v5 =	vld [tilespmem:s28+$0x0]  }
0x113: {  	v6 =	vld [tilespmem:s28+$0x10]  }
0x114: {  	s25 =	simm.s32 $0x13730;
	v7 =	vld [tilespmem:s28+$0x20]  }
0x115: {  	v8 =	vld [tilespmem:s25+$0x30]  }
0x116: {  	s26 =	simm.s32 $0x15030;
	v10 =	vld [tilespmem:s28+$0xFFFFFFC0]  }
0x117: {  	v11 =	vld [tilespmem:s26+$0x30]  }
0x118: {  	v39 =	vld [tilespmem:s26+$0xFFFFFFC0]  }
0x119: {  	v40 =	vld [tilespmem:s26+$0xFFFFFFD0]  }
0x11a: {  	v20 =	vld [tilespmem:s26+$0xFFFFFFE0]  }
0x11b: {  	v22 =	vld [tilespmem:s26+$0xFFFFFFF0]  }
0x11c: {  	v23 =	vld [tilespmem:s26+$0x0]  }
0x11d: {  	v25 =	vld [tilespmem:s26+$0x10]  }
0x11e: {  	v9 =	vld.idx.msk [tilespmem:v1+s12+$0x0], $0xffff  }
0x11f: {  	v26 =	vld [tilespmem:s26+$0x20]  }
0x120: {  	v41 =	vld [tilespmem:s25+$0xFFFFFFD0]  }
0x121: {  	v27 =	vld [tilespmem:s25+$0x0]  }
0x122: {  	v30 =	vld [tilespmem:s25+$0x10];
	v15 =	vadd.s32 $0x4E20, v8  }
0x123: {  	v32 =	vld [tilespmem:s25+$0x20];
	v1 =	vadd.s32 $0x2710, v1;
	v17 =	vunpack.i.l.bf16.f32 v9  }
0x124: {  	v12 =	vld.idx.msk [tilespmem:v2+s12+$0x0], $0xffff;
	v9 =	vunpack.i.u.bf16.f32 v9;
	v17 =	vmul.f32 v17, v11  }
0x125: {  	v13 =	vld.idx.msk [tilespmem:v3+s12+$0x0], $0xffff;
	v9 =	vmul.f32 v9, v11  }
0x126: {  	[tilespmem:v8+s20+$0x0] =	vst.idx.add.f32.msk $0xffff, v17  }
0x127: {  	[tilespmem:v15+s20+$0x0] =	vst.idx.add.f32.msk $0xffff, v9  }
0x128: {  	v1 =	vld.idx.msk [tilespmem:v1+s12+$0x0], $0xffff  }
0x129: {  	v14 =	vld.idx.msk [tilespmem:v4+s12+$0x0], $0xffff  }
0x12a: {  	v16 =	vld.idx.msk [tilespmem:v5+s12+$0x0], $0xffff;
	v29 =	vunpack.i.l.bf16.f32 v12  }
0x12b: {  	v21 =	vadd.s32 $0x2710, v8;
	v18 =	vld.idx.msk [tilespmem:v6+s12+$0x0], $0xffff;
	v29 =	vmul.f32 v29, v40  }
0x12c: {  	v19 =	vld.idx.msk [tilespmem:v7+s12+$0x0], $0xffff;
	v8 =	vadd.s32 $0x7530, v8  }
0x12d: {  	[tilespmem:v41+s20+$0x0] =	vst.idx.add.f32.msk $0xffff, v29;
	v24 =	vunpack.i.l.bf16.f32 v1  }
0x12e: {  	v9 =	vld.idx.msk [tilespmem:v10+s12+$0x0], $0xffff;
	v1 =	vunpack.i.u.bf16.f32 v1;
	v24 =	vmul.f32 v24, v11  }
0x12f: {  	v1 =	vmul.f32 v1, v11;
	v11 =	vld [tilespmem:s25+$0xFFFFFFC0]  }
0x130: {  	v47 =	vunpack.i.l.bf16.f32 v16;
	[tilespmem:v21+s20+$0x0] =	vst.idx.add.f32.msk $0xffff, v24  }
0x131: {  	v31 =	vadd.s32 $0x4E20, v41;
	v49 =	vmul.f32 v47, v23;
	[tilespmem:v8+s20+$0x0] =	vst.idx.add.f32.msk $0xffff, v1  }
0x132: {  	v2 =	vadd.s32 $0x2710, v2;
	v52 =	vunpack.i.l.bf16.f32 v19;
	v1 =	vld [tilespmem:s25+$0xFFFFFFE0]  }
0x133: {  	v12 =	vunpack.i.u.bf16.f32 v12;
	v54 =	vmul.f32 v52, v26;
	[tilespmem:v27+s20+$0x0] =	vst.idx.add.f32.msk $0xffff, v49  }
0x134: {  	v12 =	vmul.f32 v12, v40;
	v8 =	vld [tilespmem:s25+$0xFFFFFFF0];
	v28 =	vadd.s32 $0x4E20, v11  }
0x135: {  	[tilespmem:v32+s20+$0x0] =	vst.idx.add.f32.msk $0xffff, v54;
	v42 =	vunpack.i.l.bf16.f32 v9  }
0x136: {  	[tilespmem:v31+s20+$0x0] =	vst.idx.add.f32.msk $0xffff, v12;
	v10 =	vadd.s32 $0x2710, v10;
	v9 =	vunpack.i.u.bf16.f32 v9;
	v24 =	vmul.f32 v42, v39  }
0x137: {  	v43 =	vunpack.i.l.bf16.f32 v13;
	v2 =	vld.idx.msk [tilespmem:v2+s12+$0x0], $0xffff;
	v9 =	vmul.f32 v9, v39;
	v33 =	vadd.s32 $0x4E20, v1  }
0x138: {  	[tilespmem:v11+s20+$0x0] =	vst.idx.add.f32.msk $0xffff, v24;
	v24 =	vmul.f32 v43, v20  }
0x139: {  	v13 =	vunpack.i.u.bf16.f32 v13;
	v44 =	vadd.s32 $0x4E20, v8;
	[tilespmem:v28+s20+$0x0] =	vst.idx.add.f32.msk $0xffff, v9  }
0x13a: {  	v3 =	vadd.s32 $0x2710, v3;
	v13 =	vmul.f32 v13, v20;
	v9 =	vunpack.i.l.bf16.f32 v14;
	[tilespmem:v1+s20+$0x0] =	vst.idx.add.f32.msk $0xffff, v24  }
0x13b: {  	v45 =	vunpack.i.u.bf16.f32 v14;
	v9 =	vmul.f32 v9, v22;
	v10 =	vld.idx.msk [tilespmem:v10+s12+$0x0], $0xffff  }
0x13c: {  	v46 =	vadd.s32 $0x4E20, v27;
	v12 =	vmul.f32 v45, v22;
	[tilespmem:v33+s20+$0x0] =	vst.idx.add.f32.msk $0xffff, v13  }
0x13d: {  	v4 =	vadd.s32 $0x2710, v4;
	[tilespmem:v8+s20+$0x0] =	vst.idx.add.f32.msk $0xffff, v9;
	v9 =	vunpack.i.l.bf16.f32 v18  }
0x13e: {  	v53 =	vadd.s32 $0x4E20, v32;
	v48 =	vunpack.i.u.bf16.f32 v16;
	[tilespmem:v44+s20+$0x0] =	vst.idx.add.f32.msk $0xffff, v12;
	v9 =	vmul.f32 v9, v25  }
0x13f: {  	v5 =	vadd.s32 $0x2710, v5;
	v13 =	vmul.f32 v48, v23;
	v3 =	vld.idx.msk [tilespmem:v3+s12+$0x0], $0xffff  }
0x140: {  	v50 =	vadd.s32 $0x4E20, v30;
	[tilespmem:v30+s20+$0x0] =	vst.idx.add.f32.msk $0xffff, v9;
	v9 =	vunpack.i.u.bf16.f32 v19  }
0x141: {  	v6 =	vadd.s32 $0x2710, v6;
	[tilespmem:v46+s20+$0x0] =	vst.idx.add.f32.msk $0xffff, v13;
	v9 =	vmul.f32 v9, v26  }
0x142: {  	v7 =	vadd.s32 $0x2710, v7;
	v51 =	vunpack.i.u.bf16.f32 v18;
	v4 =	vld.idx.msk [tilespmem:v4+s12+$0x0], $0xffff  }
0x143: {  	v12 =	vmul.f32 v51, v25;
	[tilespmem:v53+s20+$0x0] =	vst.idx.add.f32.msk $0xffff, v9;
	v9 =	vadd.s32 $0x2710, v11  }
0x144: {  	v5 =	vld.idx.msk [tilespmem:v5+s12+$0x0], $0xffff;
	v11 =	vadd.s32 $0x7530, v11  }
0x145: {  	v55 =	vadd.s32 $0x2710, v41;
	v56 =	vunpack.i.l.bf16.f32 v10;
	[tilespmem:v50+s20+$0x0] =	vst.idx.add.f32.msk $0xffff, v12  }
0x146: {  	v57 =	vadd.s32 $0x7530, v41;
	v10 =	vunpack.i.u.bf16.f32 v10;
	v13 =	vmul.f32 v56, v39;
	v6 =	vld.idx.msk [tilespmem:v6+s12+$0x0], $0xffff  }
0x147: {  	v59 =	vunpack.i.l.bf16.f32 v2;
	v58 =	vadd.s32 $0x2710, v1;
	v10 =	vmul.f32 v10, v39;
	v7 =	vld.idx.msk [tilespmem:v7+s12+$0x0], $0xffff  }
0x148: {  	v2 =	vunpack.i.u.bf16.f32 v2;
	v1 =	vadd.s32 $0x7530, v1;
	[tilespmem:v9+s20+$0x0] =	vst.idx.add.f32.msk $0xffff, v13;
	v9 =	vmul.f32 v59, v40  }
0x149: {  	v2 =	vmul.f32 v2, v40;
	v60 =	vadd.s32 $0x2710, v8;
	v61 =	vunpack.i.l.bf16.f32 v3;
	[tilespmem:v11+s20+$0x0] =	vst.idx.add.f32.msk $0xffff, v10  }
0x14a: {  	v8 =	vadd.s32 $0x7530, v8;
	v3 =	vunpack.i.u.bf16.f32 v3;
	[tilespmem:v55+s20+$0x0] =	vst.idx.add.f32.msk $0xffff, v9;
	v9 =	vmul.f32 v61, v20  }
0x14b: {  	v10 =	vadd.s32 $0x2710, v27;
	v11 =	vunpack.i.l.bf16.f32 v4;
	[tilespmem:v57+s20+$0x0] =	vst.idx.add.f32.msk $0xffff, v2;
	v2 =	vmul.f32 v3, v20  }
0x14c: {  	v62 =	vadd.s32 $0x7530, v27;
	v3 =	vunpack.i.u.bf16.f32 v4;
	v4 =	vmul.f32 v11, v22;
	[tilespmem:v58+s20+$0x0] =	vst.idx.add.f32.msk $0xffff, v9  }
0x14d: {  	v11 =	vunpack.i.l.bf16.f32 v5;
	v9 =	vadd.s32 $0x2710, v30;
	v63 =	vmul.f32 v3, v22;
	[tilespmem:v1+s20+$0x0] =	vst.idx.add.f32.msk $0xffff, v2  }
0x14e: {  	v1 =	vunpack.i.u.bf16.f32 v5;
	v2 =	vmul.f32 v11, v23;
	[tilespmem:v60+s20+$0x0] =	vst.idx.add.f32.msk $0xffff, v4  }
0x14f: {  	v3 =	vadd.s32 $0x7530, v30;
	v4 =	vunpack.i.l.bf16.f32 v6;
	v5 =	vmul.f32 v1, v23;
	[tilespmem:v8+s20+$0x0] =	vst.idx.add.f32.msk $0xffff, v63  }
0x150: {  	v6 =	vunpack.i.u.bf16.f32 v6;
	v1 =	vadd.s32 $0x2710, v32;
	v8 =	vmul.f32 v4, v25;
	[tilespmem:v10+s20+$0x0] =	vst.idx.add.f32.msk $0xffff, v2  }
0x151: {  	v4 =	vunpack.i.u.bf16.f32 v7;
	v7 =	vunpack.i.l.bf16.f32 v7;
	v10 =	vmul.f32 v6, v25;
	[tilespmem:v62+s20+$0x0] =	vst.idx.add.f32.msk $0xffff, v5  }
0x152: {  	s29 =	simm.s32 $0x11EB0;
	s28 =	simm.s32 $0x0;
	v2 =	vadd.s32 $0x7530, v32;
	v4 =	vmul.f32 v4, v26;
	v5 =	vmul.f32 v7, v26;
	[tilespmem:v9+s20+$0x0] =	vst.idx.add.f32.msk $0xffff, v8  }
.LBB2_13:
0x153: {  	v13 =	vld [tilespmem:s29+$0x30]  }
0x154: {  	v12 =	vld [tilespmem:s29+$0xFFFFFFD0]  }
0x155: {  	s28 =	sadd.s32 $0x8, s28;
	v14 =	vld [tilespmem:s29+$0xFFFFFFE0]  }
0x156: {  	p0 =	slt.u32 s28, $0xC0;
	v15 =	vld [tilespmem:s29+$0xFFFFFFF0]  }
0x157: {  	v16 =	vld [tilespmem:s29+$0x0]  }
0x158: {  	v17 =	vld [tilespmem:s29+$0x10]  }
0x159: {  	s25 =	sadd.s32 $0x80, s25;
	v6 =	vadd.s32 $0x2710, v12;
	v18 =	vld [tilespmem:s29+$0x20]  }
0x15a: {  	v7 =	vadd.s32 $0x2710, v14;
	v21 =	vld [tilespmem:s25+$0x30]  }
0x15b: {  	v8 =	vadd.s32 $0x2710, v15;
	v20 =	vld.idx.msk [tilespmem:v13+s12+$0x0], $0xffff  }
0x15c: {  	s26 =	sadd.s32 $0x80, s26;
	v22 =	vld [tilespmem:s29+$0xFFFFFFC0];
	v9 =	vadd.s32 $0x2710, v16  }
0x15d: {  	v11 =	vadd.s32 $0x2710, v17;
	v23 =	vld [tilespmem:s26+$0x30]  }
0x15e: {  	v24 =	vld.idx.msk [tilespmem:v12+s12+$0x0], $0xffff;
	v12 =	vadd.s32 $0x2710, v18  }
0x15f: {  	v14 =	vld.idx.msk [tilespmem:v14+s12+$0x0], $0xffff  }
0x160: {  	v25 =	vadd.s32 $0x4E20, v21;
	v15 =	vld.idx.msk [tilespmem:v15+s12+$0x0], $0xffff  }
0x161: {  	v13 =	vadd.s32 $0x2710, v13;
	v26 =	vunpack.i.l.bf16.f32 v20;
	v19 =	vadd.s32 $0x2710, v22;
	v16 =	vld.idx.msk [tilespmem:v16+s12+$0x0], $0xffff  }
0x162: {  	v20 =	vunpack.i.u.bf16.f32 v20;
	v17 =	vld.idx.msk [tilespmem:v17+s12+$0x0], $0xffff;
	v26 =	vmul.f32 v26, v23  }
0x163: {  	v27 =	vld.idx.msk [tilespmem:v18+s12+$0x0], $0xffff;
	v18 =	vmul.f32 v20, v23  }
0x164: {  	v28 =	vunpack.i.u.bf16.f32 v24;
	v24 =	vunpack.i.l.bf16.f32 v24;
	[tilespmem:v21+s20+$0x0] =	vst.idx.add.f32.msk $0xffff, v26  }
0x165: {  	v26 =	vunpack.i.u.bf16.f32 v14;
	v29 =	vunpack.i.l.bf16.f32 v14;
	[tilespmem:v25+s20+$0x0] =	vst.idx.add.f32.msk $0xffff, v18  }
0x166: {  	v25 =	vunpack.i.u.bf16.f32 v15;
	v30 =	vunpack.i.l.bf16.f32 v15;
	v31 =	vld.idx.msk [tilespmem:v13+s12+$0x0], $0xffff  }
0x167: {  	v32 =	vunpack.i.u.bf16.f32 v16;
	v33 =	vunpack.i.l.bf16.f32 v16;
	v22 =	vld.idx.msk [tilespmem:v22+s12+$0x0], $0xffff  }
0x168: {  	v34 =	vunpack.i.u.bf16.f32 v17;
	v35 =	vunpack.i.l.bf16.f32 v17;
	v20 =	vld [tilespmem:s26+$0xFFFFFFC0]  }
0x169: {  	v36 =	vunpack.i.u.bf16.f32 v27;
	v27 =	vunpack.i.l.bf16.f32 v27;
	v18 =	vld [tilespmem:s26+$0xFFFFFFD0]  }
0x16a: {  	v37 =	vadd.s32 $0x2710, v21;
	v17 =	vld [tilespmem:s26+$0xFFFFFFE0]  }
0x16b: {  	v21 =	vadd.s32 $0x7530, v21;
	v15 =	vld [tilespmem:s26+$0xFFFFFFF0]  }
0x16c: {  	v16 =	vunpack.i.l.bf16.f32 v31;
	v13 =	vld [tilespmem:s26+$0x0]  }
0x16d: {  	v31 =	vunpack.i.u.bf16.f32 v31;
	v38 =	vunpack.i.u.bf16.f32 v22;
	v39 =	vmul.f32 v16, v23;
	v14 =	vld [tilespmem:s26+$0x10]  }
0x16e: {  	v22 =	vunpack.i.l.bf16.f32 v22;
	v23 =	vmul.f32 v31, v23;
	v38 =	vmul.f32 v38, v20;
	v16 =	vld [tilespmem:s26+$0x20]  }
0x16f: {  	v22 =	vmul.f32 v22, v20;
	v24 =	vmul.f32 v24, v18;
	[tilespmem:v37+s20+$0x0] =	vst.idx.add.f32.msk $0xffff, v39  }
0x170: {  	v28 =	vmul.f32 v28, v18;
	v29 =	vmul.f32 v29, v17;
	[tilespmem:v21+s20+$0x0] =	vst.idx.add.f32.msk $0xffff, v23  }
0x171: {  	v23 =	vmul.f32 v26, v17;
	v26 =	vmul.f32 v30, v15;
	v21 =	vld [tilespmem:s25+$0xFFFFFFC0]  }
0x172: {  	v25 =	vmul.f32 v25, v15;
	v31 =	vmul.f32 v33, v13;
	v30 =	vld [tilespmem:s25+$0xFFFFFFD0]  }
0x173: {  	v32 =	vmul.f32 v32, v13;
	v35 =	vmul.f32 v35, v14;
	v33 =	vld [tilespmem:s25+$0xFFFFFFE0]  }
0x174: {  	v34 =	vmul.f32 v34, v14;
	v27 =	vmul.f32 v27, v16;
	v37 =	vld [tilespmem:s25+$0xFFFFFFF0]  }
0x175: {  	v36 =	vmul.f32 v36, v16;
	v39 =	vld [tilespmem:s25+$0x0]  }
0x176: {  	v40 =	vadd.s32 $0x4E20, v21;
	v41 =	vadd.s32 $0x2710, v21;
	v42 =	vadd.s32 $0x7530, v21;
	v43 =	vld [tilespmem:s25+$0x10]  }
0x177: {  	v44 =	vadd.s32 $0x4E20, v30;
	v45 =	vadd.s32 $0x2710, v30;
	v46 =	vadd.s32 $0x7530, v30;
	v47 =	vld [tilespmem:s25+$0x20]  }
0x178: {  	v48 =	vadd.s32 $0x4E20, v33;
	v49 =	vadd.s32 $0x2710, v33;
	v50 =	vadd.s32 $0x7530, v33;
	[tilespmem:v3+s20+$0x0] =	vst.idx.add.f32.msk $0xffff, v10  }
0x179: {  	[tilespmem:v21+s20+$0x0] =	vst.idx.add.f32.msk $0xffff, v22;
	v10 =	vadd.s32 $0x4E20, v37;
	v21 =	vadd.s32 $0x2710, v37;
	v22 =	vadd.s32 $0x7530, v37  }
0x17a: {  	[tilespmem:v30+s20+$0x0] =	vst.idx.add.f32.msk $0xffff, v24;
	v24 =	vadd.s32 $0x4E20, v39;
	v30 =	vadd.s32 $0x2710, v39;
	v51 =	vadd.s32 $0x7530, v39  }
0x17b: {  	[tilespmem:v40+s20+$0x0] =	vst.idx.add.f32.msk $0xffff, v38;
	v38 =	vadd.s32 $0x4E20, v43;
	v40 =	vadd.s32 $0x2710, v43;
	v3 =	vadd.s32 $0x7530, v43  }
0x17c: {  	[tilespmem:v44+s20+$0x0] =	vst.idx.add.f32.msk $0xffff, v28;
	v28 =	vadd.s32 $0x4E20, v47;
	v44 =	vadd.s32 $0x2710, v47;
	v52 =	vadd.s32 $0x7530, v47  }
0x17d: {  	[tilespmem:v33+s20+$0x0] =	vst.idx.add.f32.msk $0xffff, v29  }
0x17e: {  	[tilespmem:v48+s20+$0x0] =	vst.idx.add.f32.msk $0xffff, v23  }
0x17f: {  	[tilespmem:v37+s20+$0x0] =	vst.idx.add.f32.msk $0xffff, v26  }
0x180: {  	[tilespmem:v10+s20+$0x0] =	vst.idx.add.f32.msk $0xffff, v25  }
0x181: {  	[tilespmem:v39+s20+$0x0] =	vst.idx.add.f32.msk $0xffff, v31  }
0x182: {  	[tilespmem:v24+s20+$0x0] =	vst.idx.add.f32.msk $0xffff, v32  }
0x183: {  	[tilespmem:v43+s20+$0x0] =	vst.idx.add.f32.msk $0xffff, v35  }
0x184: {  	[tilespmem:v38+s20+$0x0] =	vst.idx.add.f32.msk $0xffff, v34  }
0x185: {  	[tilespmem:v47+s20+$0x0] =	vst.idx.add.f32.msk $0xffff, v27  }
0x186: {  	[tilespmem:v28+s20+$0x0] =	vst.idx.add.f32.msk $0xffff, v36  }
0x187: {  	v10 =	vld.idx.msk [tilespmem:v19+s12+$0x0], $0xffff  }
0x188: {  	v6 =	vld.idx.msk [tilespmem:v6+s12+$0x0], $0xffff  }
0x189: {  	v7 =	vld.idx.msk [tilespmem:v7+s12+$0x0], $0xffff  }
0x18a: {  	v8 =	vld.idx.msk [tilespmem:v8+s12+$0x0], $0xffff  }
0x18b: {  	v9 =	vld.idx.msk [tilespmem:v9+s12+$0x0], $0xffff  }
0x18c: {  	v11 =	vld.idx.msk [tilespmem:v11+s12+$0x0], $0xffff  }
0x18d: {  	v19 =	vunpack.i.u.bf16.f32 v10;
	v10 =	vunpack.i.l.bf16.f32 v10;
	v12 =	vld.idx.msk [tilespmem:v12+s12+$0x0], $0xffff  }
0x18e: {  	v10 =	vmul.f32 v10, v20;
	v23 =	vunpack.i.u.bf16.f32 v6;
	v6 =	vunpack.i.l.bf16.f32 v6;
	[tilespmem:v1+s20+$0x0] =	vst.idx.add.f32.msk $0xffff, v5;
	v1 =	vmovc v44  }
0x18f: {  	v5 =	vmul.f32 v19, v20;
	v19 =	vunpack.i.u.bf16.f32 v7;
	v7 =	vunpack.i.l.bf16.f32 v7;
	[tilespmem:v2+s20+$0x0] =	vst.idx.add.f32.msk $0xffff, v4;
	v2 =	vmovc v52  }
0x190: {  	v4 =	vmul.f32 v6, v18;
	v6 =	vunpack.i.u.bf16.f32 v8;
	v8 =	vunpack.i.l.bf16.f32 v8;
	[tilespmem:v41+s20+$0x0] =	vst.idx.add.f32.msk $0xffff, v10  }
0x191: {  	v10 =	vunpack.i.u.bf16.f32 v9;
	v9 =	vunpack.i.l.bf16.f32 v9;
	[tilespmem:v42+s20+$0x0] =	vst.idx.add.f32.msk $0xffff, v5;
	v5 =	vmul.f32 v23, v18  }
0x192: {  	[tilespmem:v45+s20+$0x0] =	vst.idx.add.f32.msk $0xffff, v4;
	v4 =	vmul.f32 v7, v17;
	v7 =	vunpack.i.u.bf16.f32 v11;
	v11 =	vunpack.i.l.bf16.f32 v11  }
0x193: {  	[tilespmem:v46+s20+$0x0] =	vst.idx.add.f32.msk $0xffff, v5;
	v5 =	vmul.f32 v19, v17;
	v17 =	vunpack.i.u.bf16.f32 v12;
	v12 =	vunpack.i.l.bf16.f32 v12  }
0x194: {  	v6 =	vmul.f32 v6, v15;
	[tilespmem:v49+s20+$0x0] =	vst.idx.add.f32.msk $0xffff, v4;
	v4 =	vmul.f32 v8, v15  }
0x195: {  	v8 =	vmul.f32 v9, v13;
	v9 =	vmul.f32 v10, v13;
	[tilespmem:v50+s20+$0x0] =	vst.idx.add.f32.msk $0xffff, v5  }
.Ltmp5:
0x196: {  	v11 =	vmul.f32 v11, v14;
	v10 =	vmul.f32 v7, v14;
	[tilespmem:v21+s20+$0x0] =	vst.idx.add.f32.msk $0xffff, v4;
	(pc) =	sbr.rel @p0 .LBB2_13-.Ltmp5, $4  }
0x197: {  	v5 =	vmul.f32 v12, v16;
	v4 =	vmul.f32 v17, v16;
	[tilespmem:v22+s20+$0x0] =	vst.idx.add.f32.msk $0xffff, v6  }
0x198: {  	[tilespmem:v30+s20+$0x0] =	vst.idx.add.f32.msk $0xffff, v8  }
0x199: {  	[tilespmem:v51+s20+$0x0] =	vst.idx.add.f32.msk $0xffff, v9  }
0x19a: {  	s29 =	sadd.s32 $0x80, s29;
	[tilespmem:v40+s20+$0x0] =	vst.idx.add.f32.msk $0xffff, v11  }
0x19b: {  	s24 =	sadd.s32 $0x1, s24  }
0x19c: {  	p0 =	sne.s32 s24, $0x32  }
.Ltmp6:
0x19d: {  	_ = 	snop;
	(pc) =	sbr.rel @p0 .LBB2_10-.Ltmp6, $4  }
0x19e: {  	_ = 	snop  }
0x19f: {  	[tilespmem:v3+s20+$0x0] =	vst.idx.add.f32.msk $0xffff, v10  }
0x1a0: {  	[tilespmem:v1+s20+$0x0] =	vst.idx.add.f32.msk $0xffff, v5  }
0x1a1: {  	[tilespmem:v2+s20+$0x0] =	vst.idx.add.f32.msk $0xffff, v4  }
0x1a2: {  	s24 =	simm.s32 $0x7550  }
0x1a3: {  	s25 =	simm.s32 $0x20;
	v6 =	vld [tilespmem:s24+$0x10]  }
0x1a4: {  	v7 =	vld [tilespmem:s25+$0x10]  }
0x1a5: {  	v3 =	vld [tilespmem:s25+$0xFFFFFFE0]  }
0x1a6: {  	v1 =	vld [tilespmem:s24+$0xFFFFFFF0]  }
0x1a7: {  	v5 =	vld [tilespmem:s25+$0xFFFFFFF0]  }
0x1a8: {  	v2 =	vld [tilespmem:s24+$0x0]  }
0x1a9: {  	v4 =	vld [tilespmem:s25+$0x0];
	v7 =	vmul.f32 v7, v6  }
0x1aa: {  	s26 =	simm.s32 $0x0;
	s28 =	simm.s32 $0x7590;
	v6 =	vld [tilespmem:s24+$0xFFFFFFE0]  }
.LBB2_16:
0x1ab: {  	v8 =	vld [tilespmem:s28+$0x10];
	[tilespmem:s24+$0x10] =	vst v7;
	s25 =	sadd.s32 $0x40, s25  }
0x1ac: {  	s26 =	sadd.s32 $0x4, s26;
	v7 =	vld [tilespmem:s25+$0x10];
	v5 =	vmul.f32 v5, v1  }
0x1ad: {  	p0 =	slt.u32 s26, $0x26C;
	v9 =	vld [tilespmem:s25+$0xFFFFFFE0]  }
.Ltmp7:
0x1ae: {  	v1 =	vld [tilespmem:s28+$0xFFFFFFF0];
	[tilespmem:s24+$0xFFFFFFF0] =	vst v5;
	v4 =	vmul.f32 v4, v2;
	(pc) =	sbr.rel @p0 .LBB2_16-.Ltmp7, $4  }
0x1af: {  	v5 =	vld [tilespmem:s25+$0xFFFFFFF0];
	v10 =	vmul.f32 v3, v6  }
0x1b0: {  	v2 =	vld [tilespmem:s28+$0x0];
	[tilespmem:s24+$0x0] =	vst v4  }
0x1b1: {  	v4 =	vld [tilespmem:s25+$0x0];
	v7 =	vmul.f32 v7, v8;
	[tilespmem:s24+$0xFFFFFFE0] =	vst v10;
	s24 =	smov.u32 s28  }
0x1b2: {  	s28 =	sadd.s32 $0x40, s28;
	v6 =	vld [tilespmem:s24+$0xFFFFFFE0];
	v3 =	vmov v9  }
0x1b3: {  	_ =	sdelay $0x1  }
0x1b4: {  	v1 =	vmul.f32 v5, v1  }
0x1b5: {  	[tilespmem:s24+$0x10] =	vst v7;
	v2 =	vmul.f32 v4, v2  }
0x1b6: {  	[tilespmem:s24+$0xFFFFFFF0] =	vst v1;
	v1 =	vmul.f32 v3, v6  }
0x1b7: {  	[tilespmem:s24+$0x0] =	vst v2  }
0x1b8: {  	[tilespmem:s24+$0xFFFFFFE0] =	vst v1  }
0x1b9: {  	v1 =	vld [tilespmem:$0x9C30]  }
0x1ba: {  	v2 =	vld [tilespmem:$0x2700];
	_ =	sdelay $0x4  }
0x1bb: {  	v1 =	vmul.f32 v2, v1;
	_ =	sdelay $0x1  }
0x1bc: {  	s24 =	simm.s32 $0x9C70;
	[tilespmem:$0x9C30] =	vst v1  }
0x1bd: {  	s25 =	simm.s32 $0x20;
	v6 =	vld [tilespmem:s24+$0x0]  }
0x1be: {  	v7 =	vld [tilespmem:s25+$0x10]  }
0x1bf: {  	v3 =	vld [tilespmem:s25+$0xFFFFFFE0]  }
0x1c0: {  	v1 =	vld [tilespmem:s24+$0xFFFFFFE0]  }
0x1c1: {  	v5 =	vld [tilespmem:s25+$0xFFFFFFF0]  }
0x1c2: {  	v2 =	vld [tilespmem:s24+$0xFFFFFFF0]  }
0x1c3: {  	v4 =	vld [tilespmem:s25+$0x0];
	v7 =	vmul.f32 v7, v6  }
0x1c4: {  	s26 =	simm.s32 $0x0;
	s28 =	simm.s32 $0x9CB0;
	v6 =	vld [tilespmem:s24+$0xFFFFFFD0]  }
.LBB2_18:
0x1c5: {  	v8 =	vld [tilespmem:s28+$0x0];
	[tilespmem:s24+$0x0] =	vst v7;
	s25 =	sadd.s32 $0x40, s25  }
0x1c6: {  	s26 =	sadd.s32 $0x4, s26;
	v7 =	vld [tilespmem:s25+$0x10];
	v5 =	vmul.f32 v5, v1  }
0x1c7: {  	p0 =	slt.u32 s26, $0x26C;
	v9 =	vld [tilespmem:s25+$0xFFFFFFE0]  }
.Ltmp8:
0x1c8: {  	v1 =	vld [tilespmem:s28+$0xFFFFFFE0];
	[tilespmem:s24+$0xFFFFFFE0] =	vst v5;
	v4 =	vmul.f32 v4, v2;
	(pc) =	sbr.rel @p0 .LBB2_18-.Ltmp8, $4  }
0x1c9: {  	v5 =	vld [tilespmem:s25+$0xFFFFFFF0];
	v10 =	vmul.f32 v3, v6  }
0x1ca: {  	v2 =	vld [tilespmem:s28+$0xFFFFFFF0];
	[tilespmem:s24+$0xFFFFFFF0] =	vst v4  }
0x1cb: {  	v4 =	vld [tilespmem:s25+$0x0];
	v7 =	vmul.f32 v7, v8;
	[tilespmem:s24+$0xFFFFFFD0] =	vst v10;
	s24 =	smov.u32 s28  }
0x1cc: {  	s28 =	sadd.s32 $0x40, s28;
	v6 =	vld [tilespmem:s24+$0xFFFFFFD0];
	v3 =	vmov v9  }
0x1cd: {  	_ =	sdelay $0x1  }
0x1ce: {  	v1 =	vmul.f32 v5, v1  }
0x1cf: {  	[tilespmem:s24+$0x0] =	vst v7;
	v2 =	vmul.f32 v4, v2  }
0x1d0: {  	[tilespmem:s24+$0xFFFFFFE0] =	vst v1;
	v1 =	vmul.f32 v3, v6  }
0x1d1: {  	[tilespmem:s24+$0xFFFFFFF0] =	vst v2  }
0x1d2: {  	[tilespmem:s24+$0xFFFFFFD0] =	vst v1  }
0x1d3: {  	v1 =	vld [tilespmem:$0xC340]  }
0x1d4: {  	v2 =	vld [tilespmem:$0x2700];
	_ =	sdelay $0x4  }
0x1d5: {  	v1 =	vmul.f32 v2, v1;
	_ =	sdelay $0x1  }
0x1d6: {  	s24 =	simm.s32 $0xC350;
	[tilespmem:$0xC340] =	vst v1  }
0x1d7: {  	s25 =	simm.s32 $0x20;
	v6 =	vld [tilespmem:s24+$0x30]  }
0x1d8: {  	v7 =	vld [tilespmem:s25+$0x10]  }
0x1d9: {  	v3 =	vld [tilespmem:s25+$0xFFFFFFE0]  }
0x1da: {  	v1 =	vld [tilespmem:s24+$0x10]  }
0x1db: {  	v5 =	vld [tilespmem:s25+$0xFFFFFFF0]  }
0x1dc: {  	v2 =	vld [tilespmem:s24+$0x20]  }
0x1dd: {  	v4 =	vld [tilespmem:s25+$0x0];
	v7 =	vmul.f32 v7, v6  }
0x1de: {  	s26 =	simm.s32 $0x0;
	s28 =	simm.s32 $0xC390;
	v6 =	vld [tilespmem:s24+$0x0]  }
.LBB2_20:
0x1df: {  	v8 =	vld [tilespmem:s28+$0x30];
	[tilespmem:s24+$0x30] =	vst v7;
	s25 =	sadd.s32 $0x40, s25  }
0x1e0: {  	s26 =	sadd.s32 $0x4, s26;
	v7 =	vld [tilespmem:s25+$0x10];
	v5 =	vmul.f32 v5, v1  }
0x1e1: {  	p0 =	slt.u32 s26, $0x26C;
	v9 =	vld [tilespmem:s25+$0xFFFFFFE0]  }
.Ltmp9:
0x1e2: {  	v1 =	vld [tilespmem:s28+$0x10];
	[tilespmem:s24+$0x10] =	vst v5;
	v4 =	vmul.f32 v4, v2;
	(pc) =	sbr.rel @p0 .LBB2_20-.Ltmp9, $4  }
0x1e3: {  	v5 =	vld [tilespmem:s25+$0xFFFFFFF0];
	v10 =	vmul.f32 v3, v6  }
0x1e4: {  	v2 =	vld [tilespmem:s28+$0x20];
	[tilespmem:s24+$0x20] =	vst v4  }
0x1e5: {  	v4 =	vld [tilespmem:s25+$0x0];
	v7 =	vmul.f32 v7, v8;
	[tilespmem:s24+$0x0] =	vst v10;
	s24 =	smov.u32 s28  }
0x1e6: {  	s28 =	sadd.s32 $0x40, s28;
	v6 =	vld [tilespmem:s24+$0x0];
	v3 =	vmov v9  }
0x1e7: {  	_ =	sdelay $0x1  }
0x1e8: {  	v1 =	vmul.f32 v5, v1  }
0x1e9: {  	[tilespmem:s24+$0x30] =	vst v7;
	v2 =	vmul.f32 v4, v2  }
0x1ea: {  	[tilespmem:s24+$0x10] =	vst v1;
	v1 =	vmul.f32 v3, v6  }
0x1eb: {  	[tilespmem:s24+$0x20] =	vst v2  }
0x1ec: {  	[tilespmem:s24+$0x0] =	vst v1  }
0x1ed: {  	v1 =	vld [tilespmem:$0xEA50]  }
0x1ee: {  	v2 =	vld [tilespmem:$0x2700];
	_ =	sdelay $0x4  }
0x1ef: {  	v1 =	vmul.f32 v2, v1;
	_ =	sdelay $0x1  }
0x1f0: {  	s24 =	simm.s32 $0xEA60;
	[tilespmem:$0xEA50] =	vst v1  }
0x1f1: {  	s25 =	simm.s32 $0x20;
	v6 =	vld [tilespmem:s24+$0x30]  }
0x1f2: {  	v7 =	vld [tilespmem:s25+$0x10]  }
0x1f3: {  	v3 =	vld [tilespmem:s25+$0xFFFFFFE0]  }
0x1f4: {  	v1 =	vld [tilespmem:s24+$0x10]  }
0x1f5: {  	v5 =	vld [tilespmem:s25+$0xFFFFFFF0]  }
0x1f6: {  	v2 =	vld [tilespmem:s24+$0x20]  }
0x1f7: {  	v4 =	vld [tilespmem:s25+$0x0];
	v7 =	vmul.f32 v7, v6  }
0x1f8: {  	s26 =	simm.s32 $0x0;
	s28 =	simm.s32 $0xEAA0;
	v6 =	vld [tilespmem:s24+$0x0]  }
.LBB2_22:
0x1f9: {  	v8 =	vld [tilespmem:s28+$0x30];
	[tilespmem:s24+$0x30] =	vst v7;
	s25 =	sadd.s32 $0x40, s25  }
0x1fa: {  	s26 =	sadd.s32 $0x4, s26;
	v7 =	vld [tilespmem:s25+$0x10];
	v5 =	vmul.f32 v5, v1  }
0x1fb: {  	p0 =	slt.u32 s26, $0x26C;
	v9 =	vld [tilespmem:s25+$0xFFFFFFE0]  }
.Ltmp10:
0x1fc: {  	v1 =	vld [tilespmem:s28+$0x10];
	[tilespmem:s24+$0x10] =	vst v5;
	v4 =	vmul.f32 v4, v2;
	(pc) =	sbr.rel @p0 .LBB2_22-.Ltmp10, $4  }
0x1fd: {  	v5 =	vld [tilespmem:s25+$0xFFFFFFF0];
	v10 =	vmul.f32 v3, v6  }
0x1fe: {  	v2 =	vld [tilespmem:s28+$0x20];
	[tilespmem:s24+$0x20] =	vst v4  }
0x1ff: {  	v4 =	vld [tilespmem:s25+$0x0];
	v7 =	vmul.f32 v7, v8;
	[tilespmem:s24+$0x0] =	vst v10;
	s24 =	smov.u32 s28  }
0x200: {  	s28 =	sadd.s32 $0x40, s28;
	v6 =	vld [tilespmem:s24+$0x0];
	v3 =	vmov v9  }
0x201: {  	_ =	sdelay $0x1  }
0x202: {  	v1 =	vmul.f32 v5, v1  }
0x203: {  	[tilespmem:s24+$0x30] =	vst v7;
	v2 =	vmul.f32 v4, v2  }
0x204: {  	[tilespmem:s24+$0x10] =	vst v1;
	v1 =	vmul.f32 v3, v6  }
0x205: {  	[tilespmem:s24+$0x20] =	vst v2  }
0x206: {  	[tilespmem:s24+$0x0] =	vst v1  }
0x207: {  	v1 =	vld [tilespmem:$0x11160]  }
0x208: {  	v2 =	vld [tilespmem:$0x2700];
	_ =	sdelay $0x4  }
0x209: {  	v1 =	vmul.f32 v2, v1;
	_ =	sdelay $0x1  }
0x20a: {  	[tilespmem:$0x11160] =	vst v1  }
0x20b: {  	[hbm4b:s8+s4] =	stream.linear.scatter [tilespmem:s20], [sflag:$0x3], $0x4E20, $0x38;
	[tilespmem:$0x15C70] =	vst v63  }
0x20c: {  	s23 =	sadd.s32 $0x1, s23;
	_ =	swait.ge [sflag:s11], $0x4E20  }
0x20d: {  	p0 =	sne.s32 s23, s10;
	[sflag:s11] =	ssyncset.done $0x0  }
.Ltmp11:
0x20e: {  	[sflag:s11] =	ssyncadd.s32 $0xFFFFB1E0;
	(pc) =	sbr.rel @p0 .LBB2_1-.Ltmp11, $4  }
0x20f: {  	[hbm4b:s9+s4] =	stream.linear.scatter [tilespmem:s22], [sflag:$0x3], $0x4E20, $0x38;
	[tilespmem:$0x15C70] =	vst v63  }
0x210: {  	_ =	swait.ge [sflag:s11], $0x4E20  }
0x211: {  	[sflag:s11] =	ssyncset.done $0x0  }
0x212: {  	[sflag:s11] =	ssyncadd.s32 $0xFFFFB1E0  }
0x213: {  	_ =	sfence.sel $0x180000  }
0x214: {  	[bflag:$0x0] =	sbarrier.arrive $0xFFFF  }
0x215: {  	p0 =	sne.s32 s0, $0x0;
	_ =	strace $0x9000004A  }
0x216: {  	s0 =	sadd.s32 @!p0 $0x100000, s2;
	[bflag:$0x2] =	sbarrier.arrive $0xFFFF  }
0x217: {  	[sflag:s0] =	ssyncadd.tile.s32 @!p0 $0x1;
	_ =	shalt  }
.Lfunc_end2:
_tile_overlayer_lowered:
.L_overlay_start_2:
0x218: {  	(tag) =	ssettag $0x2  }
0x219: {  	s0 =	rddreg [dreg:$0x0];
	s2 =	stileid.u32  }
0x21a: {  	s1 =	rddreg [dreg:$0x1];
	p0 =	sne.s32 s2, $0x0  }
0x21b: {  	s3 =	rddreg [dreg:$0x2];
	[bflag:$0x3] =	sbarrier.arrive $0xFFFF;
	s2 =	simm.s32 @!p0 $0x1C03  }
0x21c: {  	[timem:s3], [sflag:s2] =	dma.local @!p0 [hbm:s0], s1  }
0x21d: {  	s0 =	simm.s32 @!p0 $0x3  }
0x21e: {  	_ =	swait.ge @!p0 [sflag:s0], s1  }
0x21f: {  	s1 =	ssub.s32 @!p0 $0x0, s1;
	[sflag:s0] =	ssyncset.done @!p0 $0x0  }
0x220: {  	[sflag:s0] =	ssyncadd.s32 @!p0 s1  }
0x221: {  	[bflag:$0x3] =	sbarrier.arrive $0xFFFF  }
0x222: {  	_ =	shalt  }

// kernel: kernel.14.cloned.1.call-start
scs
__scs_entry_jumppad:
0x0: {  	(pc) =	sbr.rel $0x88, $3  }
0x1: {  	(tag) =	ssettag $0x0;
	lr =	simm.s32 $0x1  }
0x2: {  	[smem:$0x3F92] =	sst lr;
	_ =	strace $0xD0000000  }
0x3: {  	_ = 	snop  }
0x4: {  	_ = 	snop  }
0x5: {  	_ = 	snop  }
0x6: {  	_ = 	snop  }
0x7: {  	_ = 	snop  }
__scs_overlays_trampoline_lowered:
0x8: {  	[smem:$0x3FA1] =	sst s0  }
0x9: {  	[smem:$0x3FA2] =	sst s1  }
0xa: {  	[smem:$0x3FA3] =	sst s2  }
0xb: {  	[smem:$0x3FA4] =	sst s3  }
0xc: {  	[smem:$0x3FA5] =	sst s4  }
0xd: {  	[smem:$0x3FA6] =	sst s5  }
0xe: {  	[smem:$0x3FA7] =	sst s6  }
0xf: {  	[smem:$0x3FA8] =	sst s7  }
0x10: {  	[smem:$0x3FA9] =	sst s8  }
0x11: {  	[smem:$0x3FAA] =	sst s9;
	s0 =	simm.s32 @!p0 $0x0  }
0x12: {  	s1 =	sld [smem:$0x3F90];
	s0 =	simm.s32 @p0 $0x1  }
0x13: {  	[smem:$0x3FAB] =	sst s0;
	s0 =	simm.s32 @!p1 $0x0  }
0x14: {  	s2 =	sld [smem:$0x3F8F];
	s0 =	simm.s32 @p1 $0x1  }
0x15: {  	[smem:$0x3FAC] =	sst s0;
	s0 =	simm.s32 @!p2 $0x0  }
0x16: {  	s3 =	sld [smem:$0x3FDB];
	s0 =	simm.s32 @p2 $0x1  }
0x17: {  	s4 =	simm.s32 $0x1BF5;
	[smem:$0x3FAE] =	sst s0  }
0x18: {  	s0 =	sld [smem:$0x3F91];
	_ =	swait.ge [sflag:s4], $0x0  }
0x19: {  	s7 =	sld [smem:$0x3F92]  }
0x1a: {  	s8 =	sadd.s32 $0xFFFFE003, lr  }
0x1b: {  	s9 =	sadd.s32 $0xFFFFFEF7, lr;
	s5 =	simm.s32 $0xFFFFFFFF;
	p2 =	slt.u32 s8, $0xFFFFF086  }
0x1c: {  	p1 =	slt.u32 s9, $0xF7A;
	s5 =	simm.s32 @!p2 $0x0  }
0x1d: {  	s5 =	simm.s32 @p1 $0x1;
	p0 =	seq.s32 s7, s2  }
0x1e: {  	s7 =	smul.u32 @!p0 $0xF7A, s2;
	p2 =	seq.s32 @!p0 s5, $0x0  }
0x1f: {  	s9 =	smul.u32 $0xF7A, s1;
	s8 =	simm.s32 @!p0 $0x1BF5;
	p2 =	por !p2, p0  }
0x20: {  	[sflag:s8] =	ssyncset.s32 @!p0 $0xFFFFF086;
	s6 =	sadd.s32 @!p0 s3, s7;
	s7 =	simm.s32 @!p0 $0x108  }
0x21: {  	s3 =	sadd.s32 s3, s9;
	s6 =	sadd.s32 @!p0 $0x88, s6;
	s7 =	simm.s32 @p2 $0x1082  }
0x22: {  	[simem:s7], [sflag:s8] =	dma.local @!p0 [hbm:s6], $0xF7A  }
0x23: {  	s9 =	sor.u32 $0xD0000000, s2;
	s6 =	simm.s32 $0x108;
	_ =	swait.ge @!p0 [sflag:s8], $0x0  }
0x24: {  	s3 =	sadd.s32 $0x88, s3;
	s6 =	simm.s32 @!p1 $0x1082;
	[sflag:s4] =	ssyncset.s32 $0xFFFFF086  }
0x25: {  	[simem:s6], [sflag:s4] =	dma.local [hbm:s3], $0xF7A  }
0x26: {  	[smem:$0x3F92] =	sst s1;
	(tag) =	ssettag s2;
	_ =	strace s9  }
0x27: {  	s1 =	sld [smem:$0x3FA2]  }
0x28: {  	s2 =	sld [smem:$0x3FA3]  }
0x29: {  	s4 =	sld [smem:$0x3FA5]  }
0x2a: {  	p0 =	seq.s32 s5, $0x0;
	s5 =	sld [smem:$0x3FA6]  }
0x2b: {  	s6 =	sld [smem:$0x3FA7]  }
0x2c: {  	s7 =	sld [smem:$0x3FA8]  }
0x2d: {  	s3 =	simm.s32 $0x108;
	s8 =	sld [smem:$0x3FA9]  }
0x2e: {  	s3 =	simm.s32 @!p0 $0x1082;
	s9 =	sld [smem:$0x3FAA]  }
0x2f: {  	lr =	sadd.s32 s0, s3;
	s0 =	sld [smem:$0x3FA1]  }
0x30: {  	s3 =	sld [smem:$0x3FA4]  }
0x31: {  	[smem:$0x3FAD] =	sst s10  }
0x32: {  	s10 =	sld [smem:$0x3FAB];
	_ =	sdelay $0x3  }
0x33: {  	p0 =	seq.s32 s10, $0x1;
	s10 =	sld [smem:$0x3FAD];
	_ =	sdelay $0x3  }
0x34: {  	[smem:$0x3FAD] =	sst s10  }
0x35: {  	s10 =	sld [smem:$0x3FAC];
	_ =	sdelay $0x3  }
0x36: {  	p1 =	seq.s32 s10, $0x1;
	s10 =	sld [smem:$0x3FAD];
	_ =	sdelay $0x3  }
0x37: {  	[smem:$0x3FAD] =	sst s10  }
0x38: {  	s10 =	sld [smem:$0x3FAE]  }
0x39: {  	_ = 	snop;
	(pc) =	sbr.ind lr, $3  }
0x3a: {  	_ = 	snop  }
0x3b: {  	_ = 	snop  }
0x3c: {  	p2 =	seq.s32 s10, $0x1;
	s10 =	sld [smem:$0x3FAD]  }
0x3d: {  	_ =	shalt  }
0x3e: {  	_ =	shalt  }
0x3f: {  	_ =	shalt  }
0x40: {  	_ =	shalt  }
0x41: {  	_ =	shalt  }
0x42: {  	_ =	shalt  }
0x43: {  	_ =	shalt  }
0x44: {  	_ =	shalt  }
0x45: {  	_ =	shalt  }
0x46: {  	_ =	shalt  }
0x47: {  	_ =	shalt  }
0x48: {  	_ =	shalt  }
0x49: {  	_ =	shalt  }
0x4a: {  	_ =	shalt  }
0x4b: {  	_ =	shalt  }
0x4c: {  	_ =	shalt  }
0x4d: {  	_ =	shalt  }
0x4e: {  	_ =	shalt  }
0x4f: {  	_ =	shalt  }
0x50: {  	_ =	shalt  }
0x51: {  	_ =	shalt  }
0x52: {  	_ =	shalt  }
0x53: {  	_ =	shalt  }
0x54: {  	_ =	shalt  }
0x55: {  	_ =	shalt  }
0x56: {  	_ =	shalt  }
0x57: {  	_ =	shalt  }
0x58: {  	_ =	shalt  }
0x59: {  	_ =	shalt  }
0x5a: {  	_ =	shalt  }
0x5b: {  	_ =	shalt  }
0x5c: {  	_ =	shalt  }
0x5d: {  	_ =	shalt  }
0x5e: {  	_ =	shalt  }
0x5f: {  	_ =	shalt  }
0x60: {  	_ =	shalt  }
0x61: {  	_ =	shalt  }
0x62: {  	_ =	shalt  }
0x63: {  	_ =	shalt  }
0x64: {  	_ =	shalt  }
0x65: {  	_ =	shalt  }
0x66: {  	_ =	shalt  }
0x67: {  	_ =	shalt  }
0x68: {  	_ =	shalt  }
0x69: {  	_ =	shalt  }
0x6a: {  	_ =	shalt  }
0x6b: {  	_ =	shalt  }
0x6c: {  	_ =	shalt  }
0x6d: {  	_ =	shalt  }
0x6e: {  	_ =	shalt  }
0x6f: {  	_ =	shalt  }
0x70: {  	_ =	shalt  }
0x71: {  	_ =	shalt  }
0x72: {  	_ =	shalt  }
0x73: {  	_ =	shalt  }
0x74: {  	_ =	shalt  }
0x75: {  	_ =	shalt  }
0x76: {  	_ =	shalt  }
0x77: {  	_ =	shalt  }
0x78: {  	_ =	shalt  }
0x79: {  	_ =	shalt  }
0x7a: {  	_ =	shalt  }
0x7b: {  	_ =	shalt  }
0x7c: {  	_ =	shalt  }
0x7d: {  	_ =	shalt  }
0x7e: {  	_ =	shalt  }
0x7f: {  	_ =	shalt  }
0x80: {  	_ =	shalt  }
0x81: {  	_ =	shalt  }
0x82: {  	_ =	shalt  }
0x83: {  	_ =	shalt  }
0x84: {  	_ =	shalt  }
0x85: {  	_ =	shalt  }
0x86: {  	_ =	shalt  }
0x87: {  	_ =	shalt  }
.Lfunc_end0:
.L_simem_size_0:
called_computation.2_lowered:
.L_overlay_start_0:
0x88: {  	s2 =	sld [smem:$0x3FD9]  }
0x89: {  	s3 =	sld [smem:$0x3FFE];
	_ =	sdelay $0x1  }
0x8a: {  	s1 =	srdreg.scid  }
0x8b: {  	s0 =	sand.u32 $0x1, s1  }
0x8c: {  	s16 =	sshll.u32 s0, $0xA;
	s2 =	sadd.s32 s3, s2  }
0x8d: {  	s2 =	sadd.s32 s2, s16  }
0x8e: {  	[smem:$0x3FB9] =	sst s2  }
0x8f: {  	_ = 	snop  }
0x90: {  	(tm) =	ssettm $0x1  }
0x91: {  	s17 =	sld [smem:$0x3FFB];
	_ =	sdelay $0x3  }
0x92: {  	_ =	strace s17  }
0x93: {  	s2 =	sld [smem:$0x3FFC];
	_ =	sdelay $0x3  }
0x94: {  	_ =	strace s2  }
0x95: {  	s2 =	sld [smem:$0x3FFD];
	_ =	sdelay $0x3  }
0x96: {  	_ =	strace s2  }
0x97: {  	_ =	strace $0x8FFFFFFF  }
0x98: {  	s18 =	sld [smem:$0x3FDB];
	_ =	sdelay $0x1  }
0x99: {  	s19 =	simm.s32 $_scs_section_size  }
0x9a: {  	s4 =	simm.s32 $_size__tile_overlayer_lowered;
	s5 =	simm.s32 $_tile_overlayer_lowered  }
0x9b: {  	s22 =	simm.s32 $0x1BFF;
	s21 =	sshll.u32 s5, $0x1;
	s2 =	sadd.s32 s19, s18  }
0x9c: {  	s6 =	simm.s32 $0x0;
	s20 =	sshll.u32 s4, $0x1;
	s4 =	sadd.s32 s21, s2  }
0x9d: {  	[timem:s6], [sflag:s22] =	dma.local [hbm:s4], s20  }
0x9e: {  	_ =	swait.ge [sflag:s22], s20  }
0x9f: {  	s3 =	ssub.s32 $0x0, s20;
	[sflag:s22] =	ssyncset.done $0x0  }
0xa0: {  	[sflag:s22] =	ssyncadd.s32 s3;
	_ =	sdelay $0x1  }
0xa1: {  	s23 =	simm.s32 $0x1B8B  }
0xa2: {  	_ =	swait.ge [sflag:s23], $0x1  }
0xa3: {  	[sflag:s23] =	ssyncset.done $0x0  }
0xa4: {  	s25 =	simm.s32 $0x1B8E;
	s24 =	sld [smem:$0x3FFE];
	[sflag:s23] =	ssyncadd.s32 $0xFFFFFFFF  }
0xa5: {  	s26 =	simm.s32 $execute0_lowered;
	[smem:$0x3FD2] =	sst s25  }
0xa6: {  	s4 =	sshll.u32 s26, $0x1;
	_ =	strace $0x8000004C;
	[dreg:$0x1] =	wrdreg $0xFFFFFFFF  }
0xa7: {  	s28 =	simm.s32 $_size_execute0_lowered;
	s2 =	sadd.s32 s2, s4;
	[dreg:$0x0] =	wrdreg $0x0  }
0xa8: {  	s4 =	sshll.u32 s28, $0x1;
	[dreg:$0x2] =	wrdreg s2  }
0xa9: {  	[dreg:$0x3] =	wrdreg s4  }
0xaa: {  	[dreg:$0x4] =	wrdreg $0xC0  }
0xab: {  	_ =	task [dreg:s6], $0x5FFFF  }
0xac: {  	[dreg:$0x1] =	wrdreg $0xFFFFFFFF  }
0xad: {  	[dreg:$0x0] =	wrdreg $0x60  }
0xae: {  	[dreg:$0x2] =	wrdreg s24  }
0xaf: {  	[dreg:$0x3] =	wrdreg $0x9  }
0xb0: {  	_ =	task.clear_ibuf [dreg:s6], $0x4FFFF;
	_ =	strace $0x9000004C  }
0xb1: {  	s29 =	simm.s32 $0x9;
	_ =	strace $0x8000004E  }
0xb2: {  	_ =	swait.ge [sflag:s29], $0x1  }
0xb3: {  	[sflag:s29] =	ssyncadd.s32 $0xFFFFFFFF  }
0xb4: {  	_ =	strace $0x9000004E  }
0xb5: {  	_ =	sfence  }
0xb6: {  	s30 =	sld [smem:$0x0];
	_ =	sdelay $0x2  }
0xb7: {  	s31 =	sshll.u32 s1, $0xD;
	s1 =	sshrl.u32 s1, $0x2  }
0xb8: {  	s3 =	sand.u32 $0x4000, s31;
	s1 =	sadd.s32 s1, s30  }
0xb9: {  	s0 =	sor.u32 s3, s0;
	s1 =	sshll.u32 s1, $0x11  }
0xba: {  	s0 =	sor.u32 s1, s0  }
0xbb: {  	s0 =	sadd.s32 $0x8F2B, s0  }
0xbc: {  	[sflag:s0] =	ssyncadd.remote.s32 $0x1  }
0xbd: {  	_ =	sfence.sel $0xFFFF  }
0xbe: {  	[dreg:$0x0] =	wrdreg $0xFFFFFFFF;
	(pc) =	sbr.abs _section_cstart, $3  }
0xbf: {  	[dreg:$0x1] =	wrdreg $0xFFFFFFFF  }
0xc0: {  	_ =	task.clear_ibuf [dreg:s6], $0x2FFFF;
	_ =	strace $0x9FFFFFFF  }
0xc1: {  	(tm) =	ssettm $0x7FFFFFFF  }
tec
execute0_lowered:
.L_overlay_start_1:
0x0: {  	(tag) =	ssettag $0x1  }
0x1: {  	s0 =	srdreg.scid  }
0x2: {  	s1 =	stileid.u32;
	s7 =	rddreg [dreg:$0x0];
	s2 =	simm.s32 $0x0  }
0x3: {  	s11 =	simm.s32 $0x5;
	s15 =	simm.s32 $0x1;
	s16 =	simm.s32 $0x5AA0  }
0x4: {  	s17 =	simm.s32 $0x73A0;
	s18 =	simm.s32 $0x8CA0;
	s19 =	simm.s32 $0x9920  }
0x5: {  	s20 =	simm.s32 $0xB220;
	s21 =	simm.s32 $0x2;
	s22 =	simm.s32 $0xA5A0  }
0x6: {  	s23 =	simm.s32 $0xBEA0;
	s24 =	simm.s32 $0x3;
	s25 =	simm.s32 $0x4  }
0x7: {  	s26 =	simm.s32 $0x0;
	s0 =	sand.u32 $0x1, s0;
	s1 =	sshll.u32 s1, $0x1  }
0x8: {  	[smem:$0x7FF] =	sst s2;
	s4 =	sadd.s32 $0x16400, s7;
	s1 =	sor.u32 s0, s1  }
0x9: {  	s5 =	sadd.s32 $0x33C00, s7;
	s0 =	ssub.s32 $0x2, s0;
	s3 =	smul.u32 $0x9C4, s1  }
0xa: {  	s6 =	sadd.s32 $0x16C400, s7;
	_ =	strace $0x8000004D;
	s9 =	sshrl.u32 s0, $0x1  }
0xb: {  	s8 =	sadd.s32 s3, s7;
	s3 =	sadd.s32 $0x2A00, s7;
	s7 =	sadd.s32 $0xC640, s7  }
0xc: {  	s0 =	ssub.s32 s0, s9;
	s8 =	sadd.s32 $0x20200, s8;
	[dreg:$0x3] =	wrdreg s7  }
0xd: {  	s9 =	smul.u32 $0x4E200, s1;
	s10 =	smax.u32 s0, $0x1;
	[dreg:$0x2] =	wrdreg s8  }
.LBB2_1:
0xe: {  	s0 =	rddreg [dreg:$0x2]  }
0xf: {  	[tilespmem:s2], [sflag:$0x5] =	stream.linear.gather [hbm4b:s0+s2], $0x4E20, $0x38;
	[tilespmem:$0xCB20] =	vst v63  }
0x10: {  	_ =	swait.ge [sflag:s11], $0x4E20  }
0x11: {  	[sflag:s11] =	ssyncset.done $0x0  }
0x12: {  	s29 =	simm.s32 $0x4E20;
	[sflag:s11] =	ssyncadd.s32 $0xFFFFB1E0  }
0x13: {  	[tilespmem:s29], [sflag:$0x1] =	stream.linear.gather [hbm4b:s3+s2], $0xC80, $0x38;
	[tilespmem:$0xCB20] =	vst v63  }
0x14: {  	s1 =	simm.s32 $0x6720;
	s30 =	rddreg [dreg:$0x3]  }
0x15: {  	[tilespmem:s1], [sflag:$0x1] =	stream.linear.gather [hbm4b:s30+s2], $0xC80, $0x38;
	[tilespmem:$0xCB20] =	vst v63  }
0x16: {  	s31 =	simm.s32 $0x8020;
	s28 =	simm.s32 $0x0  }
0x17: {  	[tilespmem:s31], [sflag:$0x1] =	stream.linear.gather [hbm4b:s4+s2], $0xC80, $0x38;
	[tilespmem:$0xCB20] =	vst v63  }
.LBB2_2:
0x18: {  	_ =	swait.ge [sflag:s15], $0xC80  }
0x19: {  	[sflag:s15] =	ssyncset.done $0x0  }
0x1a: {  	[sflag:s15] =	ssyncadd.s32 $0xFFFFF380  }
0x1b: {  	_ =	swait.ge [sflag:s15], $0xC80  }
0x1c: {  	s30 =	smul.u32 $0x1900, s28;
	[sflag:s15] =	ssyncset.done $0x0  }
0x1d: {  	[sflag:s15] =	ssyncadd.s32 $0xFFFFF380  }
0x1e: {  	s29 =	sadd.s32 $0xC80, s30;
	_ =	swait.ge [sflag:s15], $0xC80  }
0x1f: {  	s0 =	sshrl.u32 s29, $0x3;
	[sflag:s15] =	ssyncset.done $0x0  }
0x20: {  	s13 =	sshrl.u32 s30, $0x3;
	s1 =	sadd.s32 s3, s0;
	[sflag:s15] =	ssyncadd.s32 $0xFFFFF380  }
0x21: {  	[tilespmem:s16], [sflag:$0x2] =	stream.linear.gather [hbm4b:s1+s2], $0xC80, $0x38;
	[tilespmem:$0xCB20] =	vst v63  }
0x22: {  	s1 =	sadd.s32 s3, s13  }
0x23: {  	s1 =	sadd.s32 $0x9DD0, s1  }
0x24: {  	[tilespmem:s17], [sflag:$0x2] =	stream.linear.gather [hbm4b:s1+s2], $0xC80, $0x38;
	[tilespmem:$0xCB20] =	vst v63  }
0x25: {  	p0 =	seq.s32 s28, $0x0;
	s0 =	sadd.s32 s4, s0  }
0x26: {  	[tilespmem:s18], [sflag:$0x2] =	stream.linear.gather [hbm4b:s0+s2], $0xC80, $0x38;
	[tilespmem:$0xCB20] =	vst v63  }
0x27: {  	s0 =	simm.s32 @!p0 $0x3  }
0x28: {  	_ =	swait.ge @!p0 [sflag:s0], $0xC80  }
0x29: {  	[sflag:s0] =	ssyncset.done @!p0 $0x0  }
0x2a: {  	[sflag:s0] =	ssyncadd.s32 @!p0 $0xFFFFF380  }
0x2b: {  	_ =	swait.ge @!p0 [sflag:s0], $0xC80  }
0x2c: {  	[sflag:s0] =	ssyncset.done @!p0 $0x0  }
0x2d: {  	s14 =	simm.s32 $0x4E60;
	[sflag:s0] =	ssyncadd.s32 @!p0 $0xFFFFF380  }
0x2e: {  	s31 =	simm.s32 $0x6760;
	v0 =	vld [tilespmem:s14+$0x30]  }
0x2f: {  	s1 =	simm.s32 $0x8060;
	v1 =	vld [tilespmem:s31+$0x30]  }
0x30: {  	v2 =	vld [tilespmem:s1+$0x30]  }
0x31: {  	v4 =	vld [tilespmem:s31+$0xFFFFFFC0]  }
0x32: {  	v5 =	vld [tilespmem:s1+$0xFFFFFFC0]  }
0x33: {  	v6 =	vld [tilespmem:s14+$0xFFFFFFD0]  }
0x34: {  	v9 =	vld [tilespmem:s31+$0xFFFFFFD0]  }
0x35: {  	v12 =	vld [tilespmem:s1+$0xFFFFFFD0]  }
0x36: {  	v13 =	vld [tilespmem:s14+$0xFFFFFFE0]  }
0x37: {  	v16 =	vld [tilespmem:s31+$0xFFFFFFE0]  }
0x38: {  	v17 =	vld [tilespmem:s1+$0xFFFFFFE0]  }
0x39: {  	v18 =	vld [tilespmem:s14+$0xFFFFFFF0]  }
0x3a: {  	v19 =	vld [tilespmem:s31+$0xFFFFFFF0];
	v3 =	vadd.s32 $0x2710, v0  }
0x3b: {  	v7 =	vld.idx.msk [tilespmem:v0+s2+$0x0], $0xffff;
	v0 =	vadd.s32 $0x2710, v1  }
0x3c: {  	v8 =	vld.idx.msk [tilespmem:v1+s2+$0x0], $0xffff  }
0x3d: {  	v10 =	vld.idx.msk [tilespmem:v2+s2+$0x0], $0xffff  }
0x3e: {  	v20 =	vld [tilespmem:s1+$0xFFFFFFF0];
	v1 =	vadd.s32 $0x2710, v2  }
0x3f: {  	v11 =	vld.idx.msk [tilespmem:v3+s2+$0x0], $0xffff  }
0x40: {  	v14 =	vld.idx.msk [tilespmem:v0+s2+$0x0], $0xffff  }
0x41: {  	v22 =	vld [tilespmem:s14+$0x0];
	v23 =	vunpack.i.l.bf16.f32 v7;
	v24 =	vunpack.i.l.bf16.f32 v8  }
0x42: {  	v25 =	vld [tilespmem:s31+$0x0];
	v26 =	vunpack.i.l.bf16.f32 v10;
	v7 =	vunpack.i.u.bf16.f32 v7;
	v24 =	vmul.f32 v24, v23  }
0x43: {  	v15 =	vld.idx.msk [tilespmem:v1+s2+$0x0], $0xffff;
	v8 =	vunpack.i.u.bf16.f32 v8;
	v10 =	vunpack.i.u.bf16.f32 v10;
	v23 =	vmul.f32 v26, v23  }
0x44: {  	v27 =	vld [tilespmem:s1+$0x0];
	v8 =	vmul.f32 v8, v7;
	v7 =	vmul.f32 v10, v7;
	v24 =	vadd.f32 $0.0e+00, v24  }
0x45: {  	v28 =	vld [tilespmem:s31+$0x10];
	v10 =	vunpack.i.u.bf16.f32 v11;
	v11 =	vunpack.i.l.bf16.f32 v11;
	v30 =	vunpack.i.l.bf16.f32 v14  }
0x46: {  	v29 =	vld [tilespmem:s1+$0x10];
	v8 =	vadd.f32 v24, v8;
	v30 =	vmul.f32 v30, v11  }
0x47: {  	v32 =	vld [tilespmem:s14+$0xFFFFFFC0];
	v21 =	vadd.s32 $0x2710, v4;
	v23 =	vadd.f32 $0.0e+00, v23;
	v14 =	vunpack.i.u.bf16.f32 v14  }
0x48: {  	v4 =	vld.idx.msk [tilespmem:v4+s2+$0x0], $0xffff;
	v31 =	vunpack.i.l.bf16.f32 v15;
	v14 =	vmul.f32 v14, v10;
	v8 =	vadd.f32 v30, v8  }
0x49: {  	v26 =	vld [tilespmem:s14+$0x10];
	v7 =	vadd.f32 v23, v7;
	v11 =	vmul.f32 v31, v11  }
0x4a: {  	v24 =	vld [tilespmem:s14+$0x20];
	v15 =	vunpack.i.u.bf16.f32 v15;
	v0 =	vadd.f32 v8, v14  }
0x4b: {  	v23 =	vld [tilespmem:s31+$0x20];
	v10 =	vmul.f32 v15, v10;
	v11 =	vadd.f32 v11, v7  }
0x4c: {  	v31 =	vld [tilespmem:s1+$0x20];
	[tilespmem:$0x1FFE0] =	vst v0  }
0x4d: {  	v3 =	vadd.s32 $0x2710, v5;
	v34 =	vld.idx.msk [tilespmem:v5+s2+$0x0], $0xffff;
	v5 =	vadd.f32 v11, v10;
	_ =	sdelay $0x1  }
0x4e: {  	[tilespmem:$0x1FFF0] =	vst v5  }
0x4f: {  	v2 =	vadd.s32 $0x2710, v6;
	v37 =	vld.idx.msk [tilespmem:v6+s2+$0x0], $0xffff;
	v6 =	vadd.s32 $0x2710, v26  }
0x50: {  	v41 =	vld.idx.msk [tilespmem:v9+s2+$0x0], $0xffff;
	[tilespmem:$0x1FF80] =	vst v6;
	v6 =	vadd.s32 $0x2710, v29  }
0x51: {  	[tilespmem:$0x1FF90] =	vst v6;
	v6 =	vadd.s32 $0x2710, v24  }
0x52: {  	v1 =	vadd.s32 $0x2710, v12;
	v12 =	vld.idx.msk [tilespmem:v12+s2+$0x0], $0xffff;
	[tilespmem:$0x1FFB0] =	vst v6;
	v6 =	vadd.s32 $0x2710, v23  }
0x53: {  	[tilespmem:$0x1FFC0] =	vst v6;
	v6 =	vadd.s32 $0x2710, v31  }
0x54: {  	[tilespmem:$0x1FFD0] =	vst v6  }
0x55: {  	v15 =	vadd.s32 $0x2710, v16;
	v30 =	vadd.s32 $0x2710, v13;
	v46 =	vunpack.i.u.bf16.f32 v37;
	v13 =	vld.idx.msk [tilespmem:v13+s2+$0x0], $0xffff  }
0x56: {  	v37 =	vunpack.i.l.bf16.f32 v37;
	v47 =	vunpack.i.u.bf16.f32 v41;
	v41 =	vunpack.i.l.bf16.f32 v41;
	v16 =	vld.idx.msk [tilespmem:v16+s2+$0x0], $0xffff  }
0x57: {  	v43 =	vadd.s32 $0x2710, v32;
	v32 =	vld.idx.msk [tilespmem:v32+s2+$0x0], $0xffff;
	v41 =	vmul.f32 v41, v37  }
0x58: {  	v33 =	vadd.s32 $0x2710, v17;
	v17 =	vld.idx.msk [tilespmem:v17+s2+$0x0], $0xffff  }
0x59: {  	v14 =	vadd.s32 $0x2710, v18;
	v18 =	vld.idx.msk [tilespmem:v18+s2+$0x0], $0xffff;
	v6 =	vadd.f32 $0.0e+00, v41  }
0x5a: {  	v35 =	vadd.s32 $0x2710, v9;
	v36 =	vadd.s32 $0x2710, v20;
	v0 =	vadd.s32 $0x2710, v19;
	v19 =	vld.idx.msk [tilespmem:v19+s2+$0x0], $0xffff  }
0x5b: {  	v39 =	vadd.s32 $0x2710, v25;
	v44 =	vunpack.i.u.bf16.f32 v4;
	v4 =	vunpack.i.l.bf16.f32 v4;
	v20 =	vld.idx.msk [tilespmem:v20+s2+$0x0], $0xffff;
	[tilespmem:$0x1FFA0] =	vst v6  }
0x5c: {  	v5 =	vadd.s32 $0x2710, v22;
	v48 =	vunpack.i.u.bf16.f32 v12;
	v12 =	vunpack.i.l.bf16.f32 v12;
	v22 =	vld.idx.msk [tilespmem:v22+s2+$0x0], $0xffff  }
0x5d: {  	v10 =	vadd.s32 $0x2710, v27;
	v9 =	vadd.s32 $0x2710, v28;
	v12 =	vmul.f32 v12, v37;
	v25 =	vld.idx.msk [tilespmem:v25+s2+$0x0], $0xffff  }
0x5e: {  	v37 =	vunpack.i.u.bf16.f32 v13;
	v13 =	vunpack.i.l.bf16.f32 v13;
	v49 =	vunpack.i.u.bf16.f32 v16;
	v27 =	vld.idx.msk [tilespmem:v27+s2+$0x0], $0xffff  }
0x5f: {  	v16 =	vunpack.i.l.bf16.f32 v16;
	v50 =	vunpack.i.u.bf16.f32 v32;
	v32 =	vunpack.i.l.bf16.f32 v32;
	v28 =	vld.idx.msk [tilespmem:v28+s2+$0x0], $0xffff  }
0x60: {  	v62 =	vunpack.i.l.bf16.f32 v17;
	v63 =	vunpack.i.l.bf16.f32 v18;
	v51 =	vunpack.i.u.bf16.f32 v19;
	v29 =	vld.idx.msk [tilespmem:v29+s2+$0x0], $0xffff  }
0x61: {  	v19 =	vunpack.i.l.bf16.f32 v19;
	v52 =	vunpack.i.u.bf16.f32 v20;
	v24 =	vld.idx.msk [tilespmem:v24+s2+$0x0], $0xffff;
	v4 =	vmul.f32 v4, v32  }
0x62: {  	v20 =	vunpack.i.l.bf16.f32 v20;
	v23 =	vld.idx.msk [tilespmem:v23+s2+$0x0], $0xffff;
	v16 =	vmul.f32 v16, v13;
	v13 =	vmul.f32 v62, v13  }
0x63: {  	v26 =	vld.idx.msk [tilespmem:v26+s2+$0x0], $0xffff;
	v19 =	vmul.f32 v19, v63;
	v53 =	vadd.f32 $0.0e+00, v4;
	v41 =	vunpack.i.u.bf16.f32 v22  }
0x64: {  	v31 =	vld.idx.msk [tilespmem:v31+s2+$0x0], $0xffff;
	v22 =	vunpack.i.l.bf16.f32 v22;
	v54 =	vunpack.i.u.bf16.f32 v25;
	v4 =	vunpack.i.l.bf16.f32 v25  }
0x65: {  	v59 =	vld.idx.msk [tilespmem:v21+s2+$0x0], $0xffff;
	v25 =	vunpack.i.u.bf16.f32 v27;
	v27 =	vunpack.i.l.bf16.f32 v27;
	v55 =	vunpack.i.u.bf16.f32 v28  }
0x66: {  	v61 =	vld.idx.msk [tilespmem:v3+s2+$0x0], $0xffff;
	v28 =	vunpack.i.l.bf16.f32 v28;
	v21 =	vunpack.i.u.bf16.f32 v29;
	v29 =	vunpack.i.l.bf16.f32 v29  }
0x67: {  	v62 =	vld.idx.msk [tilespmem:v2+s2+$0x0], $0xffff;
	v3 =	vunpack.i.l.bf16.f32 v24;
	v2 =	vunpack.i.l.bf16.f32 v23;
	v4 =	vmul.f32 v4, v22  }
0x68: {  	v22 =	vmul.f32 v27, v22;
	v27 =	vunpack.i.u.bf16.f32 v26;
	v26 =	vunpack.i.l.bf16.f32 v26  }
0x69: {  	v28 =	vmul.f32 v28, v26;
	v26 =	vmul.f32 v29, v26;
	v29 =	vunpack.i.u.bf16.f32 v24  }
0x6a: {  	v58 =	vld.idx.msk [tilespmem:v43+s2+$0x0], $0xffff;
	v24 =	vunpack.i.u.bf16.f32 v23;
	v23 =	vunpack.i.u.bf16.f32 v31;
	v31 =	vunpack.i.l.bf16.f32 v31  }
0x6b: {  	v20 =	vmul.f32 v20, v63;
	v63 =	vld.idx.msk [tilespmem:v35+s2+$0x0], $0xffff;
	v38 =	vadd.f32 $0.0e+00, v13;
	v13 =	vmul.f32 v31, v3  }
0x6c: {  	v35 =	vld.idx.msk [tilespmem:v1+s2+$0x0], $0xffff  }
0x6d: {  	v57 =	vadd.f32 $0.0e+00, v13;
	v13 =	vld.idx.msk [tilespmem:v0+s2+$0x0], $0xffff  }
0x6e: {  	v0 =	vld [tilespmem:$0x1FF80]  }
0x6f: {  	v17 =	vunpack.i.u.bf16.f32 v17;
	v1 =	vld.idx.msk [tilespmem:v30+s2+$0x0], $0xffff  }
0x70: {  	v49 =	vmul.f32 v49, v37;
	v37 =	vmul.f32 v17, v37;
	v17 =	vld.idx.msk [tilespmem:v10+s2+$0x0], $0xffff  }
0x71: {  	v45 =	vunpack.i.u.bf16.f32 v34;
	v34 =	vunpack.i.l.bf16.f32 v34;
	v7 =	vadd.f32 $0.0e+00, v16;
	v16 =	vld.idx.msk [tilespmem:v39+s2+$0x0], $0xffff  }
0x72: {  	v32 =	vmul.f32 v34, v32;
	v56 =	vmul.f32 v2, v3;
	v2 =	vld.idx.msk [tilespmem:v15+s2+$0x0], $0xffff  }
0x73: {  	v18 =	vunpack.i.u.bf16.f32 v18;
	v30 =	vmul.f32 v44, v50;
	v15 =	vld.idx.msk [tilespmem:v36+s2+$0x0], $0xffff;
	v36 =	vmul.f32 v54, v41  }
0x74: {  	v40 =	vadd.f32 $0.0e+00, v12;
	v54 =	vmul.f32 v55, v27;
	v55 =	vmul.f32 v21, v27;
	v21 =	vld [tilespmem:$0x1FFB0]  }
0x75: {  	v51 =	vmul.f32 v51, v18;
	v18 =	vmul.f32 v52, v18;
	v19 =	vadd.f32 $0.0e+00, v19;
	v3 =	vld.idx.msk [tilespmem:v33+s2+$0x0], $0xffff  }
0x76: {  	v42 =	vadd.f32 $0.0e+00, v32;
	v12 =	vadd.f32 $0.0e+00, v20;
	v34 =	vunpack.i.l.bf16.f32 v58;
	v20 =	vld.idx.msk [tilespmem:v0+s2+$0x0], $0xffff  }
0x77: {  	v19 =	vadd.f32 v19, v51;
	v6 =	vmul.f32 v25, v41;
	v27 =	vadd.f32 v53, v30;
	v0 =	vld [tilespmem:$0x1FF90]  }
0x78: {  	v31 =	vmul.f32 v45, v50;
	v8 =	vadd.f32 $0.0e+00, v4;
	v11 =	vadd.f32 $0.0e+00, v22;
	v4 =	vld.idx.msk [tilespmem:v14+s2+$0x0], $0xffff  }
0x79: {  	v50 =	vadd.f32 $0.0e+00, v56;
	v14 =	vld.idx.msk [tilespmem:v5+s2+$0x0], $0xffff;
	v60 =	vadd.f32 $0.0e+00, v26;
	v26 =	vmul.f32 v48, v46  }
0x7a: {  	v56 =	vmul.f32 v24, v29;
	v5 =	vmul.f32 v23, v29;
	v22 =	vld.idx.msk [tilespmem:v9+s2+$0x0], $0xffff;
	v23 =	vadd.f32 v42, v31  }
0x7b: {  	v48 =	vunpack.i.l.bf16.f32 v59;
	v25 =	vadd.f32 v40, v26;
	v26 =	vadd.f32 v7, v49;
	v7 =	vld [tilespmem:$0x1FFD0]  }
0x7c: {  	v11 =	vadd.f32 v11, v6;
	v6 =	vadd.f32 v50, v56;
	v50 =	vmul.f32 v48, v34;
	v29 =	vld.idx.msk [tilespmem:v21+s2+$0x0], $0xffff  }
0x7d: {  	v42 =	vunpack.i.l.bf16.f32 v15;
	v9 =	vunpack.i.l.bf16.f32 v4;
	v53 =	vunpack.i.l.bf16.f32 v13;
	v21 =	vld [tilespmem:$0x1FFC0]  }
0x7e: {  	v18 =	vadd.f32 v12, v18;
	v48 =	vmul.f32 v53, v9;
	v53 =	vmul.f32 v42, v9;
	v9 =	vld [tilespmem:$0x1FFE0]  }
0x7f: {  	v39 =	vunpack.i.l.bf16.f32 v62;
	v32 =	vunpack.i.l.bf16.f32 v1;
	v43 =	vadd.f32 $0.0e+00, v28;
	v28 =	vld.idx.msk [tilespmem:v0+s2+$0x0], $0xffff  }
0x80: {  	v33 =	vmul.f32 v47, v46;
	v47 =	vunpack.i.l.bf16.f32 v61;
	v45 =	vunpack.i.l.bf16.f32 v35;
	v0 =	vld [tilespmem:$0x1FFA0]  }
0x81: {  	v52 =	vunpack.i.l.bf16.f32 v16;
	v46 =	vunpack.i.l.bf16.f32 v63;
	v51 =	vmul.f32 v47, v34  }
0x82: {  	v41 =	vadd.f32 v8, v36;
	v44 =	vunpack.i.l.bf16.f32 v2;
	v40 =	vunpack.i.l.bf16.f32 v17  }
0x83: {  	v8 =	vadd.f32 v43, v54;
	v43 =	vadd.f32 v60, v55;
	v60 =	vunpack.i.u.bf16.f32 v59  }
0x84: {  	s13 =	simm.s32 $0x9960;
	v55 =	vunpack.i.u.bf16.f32 v61;
	v54 =	vunpack.i.u.bf16.f32 v62;
	v36 =	vadd.f32 v57, v5;
	v31 =	vld.idx.msk [tilespmem:v7+s2+$0x0], $0xffff  }
0x85: {  	v57 =	vmul.f32 v46, v39;
	v30 =	vld.idx.msk [tilespmem:v21+s2+$0x0], $0xffff;
	[tilespmem:s13+$0x30] =	vst v9;
	v24 =	vadd.f32 v0, v33;
	v0 =	vunpack.i.l.bf16.f32 v14  }
0x86: {  	v59 =	vunpack.i.u.bf16.f32 v63;
	v49 =	vmul.f32 v52, v0;
	v52 =	vmul.f32 v40, v0;
	v0 =	vld [tilespmem:$0x1FFF0]  }
0x87: {  	v56 =	vmul.f32 v44, v32;
	v10 =	vunpack.i.l.bf16.f32 v3;
	v12 =	vunpack.i.l.bf16.f32 v22  }
0x88: {  	v47 =	vmul.f32 v10, v32;
	v21 =	vadd.f32 v38, v37;
	v7 =	vunpack.i.l.bf16.f32 v20  }
0x89: {  	v37 =	vunpack.i.u.bf16.f32 v58;
	v58 =	vmul.f32 v45, v39;
	v46 =	vmul.f32 v12, v7  }
0x8a: {  	s7 =	simm.s32 $0x0;
	s14 =	simm.s32 $0xB260;
	v5 =	vunpack.i.l.bf16.f32 v30;
	v38 =	vunpack.i.l.bf16.f32 v28;
	v33 =	vunpack.i.l.bf16.f32 v29  }
0x8b: {  	s8 =	simm.s32 $0x4EE0;
	s12 =	simm.s32 $0x9960;
	s0 =	simm.s32 $0xB260;
	v34 =	vunpack.i.l.bf16.f32 v31;
	v42 =	vmul.f32 v38, v7;
	v38 =	vmul.f32 v5, v33;
	[tilespmem:s14+$0x30] =	vst v0  }
.LBB2_3:
0x8c: {  	v61 =	vld [tilespmem:s8+$0x30]  }
0x8d: {  	v45 =	vunpack.i.u.bf16.f32 v22;
	v22 =	vld [tilespmem:s8+$0xFFFFFFD0]  }
0x8e: {  	v63 =	vmul.f32 v34, v33;
	s31 =	sadd.s32 $0x80, s31;
	v34 =	vunpack.i.u.bf16.f32 v14;
	v14 =	vmul.f32 v60, v37;
	v60 =	vld [tilespmem:s8+$0xFFFFFFE0]  }
0x8f: {  	v7 =	vunpack.i.u.bf16.f32 v1;
	v0 =	vunpack.i.u.bf16.f32 v2;
	v2 =	vunpack.i.u.bf16.f32 v3;
	s1 =	sadd.s32 $0x80, s1;
	v1 =	vld [tilespmem:s31+$0x30]  }
0x90: {  	[tilespmem:$0x1FF00] =	vst v2;
	v2 =	vunpack.i.u.bf16.f32 v4;
	v4 =	vld [tilespmem:s1+$0x30]  }
0x91: {  	v62 =	vunpack.i.u.bf16.f32 v35;
	v39 =	vunpack.i.u.bf16.f32 v13;
	v40 =	vunpack.i.u.bf16.f32 v28;
	v32 =	vld [tilespmem:s31+$0xFFFFFFC0]  }
0x92: {  	v28 =	vunpack.i.u.bf16.f32 v29;
	v29 =	vunpack.i.u.bf16.f32 v31;
	v33 =	vld [tilespmem:s1+$0xFFFFFFC0];
	v13 =	vadd.f32 v50, v27  }
0x93: {  	v50 =	vunpack.i.u.bf16.f32 v30;
	v27 =	vld [tilespmem:s31+$0xFFFFFFD0];
	v30 =	vadd.f32 v57, v24;
	v31 =	vadd.f32 v58, v25  }
0x94: {  	v35 =	vunpack.i.u.bf16.f32 v20;
	v20 =	vld [tilespmem:s1+$0xFFFFFFD0];
	v24 =	vadd.f32 v56, v26;
	v26 =	vadd.f32 v46, v8  }
0x95: {  	v25 =	vadd.f32 v42, v43;
	v42 =	vmul.f32 v59, v54;
	v46 =	vmul.f32 v62, v54;
	v54 =	vld [tilespmem:s31+$0xFFFFFFE0]  }
0x96: {  	v52 =	vadd.f32 v52, v11;
	v11 =	vmul.f32 v55, v37;
	v55 =	vld [tilespmem:s1+$0xFFFFFFE0]  }
0x97: {  	v59 =	vld [tilespmem:s1+$0xFFFFFFF0]  }
0x98: {  	v62 =	vld [tilespmem:s31+$0x0]  }
0x99: {  	v3 =	vunpack.i.u.bf16.f32 v15;
	v37 =	vld [tilespmem:s31+$0x10]  }
0x9a: {  	[tilespmem:$0x1FF10] =	vst v3;
	v3 =	vunpack.i.u.bf16.f32 v17;
	v51 =	vadd.f32 v51, v23;
	v23 =	vadd.f32 v38, v6;
	v38 =	vld [tilespmem:s1+$0x10]  }
0x9b: {  	v47 =	vadd.f32 v47, v21;
	[tilespmem:$0x1FF20] =	vst v3;
	v21 =	vadd.f32 v63, v36;
	v63 =	vld [tilespmem:s1+$0x0];
	v3 =	vadd.s32 $0x2710, v32  }
0x9c: {  	[tilespmem:$0x1FF30] =	vst v3;
	v3 =	vmul.f32 v0, v7;
	v0 =	vld [tilespmem:$0x1FF00]  }
0x9d: {  	v44 =	vunpack.i.u.bf16.f32 v16;
	v16 =	vld.idx.msk [tilespmem:v61+s2+$0x0], $0xffff  }
0x9e: {  	v48 =	vadd.f32 v48, v19;
	v15 =	vadd.s32 $0x2710, v61;
	v61 =	vld [tilespmem:s8+$0x0]  }
0x9f: {  	v53 =	vadd.f32 v53, v18;
	v49 =	vadd.f32 v49, v41;
	v57 =	vld.idx.msk [tilespmem:v1+s2+$0x0], $0xffff  }
0xa0: {  	v44 =	vmul.f32 v44, v34;
	v45 =	vmul.f32 v45, v35;
	v17 =	vadd.s32 $0x2710, v1;
	v19 =	vld.idx.msk [tilespmem:v4+s2+$0x0], $0xffff  }
0xa1: {  	v41 =	vmul.f32 v40, v35;
	v43 =	vmul.f32 v39, v2;
	v1 =	vadd.s32 $0x2710, v22;
	v22 =	vld.idx.msk [tilespmem:v22+s2+$0x0], $0xffff  }
0xa2: {  	v50 =	vmul.f32 v50, v28;
	v58 =	vadd.s32 $0x2710, v4;
	v4 =	vadd.s32 $0x2710, v20;
	v20 =	vld.idx.msk [tilespmem:v20+s2+$0x0], $0xffff  }
0xa3: {  	v28 =	vmul.f32 v29, v28;
	v9 =	vadd.f32 v13, v14;
	v11 =	vadd.f32 v51, v11;
	v10 =	vld.idx.msk [tilespmem:v15+s2+$0x0], $0xffff  }
0xa4: {  	v29 =	vadd.f32 v30, v42;
	v30 =	vadd.f32 v31, v46;
	[tilespmem:$0x1FF40] =	vst v1;
	v1 =	vadd.s32 $0x2710, v27;
	v27 =	vld.idx.msk [tilespmem:v27+s2+$0x0], $0xffff  }
0xa5: {  	v23 =	vadd.f32 v23, v50;
	[tilespmem:s13+$0xFFFFFFC0] =	vst v9;
	v18 =	vadd.s32 $0x2710, v60;
	v56 =	vadd.s32 $0x2710, v33;
	v6 =	vld.idx.msk [tilespmem:v17+s2+$0x0], $0xffff  }
0xa6: {  	v39 =	vadd.s32 $0x2710, v37;
	[tilespmem:s12+$0xFFFFFFD0] =	vst v29;
	v17 =	vadd.s32 $0x2710, v55;
	v7 =	vmul.f32 v0, v7;
	v0 =	vld [tilespmem:$0x1FF10]  }
0xa7: {  	v32 =	vld.idx.msk [tilespmem:v32+s2+$0x0], $0xffff;
	[tilespmem:s0+$0xFFFFFFD0] =	vst v30;
	v30 =	vadd.f32 v49, v44;
	v12 =	vunpack.i.u.bf16.f32 v16;
	v13 =	vunpack.i.l.bf16.f32 v16  }
0xa8: {  	v5 =	vld.idx.msk [tilespmem:v58+s2+$0x0], $0xffff;
	v14 =	vunpack.i.l.bf16.f32 v57;
	v15 =	vunpack.i.u.bf16.f32 v57;
	v16 =	vunpack.i.l.bf16.f32 v19  }
0xa9: {  	v33 =	vld.idx.msk [tilespmem:v33+s2+$0x0], $0xffff;
	v9 =	vunpack.i.u.bf16.f32 v19;
	v14 =	vmul.f32 v14, v13;
	v15 =	vmul.f32 v15, v12  }
0xaa: {  	v29 =	vld.idx.msk [tilespmem:v60+s2+$0x0], $0xffff;
	v19 =	vadd.s32 $0x2710, v54;
	v13 =	vmul.f32 v16, v13;
	v9 =	vmul.f32 v9, v12  }
0xab: {  	v12 =	vunpack.i.u.bf16.f32 v10;
	v14 =	vadd.f32 $0.0e+00, v14;
	v8 =	vmul.f32 v0, v2;
	v0 =	vld [tilespmem:s8+$0xFFFFFFC0]  }
0xac: {  	v10 =	vunpack.i.l.bf16.f32 v10;
	v16 =	vunpack.i.l.bf16.f32 v6;
	v13 =	vadd.f32 $0.0e+00, v13;
	v2 =	vld [tilespmem:$0x1FF20]  }
0xad: {  	v58 =	vld [tilespmem:s31+$0xFFFFFFF0];
	v16 =	vmul.f32 v16, v10;
	v14 =	vadd.f32 v14, v15;
	v15 =	vunpack.i.l.bf16.f32 v5  }
0xae: {  	[tilespmem:$0x1FF50] =	vst v1;
	v1 =	vld [tilespmem:s8+$0x10];
	v6 =	vunpack.i.u.bf16.f32 v6;
	v9 =	vadd.f32 v13, v9;
	v10 =	vmul.f32 v15, v10  }
0xaf: {  	v57 =	vld [tilespmem:s8+$0xFFFFFFF0];
	v6 =	vmul.f32 v6, v12;
	v5 =	vunpack.i.u.bf16.f32 v5;
	v13 =	vadd.f32 v16, v14  }
0xb0: {  	[tilespmem:s12+$0x0] =	vst v30;
	v7 =	vadd.f32 v47, v7;
	v5 =	vmul.f32 v5, v12;
	v9 =	vadd.f32 v10, v9;
	v10 =	vld [tilespmem:s8+$0x20]  }
0xb1: {  	v54 =	vld.idx.msk [tilespmem:v54+s2+$0x0], $0xffff;
	[tilespmem:s0+$0xFFFFFFC0] =	vst v11;
	v34 =	vmul.f32 v2, v34;
	v2 =	vadd.s32 $0x2710, v38;
	v6 =	vadd.f32 v13, v6  }
0xb2: {  	s13 =	sadd.s32 $0x80, s13;
	v42 =	vunpack.i.u.bf16.f32 v32;
	v32 =	vunpack.i.l.bf16.f32 v32;
	v12 =	vld [tilespmem:s31+$0x20];
	[tilespmem:$0x1FF60] =	vst v2;
	v9 =	vadd.f32 v9, v5  }
0xb3: {  	s14 =	sadd.s32 $0x80, s14;
	v35 =	vld.idx.msk [tilespmem:v4+s2+$0x0], $0xffff;
	v36 =	vadd.s32 $0x2710, v1;
	v8 =	vadd.f32 v53, v8;
	v34 =	vadd.f32 v52, v34;
	[tilespmem:s13+$0x30] =	vst v6  }
0xb4: {  	v15 =	vadd.s32 $0x2710, v59;
	v14 =	vadd.s32 $0x2710, v61;
	v11 =	vadd.s32 $0x2710, v0;
	v0 =	vld.idx.msk [tilespmem:v0+s2+$0x0], $0xffff;
	[tilespmem:s14+$0x30] =	vst v9  }
0xb5: {  	v16 =	vadd.s32 $0x2710, v57;
	v13 =	vadd.s32 $0x2710, v58;
	v9 =	vld [tilespmem:s1+$0x20];
	[tilespmem:s0+$0x0] =	vst v34;
	v2 =	vadd.s32 $0x2710, v10  }
0xb6: {  	v5 =	vadd.s32 $0x2710, v62;
	v6 =	vadd.s32 $0x2710, v63;
	v60 =	vld.idx.msk [tilespmem:v61+s2+$0x0], $0xffff;
	[tilespmem:$0x1FF70] =	vst v2;
	v2 =	vadd.f32 v24, v3  }
0xb7: {  	v51 =	vadd.s32 $0x2710, v12;
	v34 =	vunpack.i.u.bf16.f32 v54;
	v61 =	vld.idx.msk [tilespmem:v62+s2+$0x0], $0xffff;
	v24 =	vadd.f32 v48, v43  }
0xb8: {  	v63 =	vld.idx.msk [tilespmem:v63+s2+$0x0], $0xffff;
	v43 =	vunpack.i.l.bf16.f32 v54;
	[tilespmem:s12+$0xFFFFFFE0] =	vst v2;
	v2 =	vadd.f32 v26, v45;
	v26 =	vunpack.i.u.bf16.f32 v33  }
0xb9: {  	v14 =	vld.idx.msk [tilespmem:v14+s2+$0x0], $0xffff;
	v33 =	vunpack.i.l.bf16.f32 v33;
	[tilespmem:s12+$0xFFFFFFF0] =	vst v24;
	v24 =	vunpack.i.u.bf16.f32 v27;
	v27 =	vunpack.i.l.bf16.f32 v27  }
0xba: {  	v46 =	vunpack.i.u.bf16.f32 v0;
	v0 =	vunpack.i.l.bf16.f32 v0;
	[tilespmem:s0+$0xFFFFFFE0] =	vst v7;
	v7 =	vadd.f32 v25, v41;
	v57 =	vld.idx.msk [tilespmem:v57+s2+$0x0], $0xffff  }
0xbb: {  	v25 =	vunpack.i.u.bf16.f32 v22;
	v22 =	vunpack.i.l.bf16.f32 v22;
	[tilespmem:s0+$0xFFFFFFF0] =	vst v8;
	v8 =	vadd.f32 v21, v28;
	v55 =	vld.idx.msk [tilespmem:v55+s2+$0x0], $0xffff  }
0xbc: {  	v28 =	vunpack.i.u.bf16.f32 v20;
	v20 =	vunpack.i.l.bf16.f32 v20;
	v21 =	vmul.f32 v27, v22;
	v27 =	vld.idx.msk [tilespmem:v58+s2+$0x0], $0xffff  }
0xbd: {  	v31 =	vadd.s32 $0x2710, v9;
	v26 =	vmul.f32 v26, v46;
	v20 =	vmul.f32 v20, v22;
	v30 =	vld.idx.msk [tilespmem:v59+s2+$0x0], $0xffff;
	[tilespmem:s12+$0x10] =	vst v2  }
0xbe: {  	v22 =	vunpack.i.u.bf16.f32 v29;
	v29 =	vunpack.i.l.bf16.f32 v29;
	[tilespmem:s0+$0x10] =	vst v7;
	v7 =	vmul.f32 v32, v0;
	v32 =	vld.idx.msk [tilespmem:v11+s2+$0x0], $0xffff  }
0xbf: {  	[tilespmem:s12+$0x20] =	vst v23;
	v47 =	vunpack.i.u.bf16.f32 v60;
	v45 =	vunpack.i.l.bf16.f32 v60;
	v24 =	vmul.f32 v24, v25;
	v1 =	vld.idx.msk [tilespmem:v1+s2+$0x0], $0xffff  }
0xc0: {  	v49 =	vunpack.i.l.bf16.f32 v61;
	v25 =	vmul.f32 v28, v25;
	v0 =	vmul.f32 v33, v0;
	[tilespmem:s0+$0x20] =	vst v8;
	v37 =	vld.idx.msk [tilespmem:v37+s2+$0x0], $0xffff  }
0xc1: {  	v40 =	vunpack.i.l.bf16.f32 v14;
	v2 =	vmul.f32 v43, v29;
	v33 =	vunpack.i.l.bf16.f32 v63;
	v10 =	vld.idx.msk [tilespmem:v10+s2+$0x0], $0xffff  }
0xc2: {  	v49 =	vmul.f32 v49, v45;
	v11 =	vmul.f32 v33, v45;
	v45 =	vadd.f32 $0.0e+00, v0;
	v0 =	vld [tilespmem:$0x1FF30]  }
0xc3: {  	v43 =	vunpack.i.u.bf16.f32 v63;
	v21 =	vadd.f32 $0.0e+00, v21;
	v12 =	vld.idx.msk [tilespmem:v12+s2+$0x0], $0xffff;
	v7 =	vadd.f32 $0.0e+00, v7  }
0xc4: {  	v9 =	vld.idx.msk [tilespmem:v9+s2+$0x0], $0xffff;
	v48 =	vunpack.i.l.bf16.f32 v57;
	v8 =	vunpack.i.u.bf16.f32 v57;
	v57 =	vadd.f32 $0.0e+00, v2  }
0xc5: {  	v38 =	vld.idx.msk [tilespmem:v38+s2+$0x0], $0xffff;
	v43 =	vmul.f32 v43, v47;
	v11 =	vadd.f32 $0.0e+00, v11;
	v24 =	vadd.f32 v21, v24  }
0xc6: {  	v53 =	vld.idx.msk [tilespmem:v56+s2+$0x0], $0xffff;
	v62 =	vunpack.i.l.bf16.f32 v55;
	v23 =	vunpack.i.u.bf16.f32 v55;
	v41 =	vunpack.i.u.bf16.f32 v27  }
0xc7: {  	v15 =	vld.idx.msk [tilespmem:v15+s2+$0x0], $0xffff;
	v44 =	vunpack.i.u.bf16.f32 v30;
	v30 =	vunpack.i.l.bf16.f32 v30;
	v29 =	vmul.f32 v62, v29  }
0xc8: {  	v2 =	vld.idx.msk [tilespmem:v19+s2+$0x0], $0xffff;
	v33 =	vunpack.i.u.bf16.f32 v1;
	v1 =	vunpack.i.l.bf16.f32 v1;
	v50 =	vunpack.i.u.bf16.f32 v37  }
0xc9: {  	v31 =	vld.idx.msk [tilespmem:v31+s2+$0x0], $0xffff;
	v3 =	vunpack.i.l.bf16.f32 v10;
	v56 =	vunpack.i.u.bf16.f32 v12;
	v4 =	vunpack.i.l.bf16.f32 v9  }
0xca: {  	v52 =	vld.idx.msk [tilespmem:v0+s2+$0x0], $0xffff;
	v0 =	vunpack.i.l.bf16.f32 v37;
	v37 =	vunpack.i.u.bf16.f32 v38;
	v38 =	vunpack.i.l.bf16.f32 v38  }
0xcb: {  	v54 =	vmul.f32 v0, v1;
	v0 =	vld [tilespmem:$0x1FF40];
	v38 =	vmul.f32 v38, v1;
	v1 =	vunpack.i.l.bf16.f32 v12  }
0xcc: {  	v12 =	vunpack.i.u.bf16.f32 v9;
	v9 =	vmul.f32 v1, v3;
	v1 =	vld.idx.msk [tilespmem:v18+s2+$0x0], $0xffff;
	v18 =	vmul.f32 v4, v3  }
0xcd: {  	v30 =	vmul.f32 v30, v48;
	v55 =	vunpack.i.u.bf16.f32 v10;
	v10 =	vadd.f32 $0.0e+00, v20;
	v20 =	vld.idx.msk [tilespmem:v36+s2+$0x0], $0xffff  }
0xce: {  	v27 =	vunpack.i.l.bf16.f32 v27;
	v60 =	vadd.f32 $0.0e+00, v18;
	v18 =	vmul.f32 v23, v22;
	v23 =	vld [tilespmem:$0x1FF60]  }
0xcf: {  	v58 =	vadd.f32 $0.0e+00, v29;
	v29 =	vmul.f32 v42, v46;
	v42 =	vadd.f32 $0.0e+00, v30;
	v30 =	vld.idx.msk [tilespmem:v51+s2+$0x0], $0xffff  }
0xd0: {  	v27 =	vmul.f32 v27, v48;
	v48 =	vunpack.i.u.bf16.f32 v61;
	v62 =	vunpack.i.l.bf16.f32 v32;
	v3 =	vld.idx.msk [tilespmem:v17+s2+$0x0], $0xffff  }
0xd1: {  	v41 =	vmul.f32 v41, v8;
	v8 =	vmul.f32 v44, v8;
	v44 =	vunpack.i.l.bf16.f32 v53;
	v4 =	vld.idx.msk [tilespmem:v16+s2+$0x0], $0xffff  }
0xd2: {  	v11 =	vadd.f32 v11, v43;
	v48 =	vmul.f32 v48, v47;
	v19 =	vadd.f32 $0.0e+00, v27;
	v16 =	vld.idx.msk [tilespmem:v5+s2+$0x0], $0xffff  }
0xd3: {  	v46 =	vadd.f32 $0.0e+00, v49;
	v51 =	vmul.f32 v44, v62;
	v25 =	vadd.f32 v10, v25;
	v17 =	vld.idx.msk [tilespmem:v6+s2+$0x0], $0xffff  }
0xd4: {  	v27 =	vadd.f32 v7, v29;
	v7 =	vunpack.i.l.bf16.f32 v15;
	v19 =	vadd.f32 v19, v41;
	v59 =	vld.idx.msk [tilespmem:v0+s2+$0x0], $0xffff  }
0xd5: {  	v41 =	vadd.f32 v46, v48;
	v5 =	vmul.f32 v50, v33;
	v6 =	vmul.f32 v37, v33;
	v0 =	vld [tilespmem:$0x1FF50]  }
0xd6: {  	v10 =	vunpack.i.l.bf16.f32 v20;
	v50 =	vmul.f32 v56, v55;
	v36 =	vmul.f32 v12, v55;
	v28 =	vld.idx.msk [tilespmem:v23+s2+$0x0], $0xffff  }
0xd7: {  	v55 =	vunpack.i.l.bf16.f32 v35;
	v56 =	vunpack.i.l.bf16.f32 v2;
	v38 =	vadd.f32 $0.0e+00, v38;
	v23 =	vld [tilespmem:$0x1FF70]  }
0xd8: {  	v49 =	vadd.f32 $0.0e+00, v54;
	v54 =	vadd.f32 $0.0e+00, v9;
	v9 =	vmul.f32 v34, v22;
	v22 =	vld.idx.msk [tilespmem:v39+s2+$0x0], $0xffff  }
0xd9: {  	v34 =	vunpack.i.l.bf16.f32 v52;
	v43 =	vadd.f32 v38, v6;
	v21 =	vadd.f32 v58, v18  }
0xda: {  	v38 =	vunpack.i.l.bf16.f32 v30;
	v18 =	vadd.f32 v42, v8;
	v8 =	vadd.f32 v49, v5  }
0xdb: {  	v13 =	vld.idx.msk [tilespmem:v13+s2+$0x0], $0xffff;
	v6 =	vadd.f32 v54, v50;
	v50 =	vmul.f32 v34, v62;
	v36 =	vadd.f32 v60, v36  }
0xdc: {  	v34 =	vunpack.i.l.bf16.f32 v31;
	v60 =	vunpack.i.u.bf16.f32 v52;
	v63 =	vunpack.i.l.bf16.f32 v1  }
0xdd: {  	v39 =	vunpack.i.l.bf16.f32 v3;
	v12 =	vunpack.i.l.bf16.f32 v4;
	v42 =	vunpack.i.l.bf16.f32 v22  }
0xde: {  	v56 =	vmul.f32 v56, v63;
	v46 =	vmul.f32 v42, v10;
	v47 =	vunpack.i.l.bf16.f32 v59;
	v61 =	vld.idx.msk [tilespmem:v0+s2+$0x0], $0xffff  }
0xdf: {  	s7 =	sadd.s32 $0x8, s7;
	v54 =	vunpack.i.u.bf16.f32 v59;
	v58 =	vmul.f32 v55, v47;
	v55 =	vunpack.i.u.bf16.f32 v53;
	v29 =	vld.idx.msk [tilespmem:v23+s2+$0x0], $0xffff  }
0xe0: {  	p0 =	slt.u32 s7, $0xC0;
	v53 =	vmul.f32 v7, v12;
	v0 =	vunpack.i.l.bf16.f32 v13;
	v5 =	vunpack.i.l.bf16.f32 v28  }
.Ltmp0:
0xe1: {  	v48 =	vmul.f32 v0, v12;
	v42 =	vmul.f32 v5, v10;
	v23 =	vadd.f32 v45, v26;
	(pc) =	sbr.rel @p0 .LBB2_3-.Ltmp0, $4  }
0xe2: {  	v45 =	vunpack.i.l.bf16.f32 v16;
	v26 =	vadd.f32 v57, v9;
	v9 =	vunpack.i.l.bf16.f32 v17  }
0xe3: {  	v49 =	vmul.f32 v45, v40;
	v52 =	vmul.f32 v9, v40;
	v37 =	vunpack.i.l.bf16.f32 v61  }
0xe4: {  	v59 =	vunpack.i.u.bf16.f32 v61;
	v57 =	vmul.f32 v37, v47;
	v33 =	vunpack.i.l.bf16.f32 v29  }
0xe5: {  	s8 =	sadd.s32 $0x80, s8;
	s12 =	smov.u32 s13;
	s0 =	smov.u32 s14;
	v37 =	vunpack.i.u.bf16.f32 v32;
	v47 =	vmul.f32 v39, v63;
	v38 =	vmul.f32 v38, v33  }
0xe6: {  	v0 =	vunpack.i.u.bf16.f32 v35;
	v1 =	vunpack.i.u.bf16.f32 v1;
	v5 =	vmul.f32 v34, v33  }
0xe7: {  	v2 =	vunpack.i.u.bf16.f32 v2;
	v3 =	vunpack.i.u.bf16.f32 v3;
	v4 =	vunpack.i.u.bf16.f32 v4  }
0xe8: {  	v7 =	vunpack.i.u.bf16.f32 v13;
	v9 =	vunpack.i.u.bf16.f32 v15;
	v10 =	vunpack.i.u.bf16.f32 v14  }
0xe9: {  	v12 =	vunpack.i.u.bf16.f32 v16;
	v13 =	vunpack.i.u.bf16.f32 v17;
	v14 =	vunpack.i.u.bf16.f32 v20  }
0xea: {  	v15 =	vunpack.i.u.bf16.f32 v22;
	v16 =	vunpack.i.u.bf16.f32 v28;
	v17 =	vunpack.i.u.bf16.f32 v29  }
0xeb: {  	v20 =	vadd.f32 v50, v27;
	v22 =	vunpack.i.u.bf16.f32 v30;
	v27 =	vmul.f32 v60, v37  }
0xec: {  	v28 =	vunpack.i.u.bf16.f32 v31;
	v23 =	vadd.f32 v51, v23;
	v29 =	vmul.f32 v55, v37  }
0xed: {  	v26 =	vadd.f32 v56, v26;
	v2 =	vmul.f32 v2, v1;
	v20 =	vadd.f32 v20, v27  }
0xee: {  	v24 =	vadd.f32 v57, v24;
	v30 =	vmul.f32 v59, v54;
	v23 =	vadd.f32 v23, v29  }
0xef: {  	v21 =	vadd.f32 v47, v21;
	v1 =	vmul.f32 v3, v1;
	v2 =	vadd.f32 v26, v2;
	[tilespmem:s13+$0xFFFFFFC0] =	vst v20  }
0xf0: {  	v25 =	vadd.f32 v58, v25;
	v0 =	vmul.f32 v0, v54;
	v20 =	vadd.f32 v24, v30;
	[tilespmem:s0+$0xFFFFFFC0] =	vst v23  }
0xf1: {  	v3 =	vadd.f32 v48, v19;
	v7 =	vmul.f32 v7, v4;
	v1 =	vadd.f32 v21, v1;
	[tilespmem:s12+$0xFFFFFFE0] =	vst v2  }
0xf2: {  	v18 =	vadd.f32 v53, v18;
	v4 =	vmul.f32 v9, v4;
	v0 =	vadd.f32 v25, v0;
	[tilespmem:s12+$0xFFFFFFD0] =	vst v20  }
0xf3: {  	v3 =	vadd.f32 v3, v7;
	[tilespmem:s0+$0xFFFFFFE0] =	vst v1;
	v1 =	vadd.f32 v46, v8;
	v8 =	vmul.f32 v15, v14  }
0xf4: {  	v9 =	vmul.f32 v12, v10;
	v4 =	vadd.f32 v18, v4;
	[tilespmem:s0+$0xFFFFFFD0] =	vst v0;
	v0 =	vadd.f32 v49, v41  }
0xf5: {  	v7 =	vmul.f32 v13, v10;
	v2 =	vadd.f32 v52, v11;
	[tilespmem:s12+$0xFFFFFFF0] =	vst v3;
	v1 =	vadd.f32 v1, v8  }
0xf6: {  	v3 =	vadd.f32 v42, v43;
	[tilespmem:s0+$0xFFFFFFF0] =	vst v4;
	v0 =	vadd.f32 v0, v9;
	v9 =	vmul.f32 v16, v14  }
0xf7: {  	v4 =	vadd.f32 v38, v6;
	v6 =	vmul.f32 v22, v17;
	v2 =	vadd.f32 v2, v7;
	[tilespmem:s12+$0x10] =	vst v1  }
0xf8: {  	[tilespmem:s12+$0x0] =	vst v0;
	v0 =	vadd.f32 v5, v36;
	v5 =	vmul.f32 v28, v17;
	v3 =	vadd.f32 v3, v9  }
0xf9: {  	[tilespmem:s0+$0x0] =	vst v2;
	v2 =	vadd.f32 v4, v6  }
0xfa: {  	s1 =	sadd.s32 s9, s30;
	v0 =	vadd.f32 v0, v5;
	[tilespmem:s0+$0x10] =	vst v3  }
0xfb: {  	s1 =	sshrl.u32 s1, $0x3;
	[tilespmem:s12+$0x20] =	vst v2  }
0xfc: {  	s13 =	sadd.s32 s5, s1;
	[tilespmem:s0+$0x20] =	vst v0  }
0xfd: {  	[hbm4b:s13+s2] =	stream.linear.scatter [tilespmem:s19], [sflag:$0x3], $0xC80, $0x38;
	[tilespmem:$0xCB20] =	vst v63  }
0xfe: {  	s14 =	sadd.s32 s6, s1  }
0xff: {  	[hbm4b:s14+s2] =	stream.linear.scatter [tilespmem:s20], [sflag:$0x3], $0xC80, $0x38;
	[tilespmem:$0xCB20] =	vst v63  }
0x100: {  	_ =	swait.ge [sflag:s21], $0xC80  }
0x101: {  	[sflag:s21] =	ssyncset.done $0x0  }
0x102: {  	[sflag:s21] =	ssyncadd.s32 $0xFFFFF380  }
0x103: {  	_ =	swait.ge [sflag:s21], $0xC80  }
0x104: {  	[sflag:s21] =	ssyncset.done $0x0  }
0x105: {  	p0 =	seq.s32 s28, $0x31;
	[sflag:s21] =	ssyncadd.s32 $0xFFFFF380  }
0x106: {  	s8 =	simm.s32 @!p0 $0x0;
	s0 =	sshrl.u32 @!p0 s30, $0x3;
	_ =	swait.ge [sflag:s21], $0xC80  }
0x107: {  	s12 =	simm.s32 @!p0 $0x4E20;
	s1 =	sadd.s32 @!p0 $0x320, s0;
	[sflag:s21] =	ssyncset.done $0x0  }
0x108: {  	s0 =	sadd.s32 @!p0 s3, s0;
	s7 =	sadd.s32 @!p0 s3, s1;
	[sflag:s21] =	ssyncadd.s32 $0xFFFFF380  }
0x109: {  	[tilespmem:s12], [sflag:$0x1] =	stream.linear.gather @!p0 [hbm4b:s7+s8], $0xC80, $0x38;
	[tilespmem:$0xCB20] =	vst v63  }
0x10a: {  	s0 =	sadd.s32 @!p0 $0x9F60, s0;
	s7 =	simm.s32 @!p0 $0x6720  }
0x10b: {  	[tilespmem:s7], [sflag:$0x1] =	stream.linear.gather @!p0 [hbm4b:s0+s8], $0xC80, $0x38;
	[tilespmem:$0xCB20] =	vst v63  }
0x10c: {  	p1 =	seq.s32 @!p0 s28, $0x0;
	s0 =	sadd.s32 @!p0 s4, s1;
	s1 =	simm.s32 @!p0 $0x8020  }
0x10d: {  	[tilespmem:s1], [sflag:$0x1] =	stream.linear.gather @!p0 [hbm4b:s0+s8], $0xC80, $0x38;
	[tilespmem:$0xCB20] =	vst v63  }
0x10e: {  	p0 =	por p0, !p1  }
0x10f: {  	_ =	swait.ge @p0 [sflag:s25], $0xC80  }
0x110: {  	[sflag:s25] =	ssyncset.done @p0 $0x0  }
0x111: {  	[sflag:s25] =	ssyncadd.s32 @p0 $0xFFFFF380  }
0x112: {  	_ =	swait.ge @p0 [sflag:s25], $0xC80  }
0x113: {  	[sflag:s25] =	ssyncset.done @p0 $0x0  }
0x114: {  	s31 =	simm.s32 $0x5AE0;
	[sflag:s25] =	ssyncadd.s32 @p0 $0xFFFFF380  }
0x115: {  	s30 =	simm.s32 $0x73E0;
	v0 =	vld [tilespmem:s31+$0x30]  }
0x116: {  	s1 =	simm.s32 $0x8CE0;
	v1 =	vld [tilespmem:s30+$0x30]  }
0x117: {  	v2 =	vld [tilespmem:s1+$0x30]  }
0x118: {  	v4 =	vld [tilespmem:s30+$0xFFFFFFC0]  }
0x119: {  	v5 =	vld [tilespmem:s1+$0xFFFFFFC0]  }
0x11a: {  	v6 =	vld [tilespmem:s31+$0xFFFFFFD0]  }
0x11b: {  	v9 =	vld [tilespmem:s30+$0xFFFFFFD0]  }
0x11c: {  	v12 =	vld [tilespmem:s1+$0xFFFFFFD0]  }
0x11d: {  	v13 =	vld [tilespmem:s31+$0xFFFFFFE0]  }
0x11e: {  	v16 =	vld [tilespmem:s30+$0xFFFFFFE0]  }
0x11f: {  	v17 =	vld [tilespmem:s1+$0xFFFFFFE0]  }
0x120: {  	v18 =	vld [tilespmem:s31+$0xFFFFFFF0]  }
0x121: {  	v19 =	vld [tilespmem:s30+$0xFFFFFFF0];
	v3 =	vadd.s32 $0x2710, v0  }
0x122: {  	v7 =	vld.idx.msk [tilespmem:v0+s2+$0x0], $0xffff;
	v0 =	vadd.s32 $0x2710, v1  }
0x123: {  	v8 =	vld.idx.msk [tilespmem:v1+s2+$0x0], $0xffff  }
0x124: {  	v10 =	vld.idx.msk [tilespmem:v2+s2+$0x0], $0xffff  }
0x125: {  	v20 =	vld [tilespmem:s1+$0xFFFFFFF0];
	v1 =	vadd.s32 $0x2710, v2  }
0x126: {  	v11 =	vld.idx.msk [tilespmem:v3+s2+$0x0], $0xffff  }
0x127: {  	v14 =	vld.idx.msk [tilespmem:v0+s2+$0x0], $0xffff  }
0x128: {  	v22 =	vld [tilespmem:s31+$0x0];
	v23 =	vunpack.i.l.bf16.f32 v7;
	v24 =	vunpack.i.l.bf16.f32 v8  }
0x129: {  	v25 =	vld [tilespmem:s30+$0x0];
	v26 =	vunpack.i.l.bf16.f32 v10;
	v7 =	vunpack.i.u.bf16.f32 v7;
	v24 =	vmul.f32 v24, v23  }
0x12a: {  	v15 =	vld.idx.msk [tilespmem:v1+s2+$0x0], $0xffff;
	v8 =	vunpack.i.u.bf16.f32 v8;
	v10 =	vunpack.i.u.bf16.f32 v10;
	v23 =	vmul.f32 v26, v23  }
0x12b: {  	v27 =	vld [tilespmem:s1+$0x0];
	v8 =	vmul.f32 v8, v7;
	v7 =	vmul.f32 v10, v7;
	v24 =	vadd.f32 $0.0e+00, v24  }
0x12c: {  	v28 =	vld [tilespmem:s30+$0x10];
	v10 =	vunpack.i.u.bf16.f32 v11;
	v11 =	vunpack.i.l.bf16.f32 v11;
	v30 =	vunpack.i.l.bf16.f32 v14  }
0x12d: {  	v29 =	vld [tilespmem:s1+$0x10];
	v8 =	vadd.f32 v24, v8;
	v30 =	vmul.f32 v30, v11  }
0x12e: {  	v32 =	vld [tilespmem:s31+$0xFFFFFFC0];
	v21 =	vadd.s32 $0x2710, v4;
	v23 =	vadd.f32 $0.0e+00, v23;
	v14 =	vunpack.i.u.bf16.f32 v14  }
0x12f: {  	v4 =	vld.idx.msk [tilespmem:v4+s2+$0x0], $0xffff;
	v31 =	vunpack.i.l.bf16.f32 v15;
	v14 =	vmul.f32 v14, v10;
	v8 =	vadd.f32 v30, v8  }
0x130: {  	v26 =	vld [tilespmem:s31+$0x10];
	v7 =	vadd.f32 v23, v7;
	v11 =	vmul.f32 v31, v11  }
0x131: {  	v24 =	vld [tilespmem:s31+$0x20];
	v15 =	vunpack.i.u.bf16.f32 v15;
	v0 =	vadd.f32 v8, v14  }
0x132: {  	v23 =	vld [tilespmem:s30+$0x20];
	v10 =	vmul.f32 v15, v10;
	v11 =	vadd.f32 v11, v7  }
0x133: {  	v31 =	vld [tilespmem:s1+$0x20];
	[tilespmem:$0x1FEE0] =	vst v0  }
0x134: {  	v3 =	vadd.s32 $0x2710, v5;
	v58 =	vld.idx.msk [tilespmem:v5+s2+$0x0], $0xffff;
	v5 =	vadd.f32 v11, v10;
	_ =	sdelay $0x1  }
0x135: {  	[tilespmem:$0x1FEF0] =	vst v5  }
0x136: {  	v2 =	vadd.s32 $0x2710, v6;
	v59 =	vld.idx.msk [tilespmem:v6+s2+$0x0], $0xffff;
	v6 =	vadd.s32 $0x2710, v26  }
0x137: {  	v60 =	vld.idx.msk [tilespmem:v9+s2+$0x0], $0xffff;
	[tilespmem:$0x1FE80] =	vst v6;
	v6 =	vadd.s32 $0x2710, v29  }
0x138: {  	[tilespmem:$0x1FE90] =	vst v6;
	v6 =	vadd.s32 $0x2710, v24  }
0x139: {  	v1 =	vadd.s32 $0x2710, v12;
	v12 =	vld.idx.msk [tilespmem:v12+s2+$0x0], $0xffff;
	[tilespmem:$0x1FEB0] =	vst v6;
	v6 =	vadd.s32 $0x2710, v23  }
0x13a: {  	[tilespmem:$0x1FEC0] =	vst v6;
	v6 =	vadd.s32 $0x2710, v31  }
0x13b: {  	[tilespmem:$0x1FED0] =	vst v6  }
0x13c: {  	v30 =	vadd.s32 $0x2710, v13;
	v13 =	vld.idx.msk [tilespmem:v13+s2+$0x0], $0xffff  }
0x13d: {  	v15 =	vadd.s32 $0x2710, v16;
	v37 =	vunpack.i.l.bf16.f32 v59;
	v41 =	vunpack.i.l.bf16.f32 v60;
	v16 =	vld.idx.msk [tilespmem:v16+s2+$0x0], $0xffff  }
0x13e: {  	v61 =	vadd.s32 $0x2710, v32;
	v32 =	vld.idx.msk [tilespmem:v32+s2+$0x0], $0xffff;
	v41 =	vmul.f32 v41, v37  }
0x13f: {  	v33 =	vadd.s32 $0x2710, v17;
	v17 =	vld.idx.msk [tilespmem:v17+s2+$0x0], $0xffff  }
0x140: {  	v14 =	vadd.s32 $0x2710, v18;
	v18 =	vld.idx.msk [tilespmem:v18+s2+$0x0], $0xffff;
	v6 =	vadd.f32 $0.0e+00, v41  }
0x141: {  	v35 =	vadd.s32 $0x2710, v9;
	v36 =	vadd.s32 $0x2710, v20;
	v0 =	vadd.s32 $0x2710, v19;
	v19 =	vld.idx.msk [tilespmem:v19+s2+$0x0], $0xffff  }
0x142: {  	v39 =	vadd.s32 $0x2710, v25;
	v44 =	vunpack.i.u.bf16.f32 v4;
	v4 =	vunpack.i.l.bf16.f32 v4;
	v20 =	vld.idx.msk [tilespmem:v20+s2+$0x0], $0xffff;
	[tilespmem:$0x1FEA0] =	vst v6  }
0x143: {  	v10 =	vadd.s32 $0x2710, v27;
	v5 =	vadd.s32 $0x2710, v22;
	v9 =	vadd.s32 $0x2710, v28;
	v22 =	vld.idx.msk [tilespmem:v22+s2+$0x0], $0xffff  }
0x144: {  	v45 =	vunpack.i.u.bf16.f32 v58;
	v48 =	vunpack.i.u.bf16.f32 v12;
	v12 =	vunpack.i.l.bf16.f32 v12;
	v25 =	vld.idx.msk [tilespmem:v25+s2+$0x0], $0xffff  }
0x145: {  	v34 =	vunpack.i.l.bf16.f32 v58;
	v46 =	vunpack.i.u.bf16.f32 v59;
	v12 =	vmul.f32 v12, v37;
	v27 =	vld.idx.msk [tilespmem:v27+s2+$0x0], $0xffff  }
0x146: {  	v37 =	vunpack.i.u.bf16.f32 v13;
	v13 =	vunpack.i.l.bf16.f32 v13;
	v49 =	vunpack.i.u.bf16.f32 v16;
	v26 =	vld.idx.msk [tilespmem:v26+s2+$0x0], $0xffff  }
0x147: {  	v16 =	vunpack.i.l.bf16.f32 v16;
	v50 =	vunpack.i.u.bf16.f32 v32;
	v32 =	vunpack.i.l.bf16.f32 v32;
	v28 =	vld.idx.msk [tilespmem:v28+s2+$0x0], $0xffff  }
0x148: {  	v62 =	vunpack.i.l.bf16.f32 v17;
	v63 =	vunpack.i.l.bf16.f32 v18;
	v51 =	vunpack.i.u.bf16.f32 v19;
	v29 =	vld.idx.msk [tilespmem:v29+s2+$0x0], $0xffff  }
0x149: {  	v19 =	vunpack.i.l.bf16.f32 v19;
	v52 =	vunpack.i.u.bf16.f32 v20;
	v24 =	vld.idx.msk [tilespmem:v24+s2+$0x0], $0xffff;
	v4 =	vmul.f32 v4, v32  }
0x14a: {  	v20 =	vunpack.i.l.bf16.f32 v20;
	v23 =	vld.idx.msk [tilespmem:v23+s2+$0x0], $0xffff;
	v16 =	vmul.f32 v16, v13;
	v13 =	vmul.f32 v62, v13  }
0x14b: {  	v31 =	vld.idx.msk [tilespmem:v31+s2+$0x0], $0xffff;
	v19 =	vmul.f32 v19, v63;
	v53 =	vadd.f32 $0.0e+00, v4;
	v41 =	vunpack.i.u.bf16.f32 v22  }
0x14c: {  	v58 =	vld.idx.msk [tilespmem:v61+s2+$0x0], $0xffff;
	v22 =	vunpack.i.l.bf16.f32 v22;
	v54 =	vunpack.i.u.bf16.f32 v25;
	v4 =	vunpack.i.l.bf16.f32 v25  }
0x14d: {  	v59 =	vld.idx.msk [tilespmem:v21+s2+$0x0], $0xffff;
	v25 =	vunpack.i.u.bf16.f32 v27;
	v27 =	vunpack.i.l.bf16.f32 v27;
	v55 =	vunpack.i.u.bf16.f32 v28  }
0x14e: {  	v61 =	vld.idx.msk [tilespmem:v3+s2+$0x0], $0xffff;
	v28 =	vunpack.i.l.bf16.f32 v28;
	v21 =	vunpack.i.u.bf16.f32 v29;
	v29 =	vunpack.i.l.bf16.f32 v29  }
0x14f: {  	v62 =	vld.idx.msk [tilespmem:v2+s2+$0x0], $0xffff;
	v3 =	vunpack.i.l.bf16.f32 v24;
	v2 =	vunpack.i.l.bf16.f32 v23;
	v4 =	vmul.f32 v4, v22  }
0x150: {  	v22 =	vmul.f32 v27, v22;
	v27 =	vunpack.i.u.bf16.f32 v26;
	v26 =	vunpack.i.l.bf16.f32 v26  }
0x151: {  	v28 =	vmul.f32 v28, v26;
	v26 =	vmul.f32 v29, v26;
	v29 =	vunpack.i.u.bf16.f32 v24  }
0x152: {  	v24 =	vunpack.i.u.bf16.f32 v23;
	v23 =	vunpack.i.u.bf16.f32 v31;
	v31 =	vunpack.i.l.bf16.f32 v31  }
0x153: {  	v20 =	vmul.f32 v20, v63;
	v63 =	vld.idx.msk [tilespmem:v35+s2+$0x0], $0xffff;
	v38 =	vadd.f32 $0.0e+00, v13;
	v13 =	vmul.f32 v31, v3  }
0x154: {  	v35 =	vld.idx.msk [tilespmem:v1+s2+$0x0], $0xffff  }
0x155: {  	v57 =	vadd.f32 $0.0e+00, v13;
	v13 =	vld.idx.msk [tilespmem:v0+s2+$0x0], $0xffff  }
0x156: {  	v0 =	vld [tilespmem:$0x1FE80]  }
0x157: {  	v17 =	vunpack.i.u.bf16.f32 v17;
	v1 =	vld.idx.msk [tilespmem:v30+s2+$0x0], $0xffff  }
0x158: {  	v49 =	vmul.f32 v49, v37;
	v37 =	vmul.f32 v17, v37;
	v17 =	vld.idx.msk [tilespmem:v10+s2+$0x0], $0xffff  }
0x159: {  	v7 =	vadd.f32 $0.0e+00, v16;
	v16 =	vld.idx.msk [tilespmem:v39+s2+$0x0], $0xffff  }
0x15a: {  	v47 =	vunpack.i.u.bf16.f32 v60;
	v32 =	vmul.f32 v34, v32;
	v56 =	vmul.f32 v2, v3;
	v2 =	vld.idx.msk [tilespmem:v15+s2+$0x0], $0xffff  }
0x15b: {  	v18 =	vunpack.i.u.bf16.f32 v18;
	v30 =	vmul.f32 v44, v50;
	v15 =	vld.idx.msk [tilespmem:v36+s2+$0x0], $0xffff;
	v36 =	vmul.f32 v54, v41  }
0x15c: {  	v40 =	vadd.f32 $0.0e+00, v12;
	v54 =	vmul.f32 v55, v27;
	v55 =	vmul.f32 v21, v27;
	v21 =	vld [tilespmem:$0x1FEB0]  }
0x15d: {  	v51 =	vmul.f32 v51, v18;
	v18 =	vmul.f32 v52, v18;
	v19 =	vadd.f32 $0.0e+00, v19;
	v3 =	vld.idx.msk [tilespmem:v33+s2+$0x0], $0xffff  }
0x15e: {  	v42 =	vadd.f32 $0.0e+00, v32;
	v12 =	vadd.f32 $0.0e+00, v20;
	v34 =	vunpack.i.l.bf16.f32 v58;
	v20 =	vld.idx.msk [tilespmem:v0+s2+$0x0], $0xffff  }
0x15f: {  	v19 =	vadd.f32 v19, v51;
	v6 =	vmul.f32 v25, v41;
	v27 =	vadd.f32 v53, v30;
	v0 =	vld [tilespmem:$0x1FE90]  }
0x160: {  	v31 =	vmul.f32 v45, v50;
	v8 =	vadd.f32 $0.0e+00, v4;
	v11 =	vadd.f32 $0.0e+00, v22;
	v4 =	vld.idx.msk [tilespmem:v14+s2+$0x0], $0xffff  }
0x161: {  	v50 =	vadd.f32 $0.0e+00, v56;
	v14 =	vld.idx.msk [tilespmem:v5+s2+$0x0], $0xffff;
	v60 =	vadd.f32 $0.0e+00, v26;
	v26 =	vmul.f32 v48, v46  }
0x162: {  	v56 =	vmul.f32 v24, v29;
	v5 =	vmul.f32 v23, v29;
	v22 =	vld.idx.msk [tilespmem:v9+s2+$0x0], $0xffff;
	v23 =	vadd.f32 v42, v31  }
0x163: {  	v48 =	vunpack.i.l.bf16.f32 v59;
	v25 =	vadd.f32 v40, v26;
	v26 =	vadd.f32 v7, v49;
	v7 =	vld [tilespmem:$0x1FED0]  }
0x164: {  	v11 =	vadd.f32 v11, v6;
	v6 =	vadd.f32 v50, v56;
	v50 =	vmul.f32 v48, v34;
	v29 =	vld.idx.msk [tilespmem:v21+s2+$0x0], $0xffff  }
0x165: {  	v42 =	vunpack.i.l.bf16.f32 v15;
	v9 =	vunpack.i.l.bf16.f32 v4;
	v53 =	vunpack.i.l.bf16.f32 v13;
	v21 =	vld [tilespmem:$0x1FEC0]  }
0x166: {  	v18 =	vadd.f32 v12, v18;
	v48 =	vmul.f32 v53, v9;
	v53 =	vmul.f32 v42, v9;
	v9 =	vld [tilespmem:$0x1FEE0]  }
0x167: {  	v39 =	vunpack.i.l.bf16.f32 v62;
	v32 =	vunpack.i.l.bf16.f32 v1;
	v43 =	vadd.f32 $0.0e+00, v28;
	v28 =	vld.idx.msk [tilespmem:v0+s2+$0x0], $0xffff  }
0x168: {  	v33 =	vmul.f32 v47, v46;
	v47 =	vunpack.i.l.bf16.f32 v61;
	v45 =	vunpack.i.l.bf16.f32 v35;
	v0 =	vld [tilespmem:$0x1FEA0]  }
0x169: {  	v52 =	vunpack.i.l.bf16.f32 v16;
	v46 =	vunpack.i.l.bf16.f32 v63;
	v51 =	vmul.f32 v47, v34  }
0x16a: {  	v41 =	vadd.f32 v8, v36;
	v44 =	vunpack.i.l.bf16.f32 v2;
	v40 =	vunpack.i.l.bf16.f32 v17  }
0x16b: {  	v8 =	vadd.f32 v43, v54;
	v43 =	vadd.f32 v60, v55;
	v60 =	vunpack.i.u.bf16.f32 v59  }
0x16c: {  	s13 =	simm.s32 $0xA5E0;
	v55 =	vunpack.i.u.bf16.f32 v61;
	v54 =	vunpack.i.u.bf16.f32 v62;
	v36 =	vadd.f32 v57, v5;
	v31 =	vld.idx.msk [tilespmem:v7+s2+$0x0], $0xffff  }
0x16d: {  	v57 =	vmul.f32 v46, v39;
	v30 =	vld.idx.msk [tilespmem:v21+s2+$0x0], $0xffff;
	[tilespmem:s13+$0x30] =	vst v9;
	v24 =	vadd.f32 v0, v33;
	v0 =	vunpack.i.l.bf16.f32 v14  }
0x16e: {  	v59 =	vunpack.i.u.bf16.f32 v63;
	v49 =	vmul.f32 v52, v0;
	v52 =	vmul.f32 v40, v0;
	v0 =	vld [tilespmem:$0x1FEF0]  }
0x16f: {  	v56 =	vmul.f32 v44, v32;
	v10 =	vunpack.i.l.bf16.f32 v3;
	v12 =	vunpack.i.l.bf16.f32 v22  }
0x170: {  	v47 =	vmul.f32 v10, v32;
	v21 =	vadd.f32 v38, v37;
	v7 =	vunpack.i.l.bf16.f32 v20  }
0x171: {  	v37 =	vunpack.i.u.bf16.f32 v58;
	v58 =	vmul.f32 v45, v39;
	v46 =	vmul.f32 v12, v7  }
0x172: {  	s14 =	simm.s32 $0xBEE0;
	s12 =	simm.s32 $0xA5E0;
	v5 =	vunpack.i.l.bf16.f32 v30;
	v38 =	vunpack.i.l.bf16.f32 v28;
	v33 =	vunpack.i.l.bf16.f32 v29  }
0x173: {  	s7 =	simm.s32 $0x0;
	s8 =	simm.s32 $0x5B60;
	s0 =	simm.s32 $0xBEE0;
	v34 =	vunpack.i.l.bf16.f32 v31;
	v42 =	vmul.f32 v38, v7;
	v38 =	vmul.f32 v5, v33;
	[tilespmem:s14+$0x30] =	vst v0  }
.LBB2_5:
0x174: {  	v61 =	vld [tilespmem:s8+$0x30]  }
0x175: {  	v45 =	vunpack.i.u.bf16.f32 v22;
	v22 =	vld [tilespmem:s8+$0xFFFFFFD0]  }
0x176: {  	v63 =	vmul.f32 v34, v33;
	s30 =	sadd.s32 $0x80, s30;
	v34 =	vunpack.i.u.bf16.f32 v14;
	v14 =	vmul.f32 v60, v37;
	v60 =	vld [tilespmem:s8+$0xFFFFFFE0]  }
0x177: {  	v7 =	vunpack.i.u.bf16.f32 v1;
	v0 =	vunpack.i.u.bf16.f32 v2;
	v2 =	vunpack.i.u.bf16.f32 v3;
	s1 =	sadd.s32 $0x80, s1;
	v1 =	vld [tilespmem:s30+$0x30]  }
0x178: {  	[tilespmem:$0x1FE00] =	vst v2;
	v2 =	vunpack.i.u.bf16.f32 v4;
	v4 =	vld [tilespmem:s1+$0x30]  }
0x179: {  	v62 =	vunpack.i.u.bf16.f32 v35;
	v39 =	vunpack.i.u.bf16.f32 v13;
	v40 =	vunpack.i.u.bf16.f32 v28;
	v32 =	vld [tilespmem:s30+$0xFFFFFFC0]  }
0x17a: {  	v28 =	vunpack.i.u.bf16.f32 v29;
	v29 =	vunpack.i.u.bf16.f32 v31;
	v33 =	vld [tilespmem:s1+$0xFFFFFFC0];
	v13 =	vadd.f32 v50, v27  }
0x17b: {  	v50 =	vunpack.i.u.bf16.f32 v30;
	v27 =	vld [tilespmem:s30+$0xFFFFFFD0];
	v30 =	vadd.f32 v57, v24;
	v31 =	vadd.f32 v58, v25  }
0x17c: {  	v35 =	vunpack.i.u.bf16.f32 v20;
	v20 =	vld [tilespmem:s1+$0xFFFFFFD0];
	v24 =	vadd.f32 v56, v26;
	v26 =	vadd.f32 v46, v8  }
0x17d: {  	v25 =	vadd.f32 v42, v43;
	v42 =	vmul.f32 v59, v54;
	v46 =	vmul.f32 v62, v54;
	v54 =	vld [tilespmem:s30+$0xFFFFFFE0]  }
0x17e: {  	v52 =	vadd.f32 v52, v11;
	v11 =	vmul.f32 v55, v37;
	v55 =	vld [tilespmem:s1+$0xFFFFFFE0]  }
0x17f: {  	v59 =	vld [tilespmem:s1+$0xFFFFFFF0]  }
0x180: {  	v62 =	vld [tilespmem:s30+$0x0]  }
0x181: {  	v3 =	vunpack.i.u.bf16.f32 v15;
	v37 =	vld [tilespmem:s30+$0x10]  }
0x182: {  	[tilespmem:$0x1FE10] =	vst v3;
	v3 =	vunpack.i.u.bf16.f32 v17;
	v51 =	vadd.f32 v51, v23;
	v23 =	vadd.f32 v38, v6;
	v38 =	vld [tilespmem:s1+$0x10]  }
0x183: {  	v47 =	vadd.f32 v47, v21;
	[tilespmem:$0x1FE20] =	vst v3;
	v21 =	vadd.f32 v63, v36;
	v63 =	vld [tilespmem:s1+$0x0];
	v3 =	vadd.s32 $0x2710, v32  }
0x184: {  	[tilespmem:$0x1FE30] =	vst v3;
	v3 =	vmul.f32 v0, v7;
	v0 =	vld [tilespmem:$0x1FE00]  }
0x185: {  	v44 =	vunpack.i.u.bf16.f32 v16;
	v16 =	vld.idx.msk [tilespmem:v61+s2+$0x0], $0xffff  }
0x186: {  	v48 =	vadd.f32 v48, v19;
	v15 =	vadd.s32 $0x2710, v61;
	v61 =	vld [tilespmem:s8+$0x0]  }
0x187: {  	v53 =	vadd.f32 v53, v18;
	v49 =	vadd.f32 v49, v41;
	v57 =	vld.idx.msk [tilespmem:v1+s2+$0x0], $0xffff  }
0x188: {  	v44 =	vmul.f32 v44, v34;
	v45 =	vmul.f32 v45, v35;
	v17 =	vadd.s32 $0x2710, v1;
	v19 =	vld.idx.msk [tilespmem:v4+s2+$0x0], $0xffff  }
0x189: {  	v41 =	vmul.f32 v40, v35;
	v43 =	vmul.f32 v39, v2;
	v1 =	vadd.s32 $0x2710, v22;
	v22 =	vld.idx.msk [tilespmem:v22+s2+$0x0], $0xffff  }
0x18a: {  	v50 =	vmul.f32 v50, v28;
	v58 =	vadd.s32 $0x2710, v4;
	v4 =	vadd.s32 $0x2710, v20;
	v20 =	vld.idx.msk [tilespmem:v20+s2+$0x0], $0xffff  }
0x18b: {  	v28 =	vmul.f32 v29, v28;
	v9 =	vadd.f32 v13, v14;
	v11 =	vadd.f32 v51, v11;
	v10 =	vld.idx.msk [tilespmem:v15+s2+$0x0], $0xffff  }
0x18c: {  	v29 =	vadd.f32 v30, v42;
	v30 =	vadd.f32 v31, v46;
	[tilespmem:$0x1FE40] =	vst v1;
	v1 =	vadd.s32 $0x2710, v27;
	v27 =	vld.idx.msk [tilespmem:v27+s2+$0x0], $0xffff  }
0x18d: {  	v23 =	vadd.f32 v23, v50;
	[tilespmem:s13+$0xFFFFFFC0] =	vst v9;
	v18 =	vadd.s32 $0x2710, v60;
	v56 =	vadd.s32 $0x2710, v33;
	v6 =	vld.idx.msk [tilespmem:v17+s2+$0x0], $0xffff  }
0x18e: {  	v39 =	vadd.s32 $0x2710, v37;
	[tilespmem:s12+$0xFFFFFFD0] =	vst v29;
	v17 =	vadd.s32 $0x2710, v55;
	v7 =	vmul.f32 v0, v7;
	v0 =	vld [tilespmem:$0x1FE10]  }
0x18f: {  	v32 =	vld.idx.msk [tilespmem:v32+s2+$0x0], $0xffff;
	[tilespmem:s0+$0xFFFFFFD0] =	vst v30;
	v30 =	vadd.f32 v49, v44;
	v12 =	vunpack.i.u.bf16.f32 v16;
	v13 =	vunpack.i.l.bf16.f32 v16  }
0x190: {  	v5 =	vld.idx.msk [tilespmem:v58+s2+$0x0], $0xffff;
	v14 =	vunpack.i.l.bf16.f32 v57;
	v15 =	vunpack.i.u.bf16.f32 v57;
	v16 =	vunpack.i.l.bf16.f32 v19  }
0x191: {  	v33 =	vld.idx.msk [tilespmem:v33+s2+$0x0], $0xffff;
	v9 =	vunpack.i.u.bf16.f32 v19;
	v14 =	vmul.f32 v14, v13;
	v15 =	vmul.f32 v15, v12  }
0x192: {  	v29 =	vld.idx.msk [tilespmem:v60+s2+$0x0], $0xffff;
	v19 =	vadd.s32 $0x2710, v54;
	v13 =	vmul.f32 v16, v13;
	v9 =	vmul.f32 v9, v12  }
0x193: {  	v12 =	vunpack.i.u.bf16.f32 v10;
	v14 =	vadd.f32 $0.0e+00, v14;
	v8 =	vmul.f32 v0, v2;
	v0 =	vld [tilespmem:s8+$0xFFFFFFC0]  }
0x194: {  	v10 =	vunpack.i.l.bf16.f32 v10;
	v16 =	vunpack.i.l.bf16.f32 v6;
	v13 =	vadd.f32 $0.0e+00, v13;
	v2 =	vld [tilespmem:$0x1FE20]  }
0x195: {  	v58 =	vld [tilespmem:s30+$0xFFFFFFF0];
	v16 =	vmul.f32 v16, v10;
	v14 =	vadd.f32 v14, v15;
	v15 =	vunpack.i.l.bf16.f32 v5  }
0x196: {  	[tilespmem:$0x1FE50] =	vst v1;
	v1 =	vld [tilespmem:s8+$0x10];
	v6 =	vunpack.i.u.bf16.f32 v6;
	v9 =	vadd.f32 v13, v9;
	v10 =	vmul.f32 v15, v10  }
0x197: {  	v57 =	vld [tilespmem:s8+$0xFFFFFFF0];
	v6 =	vmul.f32 v6, v12;
	v5 =	vunpack.i.u.bf16.f32 v5;
	v13 =	vadd.f32 v16, v14  }
0x198: {  	[tilespmem:s12+$0x0] =	vst v30;
	v7 =	vadd.f32 v47, v7;
	v5 =	vmul.f32 v5, v12;
	v9 =	vadd.f32 v10, v9;
	v10 =	vld [tilespmem:s8+$0x20]  }
0x199: {  	v54 =	vld.idx.msk [tilespmem:v54+s2+$0x0], $0xffff;
	[tilespmem:s0+$0xFFFFFFC0] =	vst v11;
	v34 =	vmul.f32 v2, v34;
	v2 =	vadd.s32 $0x2710, v38;
	v6 =	vadd.f32 v13, v6  }
0x19a: {  	s13 =	sadd.s32 $0x80, s13;
	v42 =	vunpack.i.u.bf16.f32 v32;
	v32 =	vunpack.i.l.bf16.f32 v32;
	v12 =	vld [tilespmem:s30+$0x20];
	[tilespmem:$0x1FE60] =	vst v2;
	v9 =	vadd.f32 v9, v5  }
0x19b: {  	s14 =	sadd.s32 $0x80, s14;
	v35 =	vld.idx.msk [tilespmem:v4+s2+$0x0], $0xffff;
	v36 =	vadd.s32 $0x2710, v1;
	v8 =	vadd.f32 v53, v8;
	v34 =	vadd.f32 v52, v34;
	[tilespmem:s13+$0x30] =	vst v6  }
0x19c: {  	v15 =	vadd.s32 $0x2710, v59;
	v14 =	vadd.s32 $0x2710, v61;
	v11 =	vadd.s32 $0x2710, v0;
	v0 =	vld.idx.msk [tilespmem:v0+s2+$0x0], $0xffff;
	[tilespmem:s14+$0x30] =	vst v9  }
0x19d: {  	v16 =	vadd.s32 $0x2710, v57;
	v13 =	vadd.s32 $0x2710, v58;
	v9 =	vld [tilespmem:s1+$0x20];
	[tilespmem:s0+$0x0] =	vst v34;
	v2 =	vadd.s32 $0x2710, v10  }
0x19e: {  	v5 =	vadd.s32 $0x2710, v62;
	v6 =	vadd.s32 $0x2710, v63;
	v60 =	vld.idx.msk [tilespmem:v61+s2+$0x0], $0xffff;
	[tilespmem:$0x1FE70] =	vst v2;
	v2 =	vadd.f32 v24, v3  }
0x19f: {  	v51 =	vadd.s32 $0x2710, v12;
	v34 =	vunpack.i.u.bf16.f32 v54;
	v61 =	vld.idx.msk [tilespmem:v62+s2+$0x0], $0xffff;
	v24 =	vadd.f32 v48, v43  }
0x1a0: {  	v63 =	vld.idx.msk [tilespmem:v63+s2+$0x0], $0xffff;
	v43 =	vunpack.i.l.bf16.f32 v54;
	[tilespmem:s12+$0xFFFFFFE0] =	vst v2;
	v2 =	vadd.f32 v26, v45;
	v26 =	vunpack.i.u.bf16.f32 v33  }
0x1a1: {  	v14 =	vld.idx.msk [tilespmem:v14+s2+$0x0], $0xffff;
	v33 =	vunpack.i.l.bf16.f32 v33;
	[tilespmem:s12+$0xFFFFFFF0] =	vst v24;
	v24 =	vunpack.i.u.bf16.f32 v27;
	v27 =	vunpack.i.l.bf16.f32 v27  }
0x1a2: {  	v46 =	vunpack.i.u.bf16.f32 v0;
	v0 =	vunpack.i.l.bf16.f32 v0;
	[tilespmem:s0+$0xFFFFFFE0] =	vst v7;
	v7 =	vadd.f32 v25, v41;
	v57 =	vld.idx.msk [tilespmem:v57+s2+$0x0], $0xffff  }
0x1a3: {  	v25 =	vunpack.i.u.bf16.f32 v22;
	v22 =	vunpack.i.l.bf16.f32 v22;
	[tilespmem:s0+$0xFFFFFFF0] =	vst v8;
	v8 =	vadd.f32 v21, v28;
	v55 =	vld.idx.msk [tilespmem:v55+s2+$0x0], $0xffff  }
0x1a4: {  	v28 =	vunpack.i.u.bf16.f32 v20;
	v20 =	vunpack.i.l.bf16.f32 v20;
	v21 =	vmul.f32 v27, v22;
	v27 =	vld.idx.msk [tilespmem:v58+s2+$0x0], $0xffff  }
0x1a5: {  	v31 =	vadd.s32 $0x2710, v9;
	v26 =	vmul.f32 v26, v46;
	v20 =	vmul.f32 v20, v22;
	v30 =	vld.idx.msk [tilespmem:v59+s2+$0x0], $0xffff;
	[tilespmem:s12+$0x10] =	vst v2  }
0x1a6: {  	v22 =	vunpack.i.u.bf16.f32 v29;
	v29 =	vunpack.i.l.bf16.f32 v29;
	[tilespmem:s0+$0x10] =	vst v7;
	v7 =	vmul.f32 v32, v0;
	v32 =	vld.idx.msk [tilespmem:v11+s2+$0x0], $0xffff  }
0x1a7: {  	[tilespmem:s12+$0x20] =	vst v23;
	v47 =	vunpack.i.u.bf16.f32 v60;
	v45 =	vunpack.i.l.bf16.f32 v60;
	v24 =	vmul.f32 v24, v25;
	v1 =	vld.idx.msk [tilespmem:v1+s2+$0x0], $0xffff  }
0x1a8: {  	v49 =	vunpack.i.l.bf16.f32 v61;
	v25 =	vmul.f32 v28, v25;
	v0 =	vmul.f32 v33, v0;
	[tilespmem:s0+$0x20] =	vst v8;
	v37 =	vld.idx.msk [tilespmem:v37+s2+$0x0], $0xffff  }
0x1a9: {  	v40 =	vunpack.i.l.bf16.f32 v14;
	v2 =	vmul.f32 v43, v29;
	v33 =	vunpack.i.l.bf16.f32 v63;
	v10 =	vld.idx.msk [tilespmem:v10+s2+$0x0], $0xffff  }
0x1aa: {  	v49 =	vmul.f32 v49, v45;
	v11 =	vmul.f32 v33, v45;
	v45 =	vadd.f32 $0.0e+00, v0;
	v0 =	vld [tilespmem:$0x1FE30]  }
0x1ab: {  	v43 =	vunpack.i.u.bf16.f32 v63;
	v21 =	vadd.f32 $0.0e+00, v21;
	v12 =	vld.idx.msk [tilespmem:v12+s2+$0x0], $0xffff;
	v7 =	vadd.f32 $0.0e+00, v7  }
0x1ac: {  	v9 =	vld.idx.msk [tilespmem:v9+s2+$0x0], $0xffff;
	v48 =	vunpack.i.l.bf16.f32 v57;
	v8 =	vunpack.i.u.bf16.f32 v57;
	v57 =	vadd.f32 $0.0e+00, v2  }
0x1ad: {  	v38 =	vld.idx.msk [tilespmem:v38+s2+$0x0], $0xffff;
	v43 =	vmul.f32 v43, v47;
	v11 =	vadd.f32 $0.0e+00, v11;
	v24 =	vadd.f32 v21, v24  }
0x1ae: {  	v53 =	vld.idx.msk [tilespmem:v56+s2+$0x0], $0xffff;
	v62 =	vunpack.i.l.bf16.f32 v55;
	v23 =	vunpack.i.u.bf16.f32 v55;
	v41 =	vunpack.i.u.bf16.f32 v27  }
0x1af: {  	v15 =	vld.idx.msk [tilespmem:v15+s2+$0x0], $0xffff;
	v44 =	vunpack.i.u.bf16.f32 v30;
	v30 =	vunpack.i.l.bf16.f32 v30;
	v29 =	vmul.f32 v62, v29  }
0x1b0: {  	v2 =	vld.idx.msk [tilespmem:v19+s2+$0x0], $0xffff;
	v33 =	vunpack.i.u.bf16.f32 v1;
	v1 =	vunpack.i.l.bf16.f32 v1;
	v50 =	vunpack.i.u.bf16.f32 v37  }
0x1b1: {  	v31 =	vld.idx.msk [tilespmem:v31+s2+$0x0], $0xffff;
	v3 =	vunpack.i.l.bf16.f32 v10;
	v56 =	vunpack.i.u.bf16.f32 v12;
	v4 =	vunpack.i.l.bf16.f32 v9  }
0x1b2: {  	v52 =	vld.idx.msk [tilespmem:v0+s2+$0x0], $0xffff;
	v0 =	vunpack.i.l.bf16.f32 v37;
	v37 =	vunpack.i.u.bf16.f32 v38;
	v38 =	vunpack.i.l.bf16.f32 v38  }
0x1b3: {  	v54 =	vmul.f32 v0, v1;
	v0 =	vld [tilespmem:$0x1FE40];
	v38 =	vmul.f32 v38, v1;
	v1 =	vunpack.i.l.bf16.f32 v12  }
0x1b4: {  	v12 =	vunpack.i.u.bf16.f32 v9;
	v9 =	vmul.f32 v1, v3;
	v1 =	vld.idx.msk [tilespmem:v18+s2+$0x0], $0xffff;
	v18 =	vmul.f32 v4, v3  }
0x1b5: {  	v30 =	vmul.f32 v30, v48;
	v55 =	vunpack.i.u.bf16.f32 v10;
	v10 =	vadd.f32 $0.0e+00, v20;
	v20 =	vld.idx.msk [tilespmem:v36+s2+$0x0], $0xffff  }
0x1b6: {  	v27 =	vunpack.i.l.bf16.f32 v27;
	v60 =	vadd.f32 $0.0e+00, v18;
	v18 =	vmul.f32 v23, v22;
	v23 =	vld [tilespmem:$0x1FE60]  }
0x1b7: {  	v58 =	vadd.f32 $0.0e+00, v29;
	v29 =	vmul.f32 v42, v46;
	v42 =	vadd.f32 $0.0e+00, v30;
	v30 =	vld.idx.msk [tilespmem:v51+s2+$0x0], $0xffff  }
0x1b8: {  	v27 =	vmul.f32 v27, v48;
	v48 =	vunpack.i.u.bf16.f32 v61;
	v62 =	vunpack.i.l.bf16.f32 v32;
	v3 =	vld.idx.msk [tilespmem:v17+s2+$0x0], $0xffff  }
0x1b9: {  	v41 =	vmul.f32 v41, v8;
	v8 =	vmul.f32 v44, v8;
	v44 =	vunpack.i.l.bf16.f32 v53;
	v4 =	vld.idx.msk [tilespmem:v16+s2+$0x0], $0xffff  }
0x1ba: {  	v11 =	vadd.f32 v11, v43;
	v48 =	vmul.f32 v48, v47;
	v19 =	vadd.f32 $0.0e+00, v27;
	v16 =	vld.idx.msk [tilespmem:v5+s2+$0x0], $0xffff  }
0x1bb: {  	v46 =	vadd.f32 $0.0e+00, v49;
	v51 =	vmul.f32 v44, v62;
	v25 =	vadd.f32 v10, v25;
	v17 =	vld.idx.msk [tilespmem:v6+s2+$0x0], $0xffff  }
0x1bc: {  	v27 =	vadd.f32 v7, v29;
	v7 =	vunpack.i.l.bf16.f32 v15;
	v19 =	vadd.f32 v19, v41;
	v59 =	vld.idx.msk [tilespmem:v0+s2+$0x0], $0xffff  }
0x1bd: {  	v41 =	vadd.f32 v46, v48;
	v5 =	vmul.f32 v50, v33;
	v6 =	vmul.f32 v37, v33;
	v0 =	vld [tilespmem:$0x1FE50]  }
0x1be: {  	v10 =	vunpack.i.l.bf16.f32 v20;
	v50 =	vmul.f32 v56, v55;
	v36 =	vmul.f32 v12, v55;
	v28 =	vld.idx.msk [tilespmem:v23+s2+$0x0], $0xffff  }
0x1bf: {  	v55 =	vunpack.i.l.bf16.f32 v35;
	v56 =	vunpack.i.l.bf16.f32 v2;
	v38 =	vadd.f32 $0.0e+00, v38;
	v23 =	vld [tilespmem:$0x1FE70]  }
0x1c0: {  	v49 =	vadd.f32 $0.0e+00, v54;
	v54 =	vadd.f32 $0.0e+00, v9;
	v9 =	vmul.f32 v34, v22;
	v22 =	vld.idx.msk [tilespmem:v39+s2+$0x0], $0xffff  }
0x1c1: {  	v34 =	vunpack.i.l.bf16.f32 v52;
	v43 =	vadd.f32 v38, v6;
	v21 =	vadd.f32 v58, v18  }
0x1c2: {  	v38 =	vunpack.i.l.bf16.f32 v30;
	v18 =	vadd.f32 v42, v8;
	v8 =	vadd.f32 v49, v5  }
0x1c3: {  	v13 =	vld.idx.msk [tilespmem:v13+s2+$0x0], $0xffff;
	v6 =	vadd.f32 v54, v50;
	v50 =	vmul.f32 v34, v62;
	v36 =	vadd.f32 v60, v36  }
0x1c4: {  	v34 =	vunpack.i.l.bf16.f32 v31;
	v60 =	vunpack.i.u.bf16.f32 v52;
	v63 =	vunpack.i.l.bf16.f32 v1  }
0x1c5: {  	v39 =	vunpack.i.l.bf16.f32 v3;
	v12 =	vunpack.i.l.bf16.f32 v4;
	v42 =	vunpack.i.l.bf16.f32 v22  }
0x1c6: {  	v56 =	vmul.f32 v56, v63;
	v46 =	vmul.f32 v42, v10;
	v47 =	vunpack.i.l.bf16.f32 v59;
	v61 =	vld.idx.msk [tilespmem:v0+s2+$0x0], $0xffff  }
0x1c7: {  	s7 =	sadd.s32 $0x8, s7;
	v54 =	vunpack.i.u.bf16.f32 v59;
	v58 =	vmul.f32 v55, v47;
	v55 =	vunpack.i.u.bf16.f32 v53;
	v29 =	vld.idx.msk [tilespmem:v23+s2+$0x0], $0xffff  }
0x1c8: {  	p0 =	slt.u32 s7, $0xC0;
	v53 =	vmul.f32 v7, v12;
	v0 =	vunpack.i.l.bf16.f32 v13;
	v5 =	vunpack.i.l.bf16.f32 v28  }
.Ltmp1:
0x1c9: {  	v48 =	vmul.f32 v0, v12;
	v42 =	vmul.f32 v5, v10;
	v23 =	vadd.f32 v45, v26;
	(pc) =	sbr.rel @p0 .LBB2_5-.Ltmp1, $4  }
0x1ca: {  	v45 =	vunpack.i.l.bf16.f32 v16;
	v26 =	vadd.f32 v57, v9;
	v9 =	vunpack.i.l.bf16.f32 v17  }
0x1cb: {  	v49 =	vmul.f32 v45, v40;
	v52 =	vmul.f32 v9, v40;
	v37 =	vunpack.i.l.bf16.f32 v61  }
0x1cc: {  	v59 =	vunpack.i.u.bf16.f32 v61;
	v57 =	vmul.f32 v37, v47;
	v33 =	vunpack.i.l.bf16.f32 v29  }
0x1cd: {  	s8 =	sadd.s32 $0x80, s8;
	s12 =	smov.u32 s13;
	s0 =	smov.u32 s14;
	v37 =	vunpack.i.u.bf16.f32 v32;
	v47 =	vmul.f32 v39, v63;
	v38 =	vmul.f32 v38, v33  }
0x1ce: {  	v0 =	vunpack.i.u.bf16.f32 v35;
	v1 =	vunpack.i.u.bf16.f32 v1  }
0x1cf: {  	v5 =	vmul.f32 v34, v33;
	v2 =	vunpack.i.u.bf16.f32 v2;
	v3 =	vunpack.i.u.bf16.f32 v3  }
0x1d0: {  	v4 =	vunpack.i.u.bf16.f32 v4;
	v7 =	vunpack.i.u.bf16.f32 v13;
	v9 =	vunpack.i.u.bf16.f32 v15  }
0x1d1: {  	v10 =	vunpack.i.u.bf16.f32 v14;
	v12 =	vunpack.i.u.bf16.f32 v16;
	v13 =	vunpack.i.u.bf16.f32 v17  }
0x1d2: {  	v14 =	vunpack.i.u.bf16.f32 v20;
	v61 =	vunpack.i.u.bf16.f32 v22;
	v62 =	vunpack.i.u.bf16.f32 v28  }
0x1d3: {  	v63 =	vunpack.i.u.bf16.f32 v29;
	v33 =	vadd.f32 v50, v27;
	v34 =	vunpack.i.u.bf16.f32 v30  }
0x1d4: {  	v35 =	vmul.f32 v60, v37;
	v39 =	vunpack.i.u.bf16.f32 v31;
	v23 =	vadd.f32 v51, v23  }
0x1d5: {  	v24 =	vadd.f32 v57, v24;
	v44 =	vmul.f32 v59, v54;
	v25 =	vadd.f32 v58, v25  }
0x1d6: {  	v40 =	vmul.f32 v55, v37;
	v26 =	vadd.f32 v56, v26;
	v20 =	vadd.f32 v33, v35  }
0x1d7: {  	v48 =	vadd.f32 v48, v19;
	v0 =	vmul.f32 v0, v54;
	v45 =	vadd.f32 v24, v44  }
0x1d8: {  	v18 =	vadd.f32 v53, v18;
	v2 =	vmul.f32 v2, v1;
	v23 =	vadd.f32 v23, v40;
	[tilespmem:s13+$0xFFFFFFC0] =	vst v20  }
0x1d9: {  	v21 =	vadd.f32 v47, v21;
	v7 =	vmul.f32 v7, v4;
	v0 =	vadd.f32 v25, v0;
	[tilespmem:s12+$0xFFFFFFD0] =	vst v45  }
0x1da: {  	v59 =	vadd.f32 v38, v6;
	v60 =	vmul.f32 v34, v63;
	v2 =	vadd.f32 v26, v2;
	[tilespmem:s0+$0xFFFFFFC0] =	vst v23  }
0x1db: {  	v1 =	vmul.f32 v3, v1;
	v4 =	vmul.f32 v9, v4;
	v3 =	vadd.f32 v48, v7;
	[tilespmem:s0+$0xFFFFFFD0] =	vst v0  }
0x1dc: {  	v58 =	vmul.f32 v62, v14;
	v62 =	vmul.f32 v39, v63;
	v63 =	vadd.f32 v59, v60;
	[tilespmem:s12+$0xFFFFFFE0] =	vst v2  }
0x1dd: {  	v50 =	vadd.f32 v49, v41;
	v51 =	vmul.f32 v12, v10;
	v1 =	vadd.f32 v21, v1;
	[tilespmem:s12+$0xFFFFFFF0] =	vst v3  }
0x1de: {  	v53 =	vadd.f32 v52, v11;
	v54 =	vmul.f32 v13, v10;
	v4 =	vadd.f32 v18, v4;
	[tilespmem:s12+$0x20] =	vst v63  }
0x1df: {  	v55 =	vadd.f32 v46, v8;
	v56 =	vmul.f32 v61, v14;
	v0 =	vadd.f32 v50, v51;
	[tilespmem:s0+$0xFFFFFFE0] =	vst v1  }
0x1e0: {  	v57 =	vadd.f32 v42, v43;
	v2 =	vadd.f32 v53, v54;
	[tilespmem:s0+$0xFFFFFFF0] =	vst v4  }
0x1e1: {  	v61 =	vadd.f32 v5, v36;
	v1 =	vadd.f32 v55, v56;
	[tilespmem:s12+$0x0] =	vst v0  }
0x1e2: {  	s28 =	sadd.s32 $0x1, s28;
	v3 =	vadd.f32 v57, v58;
	[tilespmem:s0+$0x0] =	vst v2  }
0x1e3: {  	s1 =	sadd.s32 s9, s29;
	p0 =	sne.s32 s28, $0x32;
	v0 =	vadd.f32 v61, v62;
	[tilespmem:s12+$0x10] =	vst v1  }
.Ltmp2:
0x1e4: {  	s1 =	sshrl.u32 s1, $0x3;
	[tilespmem:s0+$0x10] =	vst v3;
	(pc) =	sbr.rel @p0 .LBB2_2-.Ltmp2, $4  }
0x1e5: {  	s30 =	sadd.s32 s5, s1;
	[tilespmem:s0+$0x20] =	vst v0  }
0x1e6: {  	[hbm4b:s30+s2] =	stream.linear.scatter [tilespmem:s22], [sflag:$0x4], $0xC80, $0x38;
	[tilespmem:$0xCB20] =	vst v63  }
0x1e7: {  	s31 =	sadd.s32 s6, s1  }
0x1e8: {  	[hbm4b:s31+s2] =	stream.linear.scatter [tilespmem:s23], [sflag:$0x4], $0xC80, $0x38;
	[tilespmem:$0xCB20] =	vst v63  }
0x1e9: {  	_ =	swait.ge [sflag:s24], $0xC80  }
0x1ea: {  	[sflag:s24] =	ssyncset.done $0x0  }
0x1eb: {  	[sflag:s24] =	ssyncadd.s32 $0xFFFFF380  }
0x1ec: {  	_ =	swait.ge [sflag:s24], $0xC80  }
0x1ed: {  	[sflag:s24] =	ssyncset.done $0x0  }
0x1ee: {  	s26 =	sadd.s32 $0x1, s26;
	[sflag:s24] =	ssyncadd.s32 $0xFFFFF380  }
0x1ef: {  	p0 =	sne.s32 s26, s10;
	_ =	swait.ge [sflag:s25], $0xC80  }
.Ltmp3:
0x1f0: {  	[sflag:s25] =	ssyncset.done $0x0;
	(pc) =	sbr.rel @p0 .LBB2_1-.Ltmp3, $4  }
0x1f1: {  	[sflag:s25] =	ssyncadd.s32 $0xFFFFF380  }
0x1f2: {  	_ =	swait.ge [sflag:s25], $0xC80  }
0x1f3: {  	[sflag:s25] =	ssyncset.done $0x0  }
0x1f4: {  	[sflag:s25] =	ssyncadd.s32 $0xFFFFF380  }
0x1f5: {  	_ =	sfence.sel $0x180000  }
0x1f6: {  	[bflag:$0x0] =	sbarrier.arrive $0xFFFF  }
0x1f7: {  	_ =	strace $0x9000004D  }
0x1f8: {  	s0 =	stileid.u32;
	[bflag:$0x2] =	sbarrier.arrive $0xFFFF  }
0x1f9: {  	p0 =	sne.s32 s0, $0x0;
	s0 =	rddreg [dreg:$0x1]  }
0x1fa: {  	s0 =	sadd.s32 @!p0 $0x100000, s0  }
0x1fb: {  	[sflag:s0] =	ssyncadd.tile.s32 @!p0 $0x1;
	_ =	shalt  }
.Lfunc_end2:
_tile_overlayer_lowered:
.L_overlay_start_2:
0x1fc: {  	(tag) =	ssettag $0x2  }
0x1fd: {  	s0 =	rddreg [dreg:$0x0];
	s2 =	stileid.u32  }
0x1fe: {  	s1 =	rddreg [dreg:$0x1];
	p0 =	sne.s32 s2, $0x0  }
0x1ff: {  	s3 =	rddreg [dreg:$0x2];
	[bflag:$0x3] =	sbarrier.arrive $0xFFFF;
	s2 =	simm.s32 @!p0 $0x1C05  }
0x200: {  	[timem:s3], [sflag:s2] =	dma.local @!p0 [hbm:s0], s1  }
0x201: {  	s0 =	simm.s32 @!p0 $0x5  }
0x202: {  	_ =	swait.ge @!p0 [sflag:s0], s1  }
0x203: {  	s1 =	ssub.s32 @!p0 $0x0, s1;
	[sflag:s0] =	ssyncset.done @!p0 $0x0  }
0x204: {  	[sflag:s0] =	ssyncadd.s32 @!p0 s1  }
0x205: {  	[bflag:$0x3] =	sbarrier.arrive $0xFFFF  }
0x206: {  	_ =	shalt  }

// kernel: kernel.8.cloned.1.call-start
scs
__scs_entry_jumppad:
0x0: {  	(pc) =	sbr.rel $0x88, $3  }
0x1: {  	(tag) =	ssettag $0x0;
	lr =	simm.s32 $0x1  }
0x2: {  	[smem:$0x3F92] =	sst lr;
	_ =	strace $0xD0000000  }
0x3: {  	_ = 	snop  }
0x4: {  	_ = 	snop  }
0x5: {  	_ = 	snop  }
0x6: {  	_ = 	snop  }
0x7: {  	_ = 	snop  }
__scs_overlays_trampoline_lowered:
0x8: {  	[smem:$0x3FA1] =	sst s0  }
0x9: {  	[smem:$0x3FA2] =	sst s1  }
0xa: {  	[smem:$0x3FA3] =	sst s2  }
0xb: {  	[smem:$0x3FA4] =	sst s3  }
0xc: {  	[smem:$0x3FA5] =	sst s4  }
0xd: {  	[smem:$0x3FA6] =	sst s5  }
0xe: {  	[smem:$0x3FA7] =	sst s6  }
0xf: {  	[smem:$0x3FA8] =	sst s7  }
0x10: {  	[smem:$0x3FA9] =	sst s8  }
0x11: {  	[smem:$0x3FAA] =	sst s9;
	s0 =	simm.s32 @!p0 $0x0  }
0x12: {  	s1 =	sld [smem:$0x3F90];
	s0 =	simm.s32 @p0 $0x1  }
0x13: {  	[smem:$0x3FAB] =	sst s0;
	s0 =	simm.s32 @!p1 $0x0  }
0x14: {  	s2 =	sld [smem:$0x3F8F];
	s0 =	simm.s32 @p1 $0x1  }
0x15: {  	[smem:$0x3FAC] =	sst s0;
	s0 =	simm.s32 @!p2 $0x0  }
0x16: {  	s3 =	sld [smem:$0x3FDB];
	s0 =	simm.s32 @p2 $0x1  }
0x17: {  	s4 =	simm.s32 $0x1BF5;
	[smem:$0x3FAE] =	sst s0  }
0x18: {  	s0 =	sld [smem:$0x3F91];
	_ =	swait.ge [sflag:s4], $0x0  }
0x19: {  	s7 =	sld [smem:$0x3F92]  }
0x1a: {  	s8 =	sadd.s32 $0xFFFFE003, lr  }
0x1b: {  	s9 =	sadd.s32 $0xFFFFFEF7, lr;
	s5 =	simm.s32 $0xFFFFFFFF;
	p2 =	slt.u32 s8, $0xFFFFF086  }
0x1c: {  	p1 =	slt.u32 s9, $0xF7A;
	s5 =	simm.s32 @!p2 $0x0  }
0x1d: {  	s5 =	simm.s32 @p1 $0x1;
	p0 =	seq.s32 s7, s2  }
0x1e: {  	s7 =	smul.u32 @!p0 $0xF7A, s2;
	p2 =	seq.s32 @!p0 s5, $0x0  }
0x1f: {  	s9 =	smul.u32 $0xF7A, s1;
	s8 =	simm.s32 @!p0 $0x1BF5;
	p2 =	por !p2, p0  }
0x20: {  	[sflag:s8] =	ssyncset.s32 @!p0 $0xFFFFF086;
	s6 =	sadd.s32 @!p0 s3, s7;
	s7 =	simm.s32 @!p0 $0x108  }
0x21: {  	s3 =	sadd.s32 s3, s9;
	s6 =	sadd.s32 @!p0 $0x88, s6;
	s7 =	simm.s32 @p2 $0x1082  }
0x22: {  	[simem:s7], [sflag:s8] =	dma.local @!p0 [hbm:s6], $0xF7A  }
0x23: {  	s9 =	sor.u32 $0xD0000000, s2;
	s6 =	simm.s32 $0x108;
	_ =	swait.ge @!p0 [sflag:s8], $0x0  }
0x24: {  	s3 =	sadd.s32 $0x88, s3;
	s6 =	simm.s32 @!p1 $0x1082;
	[sflag:s4] =	ssyncset.s32 $0xFFFFF086  }
0x25: {  	[simem:s6], [sflag:s4] =	dma.local [hbm:s3], $0xF7A  }
0x26: {  	[smem:$0x3F92] =	sst s1;
	(tag) =	ssettag s2;
	_ =	strace s9  }
0x27: {  	s1 =	sld [smem:$0x3FA2]  }
0x28: {  	s2 =	sld [smem:$0x3FA3]  }
0x29: {  	s4 =	sld [smem:$0x3FA5]  }
0x2a: {  	p0 =	seq.s32 s5, $0x0;
	s5 =	sld [smem:$0x3FA6]  }
0x2b: {  	s6 =	sld [smem:$0x3FA7]  }
0x2c: {  	s7 =	sld [smem:$0x3FA8]  }
0x2d: {  	s3 =	simm.s32 $0x108;
	s8 =	sld [smem:$0x3FA9]  }
0x2e: {  	s3 =	simm.s32 @!p0 $0x1082;
	s9 =	sld [smem:$0x3FAA]  }
0x2f: {  	lr =	sadd.s32 s0, s3;
	s0 =	sld [smem:$0x3FA1]  }
0x30: {  	s3 =	sld [smem:$0x3FA4]  }
0x31: {  	[smem:$0x3FAD] =	sst s10  }
0x32: {  	s10 =	sld [smem:$0x3FAB];
	_ =	sdelay $0x3  }
0x33: {  	p0 =	seq.s32 s10, $0x1;
	s10 =	sld [smem:$0x3FAD];
	_ =	sdelay $0x3  }
0x34: {  	[smem:$0x3FAD] =	sst s10  }
0x35: {  	s10 =	sld [smem:$0x3FAC];
	_ =	sdelay $0x3  }
0x36: {  	p1 =	seq.s32 s10, $0x1;
	s10 =	sld [smem:$0x3FAD];
	_ =	sdelay $0x3  }
0x37: {  	[smem:$0x3FAD] =	sst s10  }
0x38: {  	s10 =	sld [smem:$0x3FAE]  }
0x39: {  	_ = 	snop;
	(pc) =	sbr.ind lr, $3  }
0x3a: {  	_ = 	snop  }
0x3b: {  	_ = 	snop  }
0x3c: {  	p2 =	seq.s32 s10, $0x1;
	s10 =	sld [smem:$0x3FAD]  }
0x3d: {  	_ =	shalt  }
0x3e: {  	_ =	shalt  }
0x3f: {  	_ =	shalt  }
0x40: {  	_ =	shalt  }
0x41: {  	_ =	shalt  }
0x42: {  	_ =	shalt  }
0x43: {  	_ =	shalt  }
0x44: {  	_ =	shalt  }
0x45: {  	_ =	shalt  }
0x46: {  	_ =	shalt  }
0x47: {  	_ =	shalt  }
0x48: {  	_ =	shalt  }
0x49: {  	_ =	shalt  }
0x4a: {  	_ =	shalt  }
0x4b: {  	_ =	shalt  }
0x4c: {  	_ =	shalt  }
0x4d: {  	_ =	shalt  }
0x4e: {  	_ =	shalt  }
0x4f: {  	_ =	shalt  }
0x50: {  	_ =	shalt  }
0x51: {  	_ =	shalt  }
0x52: {  	_ =	shalt  }
0x53: {  	_ =	shalt  }
0x54: {  	_ =	shalt  }
0x55: {  	_ =	shalt  }
0x56: {  	_ =	shalt  }
0x57: {  	_ =	shalt  }
0x58: {  	_ =	shalt  }
0x59: {  	_ =	shalt  }
0x5a: {  	_ =	shalt  }
0x5b: {  	_ =	shalt  }
0x5c: {  	_ =	shalt  }
0x5d: {  	_ =	shalt  }
0x5e: {  	_ =	shalt  }
0x5f: {  	_ =	shalt  }
0x60: {  	_ =	shalt  }
0x61: {  	_ =	shalt  }
0x62: {  	_ =	shalt  }
0x63: {  	_ =	shalt  }
0x64: {  	_ =	shalt  }
0x65: {  	_ =	shalt  }
0x66: {  	_ =	shalt  }
0x67: {  	_ =	shalt  }
0x68: {  	_ =	shalt  }
0x69: {  	_ =	shalt  }
0x6a: {  	_ =	shalt  }
0x6b: {  	_ =	shalt  }
0x6c: {  	_ =	shalt  }
0x6d: {  	_ =	shalt  }
0x6e: {  	_ =	shalt  }
0x6f: {  	_ =	shalt  }
0x70: {  	_ =	shalt  }
0x71: {  	_ =	shalt  }
0x72: {  	_ =	shalt  }
0x73: {  	_ =	shalt  }
0x74: {  	_ =	shalt  }
0x75: {  	_ =	shalt  }
0x76: {  	_ =	shalt  }
0x77: {  	_ =	shalt  }
0x78: {  	_ =	shalt  }
0x79: {  	_ =	shalt  }
0x7a: {  	_ =	shalt  }
0x7b: {  	_ =	shalt  }
0x7c: {  	_ =	shalt  }
0x7d: {  	_ =	shalt  }
0x7e: {  	_ =	shalt  }
0x7f: {  	_ =	shalt  }
0x80: {  	_ =	shalt  }
0x81: {  	_ =	shalt  }
0x82: {  	_ =	shalt  }
0x83: {  	_ =	shalt  }
0x84: {  	_ =	shalt  }
0x85: {  	_ =	shalt  }
0x86: {  	_ =	shalt  }
0x87: {  	_ =	shalt  }
.Lfunc_end0:
.L_simem_size_0:
called_computation_lowered:
.L_overlay_start_0:
0x88: {  	s2 =	sld [smem:$0x3FD9]  }
0x89: {  	s3 =	sld [smem:$0x3FFE];
	_ =	sdelay $0x1  }
0x8a: {  	s1 =	srdreg.scid  }
0x8b: {  	s0 =	sand.u32 $0x1, s1  }
0x8c: {  	s14 =	sshll.u32 s0, $0xA;
	s2 =	sadd.s32 s3, s2  }
0x8d: {  	s2 =	sadd.s32 s2, s14  }
0x8e: {  	[smem:$0x3FB9] =	sst s2  }
0x8f: {  	_ = 	snop  }
0x90: {  	s2 =	sld [smem:$0x3FD0];
	_ =	sdelay $0x2  }
0x91: {  	s4 =	simm.s32 $0xA;
	s5 =	simm.s32 $0x10;
	s15 =	sld [smem:$0x3FC6]  }
0x92: {  	[smem:s5], [sflag:s4] =	dma.local [hbm:s2], $0x1  }
0x93: {  	_ =	swait.eq [sflag:s4], $0x1  }
0x94: {  	[sflag:s4] =	ssyncset.done $0x0  }
0x95: {  	s16 =	sld [smem:$0x10];
	[sflag:s4] =	ssyncadd.s32 $0xFFFFFFFF  }
0x96: {  	s17 =	sld [smem:$0x11];
	(tm) =	ssettm $0x1  }
0x97: {  	s18 =	sld [smem:$0x3FFB];
	_ =	sdelay $0x3  }
0x98: {  	_ =	strace s18  }
0x99: {  	s5 =	sld [smem:$0x3FFC];
	_ =	sdelay $0x3  }
0x9a: {  	_ =	strace s5  }
0x9b: {  	s5 =	sld [smem:$0x3FFD];
	_ =	sdelay $0x3  }
0x9c: {  	_ =	strace s5  }
0x9d: {  	_ =	strace $0x8FFFFFFF  }
0x9e: {  	s19 =	sld [smem:$0x3FDB];
	_ =	sdelay $0x1  }
0x9f: {  	s6 =	simm.s32 $_scs_section_size  }
0xa0: {  	s7 =	simm.s32 $_size__tile_overlayer_lowered;
	s8 =	simm.s32 $_tile_overlayer_lowered  }
0xa1: {  	s22 =	simm.s32 $0x1BFF;
	s21 =	sshll.u32 s8, $0x1;
	s5 =	sadd.s32 s6, s19  }
0xa2: {  	s9 =	simm.s32 $0x0;
	s20 =	sshll.u32 s7, $0x1;
	s7 =	sadd.s32 s21, s5  }
0xa3: {  	[timem:s9], [sflag:s22] =	dma.local [hbm:s7], s20  }
0xa4: {  	_ =	swait.ge [sflag:s22], s20  }
0xa5: {  	s6 =	ssub.s32 $0x0, s20;
	[sflag:s22] =	ssyncset.done $0x0  }
0xa6: {  	[sflag:s22] =	ssyncadd.s32 s6;
	_ =	sdelay $0x1  }
0xa7: {  	s23 =	simm.s32 $0x1B8B  }
0xa8: {  	_ =	swait.ge [sflag:s23], $0x1  }
0xa9: {  	[sflag:s23] =	ssyncset.done $0x0  }
0xaa: {  	s25 =	simm.s32 $0x1B8E;
	s24 =	sld [smem:$0x3FFE];
	[sflag:s23] =	ssyncadd.s32 $0xFFFFFFFF  }
0xab: {  	s26 =	simm.s32 $execute0_lowered;
	[smem:$0x3FD2] =	sst s25  }
0xac: {  	s7 =	sshll.u32 s26, $0x1;
	_ =	strace $0x80000046;
	[dreg:$0x1] =	wrdreg $0xFFFFFFFF  }
0xad: {  	s28 =	simm.s32 $_size_execute0_lowered;
	s5 =	sadd.s32 s5, s7;
	[dreg:$0x0] =	wrdreg $0x0  }
0xae: {  	s7 =	sshll.u32 s28, $0x1;
	[dreg:$0x2] =	wrdreg s5  }
0xaf: {  	[dreg:$0x3] =	wrdreg s7  }
0xb0: {  	[dreg:$0x4] =	wrdreg $0xC0  }
0xb1: {  	_ =	task [dreg:s9], $0x5FFFF  }
0xb2: {  	[dreg:$0x1] =	wrdreg $0xFFFFFFFF  }
0xb3: {  	[dreg:$0x0] =	wrdreg $0x60  }
0xb4: {  	[dreg:$0x2] =	wrdreg s24  }
0xb5: {  	[dreg:$0x3] =	wrdreg s17  }
0xb6: {  	[dreg:$0x4] =	wrdreg s15  }
0xb7: {  	[dreg:$0x5] =	wrdreg s16  }
0xb8: {  	[dreg:$0x6] =	wrdreg $0x9  }
0xb9: {  	_ =	task.clear_ibuf [dreg:s9], $0x7FFFF;
	_ =	strace $0x90000046  }
0xba: {  	s29 =	simm.s32 $0x9;
	_ =	strace $0x80000048  }
0xbb: {  	_ =	swait.ge [sflag:s29], $0x1  }
0xbc: {  	[sflag:s29] =	ssyncadd.s32 $0xFFFFFFFF  }
0xbd: {  	_ =	strace $0x90000048  }
0xbe: {  	_ =	sfence  }
0xbf: {  	s30 =	sld [smem:$0x0];
	_ =	sdelay $0x2  }
0xc0: {  	s31 =	sshll.u32 s1, $0xD;
	s1 =	sshrl.u32 s1, $0x2  }
0xc1: {  	s3 =	sand.u32 $0x4000, s31;
	s1 =	sadd.s32 s1, s30  }
0xc2: {  	s0 =	sor.u32 s3, s0;
	s1 =	sshll.u32 s1, $0x11  }
0xc3: {  	s0 =	sor.u32 s1, s0  }
0xc4: {  	s0 =	sadd.s32 $0x8F2B, s0  }
0xc5: {  	[sflag:s0] =	ssyncadd.remote.s32 $0x1  }
0xc6: {  	_ =	sfence.sel $0xFFFF  }
0xc7: {  	[dreg:$0x0] =	wrdreg $0xFFFFFFFF;
	(pc) =	sbr.abs _section_cstart, $3  }
0xc8: {  	[dreg:$0x1] =	wrdreg $0xFFFFFFFF  }
0xc9: {  	_ =	task.clear_ibuf [dreg:s9], $0x2FFFF;
	_ =	strace $0x9FFFFFFF  }
0xca: {  	(tm) =	ssettm $0x7FFFFFFF  }
0xcb: {  	_ =	shalt  }
tec
execute0_lowered:
.L_overlay_start_1:
0x0: {  	(tag) =	ssettag $0x1  }
0x1: {  	s7 =	rddreg [dreg:$0x0]  }
0x2: {  	s1 =	rddreg [dreg:$0x1]  }
0x3: {  	s3 =	rddreg [dreg:$0x2];
	s2 =	srdreg.scid  }
0x4: {  	s0 =	stileid.u32;
	s8 =	rddreg [dreg:$0x3]  }
0x5: {  	s4 =	simm.s32 $0x0;
	s12 =	simm.s32 $0x2EE0;
	s13 =	simm.s32 $0x36B0  }
0x6: {  	s14 =	simm.s32 $0x7D0;
	s15 =	simm.s32 $0x3E80;
	s16 =	simm.s32 $0x1  }
0x7: {  	s6 =	sand.u32 $0x1, s2;
	s5 =	sshll.u32 s0, $0x1;
	s2 =	rddreg [dreg:$0x4]  }
0x8: {  	s17 =	simm.s32 $0x0;
	[smem:$0x7FF] =	sst s4;
	s5 =	sor.u32 s6, s5  }
0x9: {  	_ =	strace $0x80000047;
	s9 =	ssub.s32 $0x2, s6;
	s5 =	smul.u32 $0x2710, s5  }
0xa: {  	s6 =	sadd.s32 $0x2A00, s7;
	s7 =	sadd.s32 $0x16400, s7;
	s10 =	sshrl.u32 s9, $0x1  }
0xb: {  	s9 =	ssub.s32 s9, s10;
	s10 =	simm.s32 $0x2710;
	s11 =	sshrl.u32 s5, $0x3  }
0xc: {  	v0 =	vimm.f32 $0.0e+00;
	s9 =	smax.u32 s9, $0x1;
	s8 =	sadd.s32 s8, s11;
	s11 =	simm.s32 $0x2  }
.LBB2_1:
0xd: {  	s18 =	simm.s32 $0x40  }
0xe: {  	[tilespmem:s18+$0xFFFFFFC0] =	vst v0  }
0xf: {  	[tilespmem:s18+$0x30] =	vst v0  }
0x10: {  	[tilespmem:s18+$0x20] =	vst v0  }
0x11: {  	[tilespmem:s18+$0x10] =	vst v0  }
0x12: {  	[tilespmem:s18+$0x0] =	vst v0  }
0x13: {  	[tilespmem:s18+$0xFFFFFFF0] =	vst v0  }
0x14: {  	s19 =	simm.s32 $0x0;
	[tilespmem:s18+$0xFFFFFFE0] =	vst v0  }
.LBB2_2:
0x15: {  	s19 =	sadd.s32 $0x8, s19;
	[tilespmem:s18+$0xFFFFFFD0] =	vst v0;
	s18 =	sadd.s32 $0x80, s18  }
0x16: {  	[tilespmem:s18+$0xFFFFFFC0] =	vst v0;
	p0 =	slt.u32 s19, $0x268  }
0x17: {  	[tilespmem:s18+$0x30] =	vst v0  }
.Ltmp0:
0x18: {  	[tilespmem:s18+$0x20] =	vst v0;
	(pc) =	sbr.rel @p0 .LBB2_2-.Ltmp0, $4  }
0x19: {  	[tilespmem:s18+$0x10] =	vst v0  }
0x1a: {  	[tilespmem:s18+$0x0] =	vst v0  }
0x1b: {  	[tilespmem:s18+$0xFFFFFFF0] =	vst v0  }
0x1c: {  	[tilespmem:s18+$0xFFFFFFE0] =	vst v0  }
0x1d: {  	[tilespmem:s18+$0xFFFFFFD0] =	vst v0  }
0x1e: {  	s18 =	simm.s32 $0x0;
	[tilespmem:$0x2700] =	vst v0  }
.LBB2_4:
0x1f: {  	s19 =	smul.u32 $0x7D0, s18;
	_ =	sdelay $0x1  }
0x20: {  	s19 =	sadd.s32 s5, s19  }
0x21: {  	s19 =	sshrl.u32 s19, $0x3  }
0x22: {  	s20 =	sadd.s32 s6, s19  }
0x23: {  	s20 =	sadd.s32 $0x9C40, s20  }
0x24: {  	[tilespmem:s10], [sflag:$0x2] =	stream.linear.gather [hbm4b:s20+s4], $0x7D0, $0x38;
	[tilespmem:$0x4650] =	vst v63  }
0x25: {  	_ =	swait.ge [sflag:s11], $0x7D0  }
0x26: {  	[sflag:s11] =	ssyncset.done $0x0  }
0x27: {  	s30 =	sadd.s32 s1, s19;
	[sflag:s11] =	ssyncadd.s32 $0xFFFFF830  }
0x28: {  	[tilespmem:s12], [sflag:$0x2] =	stream.linear.gather [hbm4b:s30+s4], $0x7D0, $0x38;
	[tilespmem:$0x4650] =	vst v63  }
0x29: {  	_ =	swait.ge [sflag:s11], $0x7D0  }
0x2a: {  	[sflag:s11] =	ssyncset.done $0x0  }
0x2b: {  	s31 =	sadd.s32 s3, s19;
	[sflag:s11] =	ssyncadd.s32 $0xFFFFF830  }
0x2c: {  	[tilespmem:s13], [sflag:$0x2] =	stream.linear.gather [hbm4b:s31+s4], $0x7D0, $0x38;
	[tilespmem:$0x4650] =	vst v63  }
0x2d: {  	_ =	swait.ge [sflag:s11], $0x7D0  }
0x2e: {  	[sflag:s11] =	ssyncset.done $0x0  }
0x2f: {  	s20 =	simm.s32 $0x36F0;
	[sflag:s11] =	ssyncadd.s32 $0xFFFFF830  }
0x30: {  	v4 =	vld [tilespmem:s20+$0x30]  }
0x31: {  	v5 =	vld [tilespmem:s20+$0xFFFFFFD0]  }
0x32: {  	v6 =	vld [tilespmem:s20+$0xFFFFFFE0]  }
0x33: {  	v3 =	vld [tilespmem:s20+$0xFFFFFFF0]  }
0x34: {  	v2 =	vld [tilespmem:s20+$0x0]  }
0x35: {  	v1 =	vld [tilespmem:s20+$0x10];
	v7 =	vadd.s32 $0x4E200, v4  }
0x36: {  	v8 =	vadd.s32 $0x4E200, v5;
	v4 =	vld [tilespmem:s20+$0x20];
	[tilespmem:s20+$0x30] =	vst v7  }
0x37: {  	s21 =	simm.s32 $0x0;
	s22 =	simm.s32 $0x3770;
	v5 =	vld [tilespmem:s20+$0xFFFFFFC0];
	v6 =	vadd.s32 $0x4E200, v6;
	[tilespmem:s20+$0xFFFFFFD0] =	vst v8  }
.LBB2_5:
0x38: {  	v7 =	vld [tilespmem:s22+$0x30];
	s21 =	sadd.s32 $0x8, s21;
	[tilespmem:s20+$0xFFFFFFE0] =	vst v6;
	v3 =	vadd.s32 $0x4E200, v3  }
0x39: {  	v6 =	vld [tilespmem:s22+$0xFFFFFFD0];
	p0 =	slt.u32 s21, $0x70;
	[tilespmem:s20+$0xFFFFFFF0] =	vst v3;
	v2 =	vadd.s32 $0x4E200, v2  }
0x3a: {  	v8 =	vld [tilespmem:s22+$0xFFFFFFE0];
	[tilespmem:s20+$0x0] =	vst v2;
	v1 =	vadd.s32 $0x4E200, v1  }
.Ltmp1:
0x3b: {  	v3 =	vld [tilespmem:s22+$0xFFFFFFF0];
	[tilespmem:s20+$0x10] =	vst v1;
	v1 =	vadd.s32 $0x4E200, v4;
	(pc) =	sbr.rel @p0 .LBB2_5-.Ltmp1, $4  }
0x3c: {  	v2 =	vld [tilespmem:s22+$0x0];
	v4 =	vadd.s32 $0x4E200, v5;
	[tilespmem:s20+$0x20] =	vst v1  }
0x3d: {  	v1 =	vld [tilespmem:s22+$0x10];
	v5 =	vadd.s32 $0x4E200, v7;
	[tilespmem:s20+$0xFFFFFFC0] =	vst v4;
	s20 =	smov.u32 s22  }
0x3e: {  	s23 =	simm.s32 $0x0;
	v6 =	vadd.s32 $0x4E200, v6;
	v4 =	vld [tilespmem:s22+$0x20];
	[tilespmem:s22+$0x30] =	vst v5  }
0x3f: {  	s22 =	sadd.s32 $0x80, s22;
	v5 =	vld [tilespmem:s20+$0xFFFFFFC0];
	[tilespmem:s20+$0xFFFFFFD0] =	vst v6;
	v6 =	vadd.s32 $0x4E200, v8  }
0x40: {  	[tilespmem:s20+$0xFFFFFFE0] =	vst v6;
	v3 =	vadd.s32 $0x4E200, v3  }
0x41: {  	[tilespmem:s20+$0xFFFFFFF0] =	vst v3;
	v2 =	vadd.s32 $0x4E200, v2  }
0x42: {  	[tilespmem:s20+$0x0] =	vst v2;
	v1 =	vadd.s32 $0x4E200, v1  }
0x43: {  	[tilespmem:s20+$0x10] =	vst v1;
	v1 =	vadd.s32 $0x4E200, v4  }
0x44: {  	v2 =	vadd.s32 $0x4E200, v5;
	[tilespmem:s20+$0x20] =	vst v1  }
0x45: {  	[tilespmem:s20+$0xFFFFFFC0] =	vst v2  }
.LBB2_7:
0x46: {  	s20 =	sshra.s32 s23, $0x2  }
0x47: {  	v1 =	vld [tilespmem:s20+$0x3E30]  }
0x48: {  	p0 =	sne.s32 s23, $0x100  }
.Ltmp2:
0x49: {  	_ = 	snop;
	(pc) =	sbr.rel @p0 .LBB2_7-.Ltmp2, $3  }
0x4a: {  	_ =	sdelay $0x1  }
0x4b: {  	v1 =	vadd.s32 $0x4E200, v1  }
0x4c: {  	s23 =	sadd.s32 $0x40, s23;
	[tilespmem:s20+$0x3E30] =	vst v1  }
0x4d: {  	[tilespmem:s15], [sflag:$0x1] =	stream.indirect.gather [hbm4b:s6+s14], $0x1, s13, s14, $0xb8;
	[tilespmem:$0x4650] =	vst v63  }
0x4e: {  	s22 =	simm.s32 $0x2750  }
0x4f: {  	v1 =	vld [tilespmem:s22+$0x30]  }
0x50: {  	v2 =	vld [tilespmem:s22+$0xFFFFFFD0]  }
0x51: {  	s21 =	simm.s32 $0x2F20;
	v3 =	vld [tilespmem:s22+$0xFFFFFFE0]  }
0x52: {  	v4 =	vld [tilespmem:s21+$0x30]  }
0x53: {  	v5 =	vld [tilespmem:s22+$0xFFFFFFF0]  }
0x54: {  	v6 =	vld [tilespmem:s22+$0x0]  }
0x55: {  	v7 =	vld [tilespmem:s22+$0x10]  }
0x56: {  	v8 =	vld [tilespmem:s22+$0x20]  }
0x57: {  	v63 =	vld [tilespmem:s21+$0xFFFFFFC0]  }
0x58: {  	v9 =	vld [tilespmem:s21+$0xFFFFFFD0]  }
0x59: {  	v10 =	vld [tilespmem:s21+$0xFFFFFFE0]  }
0x5a: {  	v11 =	vld [tilespmem:s21+$0xFFFFFFF0]  }
0x5b: {  	v12 =	vld [tilespmem:s21+$0x0]  }
0x5c: {  	s20 =	simm.s32 $0x0;
	v13 =	vld [tilespmem:s21+$0x10]  }
0x5d: {  	[tilespmem:v1+s20+$0x0] =	vst.idx.add.f32.msk $0xffff, v4  }
0x5e: {  	v1 =	vld [tilespmem:s22+$0xFFFFFFC0]  }
0x5f: {  	v14 =	vld [tilespmem:s21+$0x20]  }
0x60: {  	[tilespmem:v2+s20+$0x0] =	vst.idx.add.f32.msk $0xffff, v9  }
0x61: {  	[tilespmem:v3+s20+$0x0] =	vst.idx.add.f32.msk $0xffff, v10  }
0x62: {  	[tilespmem:v5+s20+$0x0] =	vst.idx.add.f32.msk $0xffff, v11  }
0x63: {  	[tilespmem:v6+s20+$0x0] =	vst.idx.add.f32.msk $0xffff, v12  }
0x64: {  	[tilespmem:v7+s20+$0x0] =	vst.idx.add.f32.msk $0xffff, v13  }
0x65: {  	[tilespmem:v8+s20+$0x0] =	vst.idx.add.f32.msk $0xffff, v14  }
0x66: {  	s23 =	simm.s32 $0x27D0;
	s22 =	simm.s32 $0x0;
	[tilespmem:v1+s20+$0x0] =	vst.idx.add.f32.msk $0xffff, v63  }
.LBB2_9:
0x67: {  	v1 =	vld [tilespmem:s23+$0x30];
	s22 =	sadd.s32 $0x8, s22  }
0x68: {  	v2 =	vld [tilespmem:s23+$0xFFFFFFD0];
	p0 =	slt.u32 s22, $0x70  }
0x69: {  	s21 =	sadd.s32 $0x80, s21;
	v3 =	vld [tilespmem:s23+$0xFFFFFFE0]  }
0x6a: {  	v4 =	vld [tilespmem:s21+$0x30]  }
0x6b: {  	v5 =	vld [tilespmem:s23+$0xFFFFFFF0]  }
0x6c: {  	v6 =	vld [tilespmem:s23+$0x0]  }
0x6d: {  	v7 =	vld [tilespmem:s23+$0x10]  }
0x6e: {  	v8 =	vld [tilespmem:s23+$0x20]  }
0x6f: {  	[tilespmem:v1+s20+$0x0] =	vst.idx.add.f32.msk $0xffff, v4  }
0x70: {  	v1 =	vld [tilespmem:s23+$0xFFFFFFC0]  }
0x71: {  	v4 =	vld [tilespmem:s21+$0xFFFFFFC0]  }
0x72: {  	v9 =	vld [tilespmem:s21+$0xFFFFFFD0]  }
0x73: {  	v10 =	vld [tilespmem:s21+$0xFFFFFFE0]  }
0x74: {  	v11 =	vld [tilespmem:s21+$0xFFFFFFF0]  }
0x75: {  	v12 =	vld [tilespmem:s21+$0x0]  }
0x76: {  	v13 =	vld [tilespmem:s21+$0x10]  }
0x77: {  	v14 =	vld [tilespmem:s21+$0x20]  }
0x78: {  	[tilespmem:v1+s20+$0x0] =	vst.idx.add.f32.msk $0xffff, v4  }
0x79: {  	[tilespmem:v2+s20+$0x0] =	vst.idx.add.f32.msk $0xffff, v9  }
.Ltmp3:
0x7a: {  	[tilespmem:v3+s20+$0x0] =	vst.idx.add.f32.msk $0xffff, v10;
	(pc) =	sbr.rel @p0 .LBB2_9-.Ltmp3, $4  }
0x7b: {  	[tilespmem:v5+s20+$0x0] =	vst.idx.add.f32.msk $0xffff, v11  }
0x7c: {  	[tilespmem:v6+s20+$0x0] =	vst.idx.add.f32.msk $0xffff, v12  }
0x7d: {  	[tilespmem:v7+s20+$0x0] =	vst.idx.add.f32.msk $0xffff, v13  }
0x7e: {  	s23 =	sadd.s32 $0x80, s23;
	[tilespmem:v8+s20+$0x0] =	vst.idx.add.f32.msk $0xffff, v14  }
.LBB2_10:
0x7f: {  	s21 =	sshra.s32 s20, $0x2  }
0x80: {  	v1 =	vld [tilespmem:s21+$0x2E90];
	_ =	sdelay $0x2  }
0x81: {  	p0 =	sne.s32 s20, $0x100;
	v2 =	vld [tilespmem:s21+$0x3660]  }
.Ltmp4:
0x82: {  	_ = 	snop;
	(pc) =	sbr.rel @p0 .LBB2_10-.Ltmp4, $2  }
0x83: {  	_ =	sdelay $0x2  }
0x84: {  	s20 =	sadd.s32 $0x40, s20;
	[tilespmem:v1+s4+$0x0] =	vst.idx.add.f32.msk $0xffff, v2  }
0x85: {  	_ =	swait.ge [sflag:s16], $0x7D0;
	s18 =	sadd.s32 $0x1, s18  }
0x86: {  	[sflag:s16] =	ssyncset.done $0x0;
	p0 =	sne.s32 s18, $0x5  }
.Ltmp5:
0x87: {  	s19 =	sadd.s32 s7, s19;
	[sflag:s16] =	ssyncadd.s32 $0xFFFFF830;
	(pc) =	sbr.rel @p0 .LBB2_4-.Ltmp5, $4  }
0x88: {  	[hbm4b:s19+s4] =	stream.linear.scatter [tilespmem:s15], [sflag:$0x2], $0x7D0, $0x38;
	[tilespmem:$0x4650] =	vst v63  }
0x89: {  	_ =	swait.ge [sflag:s11], $0x7D0  }
0x8a: {  	[sflag:s11] =	ssyncset.done $0x0  }
0x8b: {  	[sflag:s11] =	ssyncadd.s32 $0xFFFFF830  }
0x8c: {  	s17 =	sadd.s32 $0x1, s17  }
0x8d: {  	p0 =	sne.s32 s17, s9  }
.Ltmp6:
0x8e: {  	_ = 	snop;
	(pc) =	sbr.rel @p0 .LBB2_1-.Ltmp6, $4  }
0x8f: {  	[hbm4b:s8+s4] =	stream.linear.scatter [tilespmem:s4], [sflag:$0x2], $0x2710, $0x38;
	[tilespmem:$0x4650] =	vst v63  }
0x90: {  	_ =	swait.ge [sflag:s11], $0x2710  }
0x91: {  	[sflag:s11] =	ssyncset.done $0x0  }
0x92: {  	[sflag:s11] =	ssyncadd.s32 $0xFFFFD8F0  }
0x93: {  	_ =	sfence.sel $0x180000  }
0x94: {  	[bflag:$0x0] =	sbarrier.arrive $0xFFFF  }
0x95: {  	p0 =	sne.s32 s0, $0x0;
	_ =	strace $0x90000047  }
0x96: {  	s0 =	sadd.s32 @!p0 $0x100000, s2;
	[bflag:$0x2] =	sbarrier.arrive $0xFFFF  }
0x97: {  	[sflag:s0] =	ssyncadd.tile.s32 @!p0 $0x1;
	_ =	shalt  }
.Lfunc_end2:
_tile_overlayer_lowered:
.L_overlay_start_2:
0x98: {  	(tag) =	ssettag $0x2  }
0x99: {  	s0 =	rddreg [dreg:$0x0];
	s2 =	stileid.u32  }
0x9a: {  	s1 =	rddreg [dreg:$0x1];
	p0 =	sne.s32 s2, $0x0  }
0x9b: {  	s3 =	rddreg [dreg:$0x2];
	[bflag:$0x3] =	sbarrier.arrive $0xFFFF;
	s2 =	simm.s32 @!p0 $0x1C02  }
0x9c: {  	[timem:s3], [sflag:s2] =	dma.local @!p0 [hbm:s0], s1  }
0x9d: {  	s0 =	simm.s32 @!p0 $0x2  }
0x9e: {  	_ =	swait.ge @!p0 [sflag:s0], s1  }
0x9f: {  	s1 =	ssub.s32 @!p0 $0x0, s1;
	[sflag:s0] =	ssyncset.done @!p0 $0x0  }
0xa0: {  	[sflag:s0] =	ssyncadd.s32 @!p0 s1  }
0xa1: {  	[bflag:$0x3] =	sbarrier.arrive $0xFFFF  }
0xa2: {  	_ =	shalt  }

</sc_bundles>
